<compile_context>
chip_gen: v7x
topology: tpu7x:2x2x1
jax: 0.10.2.dev20260603
libtpu: 0.0.44.dev20260713+nightly
codegen_flags: <defaults>
</compile_context>

<pallas_src>
import jax
import jax.numpy as jnp
import numpy as np
from jax.experimental import pallas as pl
from jax.experimental.pallas import tpu as pltpu


_NB = 4


def _make_masks(khalf, qx, qy):
    masks = {}
    for dy in range(-khalf, khalf + 1):
        for dx in range(-khalf, khalf + 1):
            if dy == 0 and dx == 0:
                masks[(dy, dx)] = None
                continue
            m = None
            if dx != 0:
                m = (qx + dx >= 0) & (qx + dx < 32)
            if dy != 0:
                my = (qy + dy >= 0) & (qy + dy < 32)
                m = my if m is None else (m & my)
            masks[(dy, dx)] = m
    return masks


def _im2col_cm(t, khalf, masks, p_ref):
    C, L = t.shape
    pad = 32 * khalf + khalf
    tp = jnp.pad(t, ((0, 0), (pad, pad)))
    k = 0
    for dy in range(-khalf, khalf + 1):
        for dx in range(-khalf, khalf + 1):
            off = pad + 32 * dy + dx
            p = jax.lax.slice(tp, (0, off), (C, off + L))
            m = masks[(dy, dx)]
            if m is not None:
                p = jnp.where(m, p, 0.0)
            p_ref[k * C:(k + 1) * C, :] = p
            k += 1
    return p_ref[...]


def _fused_kernel(xcm_ref, xp_ref,
                  w1_ref, b1_ref, w2_ref, b2_ref, w3_ref, b3_ref,
                  fcw_ref, fcb_ref,
                  wh_ref, bh_ref, ah_ref,
                  ws_ref, bs_ref, as_ref,
                  wm_ref, bm_ref, am_ref,
                  we_ref, be_ref, ae_ref,
                  wt_ref, bt_ref,
                  out_ref, ph_ref, pm_ref):
    nb = out_ref.shape[0]

    xp = xp_ref[...].reshape(nb * 64, 48)
    h = xp @ w1_ref[...] + b1_ref[...]
    h = jnp.where(h > 0, h, 0.1 * h)
    h = h @ w2_ref[...] + b2_ref[...]
    h = jnp.where(h > 0, h, 0.1 * h)
    h = h @ w3_ref[...] + b3_ref[...]
    h = jnp.where(h > 0, h, 0.1 * h)
    gap = jnp.mean(h.reshape(nb, 64, 128), axis=1)
    logits = gap @ fcw_ref[...] + fcb_ref[...]

    l0 = logits[:, 0:1]
    l1 = logits[:, 1:2]
    l2 = logits[:, 2:3]
    e0 = (l0 >= l1) & (l0 >= l2)
    e1 = jnp.logical_not(e0) & (l1 >= l2)
    e2 = jnp.logical_not(e0) & jnp.logical_not(e1)
    coeff = jnp.concatenate(
        [e0.astype(jnp.float32), e1.astype(jnp.float32), e2.astype(jnp.float32)],
        axis=1)

    L = nb * 1024
    g = jax.lax.broadcasted_iota(jnp.int32, (1, L), 1)
    qx = g % 32
    qy = (g // 32) % 32
    masks1 = _make_masks(1, qx, qy)
    masks2 = _make_masks(2, qx, qy)

    def matmuls(P, wget, bget, aget):
        outs = []
        for i in range(nb):
            c0 = coeff[i:i + 1, 0:1]
            c1 = coeff[i:i + 1, 1:2]
            c2 = coeff[i:i + 1, 2:3]
            w = c0 * wget(0) + c1 * wget(1) + c2 * wget(2)
            Pi = jax.lax.slice(P, (0, i * 1024), (P.shape[0], (i + 1) * 1024))
            t = jnp.dot(w, Pi, preferred_element_type=jnp.float32)
            t = t + (c0 * bget(0) + c1 * bget(1) + c2 * bget(2))
            if aget is not None:
                a = c0 * aget(0) + c1 * aget(1) + c2 * aget(2)
                t = jnp.where(t > 0, t, a * t)
            outs.append(t)
        return jnp.concatenate(outs, axis=1)

    x8 = jnp.pad(xcm_ref[...], ((0, 5), (0, 0)))
    p0 = _im2col_cm(x8, 2, masks2, ph_ref)
    t = matmuls(p0, lambda e: wh_ref[e], lambda e: bh_ref[e],
                lambda e: ah_ref[e])

    t = matmuls(t, lambda e: ws_ref[e], lambda e: bs_ref[e],
                lambda e: as_ref[e])

    for m in range(3):
        pm = _im2col_cm(t, 1, masks1, pm_ref)
        t = matmuls(pm, lambda e: wm_ref[e, m], lambda e: bm_ref[e, m],
                    lambda e: am_ref[e, m])

    t = matmuls(t, lambda e: we_ref[e], lambda e: be_ref[e],
                lambda e: ae_ref[e])

    pt = _im2col_cm(t, 1, masks1, pm_ref)
    y = matmuls(pt, lambda e: wt_ref[e], lambda e: bt_ref[e], None)
    yb = y.astype(jnp.bfloat16)
    for i in range(nb):
        out_ref[i] = jax.lax.slice(yb, (0, i * 1024), (48, (i + 1) * 1024))


def kernel(x, cls_w1, cls_b1, cls_w2, cls_b2, cls_w3, cls_b3, fc_w, fc_b,
           head_w, head_b, head_a, shrink_w, shrink_b, shrink_a,
           map_w, map_b, map_a, expand_w, expand_b, expand_a,
           tail_w, tail_b):
    B = x.shape[0]
    E, d, s = 3, 16, 12
    f32 = jnp.float32

    xcm = x.transpose(1, 0, 2, 3).reshape(3, B * 1024)
    xp = (x.reshape(B, 3, 8, 4, 8, 4)
          .transpose(0, 2, 4, 1, 3, 5)
          .reshape(B, 64, 48))

    w1r = cls_w1.reshape(128, 48).T
    w2r = cls_w2.reshape(128, 128).T
    w3r = cls_w3.reshape(128, 128).T
    fcr = fc_w.T

    whr = head_w.transpose(0, 1, 3, 4, 2)
    whr = jnp.pad(whr, ((0, 0),) * 4 + ((0, 5),)).reshape(E, d, 200)
    wsr = jnp.pad(shrink_w.reshape(E, s, d), ((0, 0), (0, d - s), (0, 0)))
    bsr = jnp.pad(shrink_b, ((0, 0), (0, d - s)))[:, :, None]
    asr = jnp.pad(shrink_a, ((0, 0), (0, d - s)))[:, :, None]
    wmr = map_w.transpose(0, 1, 2, 4, 5, 3)
    wmr = jnp.pad(wmr, ((0, 0), (0, 0), (0, d - s), (0, 0), (0, 0), (0, d - s)))
    wmr = wmr.reshape(E, 3, d, 144)
    bmr = jnp.pad(map_b, ((0, 0), (0, 0), (0, d - s)))[:, :, :, None]
    amr = jnp.pad(map_a, ((0, 0), (0, 0), (0, d - s)))[:, :, :, None]
    wer = jnp.pad(expand_w.reshape(E, d, s), ((0, 0), (0, 0), (0, d - s)))

    ktab = np.array([[4 * (dd - 1) + 5 - r for r in range(4)]
                     for dd in range(3)])
    kvalid = (ktab >= 0) & (ktab <= 8)
    kc = np.clip(ktab, 0, 8)
    gw = tail_w[:, :, :, kc, :][..., kc]
    vm = (kvalid[:, :, None, None] & kvalid[None, None, :, :])
    gw = jnp.where(vm[None, None, None], gw, 0.0)
    wtr = gw.transpose(0, 1, 4, 6, 3, 5, 2).reshape(E, 48, 144)
    btr = jnp.broadcast_to(tail_b[:, :, None], (E, 3, 16)).reshape(E, 48, 1)

    nb = _NB
    grid = (B // nb,)

    def bmap(i):
        return (i, 0, 0)

    c2 = lambda shp: pl.BlockSpec(shp, lambda i: (0, 0))
    c3 = lambda shp: pl.BlockSpec(shp, lambda i: (0, 0, 0))
    c4 = lambda shp: pl.BlockSpec(shp, lambda i: (0, 0, 0, 0))

    y = pl.pallas_call(
        _fused_kernel,
        grid=grid,
        in_specs=[
            pl.BlockSpec((3, nb * 1024), lambda i: (0, i)),
            pl.BlockSpec((nb, 64, 48), bmap),
            c2((48, 128)), c2((1, 128)),
            c2((128, 128)), c2((1, 128)),
            c2((128, 128)), c2((1, 128)),
            c2((128, 3)), c2((1, 3)),
            c3((E, d, 200)), c3((E, d, 1)), c3((E, d, 1)),
            c3((E, d, d)), c3((E, d, 1)), c3((E, d, 1)),
            c4((E, 3, d, 144)), c4((E, 3, d, 1)), c4((E, 3, d, 1)),
            c3((E, d, d)), c3((E, d, 1)), c3((E, d, 1)),
            c3((E, 48, 144)), c3((E, 48, 1)),
        ],
        out_specs=pl.BlockSpec((nb, 48, 1024), bmap),
        out_shape=jax.ShapeDtypeStruct((B, 48, 1024), jnp.bfloat16),
        scratch_shapes=[
            pltpu.VMEM((200, nb * 1024), f32),
            pltpu.VMEM((144, nb * 1024), f32),
        ],
    )(xcm, xp,
      w1r, cls_b1.reshape(1, 128), w2r, cls_b2.reshape(1, 128),
      w3r, cls_b3.reshape(1, 128), fcr, fc_b.reshape(1, 3),
      whr, head_b[:, :, None], head_a[:, :, None],
      wsr, bsr, asr,
      wmr, bmr, amr,
      wer, expand_b[:, :, None], expand_a[:, :, None],
      wtr, btr)

    sr = (y.reshape(B, 3, 4, 4, 32, 32)
          .transpose(0, 1, 4, 2, 5, 3)
          .reshape(B, 3, 128, 128)
          .astype(f32))
    return sr

# --- scband reference (transcript-rebuilt; emitter-appended) ---
"""Pipeline reference for scband-class-sr-3class-fused-fsrcnn-net-7533372637950 (READ-ONLY COPY).

The authoritative reference and input builder live on the scoring server;
editing this copy changes nothing except your own understanding.
"""

import jax, jax.numpy as jnp
import numpy as np


def _conv(x, w, b, stride=1, pad=0):
    out = jax.lax.conv_general_dilated(
        x, w, (stride, stride), ((pad, pad), (pad, pad)),
        dimension_numbers=('NCHW', 'OIHW', 'NCHW'))
    return out + b[None, :, None, None]


def _prelu(x, a):
    return jnp.where(x > 0, x, a[None, :, None, None] * x)


def setup_inputs(seed: int = 0) -> dict:
    key = jax.random.key(seed)
    ks = jax.random.split(key, 32)
    B = 512
    E, d, s = 3, 16, 12
    inp = {}
    inp['x'] = jax.random.normal(ks[0], (B, 3, 32, 32), dtype=jnp.float32)
    # classifier (ClassSR-style): conv3->128 k4 s4, 2x conv1x1, GAP, FC 128->3
    inp['cls_w1'] = jax.random.normal(ks[1], (128, 3, 4, 4), dtype=jnp.float32) * 0.05
    inp['cls_b1'] = jnp.zeros((128,), dtype=jnp.float32)
    inp['cls_w2'] = jax.random.normal(ks[2], (128, 128, 1, 1), dtype=jnp.float32) * 0.05
    inp['cls_b2'] = jnp.zeros((128,), dtype=jnp.float32)
    inp['cls_w3'] = jax.random.normal(ks[3], (128, 128, 1, 1), dtype=jnp.float32) * 0.05
    inp['cls_b3'] = jnp.zeros((128,), dtype=jnp.float32)
    inp['fc_w'] = jax.random.normal(ks[4], (3, 128), dtype=jnp.float32) * 0.05
    inp['fc_b'] = jnp.zeros((3,), dtype=jnp.float32)
    # 3 FSRCNN experts, parameters stacked on leading expert axis
    inp['head_w'] = jax.random.normal(ks[5], (E, d, 3, 5, 5), dtype=jnp.float32) * 0.05
    inp['head_b'] = jnp.zeros((E, d), dtype=jnp.float32)
    inp['head_a'] = jnp.full((E, d), 0.25, dtype=jnp.float32)
    inp['shrink_w'] = jax.random.normal(ks[6], (E, s, d, 1, 1), dtype=jnp.float32) * 0.05
    inp['shrink_b'] = jnp.zeros((E, s), dtype=jnp.float32)
    inp['shrink_a'] = jnp.full((E, s), 0.25, dtype=jnp.float32)
    inp['map_w'] = jax.random.normal(ks[7], (E, 3, s, s, 3, 3), dtype=jnp.float32) * 0.05
    inp['map_b'] = jnp.zeros((E, 3, s), dtype=jnp.float32)
    inp['map_a'] = jnp.full((E, 3, s), 0.25, dtype=jnp.float32)
    inp['expand_w'] = jax.random.normal(ks[8], (E, d, s, 1, 1), dtype=jnp.float32) * 0.05
    inp['expand_b'] = jnp.zeros((E, d), dtype=jnp.float32)
    inp['expand_a'] = jnp.full((E, d), 0.25, dtype=jnp.float32)
    # transposed conv 16->3, k9, stride4, pad3, output_pad1 stored as OIHW [3,16,9,9]
    inp['tail_w'] = jax.random.normal(ks[9], (E, 3, d, 9, 9), dtype=jnp.float32) * 0.02
    inp['tail_b'] = jnp.zeros((E, 3), dtype=jnp.float32)
    return inp


def reference(x, cls_w1, cls_b1, cls_w2, cls_b2, cls_w3, cls_b3, fc_w, fc_b,
              head_w, head_b, head_a, shrink_w, shrink_b, shrink_a,
              map_w, map_b, map_a, expand_w, expand_b, expand_a,
              tail_w, tail_b):
    # ---- classifier ----
    h = jax.nn.leaky_relu(_conv(x, cls_w1, cls_b1, stride=4), 0.1)
    h = jax.nn.leaky_relu(_conv(h, cls_w2, cls_b2), 0.1)
    h = jax.nn.leaky_relu(_conv(h, cls_w3, cls_b3), 0.1)
    h = jnp.mean(h, axis=(2, 3))
    logits = h @ fc_w.T + fc_b[None, :]
    weights = jax.nn.softmax(logits, axis=-1)
    # ---- scatter router: top-1 dispatch ----
    onehot = jax.nn.one_hot(jnp.argmax(weights, axis=-1), 3, dtype=x.dtype)
    # ---- fused expert subnets (dense evaluation + masked combine) ----
    outs = []
    for e in range(3):
        t = _prelu(_conv(x, head_w[e], head_b[e], pad=2), head_a[e])
        t = _prelu(_conv(t, shrink_w[e], shrink_b[e]), shrink_a[e])
        for m in range(3):
            t = _prelu(_conv(t, map_w[e, m], map_b[e, m], pad=1), map_a[e, m])
        t = _prelu(_conv(t, expand_w[e], expand_b[e]), expand_a[e])
        up = jax.lax.conv_general_dilated(
            t, tail_w[e], (1, 1), ((5, 6), (5, 6)), lhs_dilation=(4, 4),
            dimension_numbers=('NCHW', 'OIHW', 'NCHW'))
        up = up + tail_b[e][None, :, None, None]
        outs.append(up)
    # ---- gather router: combine routed outputs ----
    sr = sum(onehot[:, e, None, None, None] * outs[e] for e in range(3))
    return sr

if __name__ == "__main__":
    import jax
    _d = setup_inputs()
    print(jax.jit(kernel)(*tuple(_d.values())))

</pallas_src>

<mosaic_0001>
module attributes {stable_mosaic.version = 14 : i64} {
  func.func @_fused_kernel(%arg0: i32, %arg1: memref<3x4096xf32, #tpu.memory_space<vmem>>, %arg2: memref<4x64x48xf32, #tpu.memory_space<vmem>>, %arg3: memref<48x128xf32, #tpu.memory_space<vmem>>, %arg4: memref<1x128xf32, #tpu.memory_space<vmem>>, %arg5: memref<128x128xf32, #tpu.memory_space<vmem>>, %arg6: memref<1x128xf32, #tpu.memory_space<vmem>>, %arg7: memref<128x128xf32, #tpu.memory_space<vmem>>, %arg8: memref<1x128xf32, #tpu.memory_space<vmem>>, %arg9: memref<128x3xf32, #tpu.memory_space<vmem>>, %arg10: memref<1x3xf32, #tpu.memory_space<vmem>>, %arg11: memref<3x16x200xf32, #tpu.memory_space<vmem>>, %arg12: memref<3x16x1xf32, #tpu.memory_space<vmem>>, %arg13: memref<3x16x1xf32, #tpu.memory_space<vmem>>, %arg14: memref<3x16x16xf32, #tpu.memory_space<vmem>>, %arg15: memref<3x16x1xf32, #tpu.memory_space<vmem>>, %arg16: memref<3x16x1xf32, #tpu.memory_space<vmem>>, %arg17: memref<3x3x16x144xf32, #tpu.memory_space<vmem>>, %arg18: memref<3x3x16x1xf32, #tpu.memory_space<vmem>>, %arg19: memref<3x3x16x1xf32, #tpu.memory_space<vmem>>, %arg20: memref<3x16x16xf32, #tpu.memory_space<vmem>>, %arg21: memref<3x16x1xf32, #tpu.memory_space<vmem>>, %arg22: memref<3x16x1xf32, #tpu.memory_space<vmem>>, %arg23: memref<3x48x144xf32, #tpu.memory_space<vmem>>, %arg24: memref<3x48x1xf32, #tpu.memory_space<vmem>>, %arg25: memref<4x48x1024xbf16, #tpu.memory_space<vmem>>, %arg26: memref<200x4096xf32, #tpu.memory_space<vmem>>, %arg27: memref<144x4096xf32, #tpu.memory_space<vmem>>) attributes {dimension_semantics = [#tpu.dimension_semantics<arbitrary>], iteration_bounds = array<i64: 128>, scalar_prefetch = 0 : i64, scratch_operands = 2 : i64, tpu.core_type = #tpu.core_type<tc>, window_params = [{transform_indices = @transform_0, window_bounds = array<i64: 3, 4096>}, {transform_indices = @transform_1, window_bounds = array<i64: 4, 64, 48>}, {pipeline_mode = #tpu.pipeline_mode<synchronous>, transform_indices = @transform_2, window_bounds = array<i64: 48, 128>}, {pipeline_mode = #tpu.pipeline_mode<synchronous>, transform_indices = @transform_3, window_bounds = array<i64: 1, 128>}, {pipeline_mode = #tpu.pipeline_mode<synchronous>, transform_indices = @transform_4, window_bounds = array<i64: 128, 128>}, {pipeline_mode = #tpu.pipeline_mode<synchronous>, transform_indices = @transform_5, window_bounds = array<i64: 1, 128>}, {pipeline_mode = #tpu.pipeline_mode<synchronous>, transform_indices = @transform_6, window_bounds = array<i64: 128, 128>}, {pipeline_mode = #tpu.pipeline_mode<synchronous>, transform_indices = @transform_7, window_bounds = array<i64: 1, 128>}, {pipeline_mode = #tpu.pipeline_mode<synchronous>, transform_indices = @transform_8, window_bounds = array<i64: 128, 3>}, {pipeline_mode = #tpu.pipeline_mode<synchronous>, transform_indices = @transform_9, window_bounds = array<i64: 1, 3>}, {pipeline_mode = #tpu.pipeline_mode<synchronous>, transform_indices = @transform_10, window_bounds = array<i64: 3, 16, 200>}, {pipeline_mode = #tpu.pipeline_mode<synchronous>, transform_indices = @transform_11, window_bounds = array<i64: 3, 16, 1>}, {pipeline_mode = #tpu.pipeline_mode<synchronous>, transform_indices = @transform_12, window_bounds = array<i64: 3, 16, 1>}, {pipeline_mode = #tpu.pipeline_mode<synchronous>, transform_indices = @transform_13, window_bounds = array<i64: 3, 16, 16>}, {pipeline_mode = #tpu.pipeline_mode<synchronous>, transform_indices = @transform_14, window_bounds = array<i64: 3, 16, 1>}, {pipeline_mode = #tpu.pipeline_mode<synchronous>, transform_indices = @transform_15, window_bounds = array<i64: 3, 16, 1>}, {pipeline_mode = #tpu.pipeline_mode<synchronous>, transform_indices = @transform_16, window_bounds = array<i64: 3, 3, 16, 144>}, {pipeline_mode = #tpu.pipeline_mode<synchronous>, transform_indices = @transform_17, window_bounds = array<i64: 3, 3, 16, 1>}, {pipeline_mode = #tpu.pipeline_mode<synchronous>, transform_indices = @transform_18, window_bounds = array<i64: 3, 3, 16, 1>}, {pipeline_mode = #tpu.pipeline_mode<synchronous>, transform_indices = @transform_19, window_bounds = array<i64: 3, 16, 16>}, {pipeline_mode = #tpu.pipeline_mode<synchronous>, transform_indices = @transform_20, window_bounds = array<i64: 3, 16, 1>}, {pipeline_mode = #tpu.pipeline_mode<synchronous>, transform_indices = @transform_21, window_bounds = array<i64: 3, 16, 1>}, {pipeline_mode = #tpu.pipeline_mode<synchronous>, transform_indices = @transform_22, window_bounds = array<i64: 3, 48, 144>}, {pipeline_mode = #tpu.pipeline_mode<synchronous>, transform_indices = @transform_23, window_bounds = array<i64: 3, 48, 1>}, {transform_indices = @transform_24, window_bounds = array<i64: 4, 48, 1024>}]} {
    %get3A = arith.constant 0 : index
    %get3A_0 = arith.constant 0 : index
    %get3A_1 = arith.constant 0 : index
    %get3A_2 = vector.load %arg2[%get3A, %get3A_0, %get3A_1] : memref<4x64x48xf32, #tpu.memory_space<vmem>>, vector<4x64x48xf32>
    %reshape3A = vector.shape_cast %get3A_2 : vector<4x64x48xf32> to vector<256x48xf32>
    %get3A_3 = arith.constant 0 : index
    %get3A_4 = arith.constant 0 : index
    %get3A_5 = vector.load %arg3[%get3A_3, %get3A_4] : memref<48x128xf32, #tpu.memory_space<vmem>>, vector<48x128xf32>
    %dot_general3A = arith.constant dense<0.000000e+00> : vector<256x128xf32>
    %dot_general3A_6 = tpu.matmul %reshape3A, %get3A_5, %dot_general3A {dimension_numbers = #tpu.dot_dimension_numbers<[1], [0], [0], [1], [0, 0, 1, 1], [], []>, transpose_lhs_hint = false} : vector<256x48xf32>, vector<48x128xf32>, vector<256x128xf32> -> vector<256x128xf32>
    %get3A_7 = arith.constant 0 : index
    %get3A_8 = arith.constant 0 : index
    %get3A_9 = vector.load %arg4[%get3A_7, %get3A_8] : memref<1x128xf32, #tpu.memory_space<vmem>>, vector<1x128xf32>
    %add3A = vector.broadcast %get3A_9 : vector<1x128xf32> to vector<256x128xf32>
    %add3A_10 = arith.addf %dot_general3A_6, %add3A : vector<256x128xf32>
    %gt3A = arith.constant 0.000000e+00 : f32
    %gt3A_11 = vector.broadcast %gt3A : f32 to vector<256x128xf32>
    %gt3A_12 = arith.cmpf ogt, %add3A_10, %gt3A_11 : vector<256x128xf32>
    %mul3A = arith.constant 1.000000e-01 : f32
    %mul3A_13 = vector.broadcast %mul3A : f32 to vector<256x128xf32>
    %mul3A_14 = arith.mulf %mul3A_13, %add3A_10 : vector<256x128xf32>
    %select_n3A = arith.select %gt3A_12, %add3A_10, %mul3A_14 : vector<256x128xi1>, vector<256x128xf32>
    %get3A_15 = arith.constant 0 : index
    %get3A_16 = arith.constant 0 : index
    %get3A_17 = vector.load %arg5[%get3A_15, %get3A_16] : memref<128x128xf32, #tpu.memory_space<vmem>>, vector<128x128xf32>
    %dot_general3A_18 = arith.constant dense<0.000000e+00> : vector<256x128xf32>
    %dot_general3A_19 = tpu.matmul %select_n3A, %get3A_17, %dot_general3A_18 {dimension_numbers = #tpu.dot_dimension_numbers<[1], [0], [0], [1], [0, 0, 1, 1], [], []>, transpose_lhs_hint = false} : vector<256x128xf32>, vector<128x128xf32>, vector<256x128xf32> -> vector<256x128xf32>
    %get3A_20 = arith.constant 0 : index
    %get3A_21 = arith.constant 0 : index
    %get3A_22 = vector.load %arg6[%get3A_20, %get3A_21] : memref<1x128xf32, #tpu.memory_space<vmem>>, vector<1x128xf32>
    %add3A_23 = vector.broadcast %get3A_22 : vector<1x128xf32> to vector<256x128xf32>
    %add3A_24 = arith.addf %dot_general3A_19, %add3A_23 : vector<256x128xf32>
    %gt3A_25 = arith.constant 0.000000e+00 : f32
    %gt3A_26 = vector.broadcast %gt3A_25 : f32 to vector<256x128xf32>
    %gt3A_27 = arith.cmpf ogt, %add3A_24, %gt3A_26 : vector<256x128xf32>
    %mul3A_28 = arith.constant 1.000000e-01 : f32
    %mul3A_29 = vector.broadcast %mul3A_28 : f32 to vector<256x128xf32>
    %mul3A_30 = arith.mulf %mul3A_29, %add3A_24 : vector<256x128xf32>
    %select_n3A_31 = arith.select %gt3A_27, %add3A_24, %mul3A_30 : vector<256x128xi1>, vector<256x128xf32>
    %get3A_32 = arith.constant 0 : index
    %get3A_33 = arith.constant 0 : index
    %get3A_34 = vector.load %arg7[%get3A_32, %get3A_33] : memref<128x128xf32, #tpu.memory_space<vmem>>, vector<128x128xf32>
    %dot_general3A_35 = arith.constant dense<0.000000e+00> : vector<256x128xf32>
    %dot_general3A_36 = tpu.matmul %select_n3A_31, %get3A_34, %dot_general3A_35 {dimension_numbers = #tpu.dot_dimension_numbers<[1], [0], [0], [1], [0, 0, 1, 1], [], []>, transpose_lhs_hint = false} : vector<256x128xf32>, vector<128x128xf32>, vector<256x128xf32> -> vector<256x128xf32>
    %get3A_37 = arith.constant 0 : index
    %get3A_38 = arith.constant 0 : index
    %get3A_39 = vector.load %arg8[%get3A_37, %get3A_38] : memref<1x128xf32, #tpu.memory_space<vmem>>, vector<1x128xf32>
    %add3A_40 = vector.broadcast %get3A_39 : vector<1x128xf32> to vector<256x128xf32>
    %add3A_41 = arith.addf %dot_general3A_36, %add3A_40 : vector<256x128xf32>
    %gt3A_42 = arith.constant 0.000000e+00 : f32
    %gt3A_43 = vector.broadcast %gt3A_42 : f32 to vector<256x128xf32>
    %gt3A_44 = arith.cmpf ogt, %add3A_41, %gt3A_43 : vector<256x128xf32>
    %mul3A_45 = arith.constant 1.000000e-01 : f32
    %mul3A_46 = vector.broadcast %mul3A_45 : f32 to vector<256x128xf32>
    %mul3A_47 = arith.mulf %mul3A_46, %add3A_41 : vector<256x128xf32>
    %select_n3A_48 = arith.select %gt3A_44, %add3A_41, %mul3A_47 : vector<256x128xi1>, vector<256x128xf32>
    %reshape3A_49 = vector.shape_cast %select_n3A_48 : vector<256x128xf32> to vector<4x64x128xf32>
    %reduce_sum3A = arith.constant dense<0.000000e+00> : vector<4x128xf32>
    %reduce_sum3A_50 = vector.multi_reduction <add>, %reshape3A_49, %reduce_sum3A [1] : vector<4x64x128xf32> to vector<4x128xf32>
    %div3A = arith.constant 6.400000e+01 : f32
    %div3A_51 = vector.broadcast %div3A : f32 to vector<4x128xf32>
    %div3A_52 = arith.divf %reduce_sum3A_50, %div3A_51 : vector<4x128xf32>
    %get3A_53 = arith.constant 0 : index
    %get3A_54 = arith.constant 0 : index
    %get3A_55 = vector.load %arg9[%get3A_53, %get3A_54] : memref<128x3xf32, #tpu.memory_space<vmem>>, vector<128x3xf32>
    %dot_general3A_56 = arith.constant dense<0.000000e+00> : vector<4x3xf32>
    %dot_general3A_57 = tpu.matmul %div3A_52, %get3A_55, %dot_general3A_56 {dimension_numbers = #tpu.dot_dimension_numbers<[1], [0], [0], [1], [0, 0, 1, 1], [], []>, transpose_lhs_hint = false} : vector<4x128xf32>, vector<128x3xf32>, vector<4x3xf32> -> vector<4x3xf32>
    %get3A_58 = arith.constant 0 : index
    %get3A_59 = arith.constant 0 : index
    %get3A_60 = vector.load %arg10[%get3A_58, %get3A_59] : memref<1x3xf32, #tpu.memory_space<vmem>>, vector<1x3xf32>
    %add3A_61 = vector.broadcast %get3A_60 : vector<1x3xf32> to vector<4x3xf32>
    %add3A_62 = arith.addf %dot_general3A_57, %add3A_61 : vector<4x3xf32>
    %slice3A = vector.extract_strided_slice %add3A_62 {offsets = [0, 0], sizes = [4, 1], strides = [1, 1]} : vector<4x3xf32> to vector<4x1xf32>
    %slice3A_63 = vector.extract_strided_slice %add3A_62 {offsets = [0, 1], sizes = [4, 1], strides = [1, 1]} : vector<4x3xf32> to vector<4x1xf32>
    %slice3A_64 = vector.extract_strided_slice %add3A_62 {offsets = [0, 2], sizes = [4, 1], strides = [1, 1]} : vector<4x3xf32> to vector<4x1xf32>
    %ge3A = arith.cmpf oge, %slice3A, %slice3A_63 : vector<4x1xf32>
    %ge3A_65 = arith.cmpf oge, %slice3A, %slice3A_64 : vector<4x1xf32>
    %and3A = arith.andi %ge3A, %ge3A_65 : vector<4x1xi1>
    %not3A = arith.constant dense<true> : vector<4x1xi1>
    %not3A_66 = arith.xori %and3A, %not3A : vector<4x1xi1>
    %ge3A_67 = arith.cmpf oge, %slice3A_63, %slice3A_64 : vector<4x1xf32>
    %and3A_68 = arith.andi %not3A_66, %ge3A_67 : vector<4x1xi1>
    %not3A_69 = arith.constant dense<true> : vector<4x1xi1>
    %not3A_70 = arith.xori %and3A, %not3A_69 : vector<4x1xi1>
    %not3A_71 = arith.constant dense<true> : vector<4x1xi1>
    %not3A_72 = arith.xori %and3A_68, %not3A_71 : vector<4x1xi1>
    %and3A_73 = arith.andi %not3A_70, %not3A_72 : vector<4x1xi1>
    %convert_element_type3A = arith.extui %and3A : vector<4x1xi1> to vector<4x1xi32>
    %convert_element_type3A_74 = arith.sitofp %convert_element_type3A : vector<4x1xi32> to vector<4x1xf32>
    %convert_element_type3A_75 = arith.extui %and3A_68 : vector<4x1xi1> to vector<4x1xi32>
    %convert_element_type3A_76 = arith.sitofp %convert_element_type3A_75 : vector<4x1xi32> to vector<4x1xf32>
    %convert_element_type3A_77 = arith.extui %and3A_73 : vector<4x1xi1> to vector<4x1xi32>
    %convert_element_type3A_78 = arith.sitofp %convert_element_type3A_77 : vector<4x1xi32> to vector<4x1xf32>
    %concatenate3A = tpu.concatenate %convert_element_type3A_74, %convert_element_type3A_76, %convert_element_type3A_78 in 1 : vector<4x1xf32>, vector<4x1xf32>, vector<4x1xf32> -> vector<4x3xf32>
    %iota3A = tpu.iota {dimensions = array<i32: 1>} : vector<1x4096xi32>
    %jit3A = arith.constant 32 : i32
    %eq3A = arith.constant 0 : i32
    %eq3A_79 = arith.cmpi eq, %jit3A, %eq3A : i32
    %jit3A_80 = arith.constant 1 : i32
    %select_n3A_81 = arith.select %eq3A_79, %jit3A_80, %jit3A : i32
    %rem3A = vector.broadcast %select_n3A_81 : i32 to vector<1x4096xi32>
    %rem3A_82 = arith.remsi %iota3A, %rem3A : vector<1x4096xi32>
    %ne3A = arith.constant 0 : i32
    %ne3A_83 = vector.broadcast %ne3A : i32 to vector<1x4096xi32>
    %ne3A_84 = arith.cmpi ne, %rem3A_82, %ne3A_83 : vector<1x4096xi32>
    %lt3A = arith.constant 0 : i32
    %lt3A_85 = vector.broadcast %lt3A : i32 to vector<1x4096xi32>
    %lt3A_86 = arith.cmpi slt, %rem3A_82, %lt3A_85 : vector<1x4096xi32>
    %lt3A_87 = arith.constant 0 : i32
    %lt3A_88 = arith.cmpi slt, %select_n3A_81, %lt3A_87 : i32
    %ne3A_89 = vector.broadcast %lt3A_88 : i1 to vector<1x4096xi1>
    %ne3A_90 = vector.broadcast %ne3A_89 : vector<1x4096xi1> to vector<1x4096xi1>
    %ne3A_91 = arith.xori %lt3A_86, %ne3A_90 : vector<1x4096xi1>
    %and3A_92 = arith.andi %ne3A_91, %ne3A_84 : vector<1x4096xi1>
    %add3A_93 = vector.broadcast %select_n3A_81 : i32 to vector<1x4096xi32>
    %add3A_94 = arith.addi %rem3A_82, %add3A_93 : vector<1x4096xi32>
    %select_n3A_95 = arith.select %and3A_92, %add3A_94, %rem3A_82 : vector<1x4096xi1>, vector<1x4096xi32>
    %jit3A_96 = arith.constant 32 : i32
    %div3A_97 = vector.broadcast %jit3A_96 : i32 to vector<1x4096xi32>
    %div3A_98 = arith.divsi %iota3A, %div3A_97 : vector<1x4096xi32>
    %sign3A = arith.constant 0 : i32
    %sign3A_99 = vector.broadcast %sign3A : i32 to vector<1x4096xi32>
    %sign3A_100 = arith.cmpi sgt, %iota3A, %sign3A_99 : vector<1x4096xi32>
    %sign3A_101 = arith.extui %sign3A_100 : vector<1x4096xi1> to vector<1x4096xi32>
    %sign3A_102 = arith.constant 0 : i32
    %sign3A_103 = vector.broadcast %sign3A_102 : i32 to vector<1x4096xi32>
    %sign3A_104 = arith.cmpi slt, %iota3A, %sign3A_103 : vector<1x4096xi32>
    %sign3A_105 = arith.extui %sign3A_104 : vector<1x4096xi1> to vector<1x4096xi32>
    %sign3A_106 = arith.subi %sign3A_101, %sign3A_105 : vector<1x4096xi32>
    %sign3A_107 = arith.constant 0 : i32
    %sign3A_108 = arith.cmpi sgt, %jit3A_96, %sign3A_107 : i32
    %sign3A_109 = arith.extui %sign3A_108 : i1 to i32
    %sign3A_110 = arith.constant 0 : i32
    %sign3A_111 = arith.cmpi slt, %jit3A_96, %sign3A_110 : i32
    %sign3A_112 = arith.extui %sign3A_111 : i1 to i32
    %sign3A_113 = arith.subi %sign3A_109, %sign3A_112 : i32
    %ne3A_114 = vector.broadcast %sign3A_113 : i32 to vector<1x4096xi32>
    %ne3A_115 = arith.cmpi ne, %sign3A_106, %ne3A_114 : vector<1x4096xi32>
    %rem3A_116 = vector.broadcast %jit3A_96 : i32 to vector<1x4096xi32>
    %rem3A_117 = arith.remsi %iota3A, %rem3A_116 : vector<1x4096xi32>
    %ne3A_118 = arith.constant 0 : i32
    %ne3A_119 = vector.broadcast %ne3A_118 : i32 to vector<1x4096xi32>
    %ne3A_120 = arith.cmpi ne, %rem3A_117, %ne3A_119 : vector<1x4096xi32>
    %and3A_121 = arith.andi %ne3A_115, %ne3A_120 : vector<1x4096xi1>
    %sub3A = arith.constant 1 : i32
    %sub3A_122 = vector.broadcast %sub3A : i32 to vector<1x4096xi32>
    %sub3A_123 = arith.subi %div3A_98, %sub3A_122 : vector<1x4096xi32>
    %select_n3A_124 = arith.select %and3A_121, %sub3A_123, %div3A_98 : vector<1x4096xi1>, vector<1x4096xi32>
    %jit3A_125 = arith.constant 32 : i32
    %eq3A_126 = arith.constant 0 : i32
    %eq3A_127 = arith.cmpi eq, %jit3A_125, %eq3A_126 : i32
    %jit3A_128 = arith.constant 1 : i32
    %select_n3A_129 = arith.select %eq3A_127, %jit3A_128, %jit3A_125 : i32
    %rem3A_130 = vector.broadcast %select_n3A_129 : i32 to vector<1x4096xi32>
    %rem3A_131 = arith.remsi %select_n3A_124, %rem3A_130 : vector<1x4096xi32>
    %ne3A_132 = arith.constant 0 : i32
    %ne3A_133 = vector.broadcast %ne3A_132 : i32 to vector<1x4096xi32>
    %ne3A_134 = arith.cmpi ne, %rem3A_131, %ne3A_133 : vector<1x4096xi32>
    %lt3A_135 = arith.constant 0 : i32
    %lt3A_136 = vector.broadcast %lt3A_135 : i32 to vector<1x4096xi32>
    %lt3A_137 = arith.cmpi slt, %rem3A_131, %lt3A_136 : vector<1x4096xi32>
    %lt3A_138 = arith.constant 0 : i32
    %lt3A_139 = arith.cmpi slt, %select_n3A_129, %lt3A_138 : i32
    %ne3A_140 = vector.broadcast %lt3A_139 : i1 to vector<1x4096xi1>
    %ne3A_141 = vector.broadcast %ne3A_140 : vector<1x4096xi1> to vector<1x4096xi1>
    %ne3A_142 = arith.xori %lt3A_137, %ne3A_141 : vector<1x4096xi1>
    %and3A_143 = arith.andi %ne3A_142, %ne3A_134 : vector<1x4096xi1>
    %add3A_144 = vector.broadcast %select_n3A_129 : i32 to vector<1x4096xi32>
    %add3A_145 = arith.addi %rem3A_131, %add3A_144 : vector<1x4096xi32>
    %select_n3A_146 = arith.select %and3A_143, %add3A_145, %rem3A_131 : vector<1x4096xi1>, vector<1x4096xi32>
    %add3A_147 = arith.constant -1 : i32
    %add3A_148 = vector.broadcast %add3A_147 : i32 to vector<1x4096xi32>
    %add3A_149 = arith.addi %select_n3A_95, %add3A_148 : vector<1x4096xi32>
    %ge3A_150 = arith.constant 0 : i32
    %ge3A_151 = vector.broadcast %ge3A_150 : i32 to vector<1x4096xi32>
    %ge3A_152 = arith.cmpi sge, %add3A_149, %ge3A_151 : vector<1x4096xi32>
    %add3A_153 = arith.constant -1 : i32
    %add3A_154 = vector.broadcast %add3A_153 : i32 to vector<1x4096xi32>
    %add3A_155 = arith.addi %select_n3A_95, %add3A_154 : vector<1x4096xi32>
    %lt3A_156 = arith.constant 32 : i32
    %lt3A_157 = vector.broadcast %lt3A_156 : i32 to vector<1x4096xi32>
    %lt3A_158 = arith.cmpi slt, %add3A_155, %lt3A_157 : vector<1x4096xi32>
    %and3A_159 = arith.andi %ge3A_152, %lt3A_158 : vector<1x4096xi1>
    %add3A_160 = arith.constant -1 : i32
    %add3A_161 = vector.broadcast %add3A_160 : i32 to vector<1x4096xi32>
    %add3A_162 = arith.addi %select_n3A_146, %add3A_161 : vector<1x4096xi32>
    %ge3A_163 = arith.constant 0 : i32
    %ge3A_164 = vector.broadcast %ge3A_163 : i32 to vector<1x4096xi32>
    %ge3A_165 = arith.cmpi sge, %add3A_162, %ge3A_164 : vector<1x4096xi32>
    %add3A_166 = arith.constant -1 : i32
    %add3A_167 = vector.broadcast %add3A_166 : i32 to vector<1x4096xi32>
    %add3A_168 = arith.addi %select_n3A_146, %add3A_167 : vector<1x4096xi32>
    %lt3A_169 = arith.constant 32 : i32
    %lt3A_170 = vector.broadcast %lt3A_169 : i32 to vector<1x4096xi32>
    %lt3A_171 = arith.cmpi slt, %add3A_168, %lt3A_170 : vector<1x4096xi32>
    %and3A_172 = arith.andi %ge3A_165, %lt3A_171 : vector<1x4096xi1>
    %and3A_173 = arith.andi %and3A_159, %and3A_172 : vector<1x4096xi1>
    %add3A_174 = arith.constant -1 : i32
    %add3A_175 = vector.broadcast %add3A_174 : i32 to vector<1x4096xi32>
    %add3A_176 = arith.addi %select_n3A_146, %add3A_175 : vector<1x4096xi32>
    %ge3A_177 = arith.constant 0 : i32
    %ge3A_178 = vector.broadcast %ge3A_177 : i32 to vector<1x4096xi32>
    %ge3A_179 = arith.cmpi sge, %add3A_176, %ge3A_178 : vector<1x4096xi32>
    %add3A_180 = arith.constant -1 : i32
    %add3A_181 = vector.broadcast %add3A_180 : i32 to vector<1x4096xi32>
    %add3A_182 = arith.addi %select_n3A_146, %add3A_181 : vector<1x4096xi32>
    %lt3A_183 = arith.constant 32 : i32
    %lt3A_184 = vector.broadcast %lt3A_183 : i32 to vector<1x4096xi32>
    %lt3A_185 = arith.cmpi slt, %add3A_182, %lt3A_184 : vector<1x4096xi32>
    %and3A_186 = arith.andi %ge3A_179, %lt3A_185 : vector<1x4096xi1>
    %add3A_187 = arith.constant 1 : i32
    %add3A_188 = vector.broadcast %add3A_187 : i32 to vector<1x4096xi32>
    %add3A_189 = arith.addi %select_n3A_95, %add3A_188 : vector<1x4096xi32>
    %ge3A_190 = arith.constant 0 : i32
    %ge3A_191 = vector.broadcast %ge3A_190 : i32 to vector<1x4096xi32>
    %ge3A_192 = arith.cmpi sge, %add3A_189, %ge3A_191 : vector<1x4096xi32>
    %add3A_193 = arith.constant 1 : i32
    %add3A_194 = vector.broadcast %add3A_193 : i32 to vector<1x4096xi32>
    %add3A_195 = arith.addi %select_n3A_95, %add3A_194 : vector<1x4096xi32>
    %lt3A_196 = arith.constant 32 : i32
    %lt3A_197 = vector.broadcast %lt3A_196 : i32 to vector<1x4096xi32>
    %lt3A_198 = arith.cmpi slt, %add3A_195, %lt3A_197 : vector<1x4096xi32>
    %and3A_199 = arith.andi %ge3A_192, %lt3A_198 : vector<1x4096xi1>
    %add3A_200 = arith.constant -1 : i32
    %add3A_201 = vector.broadcast %add3A_200 : i32 to vector<1x4096xi32>
    %add3A_202 = arith.addi %select_n3A_146, %add3A_201 : vector<1x4096xi32>
    %ge3A_203 = arith.constant 0 : i32
    %ge3A_204 = vector.broadcast %ge3A_203 : i32 to vector<1x4096xi32>
    %ge3A_205 = arith.cmpi sge, %add3A_202, %ge3A_204 : vector<1x4096xi32>
    %add3A_206 = arith.constant -1 : i32
    %add3A_207 = vector.broadcast %add3A_206 : i32 to vector<1x4096xi32>
    %add3A_208 = arith.addi %select_n3A_146, %add3A_207 : vector<1x4096xi32>
    %lt3A_209 = arith.constant 32 : i32
    %lt3A_210 = vector.broadcast %lt3A_209 : i32 to vector<1x4096xi32>
    %lt3A_211 = arith.cmpi slt, %add3A_208, %lt3A_210 : vector<1x4096xi32>
    %and3A_212 = arith.andi %ge3A_205, %lt3A_211 : vector<1x4096xi1>
    %and3A_213 = arith.andi %and3A_199, %and3A_212 : vector<1x4096xi1>
    %add3A_214 = arith.constant -1 : i32
    %add3A_215 = vector.broadcast %add3A_214 : i32 to vector<1x4096xi32>
    %add3A_216 = arith.addi %select_n3A_95, %add3A_215 : vector<1x4096xi32>
    %ge3A_217 = arith.constant 0 : i32
    %ge3A_218 = vector.broadcast %ge3A_217 : i32 to vector<1x4096xi32>
    %ge3A_219 = arith.cmpi sge, %add3A_216, %ge3A_218 : vector<1x4096xi32>
    %add3A_220 = arith.constant -1 : i32
    %add3A_221 = vector.broadcast %add3A_220 : i32 to vector<1x4096xi32>
    %add3A_222 = arith.addi %select_n3A_95, %add3A_221 : vector<1x4096xi32>
    %lt3A_223 = arith.constant 32 : i32
    %lt3A_224 = vector.broadcast %lt3A_223 : i32 to vector<1x4096xi32>
    %lt3A_225 = arith.cmpi slt, %add3A_222, %lt3A_224 : vector<1x4096xi32>
    %and3A_226 = arith.andi %ge3A_219, %lt3A_225 : vector<1x4096xi1>
    %add3A_227 = arith.constant 1 : i32
    %add3A_228 = vector.broadcast %add3A_227 : i32 to vector<1x4096xi32>
    %add3A_229 = arith.addi %select_n3A_95, %add3A_228 : vector<1x4096xi32>
    %ge3A_230 = arith.constant 0 : i32
    %ge3A_231 = vector.broadcast %ge3A_230 : i32 to vector<1x4096xi32>
    %ge3A_232 = arith.cmpi sge, %add3A_229, %ge3A_231 : vector<1x4096xi32>
    %add3A_233 = arith.constant 1 : i32
    %add3A_234 = vector.broadcast %add3A_233 : i32 to vector<1x4096xi32>
    %add3A_235 = arith.addi %select_n3A_95, %add3A_234 : vector<1x4096xi32>
    %lt3A_236 = arith.constant 32 : i32
    %lt3A_237 = vector.broadcast %lt3A_236 : i32 to vector<1x4096xi32>
    %lt3A_238 = arith.cmpi slt, %add3A_235, %lt3A_237 : vector<1x4096xi32>
    %and3A_239 = arith.andi %ge3A_232, %lt3A_238 : vector<1x4096xi1>
    %add3A_240 = arith.constant -1 : i32
    %add3A_241 = vector.broadcast %add3A_240 : i32 to vector<1x4096xi32>
    %add3A_242 = arith.addi %select_n3A_95, %add3A_241 : vector<1x4096xi32>
    %ge3A_243 = arith.constant 0 : i32
    %ge3A_244 = vector.broadcast %ge3A_243 : i32 to vector<1x4096xi32>
    %ge3A_245 = arith.cmpi sge, %add3A_242, %ge3A_244 : vector<1x4096xi32>
    %add3A_246 = arith.constant -1 : i32
    %add3A_247 = vector.broadcast %add3A_246 : i32 to vector<1x4096xi32>
    %add3A_248 = arith.addi %select_n3A_95, %add3A_247 : vector<1x4096xi32>
    %lt3A_249 = arith.constant 32 : i32
    %lt3A_250 = vector.broadcast %lt3A_249 : i32 to vector<1x4096xi32>
    %lt3A_251 = arith.cmpi slt, %add3A_248, %lt3A_250 : vector<1x4096xi32>
    %and3A_252 = arith.andi %ge3A_245, %lt3A_251 : vector<1x4096xi1>
    %add3A_253 = arith.constant 1 : i32
    %add3A_254 = vector.broadcast %add3A_253 : i32 to vector<1x4096xi32>
    %add3A_255 = arith.addi %select_n3A_146, %add3A_254 : vector<1x4096xi32>
    %ge3A_256 = arith.constant 0 : i32
    %ge3A_257 = vector.broadcast %ge3A_256 : i32 to vector<1x4096xi32>
    %ge3A_258 = arith.cmpi sge, %add3A_255, %ge3A_257 : vector<1x4096xi32>
    %add3A_259 = arith.constant 1 : i32
    %add3A_260 = vector.broadcast %add3A_259 : i32 to vector<1x4096xi32>
    %add3A_261 = arith.addi %select_n3A_146, %add3A_260 : vector<1x4096xi32>
    %lt3A_262 = arith.constant 32 : i32
    %lt3A_263 = vector.broadcast %lt3A_262 : i32 to vector<1x4096xi32>
    %lt3A_264 = arith.cmpi slt, %add3A_261, %lt3A_263 : vector<1x4096xi32>
    %and3A_265 = arith.andi %ge3A_258, %lt3A_264 : vector<1x4096xi1>
    %and3A_266 = arith.andi %and3A_252, %and3A_265 : vector<1x4096xi1>
    %add3A_267 = arith.constant 1 : i32
    %add3A_268 = vector.broadcast %add3A_267 : i32 to vector<1x4096xi32>
    %add3A_269 = arith.addi %select_n3A_146, %add3A_268 : vector<1x4096xi32>
    %ge3A_270 = arith.constant 0 : i32
    %ge3A_271 = vector.broadcast %ge3A_270 : i32 to vector<1x4096xi32>
    %ge3A_272 = arith.cmpi sge, %add3A_269, %ge3A_271 : vector<1x4096xi32>
    %add3A_273 = arith.constant 1 : i32
    %add3A_274 = vector.broadcast %add3A_273 : i32 to vector<1x4096xi32>
    %add3A_275 = arith.addi %select_n3A_146, %add3A_274 : vector<1x4096xi32>
    %lt3A_276 = arith.constant 32 : i32
    %lt3A_277 = vector.broadcast %lt3A_276 : i32 to vector<1x4096xi32>
    %lt3A_278 = arith.cmpi slt, %add3A_275, %lt3A_277 : vector<1x4096xi32>
    %and3A_279 = arith.andi %ge3A_272, %lt3A_278 : vector<1x4096xi1>
    %add3A_280 = arith.constant 1 : i32
    %add3A_281 = vector.broadcast %add3A_280 : i32 to vector<1x4096xi32>
    %add3A_282 = arith.addi %select_n3A_95, %add3A_281 : vector<1x4096xi32>
    %ge3A_283 = arith.constant 0 : i32
    %ge3A_284 = vector.broadcast %ge3A_283 : i32 to vector<1x4096xi32>
    %ge3A_285 = arith.cmpi sge, %add3A_282, %ge3A_284 : vector<1x4096xi32>
    %add3A_286 = arith.constant 1 : i32
    %add3A_287 = vector.broadcast %add3A_286 : i32 to vector<1x4096xi32>
    %add3A_288 = arith.addi %select_n3A_95, %add3A_287 : vector<1x4096xi32>
    %lt3A_289 = arith.constant 32 : i32
    %lt3A_290 = vector.broadcast %lt3A_289 : i32 to vector<1x4096xi32>
    %lt3A_291 = arith.cmpi slt, %add3A_288, %lt3A_290 : vector<1x4096xi32>
    %and3A_292 = arith.andi %ge3A_285, %lt3A_291 : vector<1x4096xi1>
    %add3A_293 = arith.constant 1 : i32
    %add3A_294 = vector.broadcast %add3A_293 : i32 to vector<1x4096xi32>
    %add3A_295 = arith.addi %select_n3A_146, %add3A_294 : vector<1x4096xi32>
    %ge3A_296 = arith.constant 0 : i32
    %ge3A_297 = vector.broadcast %ge3A_296 : i32 to vector<1x4096xi32>
    %ge3A_298 = arith.cmpi sge, %add3A_295, %ge3A_297 : vector<1x4096xi32>
    %add3A_299 = arith.constant 1 : i32
    %add3A_300 = vector.broadcast %add3A_299 : i32 to vector<1x4096xi32>
    %add3A_301 = arith.addi %select_n3A_146, %add3A_300 : vector<1x4096xi32>
    %lt3A_302 = arith.constant 32 : i32
    %lt3A_303 = vector.broadcast %lt3A_302 : i32 to vector<1x4096xi32>
    %lt3A_304 = arith.cmpi slt, %add3A_301, %lt3A_303 : vector<1x4096xi32>
    %and3A_305 = arith.andi %ge3A_298, %lt3A_304 : vector<1x4096xi1>
    %and3A_306 = arith.andi %and3A_292, %and3A_305 : vector<1x4096xi1>
    %add3A_307 = arith.constant -2 : i32
    %add3A_308 = vector.broadcast %add3A_307 : i32 to vector<1x4096xi32>
    %add3A_309 = arith.addi %select_n3A_95, %add3A_308 : vector<1x4096xi32>
    %ge3A_310 = arith.constant 0 : i32
    %ge3A_311 = vector.broadcast %ge3A_310 : i32 to vector<1x4096xi32>
    %ge3A_312 = arith.cmpi sge, %add3A_309, %ge3A_311 : vector<1x4096xi32>
    %add3A_313 = arith.constant -2 : i32
    %add3A_314 = vector.broadcast %add3A_313 : i32 to vector<1x4096xi32>
    %add3A_315 = arith.addi %select_n3A_95, %add3A_314 : vector<1x4096xi32>
    %lt3A_316 = arith.constant 32 : i32
    %lt3A_317 = vector.broadcast %lt3A_316 : i32 to vector<1x4096xi32>
    %lt3A_318 = arith.cmpi slt, %add3A_315, %lt3A_317 : vector<1x4096xi32>
    %and3A_319 = arith.andi %ge3A_312, %lt3A_318 : vector<1x4096xi1>
    %add3A_320 = arith.constant -2 : i32
    %add3A_321 = vector.broadcast %add3A_320 : i32 to vector<1x4096xi32>
    %add3A_322 = arith.addi %select_n3A_146, %add3A_321 : vector<1x4096xi32>
    %ge3A_323 = arith.constant 0 : i32
    %ge3A_324 = vector.broadcast %ge3A_323 : i32 to vector<1x4096xi32>
    %ge3A_325 = arith.cmpi sge, %add3A_322, %ge3A_324 : vector<1x4096xi32>
    %add3A_326 = arith.constant -2 : i32
    %add3A_327 = vector.broadcast %add3A_326 : i32 to vector<1x4096xi32>
    %add3A_328 = arith.addi %select_n3A_146, %add3A_327 : vector<1x4096xi32>
    %lt3A_329 = arith.constant 32 : i32
    %lt3A_330 = vector.broadcast %lt3A_329 : i32 to vector<1x4096xi32>
    %lt3A_331 = arith.cmpi slt, %add3A_328, %lt3A_330 : vector<1x4096xi32>
    %and3A_332 = arith.andi %ge3A_325, %lt3A_331 : vector<1x4096xi1>
    %and3A_333 = arith.andi %and3A_319, %and3A_332 : vector<1x4096xi1>
    %add3A_334 = arith.constant -1 : i32
    %add3A_335 = vector.broadcast %add3A_334 : i32 to vector<1x4096xi32>
    %add3A_336 = arith.addi %select_n3A_95, %add3A_335 : vector<1x4096xi32>
    %ge3A_337 = arith.constant 0 : i32
    %ge3A_338 = vector.broadcast %ge3A_337 : i32 to vector<1x4096xi32>
    %ge3A_339 = arith.cmpi sge, %add3A_336, %ge3A_338 : vector<1x4096xi32>
    %add3A_340 = arith.constant -1 : i32
    %add3A_341 = vector.broadcast %add3A_340 : i32 to vector<1x4096xi32>
    %add3A_342 = arith.addi %select_n3A_95, %add3A_341 : vector<1x4096xi32>
    %lt3A_343 = arith.constant 32 : i32
    %lt3A_344 = vector.broadcast %lt3A_343 : i32 to vector<1x4096xi32>
    %lt3A_345 = arith.cmpi slt, %add3A_342, %lt3A_344 : vector<1x4096xi32>
    %and3A_346 = arith.andi %ge3A_339, %lt3A_345 : vector<1x4096xi1>
    %add3A_347 = arith.constant -2 : i32
    %add3A_348 = vector.broadcast %add3A_347 : i32 to vector<1x4096xi32>
    %add3A_349 = arith.addi %select_n3A_146, %add3A_348 : vector<1x4096xi32>
    %ge3A_350 = arith.constant 0 : i32
    %ge3A_351 = vector.broadcast %ge3A_350 : i32 to vector<1x4096xi32>
    %ge3A_352 = arith.cmpi sge, %add3A_349, %ge3A_351 : vector<1x4096xi32>
    %add3A_353 = arith.constant -2 : i32
    %add3A_354 = vector.broadcast %add3A_353 : i32 to vector<1x4096xi32>
    %add3A_355 = arith.addi %select_n3A_146, %add3A_354 : vector<1x4096xi32>
    %lt3A_356 = arith.constant 32 : i32
    %lt3A_357 = vector.broadcast %lt3A_356 : i32 to vector<1x4096xi32>
    %lt3A_358 = arith.cmpi slt, %add3A_355, %lt3A_357 : vector<1x4096xi32>
    %and3A_359 = arith.andi %ge3A_352, %lt3A_358 : vector<1x4096xi1>
    %and3A_360 = arith.andi %and3A_346, %and3A_359 : vector<1x4096xi1>
    %add3A_361 = arith.constant -2 : i32
    %add3A_362 = vector.broadcast %add3A_361 : i32 to vector<1x4096xi32>
    %add3A_363 = arith.addi %select_n3A_146, %add3A_362 : vector<1x4096xi32>
    %ge3A_364 = arith.constant 0 : i32
    %ge3A_365 = vector.broadcast %ge3A_364 : i32 to vector<1x4096xi32>
    %ge3A_366 = arith.cmpi sge, %add3A_363, %ge3A_365 : vector<1x4096xi32>
    %add3A_367 = arith.constant -2 : i32
    %add3A_368 = vector.broadcast %add3A_367 : i32 to vector<1x4096xi32>
    %add3A_369 = arith.addi %select_n3A_146, %add3A_368 : vector<1x4096xi32>
    %lt3A_370 = arith.constant 32 : i32
    %lt3A_371 = vector.broadcast %lt3A_370 : i32 to vector<1x4096xi32>
    %lt3A_372 = arith.cmpi slt, %add3A_369, %lt3A_371 : vector<1x4096xi32>
    %and3A_373 = arith.andi %ge3A_366, %lt3A_372 : vector<1x4096xi1>
    %add3A_374 = arith.constant 1 : i32
    %add3A_375 = vector.broadcast %add3A_374 : i32 to vector<1x4096xi32>
    %add3A_376 = arith.addi %select_n3A_95, %add3A_375 : vector<1x4096xi32>
    %ge3A_377 = arith.constant 0 : i32
    %ge3A_378 = vector.broadcast %ge3A_377 : i32 to vector<1x4096xi32>
    %ge3A_379 = arith.cmpi sge, %add3A_376, %ge3A_378 : vector<1x4096xi32>
    %add3A_380 = arith.constant 1 : i32
    %add3A_381 = vector.broadcast %add3A_380 : i32 to vector<1x4096xi32>
    %add3A_382 = arith.addi %select_n3A_95, %add3A_381 : vector<1x4096xi32>
    %lt3A_383 = arith.constant 32 : i32
    %lt3A_384 = vector.broadcast %lt3A_383 : i32 to vector<1x4096xi32>
    %lt3A_385 = arith.cmpi slt, %add3A_382, %lt3A_384 : vector<1x4096xi32>
    %and3A_386 = arith.andi %ge3A_379, %lt3A_385 : vector<1x4096xi1>
    %add3A_387 = arith.constant -2 : i32
    %add3A_388 = vector.broadcast %add3A_387 : i32 to vector<1x4096xi32>
    %add3A_389 = arith.addi %select_n3A_146, %add3A_388 : vector<1x4096xi32>
    %ge3A_390 = arith.constant 0 : i32
    %ge3A_391 = vector.broadcast %ge3A_390 : i32 to vector<1x4096xi32>
    %ge3A_392 = arith.cmpi sge, %add3A_389, %ge3A_391 : vector<1x4096xi32>
    %add3A_393 = arith.constant -2 : i32
    %add3A_394 = vector.broadcast %add3A_393 : i32 to vector<1x4096xi32>
    %add3A_395 = arith.addi %select_n3A_146, %add3A_394 : vector<1x4096xi32>
    %lt3A_396 = arith.constant 32 : i32
    %lt3A_397 = vector.broadcast %lt3A_396 : i32 to vector<1x4096xi32>
    %lt3A_398 = arith.cmpi slt, %add3A_395, %lt3A_397 : vector<1x4096xi32>
    %and3A_399 = arith.andi %ge3A_392, %lt3A_398 : vector<1x4096xi1>
    %and3A_400 = arith.andi %and3A_386, %and3A_399 : vector<1x4096xi1>
    %add3A_401 = arith.constant 2 : i32
    %add3A_402 = vector.broadcast %add3A_401 : i32 to vector<1x4096xi32>
    %add3A_403 = arith.addi %select_n3A_95, %add3A_402 : vector<1x4096xi32>
    %ge3A_404 = arith.constant 0 : i32
    %ge3A_405 = vector.broadcast %ge3A_404 : i32 to vector<1x4096xi32>
    %ge3A_406 = arith.cmpi sge, %add3A_403, %ge3A_405 : vector<1x4096xi32>
    %add3A_407 = arith.constant 2 : i32
    %add3A_408 = vector.broadcast %add3A_407 : i32 to vector<1x4096xi32>
    %add3A_409 = arith.addi %select_n3A_95, %add3A_408 : vector<1x4096xi32>
    %lt3A_410 = arith.constant 32 : i32
    %lt3A_411 = vector.broadcast %lt3A_410 : i32 to vector<1x4096xi32>
    %lt3A_412 = arith.cmpi slt, %add3A_409, %lt3A_411 : vector<1x4096xi32>
    %and3A_413 = arith.andi %ge3A_406, %lt3A_412 : vector<1x4096xi1>
    %add3A_414 = arith.constant -2 : i32
    %add3A_415 = vector.broadcast %add3A_414 : i32 to vector<1x4096xi32>
    %add3A_416 = arith.addi %select_n3A_146, %add3A_415 : vector<1x4096xi32>
    %ge3A_417 = arith.constant 0 : i32
    %ge3A_418 = vector.broadcast %ge3A_417 : i32 to vector<1x4096xi32>
    %ge3A_419 = arith.cmpi sge, %add3A_416, %ge3A_418 : vector<1x4096xi32>
    %add3A_420 = arith.constant -2 : i32
    %add3A_421 = vector.broadcast %add3A_420 : i32 to vector<1x4096xi32>
    %add3A_422 = arith.addi %select_n3A_146, %add3A_421 : vector<1x4096xi32>
    %lt3A_423 = arith.constant 32 : i32
    %lt3A_424 = vector.broadcast %lt3A_423 : i32 to vector<1x4096xi32>
    %lt3A_425 = arith.cmpi slt, %add3A_422, %lt3A_424 : vector<1x4096xi32>
    %and3A_426 = arith.andi %ge3A_419, %lt3A_425 : vector<1x4096xi1>
    %and3A_427 = arith.andi %and3A_413, %and3A_426 : vector<1x4096xi1>
    %add3A_428 = arith.constant -2 : i32
    %add3A_429 = vector.broadcast %add3A_428 : i32 to vector<1x4096xi32>
    %add3A_430 = arith.addi %select_n3A_95, %add3A_429 : vector<1x4096xi32>
    %ge3A_431 = arith.constant 0 : i32
    %ge3A_432 = vector.broadcast %ge3A_431 : i32 to vector<1x4096xi32>
    %ge3A_433 = arith.cmpi sge, %add3A_430, %ge3A_432 : vector<1x4096xi32>
    %add3A_434 = arith.constant -2 : i32
    %add3A_435 = vector.broadcast %add3A_434 : i32 to vector<1x4096xi32>
    %add3A_436 = arith.addi %select_n3A_95, %add3A_435 : vector<1x4096xi32>
    %lt3A_437 = arith.constant 32 : i32
    %lt3A_438 = vector.broadcast %lt3A_437 : i32 to vector<1x4096xi32>
    %lt3A_439 = arith.cmpi slt, %add3A_436, %lt3A_438 : vector<1x4096xi32>
    %and3A_440 = arith.andi %ge3A_433, %lt3A_439 : vector<1x4096xi1>
    %add3A_441 = arith.constant -1 : i32
    %add3A_442 = vector.broadcast %add3A_441 : i32 to vector<1x4096xi32>
    %add3A_443 = arith.addi %select_n3A_146, %add3A_442 : vector<1x4096xi32>
    %ge3A_444 = arith.constant 0 : i32
    %ge3A_445 = vector.broadcast %ge3A_444 : i32 to vector<1x4096xi32>
    %ge3A_446 = arith.cmpi sge, %add3A_443, %ge3A_445 : vector<1x4096xi32>
    %add3A_447 = arith.constant -1 : i32
    %add3A_448 = vector.broadcast %add3A_447 : i32 to vector<1x4096xi32>
    %add3A_449 = arith.addi %select_n3A_146, %add3A_448 : vector<1x4096xi32>
    %lt3A_450 = arith.constant 32 : i32
    %lt3A_451 = vector.broadcast %lt3A_450 : i32 to vector<1x4096xi32>
    %lt3A_452 = arith.cmpi slt, %add3A_449, %lt3A_451 : vector<1x4096xi32>
    %and3A_453 = arith.andi %ge3A_446, %lt3A_452 : vector<1x4096xi1>
    %and3A_454 = arith.andi %and3A_440, %and3A_453 : vector<1x4096xi1>
    %add3A_455 = arith.constant -1 : i32
    %add3A_456 = vector.broadcast %add3A_455 : i32 to vector<1x4096xi32>
    %add3A_457 = arith.addi %select_n3A_95, %add3A_456 : vector<1x4096xi32>
    %ge3A_458 = arith.constant 0 : i32
    %ge3A_459 = vector.broadcast %ge3A_458 : i32 to vector<1x4096xi32>
    %ge3A_460 = arith.cmpi sge, %add3A_457, %ge3A_459 : vector<1x4096xi32>
    %add3A_461 = arith.constant -1 : i32
    %add3A_462 = vector.broadcast %add3A_461 : i32 to vector<1x4096xi32>
    %add3A_463 = arith.addi %select_n3A_95, %add3A_462 : vector<1x4096xi32>
    %lt3A_464 = arith.constant 32 : i32
    %lt3A_465 = vector.broadcast %lt3A_464 : i32 to vector<1x4096xi32>
    %lt3A_466 = arith.cmpi slt, %add3A_463, %lt3A_465 : vector<1x4096xi32>
    %and3A_467 = arith.andi %ge3A_460, %lt3A_466 : vector<1x4096xi1>
    %add3A_468 = arith.constant -1 : i32
    %add3A_469 = vector.broadcast %add3A_468 : i32 to vector<1x4096xi32>
    %add3A_470 = arith.addi %select_n3A_146, %add3A_469 : vector<1x4096xi32>
    %ge3A_471 = arith.constant 0 : i32
    %ge3A_472 = vector.broadcast %ge3A_471 : i32 to vector<1x4096xi32>
    %ge3A_473 = arith.cmpi sge, %add3A_470, %ge3A_472 : vector<1x4096xi32>
    %add3A_474 = arith.constant -1 : i32
    %add3A_475 = vector.broadcast %add3A_474 : i32 to vector<1x4096xi32>
    %add3A_476 = arith.addi %select_n3A_146, %add3A_475 : vector<1x4096xi32>
    %lt3A_477 = arith.constant 32 : i32
    %lt3A_478 = vector.broadcast %lt3A_477 : i32 to vector<1x4096xi32>
    %lt3A_479 = arith.cmpi slt, %add3A_476, %lt3A_478 : vector<1x4096xi32>
    %and3A_480 = arith.andi %ge3A_473, %lt3A_479 : vector<1x4096xi1>
    %and3A_481 = arith.andi %and3A_467, %and3A_480 : vector<1x4096xi1>
    %add3A_482 = arith.constant -1 : i32
    %add3A_483 = vector.broadcast %add3A_482 : i32 to vector<1x4096xi32>
    %add3A_484 = arith.addi %select_n3A_146, %add3A_483 : vector<1x4096xi32>
    %ge3A_485 = arith.constant 0 : i32
    %ge3A_486 = vector.broadcast %ge3A_485 : i32 to vector<1x4096xi32>
    %ge3A_487 = arith.cmpi sge, %add3A_484, %ge3A_486 : vector<1x4096xi32>
    %add3A_488 = arith.constant -1 : i32
    %add3A_489 = vector.broadcast %add3A_488 : i32 to vector<1x4096xi32>
    %add3A_490 = arith.addi %select_n3A_146, %add3A_489 : vector<1x4096xi32>
    %lt3A_491 = arith.constant 32 : i32
    %lt3A_492 = vector.broadcast %lt3A_491 : i32 to vector<1x4096xi32>
    %lt3A_493 = arith.cmpi slt, %add3A_490, %lt3A_492 : vector<1x4096xi32>
    %and3A_494 = arith.andi %ge3A_487, %lt3A_493 : vector<1x4096xi1>
    %add3A_495 = arith.constant 1 : i32
    %add3A_496 = vector.broadcast %add3A_495 : i32 to vector<1x4096xi32>
    %add3A_497 = arith.addi %select_n3A_95, %add3A_496 : vector<1x4096xi32>
    %ge3A_498 = arith.constant 0 : i32
    %ge3A_499 = vector.broadcast %ge3A_498 : i32 to vector<1x4096xi32>
    %ge3A_500 = arith.cmpi sge, %add3A_497, %ge3A_499 : vector<1x4096xi32>
    %add3A_501 = arith.constant 1 : i32
    %add3A_502 = vector.broadcast %add3A_501 : i32 to vector<1x4096xi32>
    %add3A_503 = arith.addi %select_n3A_95, %add3A_502 : vector<1x4096xi32>
    %lt3A_504 = arith.constant 32 : i32
    %lt3A_505 = vector.broadcast %lt3A_504 : i32 to vector<1x4096xi32>
    %lt3A_506 = arith.cmpi slt, %add3A_503, %lt3A_505 : vector<1x4096xi32>
    %and3A_507 = arith.andi %ge3A_500, %lt3A_506 : vector<1x4096xi1>
    %add3A_508 = arith.constant -1 : i32
    %add3A_509 = vector.broadcast %add3A_508 : i32 to vector<1x4096xi32>
    %add3A_510 = arith.addi %select_n3A_146, %add3A_509 : vector<1x4096xi32>
    %ge3A_511 = arith.constant 0 : i32
    %ge3A_512 = vector.broadcast %ge3A_511 : i32 to vector<1x4096xi32>
    %ge3A_513 = arith.cmpi sge, %add3A_510, %ge3A_512 : vector<1x4096xi32>
    %add3A_514 = arith.constant -1 : i32
    %add3A_515 = vector.broadcast %add3A_514 : i32 to vector<1x4096xi32>
    %add3A_516 = arith.addi %select_n3A_146, %add3A_515 : vector<1x4096xi32>
    %lt3A_517 = arith.constant 32 : i32
    %lt3A_518 = vector.broadcast %lt3A_517 : i32 to vector<1x4096xi32>
    %lt3A_519 = arith.cmpi slt, %add3A_516, %lt3A_518 : vector<1x4096xi32>
    %and3A_520 = arith.andi %ge3A_513, %lt3A_519 : vector<1x4096xi1>
    %and3A_521 = arith.andi %and3A_507, %and3A_520 : vector<1x4096xi1>
    %add3A_522 = arith.constant 2 : i32
    %add3A_523 = vector.broadcast %add3A_522 : i32 to vector<1x4096xi32>
    %add3A_524 = arith.addi %select_n3A_95, %add3A_523 : vector<1x4096xi32>
    %ge3A_525 = arith.constant 0 : i32
    %ge3A_526 = vector.broadcast %ge3A_525 : i32 to vector<1x4096xi32>
    %ge3A_527 = arith.cmpi sge, %add3A_524, %ge3A_526 : vector<1x4096xi32>
    %add3A_528 = arith.constant 2 : i32
    %add3A_529 = vector.broadcast %add3A_528 : i32 to vector<1x4096xi32>
    %add3A_530 = arith.addi %select_n3A_95, %add3A_529 : vector<1x4096xi32>
    %lt3A_531 = arith.constant 32 : i32
    %lt3A_532 = vector.broadcast %lt3A_531 : i32 to vector<1x4096xi32>
    %lt3A_533 = arith.cmpi slt, %add3A_530, %lt3A_532 : vector<1x4096xi32>
    %and3A_534 = arith.andi %ge3A_527, %lt3A_533 : vector<1x4096xi1>
    %add3A_535 = arith.constant -1 : i32
    %add3A_536 = vector.broadcast %add3A_535 : i32 to vector<1x4096xi32>
    %add3A_537 = arith.addi %select_n3A_146, %add3A_536 : vector<1x4096xi32>
    %ge3A_538 = arith.constant 0 : i32
    %ge3A_539 = vector.broadcast %ge3A_538 : i32 to vector<1x4096xi32>
    %ge3A_540 = arith.cmpi sge, %add3A_537, %ge3A_539 : vector<1x4096xi32>
    %add3A_541 = arith.constant -1 : i32
    %add3A_542 = vector.broadcast %add3A_541 : i32 to vector<1x4096xi32>
    %add3A_543 = arith.addi %select_n3A_146, %add3A_542 : vector<1x4096xi32>
    %lt3A_544 = arith.constant 32 : i32
    %lt3A_545 = vector.broadcast %lt3A_544 : i32 to vector<1x4096xi32>
    %lt3A_546 = arith.cmpi slt, %add3A_543, %lt3A_545 : vector<1x4096xi32>
    %and3A_547 = arith.andi %ge3A_540, %lt3A_546 : vector<1x4096xi1>
    %and3A_548 = arith.andi %and3A_534, %and3A_547 : vector<1x4096xi1>
    %add3A_549 = arith.constant -2 : i32
    %add3A_550 = vector.broadcast %add3A_549 : i32 to vector<1x4096xi32>
    %add3A_551 = arith.addi %select_n3A_95, %add3A_550 : vector<1x4096xi32>
    %ge3A_552 = arith.constant 0 : i32
    %ge3A_553 = vector.broadcast %ge3A_552 : i32 to vector<1x4096xi32>
    %ge3A_554 = arith.cmpi sge, %add3A_551, %ge3A_553 : vector<1x4096xi32>
    %add3A_555 = arith.constant -2 : i32
    %add3A_556 = vector.broadcast %add3A_555 : i32 to vector<1x4096xi32>
    %add3A_557 = arith.addi %select_n3A_95, %add3A_556 : vector<1x4096xi32>
    %lt3A_558 = arith.constant 32 : i32
    %lt3A_559 = vector.broadcast %lt3A_558 : i32 to vector<1x4096xi32>
    %lt3A_560 = arith.cmpi slt, %add3A_557, %lt3A_559 : vector<1x4096xi32>
    %and3A_561 = arith.andi %ge3A_554, %lt3A_560 : vector<1x4096xi1>
    %add3A_562 = arith.constant -1 : i32
    %add3A_563 = vector.broadcast %add3A_562 : i32 to vector<1x4096xi32>
    %add3A_564 = arith.addi %select_n3A_95, %add3A_563 : vector<1x4096xi32>
    %ge3A_565 = arith.constant 0 : i32
    %ge3A_566 = vector.broadcast %ge3A_565 : i32 to vector<1x4096xi32>
    %ge3A_567 = arith.cmpi sge, %add3A_564, %ge3A_566 : vector<1x4096xi32>
    %add3A_568 = arith.constant -1 : i32
    %add3A_569 = vector.broadcast %add3A_568 : i32 to vector<1x4096xi32>
    %add3A_570 = arith.addi %select_n3A_95, %add3A_569 : vector<1x4096xi32>
    %lt3A_571 = arith.constant 32 : i32
    %lt3A_572 = vector.broadcast %lt3A_571 : i32 to vector<1x4096xi32>
    %lt3A_573 = arith.cmpi slt, %add3A_570, %lt3A_572 : vector<1x4096xi32>
    %and3A_574 = arith.andi %ge3A_567, %lt3A_573 : vector<1x4096xi1>
    %add3A_575 = arith.constant 1 : i32
    %add3A_576 = vector.broadcast %add3A_575 : i32 to vector<1x4096xi32>
    %add3A_577 = arith.addi %select_n3A_95, %add3A_576 : vector<1x4096xi32>
    %ge3A_578 = arith.constant 0 : i32
    %ge3A_579 = vector.broadcast %ge3A_578 : i32 to vector<1x4096xi32>
    %ge3A_580 = arith.cmpi sge, %add3A_577, %ge3A_579 : vector<1x4096xi32>
    %add3A_581 = arith.constant 1 : i32
    %add3A_582 = vector.broadcast %add3A_581 : i32 to vector<1x4096xi32>
    %add3A_583 = arith.addi %select_n3A_95, %add3A_582 : vector<1x4096xi32>
    %lt3A_584 = arith.constant 32 : i32
    %lt3A_585 = vector.broadcast %lt3A_584 : i32 to vector<1x4096xi32>
    %lt3A_586 = arith.cmpi slt, %add3A_583, %lt3A_585 : vector<1x4096xi32>
    %and3A_587 = arith.andi %ge3A_580, %lt3A_586 : vector<1x4096xi1>
    %add3A_588 = arith.constant 2 : i32
    %add3A_589 = vector.broadcast %add3A_588 : i32 to vector<1x4096xi32>
    %add3A_590 = arith.addi %select_n3A_95, %add3A_589 : vector<1x4096xi32>
    %ge3A_591 = arith.constant 0 : i32
    %ge3A_592 = vector.broadcast %ge3A_591 : i32 to vector<1x4096xi32>
    %ge3A_593 = arith.cmpi sge, %add3A_590, %ge3A_592 : vector<1x4096xi32>
    %add3A_594 = arith.constant 2 : i32
    %add3A_595 = vector.broadcast %add3A_594 : i32 to vector<1x4096xi32>
    %add3A_596 = arith.addi %select_n3A_95, %add3A_595 : vector<1x4096xi32>
    %lt3A_597 = arith.constant 32 : i32
    %lt3A_598 = vector.broadcast %lt3A_597 : i32 to vector<1x4096xi32>
    %lt3A_599 = arith.cmpi slt, %add3A_596, %lt3A_598 : vector<1x4096xi32>
    %and3A_600 = arith.andi %ge3A_593, %lt3A_599 : vector<1x4096xi1>
    %add3A_601 = arith.constant -2 : i32
    %add3A_602 = vector.broadcast %add3A_601 : i32 to vector<1x4096xi32>
    %add3A_603 = arith.addi %select_n3A_95, %add3A_602 : vector<1x4096xi32>
    %ge3A_604 = arith.constant 0 : i32
    %ge3A_605 = vector.broadcast %ge3A_604 : i32 to vector<1x4096xi32>
    %ge3A_606 = arith.cmpi sge, %add3A_603, %ge3A_605 : vector<1x4096xi32>
    %add3A_607 = arith.constant -2 : i32
    %add3A_608 = vector.broadcast %add3A_607 : i32 to vector<1x4096xi32>
    %add3A_609 = arith.addi %select_n3A_95, %add3A_608 : vector<1x4096xi32>
    %lt3A_610 = arith.constant 32 : i32
    %lt3A_611 = vector.broadcast %lt3A_610 : i32 to vector<1x4096xi32>
    %lt3A_612 = arith.cmpi slt, %add3A_609, %lt3A_611 : vector<1x4096xi32>
    %and3A_613 = arith.andi %ge3A_606, %lt3A_612 : vector<1x4096xi1>
    %add3A_614 = arith.constant 1 : i32
    %add3A_615 = vector.broadcast %add3A_614 : i32 to vector<1x4096xi32>
    %add3A_616 = arith.addi %select_n3A_146, %add3A_615 : vector<1x4096xi32>
    %ge3A_617 = arith.constant 0 : i32
    %ge3A_618 = vector.broadcast %ge3A_617 : i32 to vector<1x4096xi32>
    %ge3A_619 = arith.cmpi sge, %add3A_616, %ge3A_618 : vector<1x4096xi32>
    %add3A_620 = arith.constant 1 : i32
    %add3A_621 = vector.broadcast %add3A_620 : i32 to vector<1x4096xi32>
    %add3A_622 = arith.addi %select_n3A_146, %add3A_621 : vector<1x4096xi32>
    %lt3A_623 = arith.constant 32 : i32
    %lt3A_624 = vector.broadcast %lt3A_623 : i32 to vector<1x4096xi32>
    %lt3A_625 = arith.cmpi slt, %add3A_622, %lt3A_624 : vector<1x4096xi32>
    %and3A_626 = arith.andi %ge3A_619, %lt3A_625 : vector<1x4096xi1>
    %and3A_627 = arith.andi %and3A_613, %and3A_626 : vector<1x4096xi1>
    %add3A_628 = arith.constant -1 : i32
    %add3A_629 = vector.broadcast %add3A_628 : i32 to vector<1x4096xi32>
    %add3A_630 = arith.addi %select_n3A_95, %add3A_629 : vector<1x4096xi32>
    %ge3A_631 = arith.constant 0 : i32
    %ge3A_632 = vector.broadcast %ge3A_631 : i32 to vector<1x4096xi32>
    %ge3A_633 = arith.cmpi sge, %add3A_630, %ge3A_632 : vector<1x4096xi32>
    %add3A_634 = arith.constant -1 : i32
    %add3A_635 = vector.broadcast %add3A_634 : i32 to vector<1x4096xi32>
    %add3A_636 = arith.addi %select_n3A_95, %add3A_635 : vector<1x4096xi32>
    %lt3A_637 = arith.constant 32 : i32
    %lt3A_638 = vector.broadcast %lt3A_637 : i32 to vector<1x4096xi32>
    %lt3A_639 = arith.cmpi slt, %add3A_636, %lt3A_638 : vector<1x4096xi32>
    %and3A_640 = arith.andi %ge3A_633, %lt3A_639 : vector<1x4096xi1>
    %add3A_641 = arith.constant 1 : i32
    %add3A_642 = vector.broadcast %add3A_641 : i32 to vector<1x4096xi32>
    %add3A_643 = arith.addi %select_n3A_146, %add3A_642 : vector<1x4096xi32>
    %ge3A_644 = arith.constant 0 : i32
    %ge3A_645 = vector.broadcast %ge3A_644 : i32 to vector<1x4096xi32>
    %ge3A_646 = arith.cmpi sge, %add3A_643, %ge3A_645 : vector<1x4096xi32>
    %add3A_647 = arith.constant 1 : i32
    %add3A_648 = vector.broadcast %add3A_647 : i32 to vector<1x4096xi32>
    %add3A_649 = arith.addi %select_n3A_146, %add3A_648 : vector<1x4096xi32>
    %lt3A_650 = arith.constant 32 : i32
    %lt3A_651 = vector.broadcast %lt3A_650 : i32 to vector<1x4096xi32>
    %lt3A_652 = arith.cmpi slt, %add3A_649, %lt3A_651 : vector<1x4096xi32>
    %and3A_653 = arith.andi %ge3A_646, %lt3A_652 : vector<1x4096xi1>
    %and3A_654 = arith.andi %and3A_640, %and3A_653 : vector<1x4096xi1>
    %add3A_655 = arith.constant 1 : i32
    %add3A_656 = vector.broadcast %add3A_655 : i32 to vector<1x4096xi32>
    %add3A_657 = arith.addi %select_n3A_146, %add3A_656 : vector<1x4096xi32>
    %ge3A_658 = arith.constant 0 : i32
    %ge3A_659 = vector.broadcast %ge3A_658 : i32 to vector<1x4096xi32>
    %ge3A_660 = arith.cmpi sge, %add3A_657, %ge3A_659 : vector<1x4096xi32>
    %add3A_661 = arith.constant 1 : i32
    %add3A_662 = vector.broadcast %add3A_661 : i32 to vector<1x4096xi32>
    %add3A_663 = arith.addi %select_n3A_146, %add3A_662 : vector<1x4096xi32>
    %lt3A_664 = arith.constant 32 : i32
    %lt3A_665 = vector.broadcast %lt3A_664 : i32 to vector<1x4096xi32>
    %lt3A_666 = arith.cmpi slt, %add3A_663, %lt3A_665 : vector<1x4096xi32>
    %and3A_667 = arith.andi %ge3A_660, %lt3A_666 : vector<1x4096xi1>
    %add3A_668 = arith.constant 1 : i32
    %add3A_669 = vector.broadcast %add3A_668 : i32 to vector<1x4096xi32>
    %add3A_670 = arith.addi %select_n3A_95, %add3A_669 : vector<1x4096xi32>
    %ge3A_671 = arith.constant 0 : i32
    %ge3A_672 = vector.broadcast %ge3A_671 : i32 to vector<1x4096xi32>
    %ge3A_673 = arith.cmpi sge, %add3A_670, %ge3A_672 : vector<1x4096xi32>
    %add3A_674 = arith.constant 1 : i32
    %add3A_675 = vector.broadcast %add3A_674 : i32 to vector<1x4096xi32>
    %add3A_676 = arith.addi %select_n3A_95, %add3A_675 : vector<1x4096xi32>
    %lt3A_677 = arith.constant 32 : i32
    %lt3A_678 = vector.broadcast %lt3A_677 : i32 to vector<1x4096xi32>
    %lt3A_679 = arith.cmpi slt, %add3A_676, %lt3A_678 : vector<1x4096xi32>
    %and3A_680 = arith.andi %ge3A_673, %lt3A_679 : vector<1x4096xi1>
    %add3A_681 = arith.constant 1 : i32
    %add3A_682 = vector.broadcast %add3A_681 : i32 to vector<1x4096xi32>
    %add3A_683 = arith.addi %select_n3A_146, %add3A_682 : vector<1x4096xi32>
    %ge3A_684 = arith.constant 0 : i32
    %ge3A_685 = vector.broadcast %ge3A_684 : i32 to vector<1x4096xi32>
    %ge3A_686 = arith.cmpi sge, %add3A_683, %ge3A_685 : vector<1x4096xi32>
    %add3A_687 = arith.constant 1 : i32
    %add3A_688 = vector.broadcast %add3A_687 : i32 to vector<1x4096xi32>
    %add3A_689 = arith.addi %select_n3A_146, %add3A_688 : vector<1x4096xi32>
    %lt3A_690 = arith.constant 32 : i32
    %lt3A_691 = vector.broadcast %lt3A_690 : i32 to vector<1x4096xi32>
    %lt3A_692 = arith.cmpi slt, %add3A_689, %lt3A_691 : vector<1x4096xi32>
    %and3A_693 = arith.andi %ge3A_686, %lt3A_692 : vector<1x4096xi1>
    %and3A_694 = arith.andi %and3A_680, %and3A_693 : vector<1x4096xi1>
    %add3A_695 = arith.constant 2 : i32
    %add3A_696 = vector.broadcast %add3A_695 : i32 to vector<1x4096xi32>
    %add3A_697 = arith.addi %select_n3A_95, %add3A_696 : vector<1x4096xi32>
    %ge3A_698 = arith.constant 0 : i32
    %ge3A_699 = vector.broadcast %ge3A_698 : i32 to vector<1x4096xi32>
    %ge3A_700 = arith.cmpi sge, %add3A_697, %ge3A_699 : vector<1x4096xi32>
    %add3A_701 = arith.constant 2 : i32
    %add3A_702 = vector.broadcast %add3A_701 : i32 to vector<1x4096xi32>
    %add3A_703 = arith.addi %select_n3A_95, %add3A_702 : vector<1x4096xi32>
    %lt3A_704 = arith.constant 32 : i32
    %lt3A_705 = vector.broadcast %lt3A_704 : i32 to vector<1x4096xi32>
    %lt3A_706 = arith.cmpi slt, %add3A_703, %lt3A_705 : vector<1x4096xi32>
    %and3A_707 = arith.andi %ge3A_700, %lt3A_706 : vector<1x4096xi1>
    %add3A_708 = arith.constant 1 : i32
    %add3A_709 = vector.broadcast %add3A_708 : i32 to vector<1x4096xi32>
    %add3A_710 = arith.addi %select_n3A_146, %add3A_709 : vector<1x4096xi32>
    %ge3A_711 = arith.constant 0 : i32
    %ge3A_712 = vector.broadcast %ge3A_711 : i32 to vector<1x4096xi32>
    %ge3A_713 = arith.cmpi sge, %add3A_710, %ge3A_712 : vector<1x4096xi32>
    %add3A_714 = arith.constant 1 : i32
    %add3A_715 = vector.broadcast %add3A_714 : i32 to vector<1x4096xi32>
    %add3A_716 = arith.addi %select_n3A_146, %add3A_715 : vector<1x4096xi32>
    %lt3A_717 = arith.constant 32 : i32
    %lt3A_718 = vector.broadcast %lt3A_717 : i32 to vector<1x4096xi32>
    %lt3A_719 = arith.cmpi slt, %add3A_716, %lt3A_718 : vector<1x4096xi32>
    %and3A_720 = arith.andi %ge3A_713, %lt3A_719 : vector<1x4096xi1>
    %and3A_721 = arith.andi %and3A_707, %and3A_720 : vector<1x4096xi1>
    %add3A_722 = arith.constant -2 : i32
    %add3A_723 = vector.broadcast %add3A_722 : i32 to vector<1x4096xi32>
    %add3A_724 = arith.addi %select_n3A_95, %add3A_723 : vector<1x4096xi32>
    %ge3A_725 = arith.constant 0 : i32
    %ge3A_726 = vector.broadcast %ge3A_725 : i32 to vector<1x4096xi32>
    %ge3A_727 = arith.cmpi sge, %add3A_724, %ge3A_726 : vector<1x4096xi32>
    %add3A_728 = arith.constant -2 : i32
    %add3A_729 = vector.broadcast %add3A_728 : i32 to vector<1x4096xi32>
    %add3A_730 = arith.addi %select_n3A_95, %add3A_729 : vector<1x4096xi32>
    %lt3A_731 = arith.constant 32 : i32
    %lt3A_732 = vector.broadcast %lt3A_731 : i32 to vector<1x4096xi32>
    %lt3A_733 = arith.cmpi slt, %add3A_730, %lt3A_732 : vector<1x4096xi32>
    %and3A_734 = arith.andi %ge3A_727, %lt3A_733 : vector<1x4096xi1>
    %add3A_735 = arith.constant 2 : i32
    %add3A_736 = vector.broadcast %add3A_735 : i32 to vector<1x4096xi32>
    %add3A_737 = arith.addi %select_n3A_146, %add3A_736 : vector<1x4096xi32>
    %ge3A_738 = arith.constant 0 : i32
    %ge3A_739 = vector.broadcast %ge3A_738 : i32 to vector<1x4096xi32>
    %ge3A_740 = arith.cmpi sge, %add3A_737, %ge3A_739 : vector<1x4096xi32>
    %add3A_741 = arith.constant 2 : i32
    %add3A_742 = vector.broadcast %add3A_741 : i32 to vector<1x4096xi32>
    %add3A_743 = arith.addi %select_n3A_146, %add3A_742 : vector<1x4096xi32>
    %lt3A_744 = arith.constant 32 : i32
    %lt3A_745 = vector.broadcast %lt3A_744 : i32 to vector<1x4096xi32>
    %lt3A_746 = arith.cmpi slt, %add3A_743, %lt3A_745 : vector<1x4096xi32>
    %and3A_747 = arith.andi %ge3A_740, %lt3A_746 : vector<1x4096xi1>
    %and3A_748 = arith.andi %and3A_734, %and3A_747 : vector<1x4096xi1>
    %add3A_749 = arith.constant -1 : i32
    %add3A_750 = vector.broadcast %add3A_749 : i32 to vector<1x4096xi32>
    %add3A_751 = arith.addi %select_n3A_95, %add3A_750 : vector<1x4096xi32>
    %ge3A_752 = arith.constant 0 : i32
    %ge3A_753 = vector.broadcast %ge3A_752 : i32 to vector<1x4096xi32>
    %ge3A_754 = arith.cmpi sge, %add3A_751, %ge3A_753 : vector<1x4096xi32>
    %add3A_755 = arith.constant -1 : i32
    %add3A_756 = vector.broadcast %add3A_755 : i32 to vector<1x4096xi32>
    %add3A_757 = arith.addi %select_n3A_95, %add3A_756 : vector<1x4096xi32>
    %lt3A_758 = arith.constant 32 : i32
    %lt3A_759 = vector.broadcast %lt3A_758 : i32 to vector<1x4096xi32>
    %lt3A_760 = arith.cmpi slt, %add3A_757, %lt3A_759 : vector<1x4096xi32>
    %and3A_761 = arith.andi %ge3A_754, %lt3A_760 : vector<1x4096xi1>
    %add3A_762 = arith.constant 2 : i32
    %add3A_763 = vector.broadcast %add3A_762 : i32 to vector<1x4096xi32>
    %add3A_764 = arith.addi %select_n3A_146, %add3A_763 : vector<1x4096xi32>
    %ge3A_765 = arith.constant 0 : i32
    %ge3A_766 = vector.broadcast %ge3A_765 : i32 to vector<1x4096xi32>
    %ge3A_767 = arith.cmpi sge, %add3A_764, %ge3A_766 : vector<1x4096xi32>
    %add3A_768 = arith.constant 2 : i32
    %add3A_769 = vector.broadcast %add3A_768 : i32 to vector<1x4096xi32>
    %add3A_770 = arith.addi %select_n3A_146, %add3A_769 : vector<1x4096xi32>
    %lt3A_771 = arith.constant 32 : i32
    %lt3A_772 = vector.broadcast %lt3A_771 : i32 to vector<1x4096xi32>
    %lt3A_773 = arith.cmpi slt, %add3A_770, %lt3A_772 : vector<1x4096xi32>
    %and3A_774 = arith.andi %ge3A_767, %lt3A_773 : vector<1x4096xi1>
    %and3A_775 = arith.andi %and3A_761, %and3A_774 : vector<1x4096xi1>
    %add3A_776 = arith.constant 2 : i32
    %add3A_777 = vector.broadcast %add3A_776 : i32 to vector<1x4096xi32>
    %add3A_778 = arith.addi %select_n3A_146, %add3A_777 : vector<1x4096xi32>
    %ge3A_779 = arith.constant 0 : i32
    %ge3A_780 = vector.broadcast %ge3A_779 : i32 to vector<1x4096xi32>
    %ge3A_781 = arith.cmpi sge, %add3A_778, %ge3A_780 : vector<1x4096xi32>
    %add3A_782 = arith.constant 2 : i32
    %add3A_783 = vector.broadcast %add3A_782 : i32 to vector<1x4096xi32>
    %add3A_784 = arith.addi %select_n3A_146, %add3A_783 : vector<1x4096xi32>
    %lt3A_785 = arith.constant 32 : i32
    %lt3A_786 = vector.broadcast %lt3A_785 : i32 to vector<1x4096xi32>
    %lt3A_787 = arith.cmpi slt, %add3A_784, %lt3A_786 : vector<1x4096xi32>
    %and3A_788 = arith.andi %ge3A_781, %lt3A_787 : vector<1x4096xi1>
    %add3A_789 = arith.constant 1 : i32
    %add3A_790 = vector.broadcast %add3A_789 : i32 to vector<1x4096xi32>
    %add3A_791 = arith.addi %select_n3A_95, %add3A_790 : vector<1x4096xi32>
    %ge3A_792 = arith.constant 0 : i32
    %ge3A_793 = vector.broadcast %ge3A_792 : i32 to vector<1x4096xi32>
    %ge3A_794 = arith.cmpi sge, %add3A_791, %ge3A_793 : vector<1x4096xi32>
    %add3A_795 = arith.constant 1 : i32
    %add3A_796 = vector.broadcast %add3A_795 : i32 to vector<1x4096xi32>
    %add3A_797 = arith.addi %select_n3A_95, %add3A_796 : vector<1x4096xi32>
    %lt3A_798 = arith.constant 32 : i32
    %lt3A_799 = vector.broadcast %lt3A_798 : i32 to vector<1x4096xi32>
    %lt3A_800 = arith.cmpi slt, %add3A_797, %lt3A_799 : vector<1x4096xi32>
    %and3A_801 = arith.andi %ge3A_794, %lt3A_800 : vector<1x4096xi1>
    %add3A_802 = arith.constant 2 : i32
    %add3A_803 = vector.broadcast %add3A_802 : i32 to vector<1x4096xi32>
    %add3A_804 = arith.addi %select_n3A_146, %add3A_803 : vector<1x4096xi32>
    %ge3A_805 = arith.constant 0 : i32
    %ge3A_806 = vector.broadcast %ge3A_805 : i32 to vector<1x4096xi32>
    %ge3A_807 = arith.cmpi sge, %add3A_804, %ge3A_806 : vector<1x4096xi32>
    %add3A_808 = arith.constant 2 : i32
    %add3A_809 = vector.broadcast %add3A_808 : i32 to vector<1x4096xi32>
    %add3A_810 = arith.addi %select_n3A_146, %add3A_809 : vector<1x4096xi32>
    %lt3A_811 = arith.constant 32 : i32
    %lt3A_812 = vector.broadcast %lt3A_811 : i32 to vector<1x4096xi32>
    %lt3A_813 = arith.cmpi slt, %add3A_810, %lt3A_812 : vector<1x4096xi32>
    %and3A_814 = arith.andi %ge3A_807, %lt3A_813 : vector<1x4096xi1>
    %and3A_815 = arith.andi %and3A_801, %and3A_814 : vector<1x4096xi1>
    %add3A_816 = arith.constant 2 : i32
    %add3A_817 = vector.broadcast %add3A_816 : i32 to vector<1x4096xi32>
    %add3A_818 = arith.addi %select_n3A_95, %add3A_817 : vector<1x4096xi32>
    %ge3A_819 = arith.constant 0 : i32
    %ge3A_820 = vector.broadcast %ge3A_819 : i32 to vector<1x4096xi32>
    %ge3A_821 = arith.cmpi sge, %add3A_818, %ge3A_820 : vector<1x4096xi32>
    %add3A_822 = arith.constant 2 : i32
    %add3A_823 = vector.broadcast %add3A_822 : i32 to vector<1x4096xi32>
    %add3A_824 = arith.addi %select_n3A_95, %add3A_823 : vector<1x4096xi32>
    %lt3A_825 = arith.constant 32 : i32
    %lt3A_826 = vector.broadcast %lt3A_825 : i32 to vector<1x4096xi32>
    %lt3A_827 = arith.cmpi slt, %add3A_824, %lt3A_826 : vector<1x4096xi32>
    %and3A_828 = arith.andi %ge3A_821, %lt3A_827 : vector<1x4096xi1>
    %add3A_829 = arith.constant 2 : i32
    %add3A_830 = vector.broadcast %add3A_829 : i32 to vector<1x4096xi32>
    %add3A_831 = arith.addi %select_n3A_146, %add3A_830 : vector<1x4096xi32>
    %ge3A_832 = arith.constant 0 : i32
    %ge3A_833 = vector.broadcast %ge3A_832 : i32 to vector<1x4096xi32>
    %ge3A_834 = arith.cmpi sge, %add3A_831, %ge3A_833 : vector<1x4096xi32>
    %add3A_835 = arith.constant 2 : i32
    %add3A_836 = vector.broadcast %add3A_835 : i32 to vector<1x4096xi32>
    %add3A_837 = arith.addi %select_n3A_146, %add3A_836 : vector<1x4096xi32>
    %lt3A_838 = arith.constant 32 : i32
    %lt3A_839 = vector.broadcast %lt3A_838 : i32 to vector<1x4096xi32>
    %lt3A_840 = arith.cmpi slt, %add3A_837, %lt3A_839 : vector<1x4096xi32>
    %and3A_841 = arith.andi %ge3A_834, %lt3A_840 : vector<1x4096xi1>
    %and3A_842 = arith.andi %and3A_828, %and3A_841 : vector<1x4096xi1>
    %get3A_843 = arith.constant 0 : index
    %get3A_844 = arith.constant 0 : index
    %get3A_845 = vector.load %arg1[%get3A_843, %get3A_844] : memref<3x4096xf32, #tpu.memory_space<vmem>>, vector<3x4096xf32>
    %jit3A_846 = arith.constant 0 : i32
    %convert_element_type3A_847 = arith.sitofp %jit3A_846 : i32 to f32
    %pad3A = vector.broadcast %convert_element_type3A_847 : f32 to vector<5x4096xf32>
    %pad3A_848 = tpu.concatenate %get3A_845, %pad3A in 0 : vector<3x4096xf32>, vector<5x4096xf32> -> vector<8x4096xf32>
    %jit3A_849 = arith.constant 0 : i32
    %convert_element_type3A_850 = arith.sitofp %jit3A_849 : i32 to f32
    %pad3A_851 = vector.broadcast %convert_element_type3A_850 : f32 to vector<8x66xf32>
    %pad3A_852 = tpu.concatenate %pad3A_851, %pad3A_848 in 1 : vector<8x66xf32>, vector<8x4096xf32> -> vector<8x4162xf32>
    %pad3A_853 = vector.broadcast %convert_element_type3A_850 : f32 to vector<8x66xf32>
    %pad3A_854 = tpu.concatenate %pad3A_852, %pad3A_853 in 1 : vector<8x4162xf32>, vector<8x66xf32> -> vector<8x4228xf32>
    %slice3A_855 = vector.extract_strided_slice %pad3A_854 {offsets = [0, 0], sizes = [8, 4096], strides = [1, 1]} : vector<8x4228xf32> to vector<8x4096xf32>
    %jit3A_856 = arith.constant 0.000000e+00 : f32
    %broadcast_in_dim3A = vector.shape_cast %and3A_333 : vector<1x4096xi1> to vector<1x4096xi1>
    %broadcast_in_dim3A_857 = vector.broadcast %broadcast_in_dim3A : vector<1x4096xi1> to vector<8x4096xi1>
    %broadcast_in_dim3A_858 = vector.broadcast %jit3A_856 : f32 to vector<8x4096xf32>
    %select_n3A_859 = arith.select %broadcast_in_dim3A_857, %slice3A_855, %broadcast_in_dim3A_858 : vector<8x4096xi1>, vector<8x4096xf32>
    %swap3A = arith.constant 0 : index
    %swap3A_860 = arith.constant 0 : index
    %swap3A_861 = vector.load %arg26[%swap3A, %swap3A_860] : memref<200x4096xf32, #tpu.memory_space<vmem>>, vector<8x4096xf32>
    tpu.vector_store %arg26[%swap3A, %swap3A_860], %select_n3A_859 {strides = array<i32>} : memref<200x4096xf32, #tpu.memory_space<vmem>>, vector<8x4096xf32>,
    %slice3A_862 = vector.extract_strided_slice %pad3A_854 {offsets = [0, 1], sizes = [8, 4096], strides = [1, 1]} : vector<8x4228xf32> to vector<8x4096xf32>
    %jit3A_863 = arith.constant 0.000000e+00 : f32
    %broadcast_in_dim3A_864 = vector.shape_cast %and3A_360 : vector<1x4096xi1> to vector<1x4096xi1>
    %broadcast_in_dim3A_865 = vector.broadcast %broadcast_in_dim3A_864 : vector<1x4096xi1> to vector<8x4096xi1>
    %broadcast_in_dim3A_866 = vector.broadcast %jit3A_863 : f32 to vector<8x4096xf32>
    %select_n3A_867 = arith.select %broadcast_in_dim3A_865, %slice3A_862, %broadcast_in_dim3A_866 : vector<8x4096xi1>, vector<8x4096xf32>
    %swap3A_868 = arith.constant 8 : index
    %swap3A_869 = arith.constant 0 : index
    %swap3A_870 = vector.load %arg26[%swap3A_868, %swap3A_869] : memref<200x4096xf32, #tpu.memory_space<vmem>>, vector<8x4096xf32>
    tpu.vector_store %arg26[%swap3A_868, %swap3A_869], %select_n3A_867 {strides = array<i32>} : memref<200x4096xf32, #tpu.memory_space<vmem>>, vector<8x4096xf32>,
    %slice3A_871 = vector.extract_strided_slice %pad3A_854 {offsets = [0, 2], sizes = [8, 4096], strides = [1, 1]} : vector<8x4228xf32> to vector<8x4096xf32>
    %jit3A_872 = arith.constant 0.000000e+00 : f32
    %broadcast_in_dim3A_873 = vector.shape_cast %and3A_373 : vector<1x4096xi1> to vector<1x4096xi1>
    %broadcast_in_dim3A_874 = vector.broadcast %broadcast_in_dim3A_873 : vector<1x4096xi1> to vector<8x4096xi1>
    %broadcast_in_dim3A_875 = vector.broadcast %jit3A_872 : f32 to vector<8x4096xf32>
    %select_n3A_876 = arith.select %broadcast_in_dim3A_874, %slice3A_871, %broadcast_in_dim3A_875 : vector<8x4096xi1>, vector<8x4096xf32>
    %swap3A_877 = arith.constant 16 : index
    %swap3A_878 = arith.constant 0 : index
    %swap3A_879 = vector.load %arg26[%swap3A_877, %swap3A_878] : memref<200x4096xf32, #tpu.memory_space<vmem>>, vector<8x4096xf32>
    tpu.vector_store %arg26[%swap3A_877, %swap3A_878], %select_n3A_876 {strides = array<i32>} : memref<200x4096xf32, #tpu.memory_space<vmem>>, vector<8x4096xf32>,
    %slice3A_880 = vector.extract_strided_slice %pad3A_854 {offsets = [0, 3], sizes = [8, 4096], strides = [1, 1]} : vector<8x4228xf32> to vector<8x4096xf32>
    %jit3A_881 = arith.constant 0.000000e+00 : f32
    %broadcast_in_dim3A_882 = vector.shape_cast %and3A_400 : vector<1x4096xi1> to vector<1x4096xi1>
    %broadcast_in_dim3A_883 = vector.broadcast %broadcast_in_dim3A_882 : vector<1x4096xi1> to vector<8x4096xi1>
    %broadcast_in_dim3A_884 = vector.broadcast %jit3A_881 : f32 to vector<8x4096xf32>
    %select_n3A_885 = arith.select %broadcast_in_dim3A_883, %slice3A_880, %broadcast_in_dim3A_884 : vector<8x4096xi1>, vector<8x4096xf32>
    %swap3A_886 = arith.constant 24 : index
    %swap3A_887 = arith.constant 0 : index
    %swap3A_888 = vector.load %arg26[%swap3A_886, %swap3A_887] : memref<200x4096xf32, #tpu.memory_space<vmem>>, vector<8x4096xf32>
    tpu.vector_store %arg26[%swap3A_886, %swap3A_887], %select_n3A_885 {strides = array<i32>} : memref<200x4096xf32, #tpu.memory_space<vmem>>, vector<8x4096xf32>,
    %slice3A_889 = vector.extract_strided_slice %pad3A_854 {offsets = [0, 4], sizes = [8, 4096], strides = [1, 1]} : vector<8x4228xf32> to vector<8x4096xf32>
    %jit3A_890 = arith.constant 0.000000e+00 : f32
    %broadcast_in_dim3A_891 = vector.shape_cast %and3A_427 : vector<1x4096xi1> to vector<1x4096xi1>
    %broadcast_in_dim3A_892 = vector.broadcast %broadcast_in_dim3A_891 : vector<1x4096xi1> to vector<8x4096xi1>
    %broadcast_in_dim3A_893 = vector.broadcast %jit3A_890 : f32 to vector<8x4096xf32>
    %select_n3A_894 = arith.select %broadcast_in_dim3A_892, %slice3A_889, %broadcast_in_dim3A_893 : vector<8x4096xi1>, vector<8x4096xf32>
    %swap3A_895 = arith.constant 32 : index
    %swap3A_896 = arith.constant 0 : index
    %swap3A_897 = vector.load %arg26[%swap3A_895, %swap3A_896] : memref<200x4096xf32, #tpu.memory_space<vmem>>, vector<8x4096xf32>
    tpu.vector_store %arg26[%swap3A_895, %swap3A_896], %select_n3A_894 {strides = array<i32>} : memref<200x4096xf32, #tpu.memory_space<vmem>>, vector<8x4096xf32>,
    %slice3A_898 = vector.extract_strided_slice %pad3A_854 {offsets = [0, 32], sizes = [8, 4096], strides = [1, 1]} : vector<8x4228xf32> to vector<8x4096xf32>
    %jit3A_899 = arith.constant 0.000000e+00 : f32
    %broadcast_in_dim3A_900 = vector.shape_cast %and3A_454 : vector<1x4096xi1> to vector<1x4096xi1>
    %broadcast_in_dim3A_901 = vector.broadcast %broadcast_in_dim3A_900 : vector<1x4096xi1> to vector<8x4096xi1>
    %broadcast_in_dim3A_902 = vector.broadcast %jit3A_899 : f32 to vector<8x4096xf32>
    %select_n3A_903 = arith.select %broadcast_in_dim3A_901, %slice3A_898, %broadcast_in_dim3A_902 : vector<8x4096xi1>, vector<8x4096xf32>
    %swap3A_904 = arith.constant 40 : index
    %swap3A_905 = arith.constant 0 : index
    %swap3A_906 = vector.load %arg26[%swap3A_904, %swap3A_905] : memref<200x4096xf32, #tpu.memory_space<vmem>>, vector<8x4096xf32>
    tpu.vector_store %arg26[%swap3A_904, %swap3A_905], %select_n3A_903 {strides = array<i32>} : memref<200x4096xf32, #tpu.memory_space<vmem>>, vector<8x4096xf32>,
    %slice3A_907 = vector.extract_strided_slice %pad3A_854 {offsets = [0, 33], sizes = [8, 4096], strides = [1, 1]} : vector<8x4228xf32> to vector<8x4096xf32>
    %jit3A_908 = arith.constant 0.000000e+00 : f32
    %broadcast_in_dim3A_909 = vector.shape_cast %and3A_481 : vector<1x4096xi1> to vector<1x4096xi1>
    %broadcast_in_dim3A_910 = vector.broadcast %broadcast_in_dim3A_909 : vector<1x4096xi1> to vector<8x4096xi1>
    %broadcast_in_dim3A_911 = vector.broadcast %jit3A_908 : f32 to vector<8x4096xf32>
    %select_n3A_912 = arith.select %broadcast_in_dim3A_910, %slice3A_907, %broadcast_in_dim3A_911 : vector<8x4096xi1>, vector<8x4096xf32>
    %swap3A_913 = arith.constant 48 : index
    %swap3A_914 = arith.constant 0 : index
    %swap3A_915 = vector.load %arg26[%swap3A_913, %swap3A_914] : memref<200x4096xf32, #tpu.memory_space<vmem>>, vector<8x4096xf32>
    tpu.vector_store %arg26[%swap3A_913, %swap3A_914], %select_n3A_912 {strides = array<i32>} : memref<200x4096xf32, #tpu.memory_space<vmem>>, vector<8x4096xf32>,
    %slice3A_916 = vector.extract_strided_slice %pad3A_854 {offsets = [0, 34], sizes = [8, 4096], strides = [1, 1]} : vector<8x4228xf32> to vector<8x4096xf32>
    %jit3A_917 = arith.constant 0.000000e+00 : f32
    %broadcast_in_dim3A_918 = vector.shape_cast %and3A_494 : vector<1x4096xi1> to vector<1x4096xi1>
    %broadcast_in_dim3A_919 = vector.broadcast %broadcast_in_dim3A_918 : vector<1x4096xi1> to vector<8x4096xi1>
    %broadcast_in_dim3A_920 = vector.broadcast %jit3A_917 : f32 to vector<8x4096xf32>
    %select_n3A_921 = arith.select %broadcast_in_dim3A_919, %slice3A_916, %broadcast_in_dim3A_920 : vector<8x4096xi1>, vector<8x4096xf32>
    %swap3A_922 = arith.constant 56 : index
    %swap3A_923 = arith.constant 0 : index
    %swap3A_924 = vector.load %arg26[%swap3A_922, %swap3A_923] : memref<200x4096xf32, #tpu.memory_space<vmem>>, vector<8x4096xf32>
    tpu.vector_store %arg26[%swap3A_922, %swap3A_923], %select_n3A_921 {strides = array<i32>} : memref<200x4096xf32, #tpu.memory_space<vmem>>, vector<8x4096xf32>,
    %slice3A_925 = vector.extract_strided_slice %pad3A_854 {offsets = [0, 35], sizes = [8, 4096], strides = [1, 1]} : vector<8x4228xf32> to vector<8x4096xf32>
    %jit3A_926 = arith.constant 0.000000e+00 : f32
    %broadcast_in_dim3A_927 = vector.shape_cast %and3A_521 : vector<1x4096xi1> to vector<1x4096xi1>
    %broadcast_in_dim3A_928 = vector.broadcast %broadcast_in_dim3A_927 : vector<1x4096xi1> to vector<8x4096xi1>
    %broadcast_in_dim3A_929 = vector.broadcast %jit3A_926 : f32 to vector<8x4096xf32>
    %select_n3A_930 = arith.select %broadcast_in_dim3A_928, %slice3A_925, %broadcast_in_dim3A_929 : vector<8x4096xi1>, vector<8x4096xf32>
    %swap3A_931 = arith.constant 64 : index
    %swap3A_932 = arith.constant 0 : index
    %swap3A_933 = vector.load %arg26[%swap3A_931, %swap3A_932] : memref<200x4096xf32, #tpu.memory_space<vmem>>, vector<8x4096xf32>
    tpu.vector_store %arg26[%swap3A_931, %swap3A_932], %select_n3A_930 {strides = array<i32>} : memref<200x4096xf32, #tpu.memory_space<vmem>>, vector<8x4096xf32>,
    %slice3A_934 = vector.extract_strided_slice %pad3A_854 {offsets = [0, 36], sizes = [8, 4096], strides = [1, 1]} : vector<8x4228xf32> to vector<8x4096xf32>
    %jit3A_935 = arith.constant 0.000000e+00 : f32
    %broadcast_in_dim3A_936 = vector.shape_cast %and3A_548 : vector<1x4096xi1> to vector<1x4096xi1>
    %broadcast_in_dim3A_937 = vector.broadcast %broadcast_in_dim3A_936 : vector<1x4096xi1> to vector<8x4096xi1>
    %broadcast_in_dim3A_938 = vector.broadcast %jit3A_935 : f32 to vector<8x4096xf32>
    %select_n3A_939 = arith.select %broadcast_in_dim3A_937, %slice3A_934, %broadcast_in_dim3A_938 : vector<8x4096xi1>, vector<8x4096xf32>
    %swap3A_940 = arith.constant 72 : index
    %swap3A_941 = arith.constant 0 : index
    %swap3A_942 = vector.load %arg26[%swap3A_940, %swap3A_941] : memref<200x4096xf32, #tpu.memory_space<vmem>>, vector<8x4096xf32>
    tpu.vector_store %arg26[%swap3A_940, %swap3A_941], %select_n3A_939 {strides = array<i32>} : memref<200x4096xf32, #tpu.memory_space<vmem>>, vector<8x4096xf32>,
    %slice3A_943 = vector.extract_strided_slice %pad3A_854 {offsets = [0, 64], sizes = [8, 4096], strides = [1, 1]} : vector<8x4228xf32> to vector<8x4096xf32>
    %jit3A_944 = arith.constant 0.000000e+00 : f32
    %broadcast_in_dim3A_945 = vector.shape_cast %and3A_561 : vector<1x4096xi1> to vector<1x4096xi1>
    %broadcast_in_dim3A_946 = vector.broadcast %broadcast_in_dim3A_945 : vector<1x4096xi1> to vector<8x4096xi1>
    %broadcast_in_dim3A_947 = vector.broadcast %jit3A_944 : f32 to vector<8x4096xf32>
    %select_n3A_948 = arith.select %broadcast_in_dim3A_946, %slice3A_943, %broadcast_in_dim3A_947 : vector<8x4096xi1>, vector<8x4096xf32>
    %swap3A_949 = arith.constant 80 : index
    %swap3A_950 = arith.constant 0 : index
    %swap3A_951 = vector.load %arg26[%swap3A_949, %swap3A_950] : memref<200x4096xf32, #tpu.memory_space<vmem>>, vector<8x4096xf32>
    tpu.vector_store %arg26[%swap3A_949, %swap3A_950], %select_n3A_948 {strides = array<i32>} : memref<200x4096xf32, #tpu.memory_space<vmem>>, vector<8x4096xf32>,
    %slice3A_952 = vector.extract_strided_slice %pad3A_854 {offsets = [0, 65], sizes = [8, 4096], strides = [1, 1]} : vector<8x4228xf32> to vector<8x4096xf32>
    %jit3A_953 = arith.constant 0.000000e+00 : f32
    %broadcast_in_dim3A_954 = vector.shape_cast %and3A_574 : vector<1x4096xi1> to vector<1x4096xi1>
    %broadcast_in_dim3A_955 = vector.broadcast %broadcast_in_dim3A_954 : vector<1x4096xi1> to vector<8x4096xi1>
    %broadcast_in_dim3A_956 = vector.broadcast %jit3A_953 : f32 to vector<8x4096xf32>
    %select_n3A_957 = arith.select %broadcast_in_dim3A_955, %slice3A_952, %broadcast_in_dim3A_956 : vector<8x4096xi1>, vector<8x4096xf32>
    %swap3A_958 = arith.constant 88 : index
    %swap3A_959 = arith.constant 0 : index
    %swap3A_960 = vector.load %arg26[%swap3A_958, %swap3A_959] : memref<200x4096xf32, #tpu.memory_space<vmem>>, vector<8x4096xf32>
    tpu.vector_store %arg26[%swap3A_958, %swap3A_959], %select_n3A_957 {strides = array<i32>} : memref<200x4096xf32, #tpu.memory_space<vmem>>, vector<8x4096xf32>,
    %slice3A_961 = vector.extract_strided_slice %pad3A_854 {offsets = [0, 66], sizes = [8, 4096], strides = [1, 1]} : vector<8x4228xf32> to vector<8x4096xf32>
    %swap3A_962 = arith.constant 96 : index
    %swap3A_963 = arith.constant 0 : index
    %swap3A_964 = vector.load %arg26[%swap3A_962, %swap3A_963] : memref<200x4096xf32, #tpu.memory_space<vmem>>, vector<8x4096xf32>
    tpu.vector_store %arg26[%swap3A_962, %swap3A_963], %slice3A_961 {strides = array<i32>} : memref<200x4096xf32, #tpu.memory_space<vmem>>, vector<8x4096xf32>,
    %slice3A_965 = vector.extract_strided_slice %pad3A_854 {offsets = [0, 67], sizes = [8, 4096], strides = [1, 1]} : vector<8x4228xf32> to vector<8x4096xf32>
    %jit3A_966 = arith.constant 0.000000e+00 : f32
    %broadcast_in_dim3A_967 = vector.shape_cast %and3A_587 : vector<1x4096xi1> to vector<1x4096xi1>
    %broadcast_in_dim3A_968 = vector.broadcast %broadcast_in_dim3A_967 : vector<1x4096xi1> to vector<8x4096xi1>
    %broadcast_in_dim3A_969 = vector.broadcast %jit3A_966 : f32 to vector<8x4096xf32>
    %select_n3A_970 = arith.select %broadcast_in_dim3A_968, %slice3A_965, %broadcast_in_dim3A_969 : vector<8x4096xi1>, vector<8x4096xf32>
    %swap3A_971 = arith.constant 104 : index
    %swap3A_972 = arith.constant 0 : index
    %swap3A_973 = vector.load %arg26[%swap3A_971, %swap3A_972] : memref<200x4096xf32, #tpu.memory_space<vmem>>, vector<8x4096xf32>
    tpu.vector_store %arg26[%swap3A_971, %swap3A_972], %select_n3A_970 {strides = array<i32>} : memref<200x4096xf32, #tpu.memory_space<vmem>>, vector<8x4096xf32>,
    %slice3A_974 = vector.extract_strided_slice %pad3A_854 {offsets = [0, 68], sizes = [8, 4096], strides = [1, 1]} : vector<8x4228xf32> to vector<8x4096xf32>
    %jit3A_975 = arith.constant 0.000000e+00 : f32
    %broadcast_in_dim3A_976 = vector.shape_cast %and3A_600 : vector<1x4096xi1> to vector<1x4096xi1>
    %broadcast_in_dim3A_977 = vector.broadcast %broadcast_in_dim3A_976 : vector<1x4096xi1> to vector<8x4096xi1>
    %broadcast_in_dim3A_978 = vector.broadcast %jit3A_975 : f32 to vector<8x4096xf32>
    %select_n3A_979 = arith.select %broadcast_in_dim3A_977, %slice3A_974, %broadcast_in_dim3A_978 : vector<8x4096xi1>, vector<8x4096xf32>
    %swap3A_980 = arith.constant 112 : index
    %swap3A_981 = arith.constant 0 : index
    %swap3A_982 = vector.load %arg26[%swap3A_980, %swap3A_981] : memref<200x4096xf32, #tpu.memory_space<vmem>>, vector<8x4096xf32>
    tpu.vector_store %arg26[%swap3A_980, %swap3A_981], %select_n3A_979 {strides = array<i32>} : memref<200x4096xf32, #tpu.memory_space<vmem>>, vector<8x4096xf32>,
    %slice3A_983 = vector.extract_strided_slice %pad3A_854 {offsets = [0, 96], sizes = [8, 4096], strides = [1, 1]} : vector<8x4228xf32> to vector<8x4096xf32>
    %jit3A_984 = arith.constant 0.000000e+00 : f32
    %broadcast_in_dim3A_985 = vector.shape_cast %and3A_627 : vector<1x4096xi1> to vector<1x4096xi1>
    %broadcast_in_dim3A_986 = vector.broadcast %broadcast_in_dim3A_985 : vector<1x4096xi1> to vector<8x4096xi1>
    %broadcast_in_dim3A_987 = vector.broadcast %jit3A_984 : f32 to vector<8x4096xf32>
    %select_n3A_988 = arith.select %broadcast_in_dim3A_986, %slice3A_983, %broadcast_in_dim3A_987 : vector<8x4096xi1>, vector<8x4096xf32>
    %swap3A_989 = arith.constant 120 : index
    %swap3A_990 = arith.constant 0 : index
    %swap3A_991 = vector.load %arg26[%swap3A_989, %swap3A_990] : memref<200x4096xf32, #tpu.memory_space<vmem>>, vector<8x4096xf32>
    tpu.vector_store %arg26[%swap3A_989, %swap3A_990], %select_n3A_988 {strides = array<i32>} : memref<200x4096xf32, #tpu.memory_space<vmem>>, vector<8x4096xf32>,
    %slice3A_992 = vector.extract_strided_slice %pad3A_854 {offsets = [0, 97], sizes = [8, 4096], strides = [1, 1]} : vector<8x4228xf32> to vector<8x4096xf32>
    %jit3A_993 = arith.constant 0.000000e+00 : f32
    %broadcast_in_dim3A_994 = vector.shape_cast %and3A_654 : vector<1x4096xi1> to vector<1x4096xi1>
    %broadcast_in_dim3A_995 = vector.broadcast %broadcast_in_dim3A_994 : vector<1x4096xi1> to vector<8x4096xi1>
    %broadcast_in_dim3A_996 = vector.broadcast %jit3A_993 : f32 to vector<8x4096xf32>
    %select_n3A_997 = arith.select %broadcast_in_dim3A_995, %slice3A_992, %broadcast_in_dim3A_996 : vector<8x4096xi1>, vector<8x4096xf32>
    %swap3A_998 = arith.constant 128 : index
    %swap3A_999 = arith.constant 0 : index
    %swap3A_1000 = vector.load %arg26[%swap3A_998, %swap3A_999] : memref<200x4096xf32, #tpu.memory_space<vmem>>, vector<8x4096xf32>
    tpu.vector_store %arg26[%swap3A_998, %swap3A_999], %select_n3A_997 {strides = array<i32>} : memref<200x4096xf32, #tpu.memory_space<vmem>>, vector<8x4096xf32>,
    %slice3A_1001 = vector.extract_strided_slice %pad3A_854 {offsets = [0, 98], sizes = [8, 4096], strides = [1, 1]} : vector<8x4228xf32> to vector<8x4096xf32>
    %jit3A_1002 = arith.constant 0.000000e+00 : f32
    %broadcast_in_dim3A_1003 = vector.shape_cast %and3A_667 : vector<1x4096xi1> to vector<1x4096xi1>
    %broadcast_in_dim3A_1004 = vector.broadcast %broadcast_in_dim3A_1003 : vector<1x4096xi1> to vector<8x4096xi1>
    %broadcast_in_dim3A_1005 = vector.broadcast %jit3A_1002 : f32 to vector<8x4096xf32>
    %select_n3A_1006 = arith.select %broadcast_in_dim3A_1004, %slice3A_1001, %broadcast_in_dim3A_1005 : vector<8x4096xi1>, vector<8x4096xf32>
    %swap3A_1007 = arith.constant 136 : index
    %swap3A_1008 = arith.constant 0 : index
    %swap3A_1009 = vector.load %arg26[%swap3A_1007, %swap3A_1008] : memref<200x4096xf32, #tpu.memory_space<vmem>>, vector<8x4096xf32>
    tpu.vector_store %arg26[%swap3A_1007, %swap3A_1008], %select_n3A_1006 {strides = array<i32>} : memref<200x4096xf32, #tpu.memory_space<vmem>>, vector<8x4096xf32>,
    %slice3A_1010 = vector.extract_strided_slice %pad3A_854 {offsets = [0, 99], sizes = [8, 4096], strides = [1, 1]} : vector<8x4228xf32> to vector<8x4096xf32>
    %jit3A_1011 = arith.constant 0.000000e+00 : f32
    %broadcast_in_dim3A_1012 = vector.shape_cast %and3A_694 : vector<1x4096xi1> to vector<1x4096xi1>
    %broadcast_in_dim3A_1013 = vector.broadcast %broadcast_in_dim3A_1012 : vector<1x4096xi1> to vector<8x4096xi1>
    %broadcast_in_dim3A_1014 = vector.broadcast %jit3A_1011 : f32 to vector<8x4096xf32>
    %select_n3A_1015 = arith.select %broadcast_in_dim3A_1013, %slice3A_1010, %broadcast_in_dim3A_1014 : vector<8x4096xi1>, vector<8x4096xf32>
    %swap3A_1016 = arith.constant 144 : index
    %swap3A_1017 = arith.constant 0 : index
    %swap3A_1018 = vector.load %arg26[%swap3A_1016, %swap3A_1017] : memref<200x4096xf32, #tpu.memory_space<vmem>>, vector<8x4096xf32>
    tpu.vector_store %arg26[%swap3A_1016, %swap3A_1017], %select_n3A_1015 {strides = array<i32>} : memref<200x4096xf32, #tpu.memory_space<vmem>>, vector<8x4096xf32>,
    %slice3A_1019 = vector.extract_strided_slice %pad3A_854 {offsets = [0, 100], sizes = [8, 4096], strides = [1, 1]} : vector<8x4228xf32> to vector<8x4096xf32>
    %jit3A_1020 = arith.constant 0.000000e+00 : f32
    %broadcast_in_dim3A_1021 = vector.shape_cast %and3A_721 : vector<1x4096xi1> to vector<1x4096xi1>
    %broadcast_in_dim3A_1022 = vector.broadcast %broadcast_in_dim3A_1021 : vector<1x4096xi1> to vector<8x4096xi1>
    %broadcast_in_dim3A_1023 = vector.broadcast %jit3A_1020 : f32 to vector<8x4096xf32>
    %select_n3A_1024 = arith.select %broadcast_in_dim3A_1022, %slice3A_1019, %broadcast_in_dim3A_1023 : vector<8x4096xi1>, vector<8x4096xf32>
    %swap3A_1025 = arith.constant 152 : index
    %swap3A_1026 = arith.constant 0 : index
    %swap3A_1027 = vector.load %arg26[%swap3A_1025, %swap3A_1026] : memref<200x4096xf32, #tpu.memory_space<vmem>>, vector<8x4096xf32>
    tpu.vector_store %arg26[%swap3A_1025, %swap3A_1026], %select_n3A_1024 {strides = array<i32>} : memref<200x4096xf32, #tpu.memory_space<vmem>>, vector<8x4096xf32>,
    %slice3A_1028 = vector.extract_strided_slice %pad3A_854 {offsets = [0, 128], sizes = [8, 4096], strides = [1, 1]} : vector<8x4228xf32> to vector<8x4096xf32>
    %jit3A_1029 = arith.constant 0.000000e+00 : f32
    %broadcast_in_dim3A_1030 = vector.shape_cast %and3A_748 : vector<1x4096xi1> to vector<1x4096xi1>
    %broadcast_in_dim3A_1031 = vector.broadcast %broadcast_in_dim3A_1030 : vector<1x4096xi1> to vector<8x4096xi1>
    %broadcast_in_dim3A_1032 = vector.broadcast %jit3A_1029 : f32 to vector<8x4096xf32>
    %select_n3A_1033 = arith.select %broadcast_in_dim3A_1031, %slice3A_1028, %broadcast_in_dim3A_1032 : vector<8x4096xi1>, vector<8x4096xf32>
    %swap3A_1034 = arith.constant 160 : index
    %swap3A_1035 = arith.constant 0 : index
    %swap3A_1036 = vector.load %arg26[%swap3A_1034, %swap3A_1035] : memref<200x4096xf32, #tpu.memory_space<vmem>>, vector<8x4096xf32>
    tpu.vector_store %arg26[%swap3A_1034, %swap3A_1035], %select_n3A_1033 {strides = array<i32>} : memref<200x4096xf32, #tpu.memory_space<vmem>>, vector<8x4096xf32>,
    %slice3A_1037 = vector.extract_strided_slice %pad3A_854 {offsets = [0, 129], sizes = [8, 4096], strides = [1, 1]} : vector<8x4228xf32> to vector<8x4096xf32>
    %jit3A_1038 = arith.constant 0.000000e+00 : f32
    %broadcast_in_dim3A_1039 = vector.shape_cast %and3A_775 : vector<1x4096xi1> to vector<1x4096xi1>
    %broadcast_in_dim3A_1040 = vector.broadcast %broadcast_in_dim3A_1039 : vector<1x4096xi1> to vector<8x4096xi1>
    %broadcast_in_dim3A_1041 = vector.broadcast %jit3A_1038 : f32 to vector<8x4096xf32>
    %select_n3A_1042 = arith.select %broadcast_in_dim3A_1040, %slice3A_1037, %broadcast_in_dim3A_1041 : vector<8x4096xi1>, vector<8x4096xf32>
    %swap3A_1043 = arith.constant 168 : index
    %swap3A_1044 = arith.constant 0 : index
    %swap3A_1045 = vector.load %arg26[%swap3A_1043, %swap3A_1044] : memref<200x4096xf32, #tpu.memory_space<vmem>>, vector<8x4096xf32>
    tpu.vector_store %arg26[%swap3A_1043, %swap3A_1044], %select_n3A_1042 {strides = array<i32>} : memref<200x4096xf32, #tpu.memory_space<vmem>>, vector<8x4096xf32>,
    %slice3A_1046 = vector.extract_strided_slice %pad3A_854 {offsets = [0, 130], sizes = [8, 4096], strides = [1, 1]} : vector<8x4228xf32> to vector<8x4096xf32>
    %jit3A_1047 = arith.constant 0.000000e+00 : f32
    %broadcast_in_dim3A_1048 = vector.shape_cast %and3A_788 : vector<1x4096xi1> to vector<1x4096xi1>
    %broadcast_in_dim3A_1049 = vector.broadcast %broadcast_in_dim3A_1048 : vector<1x4096xi1> to vector<8x4096xi1>
    %broadcast_in_dim3A_1050 = vector.broadcast %jit3A_1047 : f32 to vector<8x4096xf32>
    %select_n3A_1051 = arith.select %broadcast_in_dim3A_1049, %slice3A_1046, %broadcast_in_dim3A_1050 : vector<8x4096xi1>, vector<8x4096xf32>
    %swap3A_1052 = arith.constant 176 : index
    %swap3A_1053 = arith.constant 0 : index
    %swap3A_1054 = vector.load %arg26[%swap3A_1052, %swap3A_1053] : memref<200x4096xf32, #tpu.memory_space<vmem>>, vector<8x4096xf32>
    tpu.vector_store %arg26[%swap3A_1052, %swap3A_1053], %select_n3A_1051 {strides = array<i32>} : memref<200x4096xf32, #tpu.memory_space<vmem>>, vector<8x4096xf32>,
    %slice3A_1055 = vector.extract_strided_slice %pad3A_854 {offsets = [0, 131], sizes = [8, 4096], strides = [1, 1]} : vector<8x4228xf32> to vector<8x4096xf32>
    %jit3A_1056 = arith.constant 0.000000e+00 : f32
    %broadcast_in_dim3A_1057 = vector.shape_cast %and3A_815 : vector<1x4096xi1> to vector<1x4096xi1>
    %broadcast_in_dim3A_1058 = vector.broadcast %broadcast_in_dim3A_1057 : vector<1x4096xi1> to vector<8x4096xi1>
    %broadcast_in_dim3A_1059 = vector.broadcast %jit3A_1056 : f32 to vector<8x4096xf32>
    %select_n3A_1060 = arith.select %broadcast_in_dim3A_1058, %slice3A_1055, %broadcast_in_dim3A_1059 : vector<8x4096xi1>, vector<8x4096xf32>
    %swap3A_1061 = arith.constant 184 : index
    %swap3A_1062 = arith.constant 0 : index
    %swap3A_1063 = vector.load %arg26[%swap3A_1061, %swap3A_1062] : memref<200x4096xf32, #tpu.memory_space<vmem>>, vector<8x4096xf32>
    tpu.vector_store %arg26[%swap3A_1061, %swap3A_1062], %select_n3A_1060 {strides = array<i32>} : memref<200x4096xf32, #tpu.memory_space<vmem>>, vector<8x4096xf32>,
    %slice3A_1064 = vector.extract_strided_slice %pad3A_854 {offsets = [0, 132], sizes = [8, 4096], strides = [1, 1]} : vector<8x4228xf32> to vector<8x4096xf32>
    %jit3A_1065 = arith.constant 0.000000e+00 : f32
    %broadcast_in_dim3A_1066 = vector.shape_cast %and3A_842 : vector<1x4096xi1> to vector<1x4096xi1>
    %broadcast_in_dim3A_1067 = vector.broadcast %broadcast_in_dim3A_1066 : vector<1x4096xi1> to vector<8x4096xi1>
    %broadcast_in_dim3A_1068 = vector.broadcast %jit3A_1065 : f32 to vector<8x4096xf32>
    %select_n3A_1069 = arith.select %broadcast_in_dim3A_1067, %slice3A_1064, %broadcast_in_dim3A_1068 : vector<8x4096xi1>, vector<8x4096xf32>
    %swap3A_1070 = arith.constant 192 : index
    %swap3A_1071 = arith.constant 0 : index
    %swap3A_1072 = vector.load %arg26[%swap3A_1070, %swap3A_1071] : memref<200x4096xf32, #tpu.memory_space<vmem>>, vector<8x4096xf32>
    tpu.vector_store %arg26[%swap3A_1070, %swap3A_1071], %select_n3A_1069 {strides = array<i32>} : memref<200x4096xf32, #tpu.memory_space<vmem>>, vector<8x4096xf32>,
    %get3A_1073 = arith.constant 0 : index
    %get3A_1074 = arith.constant 0 : index
    %get3A_1075 = vector.load %arg26[%get3A_1073, %get3A_1074] : memref<200x4096xf32, #tpu.memory_space<vmem>>, vector<200x4096xf32>
    %slice3A_1076 = vector.extract_strided_slice %concatenate3A {offsets = [0, 0], sizes = [1, 1], strides = [1, 1]} : vector<4x3xf32> to vector<1x1xf32>
    %slice3A_1077 = vector.extract_strided_slice %concatenate3A {offsets = [0, 1], sizes = [1, 1], strides = [1, 1]} : vector<4x3xf32> to vector<1x1xf32>
    %slice3A_1078 = vector.extract_strided_slice %concatenate3A {offsets = [0, 2], sizes = [1, 1], strides = [1, 1]} : vector<4x3xf32> to vector<1x1xf32>
    %get3A_1079 = arith.constant 0 : index
    %get3A_1080 = arith.constant 0 : index
    %get3A_1081 = arith.constant 0 : index
    %get3A_1082 = vector.load %arg11[%get3A_1079, %get3A_1080, %get3A_1081] : memref<3x16x200xf32, #tpu.memory_space<vmem>>, vector<1x16x200xf32>
    %get3A_1083 = vector.shape_cast %get3A_1082 : vector<1x16x200xf32> to vector<16x200xf32>
    %mul3A_1084 = vector.broadcast %slice3A_1076 : vector<1x1xf32> to vector<16x200xf32>
    %mul3A_1085 = arith.mulf %mul3A_1084, %get3A_1083 : vector<16x200xf32>
    %get3A_1086 = arith.constant 1 : index
    %get3A_1087 = arith.constant 0 : index
    %get3A_1088 = arith.constant 0 : index
    %get3A_1089 = vector.load %arg11[%get3A_1086, %get3A_1087, %get3A_1088] : memref<3x16x200xf32, #tpu.memory_space<vmem>>, vector<1x16x200xf32>
    %get3A_1090 = vector.shape_cast %get3A_1089 : vector<1x16x200xf32> to vector<16x200xf32>
    %mul3A_1091 = vector.broadcast %slice3A_1077 : vector<1x1xf32> to vector<16x200xf32>
    %mul3A_1092 = arith.mulf %mul3A_1091, %get3A_1090 : vector<16x200xf32>
    %add3A_1093 = arith.addf %mul3A_1085, %mul3A_1092 : vector<16x200xf32>
    %get3A_1094 = arith.constant 2 : index
    %get3A_1095 = arith.constant 0 : index
    %get3A_1096 = arith.constant 0 : index
    %get3A_1097 = vector.load %arg11[%get3A_1094, %get3A_1095, %get3A_1096] : memref<3x16x200xf32, #tpu.memory_space<vmem>>, vector<1x16x200xf32>
    %get3A_1098 = vector.shape_cast %get3A_1097 : vector<1x16x200xf32> to vector<16x200xf32>
    %mul3A_1099 = vector.broadcast %slice3A_1078 : vector<1x1xf32> to vector<16x200xf32>
    %mul3A_1100 = arith.mulf %mul3A_1099, %get3A_1098 : vector<16x200xf32>
    %add3A_1101 = arith.addf %add3A_1093, %mul3A_1100 : vector<16x200xf32>
    %slice3A_1102 = vector.extract_strided_slice %get3A_1075 {offsets = [0, 0], sizes = [200, 1024], strides = [1, 1]} : vector<200x4096xf32> to vector<200x1024xf32>
    %dot_general3A_1103 = arith.constant dense<0.000000e+00> : vector<16x1024xf32>
    %dot_general3A_1104 = tpu.matmul %add3A_1101, %slice3A_1102, %dot_general3A_1103 {dimension_numbers = #tpu.dot_dimension_numbers<[1], [0], [0], [1], [0, 0, 1, 1], [], []>, transpose_lhs_hint = false} : vector<16x200xf32>, vector<200x1024xf32>, vector<16x1024xf32> -> vector<16x1024xf32>
    %get3A_1105 = arith.constant 0 : index
    %get3A_1106 = arith.constant 0 : index
    %get3A_1107 = arith.constant 0 : index
    %get3A_1108 = vector.load %arg12[%get3A_1105, %get3A_1106, %get3A_1107] : memref<3x16x1xf32, #tpu.memory_space<vmem>>, vector<1x16x1xf32>
    %get3A_1109 = vector.shape_cast %get3A_1108 : vector<1x16x1xf32> to vector<16x1xf32>
    %mul3A_1110 = vector.broadcast %slice3A_1076 : vector<1x1xf32> to vector<16x1xf32>
    %mul3A_1111 = arith.mulf %mul3A_1110, %get3A_1109 : vector<16x1xf32>
    %get3A_1112 = arith.constant 1 : index
    %get3A_1113 = arith.constant 0 : index
    %get3A_1114 = arith.constant 0 : index
    %get3A_1115 = vector.load %arg12[%get3A_1112, %get3A_1113, %get3A_1114] : memref<3x16x1xf32, #tpu.memory_space<vmem>>, vector<1x16x1xf32>
    %get3A_1116 = vector.shape_cast %get3A_1115 : vector<1x16x1xf32> to vector<16x1xf32>
    %mul3A_1117 = vector.broadcast %slice3A_1077 : vector<1x1xf32> to vector<16x1xf32>
    %mul3A_1118 = arith.mulf %mul3A_1117, %get3A_1116 : vector<16x1xf32>
    %add3A_1119 = arith.addf %mul3A_1111, %mul3A_1118 : vector<16x1xf32>
    %get3A_1120 = arith.constant 2 : index
    %get3A_1121 = arith.constant 0 : index
    %get3A_1122 = arith.constant 0 : index
    %get3A_1123 = vector.load %arg12[%get3A_1120, %get3A_1121, %get3A_1122] : memref<3x16x1xf32, #tpu.memory_space<vmem>>, vector<1x16x1xf32>
    %get3A_1124 = vector.shape_cast %get3A_1123 : vector<1x16x1xf32> to vector<16x1xf32>
    %mul3A_1125 = vector.broadcast %slice3A_1078 : vector<1x1xf32> to vector<16x1xf32>
    %mul3A_1126 = arith.mulf %mul3A_1125, %get3A_1124 : vector<16x1xf32>
    %add3A_1127 = arith.addf %add3A_1119, %mul3A_1126 : vector<16x1xf32>
    %add3A_1128 = vector.broadcast %add3A_1127 : vector<16x1xf32> to vector<16x1024xf32>
    %add3A_1129 = arith.addf %dot_general3A_1104, %add3A_1128 : vector<16x1024xf32>
    %get3A_1130 = arith.constant 0 : index
    %get3A_1131 = arith.constant 0 : index
    %get3A_1132 = arith.constant 0 : index
    %get3A_1133 = vector.load %arg13[%get3A_1130, %get3A_1131, %get3A_1132] : memref<3x16x1xf32, #tpu.memory_space<vmem>>, vector<1x16x1xf32>
    %get3A_1134 = vector.shape_cast %get3A_1133 : vector<1x16x1xf32> to vector<16x1xf32>
    %mul3A_1135 = vector.broadcast %slice3A_1076 : vector<1x1xf32> to vector<16x1xf32>
    %mul3A_1136 = arith.mulf %mul3A_1135, %get3A_1134 : vector<16x1xf32>
    %get3A_1137 = arith.constant 1 : index
    %get3A_1138 = arith.constant 0 : index
    %get3A_1139 = arith.constant 0 : index
    %get3A_1140 = vector.load %arg13[%get3A_1137, %get3A_1138, %get3A_1139] : memref<3x16x1xf32, #tpu.memory_space<vmem>>, vector<1x16x1xf32>
    %get3A_1141 = vector.shape_cast %get3A_1140 : vector<1x16x1xf32> to vector<16x1xf32>
    %mul3A_1142 = vector.broadcast %slice3A_1077 : vector<1x1xf32> to vector<16x1xf32>
    %mul3A_1143 = arith.mulf %mul3A_1142, %get3A_1141 : vector<16x1xf32>
    %add3A_1144 = arith.addf %mul3A_1136, %mul3A_1143 : vector<16x1xf32>
    %get3A_1145 = arith.constant 2 : index
    %get3A_1146 = arith.constant 0 : index
    %get3A_1147 = arith.constant 0 : index
    %get3A_1148 = vector.load %arg13[%get3A_1145, %get3A_1146, %get3A_1147] : memref<3x16x1xf32, #tpu.memory_space<vmem>>, vector<1x16x1xf32>
    %get3A_1149 = vector.shape_cast %get3A_1148 : vector<1x16x1xf32> to vector<16x1xf32>
    %mul3A_1150 = vector.broadcast %slice3A_1078 : vector<1x1xf32> to vector<16x1xf32>
    %mul3A_1151 = arith.mulf %mul3A_1150, %get3A_1149 : vector<16x1xf32>
    %add3A_1152 = arith.addf %add3A_1144, %mul3A_1151 : vector<16x1xf32>
    %gt3A_1153 = arith.constant 0.000000e+00 : f32
    %gt3A_1154 = vector.broadcast %gt3A_1153 : f32 to vector<16x1024xf32>
    %gt3A_1155 = arith.cmpf ogt, %add3A_1129, %gt3A_1154 : vector<16x1024xf32>
    %mul3A_1156 = vector.broadcast %add3A_1152 : vector<16x1xf32> to vector<16x1024xf32>
    %mul3A_1157 = arith.mulf %mul3A_1156, %add3A_1129 : vector<16x1024xf32>
    %select_n3A_1158 = arith.select %gt3A_1155, %add3A_1129, %mul3A_1157 : vector<16x1024xi1>, vector<16x1024xf32>
    %slice3A_1159 = vector.extract_strided_slice %concatenate3A {offsets = [1, 0], sizes = [1, 1], strides = [1, 1]} : vector<4x3xf32> to vector<1x1xf32>
    %slice3A_1160 = vector.extract_strided_slice %concatenate3A {offsets = [1, 1], sizes = [1, 1], strides = [1, 1]} : vector<4x3xf32> to vector<1x1xf32>
    %slice3A_1161 = vector.extract_strided_slice %concatenate3A {offsets = [1, 2], sizes = [1, 1], strides = [1, 1]} : vector<4x3xf32> to vector<1x1xf32>
    %get3A_1162 = arith.constant 0 : index
    %get3A_1163 = arith.constant 0 : index
    %get3A_1164 = arith.constant 0 : index
    %get3A_1165 = vector.load %arg11[%get3A_1162, %get3A_1163, %get3A_1164] : memref<3x16x200xf32, #tpu.memory_space<vmem>>, vector<1x16x200xf32>
    %get3A_1166 = vector.shape_cast %get3A_1165 : vector<1x16x200xf32> to vector<16x200xf32>
    %mul3A_1167 = vector.broadcast %slice3A_1159 : vector<1x1xf32> to vector<16x200xf32>
    %mul3A_1168 = arith.mulf %mul3A_1167, %get3A_1166 : vector<16x200xf32>
    %get3A_1169 = arith.constant 1 : index
    %get3A_1170 = arith.constant 0 : index
    %get3A_1171 = arith.constant 0 : index
    %get3A_1172 = vector.load %arg11[%get3A_1169, %get3A_1170, %get3A_1171] : memref<3x16x200xf32, #tpu.memory_space<vmem>>, vector<1x16x200xf32>
    %get3A_1173 = vector.shape_cast %get3A_1172 : vector<1x16x200xf32> to vector<16x200xf32>
    %mul3A_1174 = vector.broadcast %slice3A_1160 : vector<1x1xf32> to vector<16x200xf32>
    %mul3A_1175 = arith.mulf %mul3A_1174, %get3A_1173 : vector<16x200xf32>
    %add3A_1176 = arith.addf %mul3A_1168, %mul3A_1175 : vector<16x200xf32>
    %get3A_1177 = arith.constant 2 : index
    %get3A_1178 = arith.constant 0 : index
    %get3A_1179 = arith.constant 0 : index
    %get3A_1180 = vector.load %arg11[%get3A_1177, %get3A_1178, %get3A_1179] : memref<3x16x200xf32, #tpu.memory_space<vmem>>, vector<1x16x200xf32>
    %get3A_1181 = vector.shape_cast %get3A_1180 : vector<1x16x200xf32> to vector<16x200xf32>
    %mul3A_1182 = vector.broadcast %slice3A_1161 : vector<1x1xf32> to vector<16x200xf32>
    %mul3A_1183 = arith.mulf %mul3A_1182, %get3A_1181 : vector<16x200xf32>
    %add3A_1184 = arith.addf %add3A_1176, %mul3A_1183 : vector<16x200xf32>
    %slice3A_1185 = vector.extract_strided_slice %get3A_1075 {offsets = [0, 1024], sizes = [200, 1024], strides = [1, 1]} : vector<200x4096xf32> to vector<200x1024xf32>
    %dot_general3A_1186 = arith.constant dense<0.000000e+00> : vector<16x1024xf32>
    %dot_general3A_1187 = tpu.matmul %add3A_1184, %slice3A_1185, %dot_general3A_1186 {dimension_numbers = #tpu.dot_dimension_numbers<[1], [0], [0], [1], [0, 0, 1, 1], [], []>, transpose_lhs_hint = false} : vector<16x200xf32>, vector<200x1024xf32>, vector<16x1024xf32> -> vector<16x1024xf32>
    %get3A_1188 = arith.constant 0 : index
    %get3A_1189 = arith.constant 0 : index
    %get3A_1190 = arith.constant 0 : index
    %get3A_1191 = vector.load %arg12[%get3A_1188, %get3A_1189, %get3A_1190] : memref<3x16x1xf32, #tpu.memory_space<vmem>>, vector<1x16x1xf32>
    %get3A_1192 = vector.shape_cast %get3A_1191 : vector<1x16x1xf32> to vector<16x1xf32>
    %mul3A_1193 = vector.broadcast %slice3A_1159 : vector<1x1xf32> to vector<16x1xf32>
    %mul3A_1194 = arith.mulf %mul3A_1193, %get3A_1192 : vector<16x1xf32>
    %get3A_1195 = arith.constant 1 : index
    %get3A_1196 = arith.constant 0 : index
    %get3A_1197 = arith.constant 0 : index
    %get3A_1198 = vector.load %arg12[%get3A_1195, %get3A_1196, %get3A_1197] : memref<3x16x1xf32, #tpu.memory_space<vmem>>, vector<1x16x1xf32>
    %get3A_1199 = vector.shape_cast %get3A_1198 : vector<1x16x1xf32> to vector<16x1xf32>
    %mul3A_1200 = vector.broadcast %slice3A_1160 : vector<1x1xf32> to vector<16x1xf32>
    %mul3A_1201 = arith.mulf %mul3A_1200, %get3A_1199 : vector<16x1xf32>
    %add3A_1202 = arith.addf %mul3A_1194, %mul3A_1201 : vector<16x1xf32>
    %get3A_1203 = arith.constant 2 : index
    %get3A_1204 = arith.constant 0 : index
    %get3A_1205 = arith.constant 0 : index
    %get3A_1206 = vector.load %arg12[%get3A_1203, %get3A_1204, %get3A_1205] : memref<3x16x1xf32, #tpu.memory_space<vmem>>, vector<1x16x1xf32>
    %get3A_1207 = vector.shape_cast %get3A_1206 : vector<1x16x1xf32> to vector<16x1xf32>
    %mul3A_1208 = vector.broadcast %slice3A_1161 : vector<1x1xf32> to vector<16x1xf32>
    %mul3A_1209 = arith.mulf %mul3A_1208, %get3A_1207 : vector<16x1xf32>
    %add3A_1210 = arith.addf %add3A_1202, %mul3A_1209 : vector<16x1xf32>
    %add3A_1211 = vector.broadcast %add3A_1210 : vector<16x1xf32> to vector<16x1024xf32>
    %add3A_1212 = arith.addf %dot_general3A_1187, %add3A_1211 : vector<16x1024xf32>
    %get3A_1213 = arith.constant 0 : index
    %get3A_1214 = arith.constant 0 : index
    %get3A_1215 = arith.constant 0 : index
    %get3A_1216 = vector.load %arg13[%get3A_1213, %get3A_1214, %get3A_1215] : memref<3x16x1xf32, #tpu.memory_space<vmem>>, vector<1x16x1xf32>
    %get3A_1217 = vector.shape_cast %get3A_1216 : vector<1x16x1xf32> to vector<16x1xf32>
    %mul3A_1218 = vector.broadcast %slice3A_1159 : vector<1x1xf32> to vector<16x1xf32>
    %mul3A_1219 = arith.mulf %mul3A_1218, %get3A_1217 : vector<16x1xf32>
    %get3A_1220 = arith.constant 1 : index
    %get3A_1221 = arith.constant 0 : index
    %get3A_1222 = arith.constant 0 : index
    %get3A_1223 = vector.load %arg13[%get3A_1220, %get3A_1221, %get3A_1222] : memref<3x16x1xf32, #tpu.memory_space<vmem>>, vector<1x16x1xf32>
    %get3A_1224 = vector.shape_cast %get3A_1223 : vector<1x16x1xf32> to vector<16x1xf32>
    %mul3A_1225 = vector.broadcast %slice3A_1160 : vector<1x1xf32> to vector<16x1xf32>
    %mul3A_1226 = arith.mulf %mul3A_1225, %get3A_1224 : vector<16x1xf32>
    %add3A_1227 = arith.addf %mul3A_1219, %mul3A_1226 : vector<16x1xf32>
    %get3A_1228 = arith.constant 2 : index
    %get3A_1229 = arith.constant 0 : index
    %get3A_1230 = arith.constant 0 : index
    %get3A_1231 = vector.load %arg13[%get3A_1228, %get3A_1229, %get3A_1230] : memref<3x16x1xf32, #tpu.memory_space<vmem>>, vector<1x16x1xf32>
    %get3A_1232 = vector.shape_cast %get3A_1231 : vector<1x16x1xf32> to vector<16x1xf32>
    %mul3A_1233 = vector.broadcast %slice3A_1161 : vector<1x1xf32> to vector<16x1xf32>
    %mul3A_1234 = arith.mulf %mul3A_1233, %get3A_1232 : vector<16x1xf32>
    %add3A_1235 = arith.addf %add3A_1227, %mul3A_1234 : vector<16x1xf32>
    %gt3A_1236 = arith.constant 0.000000e+00 : f32
    %gt3A_1237 = vector.broadcast %gt3A_1236 : f32 to vector<16x1024xf32>
    %gt3A_1238 = arith.cmpf ogt, %add3A_1212, %gt3A_1237 : vector<16x1024xf32>
    %mul3A_1239 = vector.broadcast %add3A_1235 : vector<16x1xf32> to vector<16x1024xf32>
    %mul3A_1240 = arith.mulf %mul3A_1239, %add3A_1212 : vector<16x1024xf32>
    %select_n3A_1241 = arith.select %gt3A_1238, %add3A_1212, %mul3A_1240 : vector<16x1024xi1>, vector<16x1024xf32>
    %slice3A_1242 = vector.extract_strided_slice %concatenate3A {offsets = [2, 0], sizes = [1, 1], strides = [1, 1]} : vector<4x3xf32> to vector<1x1xf32>
    %slice3A_1243 = vector.extract_strided_slice %concatenate3A {offsets = [2, 1], sizes = [1, 1], strides = [1, 1]} : vector<4x3xf32> to vector<1x1xf32>
    %slice3A_1244 = vector.extract_strided_slice %concatenate3A {offsets = [2, 2], sizes = [1, 1], strides = [1, 1]} : vector<4x3xf32> to vector<1x1xf32>
    %get3A_1245 = arith.constant 0 : index
    %get3A_1246 = arith.constant 0 : index
    %get3A_1247 = arith.constant 0 : index
    %get3A_1248 = vector.load %arg11[%get3A_1245, %get3A_1246, %get3A_1247] : memref<3x16x200xf32, #tpu.memory_space<vmem>>, vector<1x16x200xf32>
    %get3A_1249 = vector.shape_cast %get3A_1248 : vector<1x16x200xf32> to vector<16x200xf32>
    %mul3A_1250 = vector.broadcast %slice3A_1242 : vector<1x1xf32> to vector<16x200xf32>
    %mul3A_1251 = arith.mulf %mul3A_1250, %get3A_1249 : vector<16x200xf32>
    %get3A_1252 = arith.constant 1 : index
    %get3A_1253 = arith.constant 0 : index
    %get3A_1254 = arith.constant 0 : index
    %get3A_1255 = vector.load %arg11[%get3A_1252, %get3A_1253, %get3A_1254] : memref<3x16x200xf32, #tpu.memory_space<vmem>>, vector<1x16x200xf32>
    %get3A_1256 = vector.shape_cast %get3A_1255 : vector<1x16x200xf32> to vector<16x200xf32>
    %mul3A_1257 = vector.broadcast %slice3A_1243 : vector<1x1xf32> to vector<16x200xf32>
    %mul3A_1258 = arith.mulf %mul3A_1257, %get3A_1256 : vector<16x200xf32>
    %add3A_1259 = arith.addf %mul3A_1251, %mul3A_1258 : vector<16x200xf32>
    %get3A_1260 = arith.constant 2 : index
    %get3A_1261 = arith.constant 0 : index
    %get3A_1262 = arith.constant 0 : index
    %get3A_1263 = vector.load %arg11[%get3A_1260, %get3A_1261, %get3A_1262] : memref<3x16x200xf32, #tpu.memory_space<vmem>>, vector<1x16x200xf32>
    %get3A_1264 = vector.shape_cast %get3A_1263 : vector<1x16x200xf32> to vector<16x200xf32>
    %mul3A_1265 = vector.broadcast %slice3A_1244 : vector<1x1xf32> to vector<16x200xf32>
    %mul3A_1266 = arith.mulf %mul3A_1265, %get3A_1264 : vector<16x200xf32>
    %add3A_1267 = arith.addf %add3A_1259, %mul3A_1266 : vector<16x200xf32>
    %slice3A_1268 = vector.extract_strided_slice %get3A_1075 {offsets = [0, 2048], sizes = [200, 1024], strides = [1, 1]} : vector<200x4096xf32> to vector<200x1024xf32>
    %dot_general3A_1269 = arith.constant dense<0.000000e+00> : vector<16x1024xf32>
    %dot_general3A_1270 = tpu.matmul %add3A_1267, %slice3A_1268, %dot_general3A_1269 {dimension_numbers = #tpu.dot_dimension_numbers<[1], [0], [0], [1], [0, 0, 1, 1], [], []>, transpose_lhs_hint = false} : vector<16x200xf32>, vector<200x1024xf32>, vector<16x1024xf32> -> vector<16x1024xf32>
    %get3A_1271 = arith.constant 0 : index
    %get3A_1272 = arith.constant 0 : index
    %get3A_1273 = arith.constant 0 : index
    %get3A_1274 = vector.load %arg12[%get3A_1271, %get3A_1272, %get3A_1273] : memref<3x16x1xf32, #tpu.memory_space<vmem>>, vector<1x16x1xf32>
    %get3A_1275 = vector.shape_cast %get3A_1274 : vector<1x16x1xf32> to vector<16x1xf32>
    %mul3A_1276 = vector.broadcast %slice3A_1242 : vector<1x1xf32> to vector<16x1xf32>
    %mul3A_1277 = arith.mulf %mul3A_1276, %get3A_1275 : vector<16x1xf32>
    %get3A_1278 = arith.constant 1 : index
    %get3A_1279 = arith.constant 0 : index
    %get3A_1280 = arith.constant 0 : index
    %get3A_1281 = vector.load %arg12[%get3A_1278, %get3A_1279, %get3A_1280] : memref<3x16x1xf32, #tpu.memory_space<vmem>>, vector<1x16x1xf32>
    %get3A_1282 = vector.shape_cast %get3A_1281 : vector<1x16x1xf32> to vector<16x1xf32>
    %mul3A_1283 = vector.broadcast %slice3A_1243 : vector<1x1xf32> to vector<16x1xf32>
    %mul3A_1284 = arith.mulf %mul3A_1283, %get3A_1282 : vector<16x1xf32>
    %add3A_1285 = arith.addf %mul3A_1277, %mul3A_1284 : vector<16x1xf32>
    %get3A_1286 = arith.constant 2 : index
    %get3A_1287 = arith.constant 0 : index
    %get3A_1288 = arith.constant 0 : index
    %get3A_1289 = vector.load %arg12[%get3A_1286, %get3A_1287, %get3A_1288] : memref<3x16x1xf32, #tpu.memory_space<vmem>>, vector<1x16x1xf32>
    %get3A_1290 = vector.shape_cast %get3A_1289 : vector<1x16x1xf32> to vector<16x1xf32>
    %mul3A_1291 = vector.broadcast %slice3A_1244 : vector<1x1xf32> to vector<16x1xf32>
    %mul3A_1292 = arith.mulf %mul3A_1291, %get3A_1290 : vector<16x1xf32>
    %add3A_1293 = arith.addf %add3A_1285, %mul3A_1292 : vector<16x1xf32>
    %add3A_1294 = vector.broadcast %add3A_1293 : vector<16x1xf32> to vector<16x1024xf32>
    %add3A_1295 = arith.addf %dot_general3A_1270, %add3A_1294 : vector<16x1024xf32>
    %get3A_1296 = arith.constant 0 : index
    %get3A_1297 = arith.constant 0 : index
    %get3A_1298 = arith.constant 0 : index
    %get3A_1299 = vector.load %arg13[%get3A_1296, %get3A_1297, %get3A_1298] : memref<3x16x1xf32, #tpu.memory_space<vmem>>, vector<1x16x1xf32>
    %get3A_1300 = vector.shape_cast %get3A_1299 : vector<1x16x1xf32> to vector<16x1xf32>
    %mul3A_1301 = vector.broadcast %slice3A_1242 : vector<1x1xf32> to vector<16x1xf32>
    %mul3A_1302 = arith.mulf %mul3A_1301, %get3A_1300 : vector<16x1xf32>
    %get3A_1303 = arith.constant 1 : index
    %get3A_1304 = arith.constant 0 : index
    %get3A_1305 = arith.constant 0 : index
    %get3A_1306 = vector.load %arg13[%get3A_1303, %get3A_1304, %get3A_1305] : memref<3x16x1xf32, #tpu.memory_space<vmem>>, vector<1x16x1xf32>
    %get3A_1307 = vector.shape_cast %get3A_1306 : vector<1x16x1xf32> to vector<16x1xf32>
    %mul3A_1308 = vector.broadcast %slice3A_1243 : vector<1x1xf32> to vector<16x1xf32>
    %mul3A_1309 = arith.mulf %mul3A_1308, %get3A_1307 : vector<16x1xf32>
    %add3A_1310 = arith.addf %mul3A_1302, %mul3A_1309 : vector<16x1xf32>
    %get3A_1311 = arith.constant 2 : index
    %get3A_1312 = arith.constant 0 : index
    %get3A_1313 = arith.constant 0 : index
    %get3A_1314 = vector.load %arg13[%get3A_1311, %get3A_1312, %get3A_1313] : memref<3x16x1xf32, #tpu.memory_space<vmem>>, vector<1x16x1xf32>
    %get3A_1315 = vector.shape_cast %get3A_1314 : vector<1x16x1xf32> to vector<16x1xf32>
    %mul3A_1316 = vector.broadcast %slice3A_1244 : vector<1x1xf32> to vector<16x1xf32>
    %mul3A_1317 = arith.mulf %mul3A_1316, %get3A_1315 : vector<16x1xf32>
    %add3A_1318 = arith.addf %add3A_1310, %mul3A_1317 : vector<16x1xf32>
    %gt3A_1319 = arith.constant 0.000000e+00 : f32
    %gt3A_1320 = vector.broadcast %gt3A_1319 : f32 to vector<16x1024xf32>
    %gt3A_1321 = arith.cmpf ogt, %add3A_1295, %gt3A_1320 : vector<16x1024xf32>
    %mul3A_1322 = vector.broadcast %add3A_1318 : vector<16x1xf32> to vector<16x1024xf32>
    %mul3A_1323 = arith.mulf %mul3A_1322, %add3A_1295 : vector<16x1024xf32>
    %select_n3A_1324 = arith.select %gt3A_1321, %add3A_1295, %mul3A_1323 : vector<16x1024xi1>, vector<16x1024xf32>
    %slice3A_1325 = vector.extract_strided_slice %concatenate3A {offsets = [3, 0], sizes = [1, 1], strides = [1, 1]} : vector<4x3xf32> to vector<1x1xf32>
    %slice3A_1326 = vector.extract_strided_slice %concatenate3A {offsets = [3, 1], sizes = [1, 1], strides = [1, 1]} : vector<4x3xf32> to vector<1x1xf32>
    %slice3A_1327 = vector.extract_strided_slice %concatenate3A {offsets = [3, 2], sizes = [1, 1], strides = [1, 1]} : vector<4x3xf32> to vector<1x1xf32>
    %get3A_1328 = arith.constant 0 : index
    %get3A_1329 = arith.constant 0 : index
    %get3A_1330 = arith.constant 0 : index
    %get3A_1331 = vector.load %arg11[%get3A_1328, %get3A_1329, %get3A_1330] : memref<3x16x200xf32, #tpu.memory_space<vmem>>, vector<1x16x200xf32>
    %get3A_1332 = vector.shape_cast %get3A_1331 : vector<1x16x200xf32> to vector<16x200xf32>
    %mul3A_1333 = vector.broadcast %slice3A_1325 : vector<1x1xf32> to vector<16x200xf32>
    %mul3A_1334 = arith.mulf %mul3A_1333, %get3A_1332 : vector<16x200xf32>
    %get3A_1335 = arith.constant 1 : index
    %get3A_1336 = arith.constant 0 : index
    %get3A_1337 = arith.constant 0 : index
    %get3A_1338 = vector.load %arg11[%get3A_1335, %get3A_1336, %get3A_1337] : memref<3x16x200xf32, #tpu.memory_space<vmem>>, vector<1x16x200xf32>
    %get3A_1339 = vector.shape_cast %get3A_1338 : vector<1x16x200xf32> to vector<16x200xf32>
    %mul3A_1340 = vector.broadcast %slice3A_1326 : vector<1x1xf32> to vector<16x200xf32>
    %mul3A_1341 = arith.mulf %mul3A_1340, %get3A_1339 : vector<16x200xf32>
    %add3A_1342 = arith.addf %mul3A_1334, %mul3A_1341 : vector<16x200xf32>
    %get3A_1343 = arith.constant 2 : index
    %get3A_1344 = arith.constant 0 : index
    %get3A_1345 = arith.constant 0 : index
    %get3A_1346 = vector.load %arg11[%get3A_1343, %get3A_1344, %get3A_1345] : memref<3x16x200xf32, #tpu.memory_space<vmem>>, vector<1x16x200xf32>
    %get3A_1347 = vector.shape_cast %get3A_1346 : vector<1x16x200xf32> to vector<16x200xf32>
    %mul3A_1348 = vector.broadcast %slice3A_1327 : vector<1x1xf32> to vector<16x200xf32>
    %mul3A_1349 = arith.mulf %mul3A_1348, %get3A_1347 : vector<16x200xf32>
    %add3A_1350 = arith.addf %add3A_1342, %mul3A_1349 : vector<16x200xf32>
    %slice3A_1351 = vector.extract_strided_slice %get3A_1075 {offsets = [0, 3072], sizes = [200, 1024], strides = [1, 1]} : vector<200x4096xf32> to vector<200x1024xf32>
    %dot_general3A_1352 = arith.constant dense<0.000000e+00> : vector<16x1024xf32>
    %dot_general3A_1353 = tpu.matmul %add3A_1350, %slice3A_1351, %dot_general3A_1352 {dimension_numbers = #tpu.dot_dimension_numbers<[1], [0], [0], [1], [0, 0, 1, 1], [], []>, transpose_lhs_hint = false} : vector<16x200xf32>, vector<200x1024xf32>, vector<16x1024xf32> -> vector<16x1024xf32>
    %get3A_1354 = arith.constant 0 : index
    %get3A_1355 = arith.constant 0 : index
    %get3A_1356 = arith.constant 0 : index
    %get3A_1357 = vector.load %arg12[%get3A_1354, %get3A_1355, %get3A_1356] : memref<3x16x1xf32, #tpu.memory_space<vmem>>, vector<1x16x1xf32>
    %get3A_1358 = vector.shape_cast %get3A_1357 : vector<1x16x1xf32> to vector<16x1xf32>
    %mul3A_1359 = vector.broadcast %slice3A_1325 : vector<1x1xf32> to vector<16x1xf32>
    %mul3A_1360 = arith.mulf %mul3A_1359, %get3A_1358 : vector<16x1xf32>
    %get3A_1361 = arith.constant 1 : index
    %get3A_1362 = arith.constant 0 : index
    %get3A_1363 = arith.constant 0 : index
    %get3A_1364 = vector.load %arg12[%get3A_1361, %get3A_1362, %get3A_1363] : memref<3x16x1xf32, #tpu.memory_space<vmem>>, vector<1x16x1xf32>
    %get3A_1365 = vector.shape_cast %get3A_1364 : vector<1x16x1xf32> to vector<16x1xf32>
    %mul3A_1366 = vector.broadcast %slice3A_1326 : vector<1x1xf32> to vector<16x1xf32>
    %mul3A_1367 = arith.mulf %mul3A_1366, %get3A_1365 : vector<16x1xf32>
    %add3A_1368 = arith.addf %mul3A_1360, %mul3A_1367 : vector<16x1xf32>
    %get3A_1369 = arith.constant 2 : index
    %get3A_1370 = arith.constant 0 : index
    %get3A_1371 = arith.constant 0 : index
    %get3A_1372 = vector.load %arg12[%get3A_1369, %get3A_1370, %get3A_1371] : memref<3x16x1xf32, #tpu.memory_space<vmem>>, vector<1x16x1xf32>
    %get3A_1373 = vector.shape_cast %get3A_1372 : vector<1x16x1xf32> to vector<16x1xf32>
    %mul3A_1374 = vector.broadcast %slice3A_1327 : vector<1x1xf32> to vector<16x1xf32>
    %mul3A_1375 = arith.mulf %mul3A_1374, %get3A_1373 : vector<16x1xf32>
    %add3A_1376 = arith.addf %add3A_1368, %mul3A_1375 : vector<16x1xf32>
    %add3A_1377 = vector.broadcast %add3A_1376 : vector<16x1xf32> to vector<16x1024xf32>
    %add3A_1378 = arith.addf %dot_general3A_1353, %add3A_1377 : vector<16x1024xf32>
    %get3A_1379 = arith.constant 0 : index
    %get3A_1380 = arith.constant 0 : index
    %get3A_1381 = arith.constant 0 : index
    %get3A_1382 = vector.load %arg13[%get3A_1379, %get3A_1380, %get3A_1381] : memref<3x16x1xf32, #tpu.memory_space<vmem>>, vector<1x16x1xf32>
    %get3A_1383 = vector.shape_cast %get3A_1382 : vector<1x16x1xf32> to vector<16x1xf32>
    %mul3A_1384 = vector.broadcast %slice3A_1325 : vector<1x1xf32> to vector<16x1xf32>
    %mul3A_1385 = arith.mulf %mul3A_1384, %get3A_1383 : vector<16x1xf32>
    %get3A_1386 = arith.constant 1 : index
    %get3A_1387 = arith.constant 0 : index
    %get3A_1388 = arith.constant 0 : index
    %get3A_1389 = vector.load %arg13[%get3A_1386, %get3A_1387, %get3A_1388] : memref<3x16x1xf32, #tpu.memory_space<vmem>>, vector<1x16x1xf32>
    %get3A_1390 = vector.shape_cast %get3A_1389 : vector<1x16x1xf32> to vector<16x1xf32>
    %mul3A_1391 = vector.broadcast %slice3A_1326 : vector<1x1xf32> to vector<16x1xf32>
    %mul3A_1392 = arith.mulf %mul3A_1391, %get3A_1390 : vector<16x1xf32>
    %add3A_1393 = arith.addf %mul3A_1385, %mul3A_1392 : vector<16x1xf32>
    %get3A_1394 = arith.constant 2 : index
    %get3A_1395 = arith.constant 0 : index
    %get3A_1396 = arith.constant 0 : index
    %get3A_1397 = vector.load %arg13[%get3A_1394, %get3A_1395, %get3A_1396] : memref<3x16x1xf32, #tpu.memory_space<vmem>>, vector<1x16x1xf32>
    %get3A_1398 = vector.shape_cast %get3A_1397 : vector<1x16x1xf32> to vector<16x1xf32>
    %mul3A_1399 = vector.broadcast %slice3A_1327 : vector<1x1xf32> to vector<16x1xf32>
    %mul3A_1400 = arith.mulf %mul3A_1399, %get3A_1398 : vector<16x1xf32>
    %add3A_1401 = arith.addf %add3A_1393, %mul3A_1400 : vector<16x1xf32>
    %gt3A_1402 = arith.constant 0.000000e+00 : f32
    %gt3A_1403 = vector.broadcast %gt3A_1402 : f32 to vector<16x1024xf32>
    %gt3A_1404 = arith.cmpf ogt, %add3A_1378, %gt3A_1403 : vector<16x1024xf32>
    %mul3A_1405 = vector.broadcast %add3A_1401 : vector<16x1xf32> to vector<16x1024xf32>
    %mul3A_1406 = arith.mulf %mul3A_1405, %add3A_1378 : vector<16x1024xf32>
    %select_n3A_1407 = arith.select %gt3A_1404, %add3A_1378, %mul3A_1406 : vector<16x1024xi1>, vector<16x1024xf32>
    %concatenate3A_1408 = tpu.concatenate %select_n3A_1158, %select_n3A_1241, %select_n3A_1324, %select_n3A_1407 in 1 : vector<16x1024xf32>, vector<16x1024xf32>, vector<16x1024xf32>, vector<16x1024xf32> -> vector<16x4096xf32>
    %slice3A_1409 = vector.extract_strided_slice %concatenate3A {offsets = [0, 0], sizes = [1, 1], strides = [1, 1]} : vector<4x3xf32> to vector<1x1xf32>
    %slice3A_1410 = vector.extract_strided_slice %concatenate3A {offsets = [0, 1], sizes = [1, 1], strides = [1, 1]} : vector<4x3xf32> to vector<1x1xf32>
    %slice3A_1411 = vector.extract_strided_slice %concatenate3A {offsets = [0, 2], sizes = [1, 1], strides = [1, 1]} : vector<4x3xf32> to vector<1x1xf32>
    %get3A_1412 = arith.constant 0 : index
    %get3A_1413 = arith.constant 0 : index
    %get3A_1414 = arith.constant 0 : index
    %get3A_1415 = vector.load %arg14[%get3A_1412, %get3A_1413, %get3A_1414] : memref<3x16x16xf32, #tpu.memory_space<vmem>>, vector<1x16x16xf32>
    %get3A_1416 = vector.shape_cast %get3A_1415 : vector<1x16x16xf32> to vector<16x16xf32>
    %mul3A_1417 = vector.broadcast %slice3A_1409 : vector<1x1xf32> to vector<16x16xf32>
    %mul3A_1418 = arith.mulf %mul3A_1417, %get3A_1416 : vector<16x16xf32>
    %get3A_1419 = arith.constant 1 : index
    %get3A_1420 = arith.constant 0 : index
    %get3A_1421 = arith.constant 0 : index
    %get3A_1422 = vector.load %arg14[%get3A_1419, %get3A_1420, %get3A_1421] : memref<3x16x16xf32, #tpu.memory_space<vmem>>, vector<1x16x16xf32>
    %get3A_1423 = vector.shape_cast %get3A_1422 : vector<1x16x16xf32> to vector<16x16xf32>
    %mul3A_1424 = vector.broadcast %slice3A_1410 : vector<1x1xf32> to vector<16x16xf32>
    %mul3A_1425 = arith.mulf %mul3A_1424, %get3A_1423 : vector<16x16xf32>
    %add3A_1426 = arith.addf %mul3A_1418, %mul3A_1425 : vector<16x16xf32>
    %get3A_1427 = arith.constant 2 : index
    %get3A_1428 = arith.constant 0 : index
    %get3A_1429 = arith.constant 0 : index
    %get3A_1430 = vector.load %arg14[%get3A_1427, %get3A_1428, %get3A_1429] : memref<3x16x16xf32, #tpu.memory_space<vmem>>, vector<1x16x16xf32>
    %get3A_1431 = vector.shape_cast %get3A_1430 : vector<1x16x16xf32> to vector<16x16xf32>
    %mul3A_1432 = vector.broadcast %slice3A_1411 : vector<1x1xf32> to vector<16x16xf32>
    %mul3A_1433 = arith.mulf %mul3A_1432, %get3A_1431 : vector<16x16xf32>
    %add3A_1434 = arith.addf %add3A_1426, %mul3A_1433 : vector<16x16xf32>
    %slice3A_1435 = vector.extract_strided_slice %concatenate3A_1408 {offsets = [0, 0], sizes = [16, 1024], strides = [1, 1]} : vector<16x4096xf32> to vector<16x1024xf32>
    %dot_general3A_1436 = arith.constant dense<0.000000e+00> : vector<16x1024xf32>
    %dot_general3A_1437 = tpu.matmul %add3A_1434, %slice3A_1435, %dot_general3A_1436 {dimension_numbers = #tpu.dot_dimension_numbers<[1], [0], [0], [1], [0, 0, 1, 1], [], []>, transpose_lhs_hint = false} : vector<16x16xf32>, vector<16x1024xf32>, vector<16x1024xf32> -> vector<16x1024xf32>
    %get3A_1438 = arith.constant 0 : index
    %get3A_1439 = arith.constant 0 : index
    %get3A_1440 = arith.constant 0 : index
    %get3A_1441 = vector.load %arg15[%get3A_1438, %get3A_1439, %get3A_1440] : memref<3x16x1xf32, #tpu.memory_space<vmem>>, vector<1x16x1xf32>
    %get3A_1442 = vector.shape_cast %get3A_1441 : vector<1x16x1xf32> to vector<16x1xf32>
    %mul3A_1443 = vector.broadcast %slice3A_1409 : vector<1x1xf32> to vector<16x1xf32>
    %mul3A_1444 = arith.mulf %mul3A_1443, %get3A_1442 : vector<16x1xf32>
    %get3A_1445 = arith.constant 1 : index
    %get3A_1446 = arith.constant 0 : index
    %get3A_1447 = arith.constant 0 : index
    %get3A_1448 = vector.load %arg15[%get3A_1445, %get3A_1446, %get3A_1447] : memref<3x16x1xf32, #tpu.memory_space<vmem>>, vector<1x16x1xf32>
    %get3A_1449 = vector.shape_cast %get3A_1448 : vector<1x16x1xf32> to vector<16x1xf32>
    %mul3A_1450 = vector.broadcast %slice3A_1410 : vector<1x1xf32> to vector<16x1xf32>
    %mul3A_1451 = arith.mulf %mul3A_1450, %get3A_1449 : vector<16x1xf32>
    %add3A_1452 = arith.addf %mul3A_1444, %mul3A_1451 : vector<16x1xf32>
    %get3A_1453 = arith.constant 2 : index
    %get3A_1454 = arith.constant 0 : index
    %get3A_1455 = arith.constant 0 : index
    %get3A_1456 = vector.load %arg15[%get3A_1453, %get3A_1454, %get3A_1455] : memref<3x16x1xf32, #tpu.memory_space<vmem>>, vector<1x16x1xf32>
    %get3A_1457 = vector.shape_cast %get3A_1456 : vector<1x16x1xf32> to vector<16x1xf32>
    %mul3A_1458 = vector.broadcast %slice3A_1411 : vector<1x1xf32> to vector<16x1xf32>
    %mul3A_1459 = arith.mulf %mul3A_1458, %get3A_1457 : vector<16x1xf32>
    %add3A_1460 = arith.addf %add3A_1452, %mul3A_1459 : vector<16x1xf32>
    %add3A_1461 = vector.broadcast %add3A_1460 : vector<16x1xf32> to vector<16x1024xf32>
    %add3A_1462 = arith.addf %dot_general3A_1437, %add3A_1461 : vector<16x1024xf32>
    %get3A_1463 = arith.constant 0 : index
    %get3A_1464 = arith.constant 0 : index
    %get3A_1465 = arith.constant 0 : index
    %get3A_1466 = vector.load %arg16[%get3A_1463, %get3A_1464, %get3A_1465] : memref<3x16x1xf32, #tpu.memory_space<vmem>>, vector<1x16x1xf32>
    %get3A_1467 = vector.shape_cast %get3A_1466 : vector<1x16x1xf32> to vector<16x1xf32>
    %mul3A_1468 = vector.broadcast %slice3A_1409 : vector<1x1xf32> to vector<16x1xf32>
    %mul3A_1469 = arith.mulf %mul3A_1468, %get3A_1467 : vector<16x1xf32>
    %get3A_1470 = arith.constant 1 : index
    %get3A_1471 = arith.constant 0 : index
    %get3A_1472 = arith.constant 0 : index
    %get3A_1473 = vector.load %arg16[%get3A_1470, %get3A_1471, %get3A_1472] : memref<3x16x1xf32, #tpu.memory_space<vmem>>, vector<1x16x1xf32>
    %get3A_1474 = vector.shape_cast %get3A_1473 : vector<1x16x1xf32> to vector<16x1xf32>
    %mul3A_1475 = vector.broadcast %slice3A_1410 : vector<1x1xf32> to vector<16x1xf32>
    %mul3A_1476 = arith.mulf %mul3A_1475, %get3A_1474 : vector<16x1xf32>
    %add3A_1477 = arith.addf %mul3A_1469, %mul3A_1476 : vector<16x1xf32>
    %get3A_1478 = arith.constant 2 : index
    %get3A_1479 = arith.constant 0 : index
    %get3A_1480 = arith.constant 0 : index
    %get3A_1481 = vector.load %arg16[%get3A_1478, %get3A_1479, %get3A_1480] : memref<3x16x1xf32, #tpu.memory_space<vmem>>, vector<1x16x1xf32>
    %get3A_1482 = vector.shape_cast %get3A_1481 : vector<1x16x1xf32> to vector<16x1xf32>
    %mul3A_1483 = vector.broadcast %slice3A_1411 : vector<1x1xf32> to vector<16x1xf32>
    %mul3A_1484 = arith.mulf %mul3A_1483, %get3A_1482 : vector<16x1xf32>
    %add3A_1485 = arith.addf %add3A_1477, %mul3A_1484 : vector<16x1xf32>
    %gt3A_1486 = arith.constant 0.000000e+00 : f32
    %gt3A_1487 = vector.broadcast %gt3A_1486 : f32 to vector<16x1024xf32>
    %gt3A_1488 = arith.cmpf ogt, %add3A_1462, %gt3A_1487 : vector<16x1024xf32>
    %mul3A_1489 = vector.broadcast %add3A_1485 : vector<16x1xf32> to vector<16x1024xf32>
    %mul3A_1490 = arith.mulf %mul3A_1489, %add3A_1462 : vector<16x1024xf32>
    %select_n3A_1491 = arith.select %gt3A_1488, %add3A_1462, %mul3A_1490 : vector<16x1024xi1>, vector<16x1024xf32>
    %slice3A_1492 = vector.extract_strided_slice %concatenate3A {offsets = [1, 0], sizes = [1, 1], strides = [1, 1]} : vector<4x3xf32> to vector<1x1xf32>
    %slice3A_1493 = vector.extract_strided_slice %concatenate3A {offsets = [1, 1], sizes = [1, 1], strides = [1, 1]} : vector<4x3xf32> to vector<1x1xf32>
    %slice3A_1494 = vector.extract_strided_slice %concatenate3A {offsets = [1, 2], sizes = [1, 1], strides = [1, 1]} : vector<4x3xf32> to vector<1x1xf32>
    %get3A_1495 = arith.constant 0 : index
    %get3A_1496 = arith.constant 0 : index
    %get3A_1497 = arith.constant 0 : index
    %get3A_1498 = vector.load %arg14[%get3A_1495, %get3A_1496, %get3A_1497] : memref<3x16x16xf32, #tpu.memory_space<vmem>>, vector<1x16x16xf32>
    %get3A_1499 = vector.shape_cast %get3A_1498 : vector<1x16x16xf32> to vector<16x16xf32>
    %mul3A_1500 = vector.broadcast %slice3A_1492 : vector<1x1xf32> to vector<16x16xf32>
    %mul3A_1501 = arith.mulf %mul3A_1500, %get3A_1499 : vector<16x16xf32>
    %get3A_1502 = arith.constant 1 : index
    %get3A_1503 = arith.constant 0 : index
    %get3A_1504 = arith.constant 0 : index
    %get3A_1505 = vector.load %arg14[%get3A_1502, %get3A_1503, %get3A_1504] : memref<3x16x16xf32, #tpu.memory_space<vmem>>, vector<1x16x16xf32>
    %get3A_1506 = vector.shape_cast %get3A_1505 : vector<1x16x16xf32> to vector<16x16xf32>
    %mul3A_1507 = vector.broadcast %slice3A_1493 : vector<1x1xf32> to vector<16x16xf32>
    %mul3A_1508 = arith.mulf %mul3A_1507, %get3A_1506 : vector<16x16xf32>
    %add3A_1509 = arith.addf %mul3A_1501, %mul3A_1508 : vector<16x16xf32>
    %get3A_1510 = arith.constant 2 : index
    %get3A_1511 = arith.constant 0 : index
    %get3A_1512 = arith.constant 0 : index
    %get3A_1513 = vector.load %arg14[%get3A_1510, %get3A_1511, %get3A_1512] : memref<3x16x16xf32, #tpu.memory_space<vmem>>, vector<1x16x16xf32>
    %get3A_1514 = vector.shape_cast %get3A_1513 : vector<1x16x16xf32> to vector<16x16xf32>
    %mul3A_1515 = vector.broadcast %slice3A_1494 : vector<1x1xf32> to vector<16x16xf32>
    %mul3A_1516 = arith.mulf %mul3A_1515, %get3A_1514 : vector<16x16xf32>
    %add3A_1517 = arith.addf %add3A_1509, %mul3A_1516 : vector<16x16xf32>
    %slice3A_1518 = vector.extract_strided_slice %concatenate3A_1408 {offsets = [0, 1024], sizes = [16, 1024], strides = [1, 1]} : vector<16x4096xf32> to vector<16x1024xf32>
    %dot_general3A_1519 = arith.constant dense<0.000000e+00> : vector<16x1024xf32>
    %dot_general3A_1520 = tpu.matmul %add3A_1517, %slice3A_1518, %dot_general3A_1519 {dimension_numbers = #tpu.dot_dimension_numbers<[1], [0], [0], [1], [0, 0, 1, 1], [], []>, transpose_lhs_hint = false} : vector<16x16xf32>, vector<16x1024xf32>, vector<16x1024xf32> -> vector<16x1024xf32>
    %get3A_1521 = arith.constant 0 : index
    %get3A_1522 = arith.constant 0 : index
    %get3A_1523 = arith.constant 0 : index
    %get3A_1524 = vector.load %arg15[%get3A_1521, %get3A_1522, %get3A_1523] : memref<3x16x1xf32, #tpu.memory_space<vmem>>, vector<1x16x1xf32>
    %get3A_1525 = vector.shape_cast %get3A_1524 : vector<1x16x1xf32> to vector<16x1xf32>
    %mul3A_1526 = vector.broadcast %slice3A_1492 : vector<1x1xf32> to vector<16x1xf32>
    %mul3A_1527 = arith.mulf %mul3A_1526, %get3A_1525 : vector<16x1xf32>
    %get3A_1528 = arith.constant 1 : index
    %get3A_1529 = arith.constant 0 : index
    %get3A_1530 = arith.constant 0 : index
    %get3A_1531 = vector.load %arg15[%get3A_1528, %get3A_1529, %get3A_1530] : memref<3x16x1xf32, #tpu.memory_space<vmem>>, vector<1x16x1xf32>
    %get3A_1532 = vector.shape_cast %get3A_1531 : vector<1x16x1xf32> to vector<16x1xf32>
    %mul3A_1533 = vector.broadcast %slice3A_1493 : vector<1x1xf32> to vector<16x1xf32>
    %mul3A_1534 = arith.mulf %mul3A_1533, %get3A_1532 : vector<16x1xf32>
    %add3A_1535 = arith.addf %mul3A_1527, %mul3A_1534 : vector<16x1xf32>
    %get3A_1536 = arith.constant 2 : index
    %get3A_1537 = arith.constant 0 : index
    %get3A_1538 = arith.constant 0 : index
    %get3A_1539 = vector.load %arg15[%get3A_1536, %get3A_1537, %get3A_1538] : memref<3x16x1xf32, #tpu.memory_space<vmem>>, vector<1x16x1xf32>
    %get3A_1540 = vector.shape_cast %get3A_1539 : vector<1x16x1xf32> to vector<16x1xf32>
    %mul3A_1541 = vector.broadcast %slice3A_1494 : vector<1x1xf32> to vector<16x1xf32>
    %mul3A_1542 = arith.mulf %mul3A_1541, %get3A_1540 : vector<16x1xf32>
    %add3A_1543 = arith.addf %add3A_1535, %mul3A_1542 : vector<16x1xf32>
    %add3A_1544 = vector.broadcast %add3A_1543 : vector<16x1xf32> to vector<16x1024xf32>
    %add3A_1545 = arith.addf %dot_general3A_1520, %add3A_1544 : vector<16x1024xf32>
    %get3A_1546 = arith.constant 0 : index
    %get3A_1547 = arith.constant 0 : index
    %get3A_1548 = arith.constant 0 : index
    %get3A_1549 = vector.load %arg16[%get3A_1546, %get3A_1547, %get3A_1548] : memref<3x16x1xf32, #tpu.memory_space<vmem>>, vector<1x16x1xf32>
    %get3A_1550 = vector.shape_cast %get3A_1549 : vector<1x16x1xf32> to vector<16x1xf32>
    %mul3A_1551 = vector.broadcast %slice3A_1492 : vector<1x1xf32> to vector<16x1xf32>
    %mul3A_1552 = arith.mulf %mul3A_1551, %get3A_1550 : vector<16x1xf32>
    %get3A_1553 = arith.constant 1 : index
    %get3A_1554 = arith.constant 0 : index
    %get3A_1555 = arith.constant 0 : index
    %get3A_1556 = vector.load %arg16[%get3A_1553, %get3A_1554, %get3A_1555] : memref<3x16x1xf32, #tpu.memory_space<vmem>>, vector<1x16x1xf32>
    %get3A_1557 = vector.shape_cast %get3A_1556 : vector<1x16x1xf32> to vector<16x1xf32>
    %mul3A_1558 = vector.broadcast %slice3A_1493 : vector<1x1xf32> to vector<16x1xf32>
    %mul3A_1559 = arith.mulf %mul3A_1558, %get3A_1557 : vector<16x1xf32>
    %add3A_1560 = arith.addf %mul3A_1552, %mul3A_1559 : vector<16x1xf32>
    %get3A_1561 = arith.constant 2 : index
    %get3A_1562 = arith.constant 0 : index
    %get3A_1563 = arith.constant 0 : index
    %get3A_1564 = vector.load %arg16[%get3A_1561, %get3A_1562, %get3A_1563] : memref<3x16x1xf32, #tpu.memory_space<vmem>>, vector<1x16x1xf32>
    %get3A_1565 = vector.shape_cast %get3A_1564 : vector<1x16x1xf32> to vector<16x1xf32>
    %mul3A_1566 = vector.broadcast %slice3A_1494 : vector<1x1xf32> to vector<16x1xf32>
    %mul3A_1567 = arith.mulf %mul3A_1566, %get3A_1565 : vector<16x1xf32>
    %add3A_1568 = arith.addf %add3A_1560, %mul3A_1567 : vector<16x1xf32>
    %gt3A_1569 = arith.constant 0.000000e+00 : f32
    %gt3A_1570 = vector.broadcast %gt3A_1569 : f32 to vector<16x1024xf32>
    %gt3A_1571 = arith.cmpf ogt, %add3A_1545, %gt3A_1570 : vector<16x1024xf32>
    %mul3A_1572 = vector.broadcast %add3A_1568 : vector<16x1xf32> to vector<16x1024xf32>
    %mul3A_1573 = arith.mulf %mul3A_1572, %add3A_1545 : vector<16x1024xf32>
    %select_n3A_1574 = arith.select %gt3A_1571, %add3A_1545, %mul3A_1573 : vector<16x1024xi1>, vector<16x1024xf32>
    %slice3A_1575 = vector.extract_strided_slice %concatenate3A {offsets = [2, 0], sizes = [1, 1], strides = [1, 1]} : vector<4x3xf32> to vector<1x1xf32>
    %slice3A_1576 = vector.extract_strided_slice %concatenate3A {offsets = [2, 1], sizes = [1, 1], strides = [1, 1]} : vector<4x3xf32> to vector<1x1xf32>
    %slice3A_1577 = vector.extract_strided_slice %concatenate3A {offsets = [2, 2], sizes = [1, 1], strides = [1, 1]} : vector<4x3xf32> to vector<1x1xf32>
    %get3A_1578 = arith.constant 0 : index
    %get3A_1579 = arith.constant 0 : index
    %get3A_1580 = arith.constant 0 : index
    %get3A_1581 = vector.load %arg14[%get3A_1578, %get3A_1579, %get3A_1580] : memref<3x16x16xf32, #tpu.memory_space<vmem>>, vector<1x16x16xf32>
    %get3A_1582 = vector.shape_cast %get3A_1581 : vector<1x16x16xf32> to vector<16x16xf32>
    %mul3A_1583 = vector.broadcast %slice3A_1575 : vector<1x1xf32> to vector<16x16xf32>
    %mul3A_1584 = arith.mulf %mul3A_1583, %get3A_1582 : vector<16x16xf32>
    %get3A_1585 = arith.constant 1 : index
    %get3A_1586 = arith.constant 0 : index
    %get3A_1587 = arith.constant 0 : index
    %get3A_1588 = vector.load %arg14[%get3A_1585, %get3A_1586, %get3A_1587] : memref<3x16x16xf32, #tpu.memory_space<vmem>>, vector<1x16x16xf32>
    %get3A_1589 = vector.shape_cast %get3A_1588 : vector<1x16x16xf32> to vector<16x16xf32>
    %mul3A_1590 = vector.broadcast %slice3A_1576 : vector<1x1xf32> to vector<16x16xf32>
    %mul3A_1591 = arith.mulf %mul3A_1590, %get3A_1589 : vector<16x16xf32>
    %add3A_1592 = arith.addf %mul3A_1584, %mul3A_1591 : vector<16x16xf32>
    %get3A_1593 = arith.constant 2 : index
    %get3A_1594 = arith.constant 0 : index
    %get3A_1595 = arith.constant 0 : index
    %get3A_1596 = vector.load %arg14[%get3A_1593, %get3A_1594, %get3A_1595] : memref<3x16x16xf32, #tpu.memory_space<vmem>>, vector<1x16x16xf32>
    %get3A_1597 = vector.shape_cast %get3A_1596 : vector<1x16x16xf32> to vector<16x16xf32>
    %mul3A_1598 = vector.broadcast %slice3A_1577 : vector<1x1xf32> to vector<16x16xf32>
    %mul3A_1599 = arith.mulf %mul3A_1598, %get3A_1597 : vector<16x16xf32>
    %add3A_1600 = arith.addf %add3A_1592, %mul3A_1599 : vector<16x16xf32>
    %slice3A_1601 = vector.extract_strided_slice %concatenate3A_1408 {offsets = [0, 2048], sizes = [16, 1024], strides = [1, 1]} : vector<16x4096xf32> to vector<16x1024xf32>
    %dot_general3A_1602 = arith.constant dense<0.000000e+00> : vector<16x1024xf32>
    %dot_general3A_1603 = tpu.matmul %add3A_1600, %slice3A_1601, %dot_general3A_1602 {dimension_numbers = #tpu.dot_dimension_numbers<[1], [0], [0], [1], [0, 0, 1, 1], [], []>, transpose_lhs_hint = false} : vector<16x16xf32>, vector<16x1024xf32>, vector<16x1024xf32> -> vector<16x1024xf32>
    %get3A_1604 = arith.constant 0 : index
    %get3A_1605 = arith.constant 0 : index
    %get3A_1606 = arith.constant 0 : index
    %get3A_1607 = vector.load %arg15[%get3A_1604, %get3A_1605, %get3A_1606] : memref<3x16x1xf32, #tpu.memory_space<vmem>>, vector<1x16x1xf32>
    %get3A_1608 = vector.shape_cast %get3A_1607 : vector<1x16x1xf32> to vector<16x1xf32>
    %mul3A_1609 = vector.broadcast %slice3A_1575 : vector<1x1xf32> to vector<16x1xf32>
    %mul3A_1610 = arith.mulf %mul3A_1609, %get3A_1608 : vector<16x1xf32>
    %get3A_1611 = arith.constant 1 : index
    %get3A_1612 = arith.constant 0 : index
    %get3A_1613 = arith.constant 0 : index
    %get3A_1614 = vector.load %arg15[%get3A_1611, %get3A_1612, %get3A_1613] : memref<3x16x1xf32, #tpu.memory_space<vmem>>, vector<1x16x1xf32>
    %get3A_1615 = vector.shape_cast %get3A_1614 : vector<1x16x1xf32> to vector<16x1xf32>
    %mul3A_1616 = vector.broadcast %slice3A_1576 : vector<1x1xf32> to vector<16x1xf32>
    %mul3A_1617 = arith.mulf %mul3A_1616, %get3A_1615 : vector<16x1xf32>
    %add3A_1618 = arith.addf %mul3A_1610, %mul3A_1617 : vector<16x1xf32>
    %get3A_1619 = arith.constant 2 : index
    %get3A_1620 = arith.constant 0 : index
    %get3A_1621 = arith.constant 0 : index
    %get3A_1622 = vector.load %arg15[%get3A_1619, %get3A_1620, %get3A_1621] : memref<3x16x1xf32, #tpu.memory_space<vmem>>, vector<1x16x1xf32>
    %get3A_1623 = vector.shape_cast %get3A_1622 : vector<1x16x1xf32> to vector<16x1xf32>
    %mul3A_1624 = vector.broadcast %slice3A_1577 : vector<1x1xf32> to vector<16x1xf32>
    %mul3A_1625 = arith.mulf %mul3A_1624, %get3A_1623 : vector<16x1xf32>
    %add3A_1626 = arith.addf %add3A_1618, %mul3A_1625 : vector<16x1xf32>
    %add3A_1627 = vector.broadcast %add3A_1626 : vector<16x1xf32> to vector<16x1024xf32>
    %add3A_1628 = arith.addf %dot_general3A_1603, %add3A_1627 : vector<16x1024xf32>
    %get3A_1629 = arith.constant 0 : index
    %get3A_1630 = arith.constant 0 : index
    %get3A_1631 = arith.constant 0 : index
    %get3A_1632 = vector.load %arg16[%get3A_1629, %get3A_1630, %get3A_1631] : memref<3x16x1xf32, #tpu.memory_space<vmem>>, vector<1x16x1xf32>
    %get3A_1633 = vector.shape_cast %get3A_1632 : vector<1x16x1xf32> to vector<16x1xf32>
    %mul3A_1634 = vector.broadcast %slice3A_1575 : vector<1x1xf32> to vector<16x1xf32>
    %mul3A_1635 = arith.mulf %mul3A_1634, %get3A_1633 : vector<16x1xf32>
    %get3A_1636 = arith.constant 1 : index
    %get3A_1637 = arith.constant 0 : index
    %get3A_1638 = arith.constant 0 : index
    %get3A_1639 = vector.load %arg16[%get3A_1636, %get3A_1637, %get3A_1638] : memref<3x16x1xf32, #tpu.memory_space<vmem>>, vector<1x16x1xf32>
    %get3A_1640 = vector.shape_cast %get3A_1639 : vector<1x16x1xf32> to vector<16x1xf32>
    %mul3A_1641 = vector.broadcast %slice3A_1576 : vector<1x1xf32> to vector<16x1xf32>
    %mul3A_1642 = arith.mulf %mul3A_1641, %get3A_1640 : vector<16x1xf32>
    %add3A_1643 = arith.addf %mul3A_1635, %mul3A_1642 : vector<16x1xf32>
    %get3A_1644 = arith.constant 2 : index
    %get3A_1645 = arith.constant 0 : index
    %get3A_1646 = arith.constant 0 : index
    %get3A_1647 = vector.load %arg16[%get3A_1644, %get3A_1645, %get3A_1646] : memref<3x16x1xf32, #tpu.memory_space<vmem>>, vector<1x16x1xf32>
    %get3A_1648 = vector.shape_cast %get3A_1647 : vector<1x16x1xf32> to vector<16x1xf32>
    %mul3A_1649 = vector.broadcast %slice3A_1577 : vector<1x1xf32> to vector<16x1xf32>
    %mul3A_1650 = arith.mulf %mul3A_1649, %get3A_1648 : vector<16x1xf32>
    %add3A_1651 = arith.addf %add3A_1643, %mul3A_1650 : vector<16x1xf32>
    %gt3A_1652 = arith.constant 0.000000e+00 : f32
    %gt3A_1653 = vector.broadcast %gt3A_1652 : f32 to vector<16x1024xf32>
    %gt3A_1654 = arith.cmpf ogt, %add3A_1628, %gt3A_1653 : vector<16x1024xf32>
    %mul3A_1655 = vector.broadcast %add3A_1651 : vector<16x1xf32> to vector<16x1024xf32>
    %mul3A_1656 = arith.mulf %mul3A_1655, %add3A_1628 : vector<16x1024xf32>
    %select_n3A_1657 = arith.select %gt3A_1654, %add3A_1628, %mul3A_1656 : vector<16x1024xi1>, vector<16x1024xf32>
    %slice3A_1658 = vector.extract_strided_slice %concatenate3A {offsets = [3, 0], sizes = [1, 1], strides = [1, 1]} : vector<4x3xf32> to vector<1x1xf32>
    %slice3A_1659 = vector.extract_strided_slice %concatenate3A {offsets = [3, 1], sizes = [1, 1], strides = [1, 1]} : vector<4x3xf32> to vector<1x1xf32>
    %slice3A_1660 = vector.extract_strided_slice %concatenate3A {offsets = [3, 2], sizes = [1, 1], strides = [1, 1]} : vector<4x3xf32> to vector<1x1xf32>
    %get3A_1661 = arith.constant 0 : index
    %get3A_1662 = arith.constant 0 : index
    %get3A_1663 = arith.constant 0 : index
    %get3A_1664 = vector.load %arg14[%get3A_1661, %get3A_1662, %get3A_1663] : memref<3x16x16xf32, #tpu.memory_space<vmem>>, vector<1x16x16xf32>
    %get3A_1665 = vector.shape_cast %get3A_1664 : vector<1x16x16xf32> to vector<16x16xf32>
    %mul3A_1666 = vector.broadcast %slice3A_1658 : vector<1x1xf32> to vector<16x16xf32>
    %mul3A_1667 = arith.mulf %mul3A_1666, %get3A_1665 : vector<16x16xf32>
    %get3A_1668 = arith.constant 1 : index
    %get3A_1669 = arith.constant 0 : index
    %get3A_1670 = arith.constant 0 : index
    %get3A_1671 = vector.load %arg14[%get3A_1668, %get3A_1669, %get3A_1670] : memref<3x16x16xf32, #tpu.memory_space<vmem>>, vector<1x16x16xf32>
    %get3A_1672 = vector.shape_cast %get3A_1671 : vector<1x16x16xf32> to vector<16x16xf32>
    %mul3A_1673 = vector.broadcast %slice3A_1659 : vector<1x1xf32> to vector<16x16xf32>
    %mul3A_1674 = arith.mulf %mul3A_1673, %get3A_1672 : vector<16x16xf32>
    %add3A_1675 = arith.addf %mul3A_1667, %mul3A_1674 : vector<16x16xf32>
    %get3A_1676 = arith.constant 2 : index
    %get3A_1677 = arith.constant 0 : index
    %get3A_1678 = arith.constant 0 : index
    %get3A_1679 = vector.load %arg14[%get3A_1676, %get3A_1677, %get3A_1678] : memref<3x16x16xf32, #tpu.memory_space<vmem>>, vector<1x16x16xf32>
    %get3A_1680 = vector.shape_cast %get3A_1679 : vector<1x16x16xf32> to vector<16x16xf32>
    %mul3A_1681 = vector.broadcast %slice3A_1660 : vector<1x1xf32> to vector<16x16xf32>
    %mul3A_1682 = arith.mulf %mul3A_1681, %get3A_1680 : vector<16x16xf32>
    %add3A_1683 = arith.addf %add3A_1675, %mul3A_1682 : vector<16x16xf32>
    %slice3A_1684 = vector.extract_strided_slice %concatenate3A_1408 {offsets = [0, 3072], sizes = [16, 1024], strides = [1, 1]} : vector<16x4096xf32> to vector<16x1024xf32>
    %dot_general3A_1685 = arith.constant dense<0.000000e+00> : vector<16x1024xf32>
    %dot_general3A_1686 = tpu.matmul %add3A_1683, %slice3A_1684, %dot_general3A_1685 {dimension_numbers = #tpu.dot_dimension_numbers<[1], [0], [0], [1], [0, 0, 1, 1], [], []>, transpose_lhs_hint = false} : vector<16x16xf32>, vector<16x1024xf32>, vector<16x1024xf32> -> vector<16x1024xf32>
    %get3A_1687 = arith.constant 0 : index
    %get3A_1688 = arith.constant 0 : index
    %get3A_1689 = arith.constant 0 : index
    %get3A_1690 = vector.load %arg15[%get3A_1687, %get3A_1688, %get3A_1689] : memref<3x16x1xf32, #tpu.memory_space<vmem>>, vector<1x16x1xf32>
    %get3A_1691 = vector.shape_cast %get3A_1690 : vector<1x16x1xf32> to vector<16x1xf32>
    %mul3A_1692 = vector.broadcast %slice3A_1658 : vector<1x1xf32> to vector<16x1xf32>
    %mul3A_1693 = arith.mulf %mul3A_1692, %get3A_1691 : vector<16x1xf32>
    %get3A_1694 = arith.constant 1 : index
    %get3A_1695 = arith.constant 0 : index
    %get3A_1696 = arith.constant 0 : index
    %get3A_1697 = vector.load %arg15[%get3A_1694, %get3A_1695, %get3A_1696] : memref<3x16x1xf32, #tpu.memory_space<vmem>>, vector<1x16x1xf32>
    %get3A_1698 = vector.shape_cast %get3A_1697 : vector<1x16x1xf32> to vector<16x1xf32>
    %mul3A_1699 = vector.broadcast %slice3A_1659 : vector<1x1xf32> to vector<16x1xf32>
    %mul3A_1700 = arith.mulf %mul3A_1699, %get3A_1698 : vector<16x1xf32>
    %add3A_1701 = arith.addf %mul3A_1693, %mul3A_1700 : vector<16x1xf32>
    %get3A_1702 = arith.constant 2 : index
    %get3A_1703 = arith.constant 0 : index
    %get3A_1704 = arith.constant 0 : index
    %get3A_1705 = vector.load %arg15[%get3A_1702, %get3A_1703, %get3A_1704] : memref<3x16x1xf32, #tpu.memory_space<vmem>>, vector<1x16x1xf32>
    %get3A_1706 = vector.shape_cast %get3A_1705 : vector<1x16x1xf32> to vector<16x1xf32>
    %mul3A_1707 = vector.broadcast %slice3A_1660 : vector<1x1xf32> to vector<16x1xf32>
    %mul3A_1708 = arith.mulf %mul3A_1707, %get3A_1706 : vector<16x1xf32>
    %add3A_1709 = arith.addf %add3A_1701, %mul3A_1708 : vector<16x1xf32>
    %add3A_1710 = vector.broadcast %add3A_1709 : vector<16x1xf32> to vector<16x1024xf32>
    %add3A_1711 = arith.addf %dot_general3A_1686, %add3A_1710 : vector<16x1024xf32>
    %get3A_1712 = arith.constant 0 : index
    %get3A_1713 = arith.constant 0 : index
    %get3A_1714 = arith.constant 0 : index
    %get3A_1715 = vector.load %arg16[%get3A_1712, %get3A_1713, %get3A_1714] : memref<3x16x1xf32, #tpu.memory_space<vmem>>, vector<1x16x1xf32>
    %get3A_1716 = vector.shape_cast %get3A_1715 : vector<1x16x1xf32> to vector<16x1xf32>
    %mul3A_1717 = vector.broadcast %slice3A_1658 : vector<1x1xf32> to vector<16x1xf32>
    %mul3A_1718 = arith.mulf %mul3A_1717, %get3A_1716 : vector<16x1xf32>
    %get3A_1719 = arith.constant 1 : index
    %get3A_1720 = arith.constant 0 : index
    %get3A_1721 = arith.constant 0 : index
    %get3A_1722 = vector.load %arg16[%get3A_1719, %get3A_1720, %get3A_1721] : memref<3x16x1xf32, #tpu.memory_space<vmem>>, vector<1x16x1xf32>
    %get3A_1723 = vector.shape_cast %get3A_1722 : vector<1x16x1xf32> to vector<16x1xf32>
    %mul3A_1724 = vector.broadcast %slice3A_1659 : vector<1x1xf32> to vector<16x1xf32>
    %mul3A_1725 = arith.mulf %mul3A_1724, %get3A_1723 : vector<16x1xf32>
    %add3A_1726 = arith.addf %mul3A_1718, %mul3A_1725 : vector<16x1xf32>
    %get3A_1727 = arith.constant 2 : index
    %get3A_1728 = arith.constant 0 : index
    %get3A_1729 = arith.constant 0 : index
    %get3A_1730 = vector.load %arg16[%get3A_1727, %get3A_1728, %get3A_1729] : memref<3x16x1xf32, #tpu.memory_space<vmem>>, vector<1x16x1xf32>
    %get3A_1731 = vector.shape_cast %get3A_1730 : vector<1x16x1xf32> to vector<16x1xf32>
    %mul3A_1732 = vector.broadcast %slice3A_1660 : vector<1x1xf32> to vector<16x1xf32>
    %mul3A_1733 = arith.mulf %mul3A_1732, %get3A_1731 : vector<16x1xf32>
    %add3A_1734 = arith.addf %add3A_1726, %mul3A_1733 : vector<16x1xf32>
    %gt3A_1735 = arith.constant 0.000000e+00 : f32
    %gt3A_1736 = vector.broadcast %gt3A_1735 : f32 to vector<16x1024xf32>
    %gt3A_1737 = arith.cmpf ogt, %add3A_1711, %gt3A_1736 : vector<16x1024xf32>
    %mul3A_1738 = vector.broadcast %add3A_1734 : vector<16x1xf32> to vector<16x1024xf32>
    %mul3A_1739 = arith.mulf %mul3A_1738, %add3A_1711 : vector<16x1024xf32>
    %select_n3A_1740 = arith.select %gt3A_1737, %add3A_1711, %mul3A_1739 : vector<16x1024xi1>, vector<16x1024xf32>
    %concatenate3A_1741 = tpu.concatenate %select_n3A_1491, %select_n3A_1574, %select_n3A_1657, %select_n3A_1740 in 1 : vector<16x1024xf32>, vector<16x1024xf32>, vector<16x1024xf32>, vector<16x1024xf32> -> vector<16x4096xf32>
    %jit3A_1742 = arith.constant 0 : i32
    %convert_element_type3A_1743 = arith.sitofp %jit3A_1742 : i32 to f32
    %pad3A_1744 = vector.broadcast %convert_element_type3A_1743 : f32 to vector<16x33xf32>
    %pad3A_1745 = tpu.concatenate %pad3A_1744, %concatenate3A_1741 in 1 : vector<16x33xf32>, vector<16x4096xf32> -> vector<16x4129xf32>
    %pad3A_1746 = vector.broadcast %convert_element_type3A_1743 : f32 to vector<16x33xf32>
    %pad3A_1747 = tpu.concatenate %pad3A_1745, %pad3A_1746 in 1 : vector<16x4129xf32>, vector<16x33xf32> -> vector<16x4162xf32>
    %slice3A_1748 = vector.extract_strided_slice %pad3A_1747 {offsets = [0, 0], sizes = [16, 4096], strides = [1, 1]} : vector<16x4162xf32> to vector<16x4096xf32>
    %jit3A_1749 = arith.constant 0.000000e+00 : f32
    %broadcast_in_dim3A_1750 = vector.shape_cast %and3A_173 : vector<1x4096xi1> to vector<1x4096xi1>
    %broadcast_in_dim3A_1751 = vector.broadcast %broadcast_in_dim3A_1750 : vector<1x4096xi1> to vector<16x4096xi1>
    %broadcast_in_dim3A_1752 = vector.broadcast %jit3A_1749 : f32 to vector<16x4096xf32>
    %select_n3A_1753 = arith.select %broadcast_in_dim3A_1751, %slice3A_1748, %broadcast_in_dim3A_1752 : vector<16x4096xi1>, vector<16x4096xf32>
    %swap3A_1754 = arith.constant 0 : index
    %swap3A_1755 = arith.constant 0 : index
    %swap3A_1756 = vector.load %arg27[%swap3A_1754, %swap3A_1755] : memref<144x4096xf32, #tpu.memory_space<vmem>>, vector<16x4096xf32>
    tpu.vector_store %arg27[%swap3A_1754, %swap3A_1755], %select_n3A_1753 {strides = array<i32>} : memref<144x4096xf32, #tpu.memory_space<vmem>>, vector<16x4096xf32>,
    %slice3A_1757 = vector.extract_strided_slice %pad3A_1747 {offsets = [0, 1], sizes = [16, 4096], strides = [1, 1]} : vector<16x4162xf32> to vector<16x4096xf32>
    %jit3A_1758 = arith.constant 0.000000e+00 : f32
    %broadcast_in_dim3A_1759 = vector.shape_cast %and3A_186 : vector<1x4096xi1> to vector<1x4096xi1>
    %broadcast_in_dim3A_1760 = vector.broadcast %broadcast_in_dim3A_1759 : vector<1x4096xi1> to vector<16x4096xi1>
    %broadcast_in_dim3A_1761 = vector.broadcast %jit3A_1758 : f32 to vector<16x4096xf32>
    %select_n3A_1762 = arith.select %broadcast_in_dim3A_1760, %slice3A_1757, %broadcast_in_dim3A_1761 : vector<16x4096xi1>, vector<16x4096xf32>
    %swap3A_1763 = arith.constant 16 : index
    %swap3A_1764 = arith.constant 0 : index
    %swap3A_1765 = vector.load %arg27[%swap3A_1763, %swap3A_1764] : memref<144x4096xf32, #tpu.memory_space<vmem>>, vector<16x4096xf32>
    tpu.vector_store %arg27[%swap3A_1763, %swap3A_1764], %select_n3A_1762 {strides = array<i32>} : memref<144x4096xf32, #tpu.memory_space<vmem>>, vector<16x4096xf32>,
    %slice3A_1766 = vector.extract_strided_slice %pad3A_1747 {offsets = [0, 2], sizes = [16, 4096], strides = [1, 1]} : vector<16x4162xf32> to vector<16x4096xf32>
    %jit3A_1767 = arith.constant 0.000000e+00 : f32
    %broadcast_in_dim3A_1768 = vector.shape_cast %and3A_213 : vector<1x4096xi1> to vector<1x4096xi1>
    %broadcast_in_dim3A_1769 = vector.broadcast %broadcast_in_dim3A_1768 : vector<1x4096xi1> to vector<16x4096xi1>
    %broadcast_in_dim3A_1770 = vector.broadcast %jit3A_1767 : f32 to vector<16x4096xf32>
    %select_n3A_1771 = arith.select %broadcast_in_dim3A_1769, %slice3A_1766, %broadcast_in_dim3A_1770 : vector<16x4096xi1>, vector<16x4096xf32>
    %swap3A_1772 = arith.constant 32 : index
    %swap3A_1773 = arith.constant 0 : index
    %swap3A_1774 = vector.load %arg27[%swap3A_1772, %swap3A_1773] : memref<144x4096xf32, #tpu.memory_space<vmem>>, vector<16x4096xf32>
    tpu.vector_store %arg27[%swap3A_1772, %swap3A_1773], %select_n3A_1771 {strides = array<i32>} : memref<144x4096xf32, #tpu.memory_space<vmem>>, vector<16x4096xf32>,
    %slice3A_1775 = vector.extract_strided_slice %pad3A_1747 {offsets = [0, 32], sizes = [16, 4096], strides = [1, 1]} : vector<16x4162xf32> to vector<16x4096xf32>
    %jit3A_1776 = arith.constant 0.000000e+00 : f32
    %broadcast_in_dim3A_1777 = vector.shape_cast %and3A_226 : vector<1x4096xi1> to vector<1x4096xi1>
    %broadcast_in_dim3A_1778 = vector.broadcast %broadcast_in_dim3A_1777 : vector<1x4096xi1> to vector<16x4096xi1>
    %broadcast_in_dim3A_1779 = vector.broadcast %jit3A_1776 : f32 to vector<16x4096xf32>
    %select_n3A_1780 = arith.select %broadcast_in_dim3A_1778, %slice3A_1775, %broadcast_in_dim3A_1779 : vector<16x4096xi1>, vector<16x4096xf32>
    %swap3A_1781 = arith.constant 48 : index
    %swap3A_1782 = arith.constant 0 : index
    %swap3A_1783 = vector.load %arg27[%swap3A_1781, %swap3A_1782] : memref<144x4096xf32, #tpu.memory_space<vmem>>, vector<16x4096xf32>
    tpu.vector_store %arg27[%swap3A_1781, %swap3A_1782], %select_n3A_1780 {strides = array<i32>} : memref<144x4096xf32, #tpu.memory_space<vmem>>, vector<16x4096xf32>,
    %slice3A_1784 = vector.extract_strided_slice %pad3A_1747 {offsets = [0, 33], sizes = [16, 4096], strides = [1, 1]} : vector<16x4162xf32> to vector<16x4096xf32>
    %swap3A_1785 = arith.constant 64 : index
    %swap3A_1786 = arith.constant 0 : index
    %swap3A_1787 = vector.load %arg27[%swap3A_1785, %swap3A_1786] : memref<144x4096xf32, #tpu.memory_space<vmem>>, vector<16x4096xf32>
    tpu.vector_store %arg27[%swap3A_1785, %swap3A_1786], %slice3A_1784 {strides = array<i32>} : memref<144x4096xf32, #tpu.memory_space<vmem>>, vector<16x4096xf32>,
    %slice3A_1788 = vector.extract_strided_slice %pad3A_1747 {offsets = [0, 34], sizes = [16, 4096], strides = [1, 1]} : vector<16x4162xf32> to vector<16x4096xf32>
    %jit3A_1789 = arith.constant 0.000000e+00 : f32
    %broadcast_in_dim3A_1790 = vector.shape_cast %and3A_239 : vector<1x4096xi1> to vector<1x4096xi1>
    %broadcast_in_dim3A_1791 = vector.broadcast %broadcast_in_dim3A_1790 : vector<1x4096xi1> to vector<16x4096xi1>
    %broadcast_in_dim3A_1792 = vector.broadcast %jit3A_1789 : f32 to vector<16x4096xf32>
    %select_n3A_1793 = arith.select %broadcast_in_dim3A_1791, %slice3A_1788, %broadcast_in_dim3A_1792 : vector<16x4096xi1>, vector<16x4096xf32>
    %swap3A_1794 = arith.constant 80 : index
    %swap3A_1795 = arith.constant 0 : index
    %swap3A_1796 = vector.load %arg27[%swap3A_1794, %swap3A_1795] : memref<144x4096xf32, #tpu.memory_space<vmem>>, vector<16x4096xf32>
    tpu.vector_store %arg27[%swap3A_1794, %swap3A_1795], %select_n3A_1793 {strides = array<i32>} : memref<144x4096xf32, #tpu.memory_space<vmem>>, vector<16x4096xf32>,
    %slice3A_1797 = vector.extract_strided_slice %pad3A_1747 {offsets = [0, 64], sizes = [16, 4096], strides = [1, 1]} : vector<16x4162xf32> to vector<16x4096xf32>
    %jit3A_1798 = arith.constant 0.000000e+00 : f32
    %broadcast_in_dim3A_1799 = vector.shape_cast %and3A_266 : vector<1x4096xi1> to vector<1x4096xi1>
    %broadcast_in_dim3A_1800 = vector.broadcast %broadcast_in_dim3A_1799 : vector<1x4096xi1> to vector<16x4096xi1>
    %broadcast_in_dim3A_1801 = vector.broadcast %jit3A_1798 : f32 to vector<16x4096xf32>
    %select_n3A_1802 = arith.select %broadcast_in_dim3A_1800, %slice3A_1797, %broadcast_in_dim3A_1801 : vector<16x4096xi1>, vector<16x4096xf32>
    %swap3A_1803 = arith.constant 96 : index
    %swap3A_1804 = arith.constant 0 : index
    %swap3A_1805 = vector.load %arg27[%swap3A_1803, %swap3A_1804] : memref<144x4096xf32, #tpu.memory_space<vmem>>, vector<16x4096xf32>
    tpu.vector_store %arg27[%swap3A_1803, %swap3A_1804], %select_n3A_1802 {strides = array<i32>} : memref<144x4096xf32, #tpu.memory_space<vmem>>, vector<16x4096xf32>,
    %slice3A_1806 = vector.extract_strided_slice %pad3A_1747 {offsets = [0, 65], sizes = [16, 4096], strides = [1, 1]} : vector<16x4162xf32> to vector<16x4096xf32>
    %jit3A_1807 = arith.constant 0.000000e+00 : f32
    %broadcast_in_dim3A_1808 = vector.shape_cast %and3A_279 : vector<1x4096xi1> to vector<1x4096xi1>
    %broadcast_in_dim3A_1809 = vector.broadcast %broadcast_in_dim3A_1808 : vector<1x4096xi1> to vector<16x4096xi1>
    %broadcast_in_dim3A_1810 = vector.broadcast %jit3A_1807 : f32 to vector<16x4096xf32>
    %select_n3A_1811 = arith.select %broadcast_in_dim3A_1809, %slice3A_1806, %broadcast_in_dim3A_1810 : vector<16x4096xi1>, vector<16x4096xf32>
    %swap3A_1812 = arith.constant 112 : index
    %swap3A_1813 = arith.constant 0 : index
    %swap3A_1814 = vector.load %arg27[%swap3A_1812, %swap3A_1813] : memref<144x4096xf32, #tpu.memory_space<vmem>>, vector<16x4096xf32>
    tpu.vector_store %arg27[%swap3A_1812, %swap3A_1813], %select_n3A_1811 {strides = array<i32>} : memref<144x4096xf32, #tpu.memory_space<vmem>>, vector<16x4096xf32>,
    %slice3A_1815 = vector.extract_strided_slice %pad3A_1747 {offsets = [0, 66], sizes = [16, 4096], strides = [1, 1]} : vector<16x4162xf32> to vector<16x4096xf32>
    %jit3A_1816 = arith.constant 0.000000e+00 : f32
    %broadcast_in_dim3A_1817 = vector.shape_cast %and3A_306 : vector<1x4096xi1> to vector<1x4096xi1>
    %broadcast_in_dim3A_1818 = vector.broadcast %broadcast_in_dim3A_1817 : vector<1x4096xi1> to vector<16x4096xi1>
    %broadcast_in_dim3A_1819 = vector.broadcast %jit3A_1816 : f32 to vector<16x4096xf32>
    %select_n3A_1820 = arith.select %broadcast_in_dim3A_1818, %slice3A_1815, %broadcast_in_dim3A_1819 : vector<16x4096xi1>, vector<16x4096xf32>
    %swap3A_1821 = arith.constant 128 : index
    %swap3A_1822 = arith.constant 0 : index
    %swap3A_1823 = vector.load %arg27[%swap3A_1821, %swap3A_1822] : memref<144x4096xf32, #tpu.memory_space<vmem>>, vector<16x4096xf32>
    tpu.vector_store %arg27[%swap3A_1821, %swap3A_1822], %select_n3A_1820 {strides = array<i32>} : memref<144x4096xf32, #tpu.memory_space<vmem>>, vector<16x4096xf32>,
    %get3A_1824 = arith.constant 0 : index
    %get3A_1825 = arith.constant 0 : index
    %get3A_1826 = vector.load %arg27[%get3A_1824, %get3A_1825] : memref<144x4096xf32, #tpu.memory_space<vmem>>, vector<144x4096xf32>
    %slice3A_1827 = vector.extract_strided_slice %concatenate3A {offsets = [0, 0], sizes = [1, 1], strides = [1, 1]} : vector<4x3xf32> to vector<1x1xf32>
    %slice3A_1828 = vector.extract_strided_slice %concatenate3A {offsets = [0, 1], sizes = [1, 1], strides = [1, 1]} : vector<4x3xf32> to vector<1x1xf32>
    %slice3A_1829 = vector.extract_strided_slice %concatenate3A {offsets = [0, 2], sizes = [1, 1], strides = [1, 1]} : vector<4x3xf32> to vector<1x1xf32>
    %get3A_1830 = arith.constant 0 : index
    %get3A_1831 = arith.constant 0 : index
    %get3A_1832 = arith.constant 0 : index
    %get3A_1833 = arith.constant 0 : index
    %get3A_1834 = vector.load %arg17[%get3A_1830, %get3A_1831, %get3A_1832, %get3A_1833] : memref<3x3x16x144xf32, #tpu.memory_space<vmem>>, vector<1x1x16x144xf32>
    %get3A_1835 = vector.shape_cast %get3A_1834 : vector<1x1x16x144xf32> to vector<16x144xf32>
    %mul3A_1836 = vector.broadcast %slice3A_1827 : vector<1x1xf32> to vector<16x144xf32>
    %mul3A_1837 = arith.mulf %mul3A_1836, %get3A_1835 : vector<16x144xf32>
    %get3A_1838 = arith.constant 1 : index
    %get3A_1839 = arith.constant 0 : index
    %get3A_1840 = arith.constant 0 : index
    %get3A_1841 = arith.constant 0 : index
    %get3A_1842 = vector.load %arg17[%get3A_1838, %get3A_1839, %get3A_1840, %get3A_1841] : memref<3x3x16x144xf32, #tpu.memory_space<vmem>>, vector<1x1x16x144xf32>
    %get3A_1843 = vector.shape_cast %get3A_1842 : vector<1x1x16x144xf32> to vector<16x144xf32>
    %mul3A_1844 = vector.broadcast %slice3A_1828 : vector<1x1xf32> to vector<16x144xf32>
    %mul3A_1845 = arith.mulf %mul3A_1844, %get3A_1843 : vector<16x144xf32>
    %add3A_1846 = arith.addf %mul3A_1837, %mul3A_1845 : vector<16x144xf32>
    %get3A_1847 = arith.constant 2 : index
    %get3A_1848 = arith.constant 0 : index
    %get3A_1849 = arith.constant 0 : index
    %get3A_1850 = arith.constant 0 : index
    %get3A_1851 = vector.load %arg17[%get3A_1847, %get3A_1848, %get3A_1849, %get3A_1850] : memref<3x3x16x144xf32, #tpu.memory_space<vmem>>, vector<1x1x16x144xf32>
    %get3A_1852 = vector.shape_cast %get3A_1851 : vector<1x1x16x144xf32> to vector<16x144xf32>
    %mul3A_1853 = vector.broadcast %slice3A_1829 : vector<1x1xf32> to vector<16x144xf32>
    %mul3A_1854 = arith.mulf %mul3A_1853, %get3A_1852 : vector<16x144xf32>
    %add3A_1855 = arith.addf %add3A_1846, %mul3A_1854 : vector<16x144xf32>
    %slice3A_1856 = vector.extract_strided_slice %get3A_1826 {offsets = [0, 0], sizes = [144, 1024], strides = [1, 1]} : vector<144x4096xf32> to vector<144x1024xf32>
    %dot_general3A_1857 = arith.constant dense<0.000000e+00> : vector<16x1024xf32>
    %dot_general3A_1858 = tpu.matmul %add3A_1855, %slice3A_1856, %dot_general3A_1857 {dimension_numbers = #tpu.dot_dimension_numbers<[1], [0], [0], [1], [0, 0, 1, 1], [], []>, transpose_lhs_hint = false} : vector<16x144xf32>, vector<144x1024xf32>, vector<16x1024xf32> -> vector<16x1024xf32>
    %get3A_1859 = arith.constant 0 : index
    %get3A_1860 = arith.constant 0 : index
    %get3A_1861 = arith.constant 0 : index
    %get3A_1862 = arith.constant 0 : index
    %get3A_1863 = vector.load %arg18[%get3A_1859, %get3A_1860, %get3A_1861, %get3A_1862] : memref<3x3x16x1xf32, #tpu.memory_space<vmem>>, vector<1x1x16x1xf32>
    %get3A_1864 = vector.shape_cast %get3A_1863 : vector<1x1x16x1xf32> to vector<16x1xf32>
    %mul3A_1865 = vector.broadcast %slice3A_1827 : vector<1x1xf32> to vector<16x1xf32>
    %mul3A_1866 = arith.mulf %mul3A_1865, %get3A_1864 : vector<16x1xf32>
    %get3A_1867 = arith.constant 1 : index
    %get3A_1868 = arith.constant 0 : index
    %get3A_1869 = arith.constant 0 : index
    %get3A_1870 = arith.constant 0 : index
    %get3A_1871 = vector.load %arg18[%get3A_1867, %get3A_1868, %get3A_1869, %get3A_1870] : memref<3x3x16x1xf32, #tpu.memory_space<vmem>>, vector<1x1x16x1xf32>
    %get3A_1872 = vector.shape_cast %get3A_1871 : vector<1x1x16x1xf32> to vector<16x1xf32>
    %mul3A_1873 = vector.broadcast %slice3A_1828 : vector<1x1xf32> to vector<16x1xf32>
    %mul3A_1874 = arith.mulf %mul3A_1873, %get3A_1872 : vector<16x1xf32>
    %add3A_1875 = arith.addf %mul3A_1866, %mul3A_1874 : vector<16x1xf32>
    %get3A_1876 = arith.constant 2 : index
    %get3A_1877 = arith.constant 0 : index
    %get3A_1878 = arith.constant 0 : index
    %get3A_1879 = arith.constant 0 : index
    %get3A_1880 = vector.load %arg18[%get3A_1876, %get3A_1877, %get3A_1878, %get3A_1879] : memref<3x3x16x1xf32, #tpu.memory_space<vmem>>, vector<1x1x16x1xf32>
    %get3A_1881 = vector.shape_cast %get3A_1880 : vector<1x1x16x1xf32> to vector<16x1xf32>
    %mul3A_1882 = vector.broadcast %slice3A_1829 : vector<1x1xf32> to vector<16x1xf32>
    %mul3A_1883 = arith.mulf %mul3A_1882, %get3A_1881 : vector<16x1xf32>
    %add3A_1884 = arith.addf %add3A_1875, %mul3A_1883 : vector<16x1xf32>
    %add3A_1885 = vector.broadcast %add3A_1884 : vector<16x1xf32> to vector<16x1024xf32>
    %add3A_1886 = arith.addf %dot_general3A_1858, %add3A_1885 : vector<16x1024xf32>
    %get3A_1887 = arith.constant 0 : index
    %get3A_1888 = arith.constant 0 : index
    %get3A_1889 = arith.constant 0 : index
    %get3A_1890 = arith.constant 0 : index
    %get3A_1891 = vector.load %arg19[%get3A_1887, %get3A_1888, %get3A_1889, %get3A_1890] : memref<3x3x16x1xf32, #tpu.memory_space<vmem>>, vector<1x1x16x1xf32>
    %get3A_1892 = vector.shape_cast %get3A_1891 : vector<1x1x16x1xf32> to vector<16x1xf32>
    %mul3A_1893 = vector.broadcast %slice3A_1827 : vector<1x1xf32> to vector<16x1xf32>
    %mul3A_1894 = arith.mulf %mul3A_1893, %get3A_1892 : vector<16x1xf32>
    %get3A_1895 = arith.constant 1 : index
    %get3A_1896 = arith.constant 0 : index
    %get3A_1897 = arith.constant 0 : index
    %get3A_1898 = arith.constant 0 : index
    %get3A_1899 = vector.load %arg19[%get3A_1895, %get3A_1896, %get3A_1897, %get3A_1898] : memref<3x3x16x1xf32, #tpu.memory_space<vmem>>, vector<1x1x16x1xf32>
    %get3A_1900 = vector.shape_cast %get3A_1899 : vector<1x1x16x1xf32> to vector<16x1xf32>
    %mul3A_1901 = vector.broadcast %slice3A_1828 : vector<1x1xf32> to vector<16x1xf32>
    %mul3A_1902 = arith.mulf %mul3A_1901, %get3A_1900 : vector<16x1xf32>
    %add3A_1903 = arith.addf %mul3A_1894, %mul3A_1902 : vector<16x1xf32>
    %get3A_1904 = arith.constant 2 : index
    %get3A_1905 = arith.constant 0 : index
    %get3A_1906 = arith.constant 0 : index
    %get3A_1907 = arith.constant 0 : index
    %get3A_1908 = vector.load %arg19[%get3A_1904, %get3A_1905, %get3A_1906, %get3A_1907] : memref<3x3x16x1xf32, #tpu.memory_space<vmem>>, vector<1x1x16x1xf32>
    %get3A_1909 = vector.shape_cast %get3A_1908 : vector<1x1x16x1xf32> to vector<16x1xf32>
    %mul3A_1910 = vector.broadcast %slice3A_1829 : vector<1x1xf32> to vector<16x1xf32>
    %mul3A_1911 = arith.mulf %mul3A_1910, %get3A_1909 : vector<16x1xf32>
    %add3A_1912 = arith.addf %add3A_1903, %mul3A_1911 : vector<16x1xf32>
    %gt3A_1913 = arith.constant 0.000000e+00 : f32
    %gt3A_1914 = vector.broadcast %gt3A_1913 : f32 to vector<16x1024xf32>
    %gt3A_1915 = arith.cmpf ogt, %add3A_1886, %gt3A_1914 : vector<16x1024xf32>
    %mul3A_1916 = vector.broadcast %add3A_1912 : vector<16x1xf32> to vector<16x1024xf32>
    %mul3A_1917 = arith.mulf %mul3A_1916, %add3A_1886 : vector<16x1024xf32>
    %select_n3A_1918 = arith.select %gt3A_1915, %add3A_1886, %mul3A_1917 : vector<16x1024xi1>, vector<16x1024xf32>
    %slice3A_1919 = vector.extract_strided_slice %concatenate3A {offsets = [1, 0], sizes = [1, 1], strides = [1, 1]} : vector<4x3xf32> to vector<1x1xf32>
    %slice3A_1920 = vector.extract_strided_slice %concatenate3A {offsets = [1, 1], sizes = [1, 1], strides = [1, 1]} : vector<4x3xf32> to vector<1x1xf32>
    %slice3A_1921 = vector.extract_strided_slice %concatenate3A {offsets = [1, 2], sizes = [1, 1], strides = [1, 1]} : vector<4x3xf32> to vector<1x1xf32>
    %get3A_1922 = arith.constant 0 : index
    %get3A_1923 = arith.constant 0 : index
    %get3A_1924 = arith.constant 0 : index
    %get3A_1925 = arith.constant 0 : index
    %get3A_1926 = vector.load %arg17[%get3A_1922, %get3A_1923, %get3A_1924, %get3A_1925] : memref<3x3x16x144xf32, #tpu.memory_space<vmem>>, vector<1x1x16x144xf32>
    %get3A_1927 = vector.shape_cast %get3A_1926 : vector<1x1x16x144xf32> to vector<16x144xf32>
    %mul3A_1928 = vector.broadcast %slice3A_1919 : vector<1x1xf32> to vector<16x144xf32>
    %mul3A_1929 = arith.mulf %mul3A_1928, %get3A_1927 : vector<16x144xf32>
    %get3A_1930 = arith.constant 1 : index
    %get3A_1931 = arith.constant 0 : index
    %get3A_1932 = arith.constant 0 : index
    %get3A_1933 = arith.constant 0 : index
    %get3A_1934 = vector.load %arg17[%get3A_1930, %get3A_1931, %get3A_1932, %get3A_1933] : memref<3x3x16x144xf32, #tpu.memory_space<vmem>>, vector<1x1x16x144xf32>
    %get3A_1935 = vector.shape_cast %get3A_1934 : vector<1x1x16x144xf32> to vector<16x144xf32>
    %mul3A_1936 = vector.broadcast %slice3A_1920 : vector<1x1xf32> to vector<16x144xf32>
    %mul3A_1937 = arith.mulf %mul3A_1936, %get3A_1935 : vector<16x144xf32>
    %add3A_1938 = arith.addf %mul3A_1929, %mul3A_1937 : vector<16x144xf32>
    %get3A_1939 = arith.constant 2 : index
    %get3A_1940 = arith.constant 0 : index
    %get3A_1941 = arith.constant 0 : index
    %get3A_1942 = arith.constant 0 : index
    %get3A_1943 = vector.load %arg17[%get3A_1939, %get3A_1940, %get3A_1941, %get3A_1942] : memref<3x3x16x144xf32, #tpu.memory_space<vmem>>, vector<1x1x16x144xf32>
    %get3A_1944 = vector.shape_cast %get3A_1943 : vector<1x1x16x144xf32> to vector<16x144xf32>
    %mul3A_1945 = vector.broadcast %slice3A_1921 : vector<1x1xf32> to vector<16x144xf32>
    %mul3A_1946 = arith.mulf %mul3A_1945, %get3A_1944 : vector<16x144xf32>
    %add3A_1947 = arith.addf %add3A_1938, %mul3A_1946 : vector<16x144xf32>
    %slice3A_1948 = vector.extract_strided_slice %get3A_1826 {offsets = [0, 1024], sizes = [144, 1024], strides = [1, 1]} : vector<144x4096xf32> to vector<144x1024xf32>
    %dot_general3A_1949 = arith.constant dense<0.000000e+00> : vector<16x1024xf32>
    %dot_general3A_1950 = tpu.matmul %add3A_1947, %slice3A_1948, %dot_general3A_1949 {dimension_numbers = #tpu.dot_dimension_numbers<[1], [0], [0], [1], [0, 0, 1, 1], [], []>, transpose_lhs_hint = false} : vector<16x144xf32>, vector<144x1024xf32>, vector<16x1024xf32> -> vector<16x1024xf32>
    %get3A_1951 = arith.constant 0 : index
    %get3A_1952 = arith.constant 0 : index
    %get3A_1953 = arith.constant 0 : index
    %get3A_1954 = arith.constant 0 : index
    %get3A_1955 = vector.load %arg18[%get3A_1951, %get3A_1952, %get3A_1953, %get3A_1954] : memref<3x3x16x1xf32, #tpu.memory_space<vmem>>, vector<1x1x16x1xf32>
    %get3A_1956 = vector.shape_cast %get3A_1955 : vector<1x1x16x1xf32> to vector<16x1xf32>
    %mul3A_1957 = vector.broadcast %slice3A_1919 : vector<1x1xf32> to vector<16x1xf32>
    %mul3A_1958 = arith.mulf %mul3A_1957, %get3A_1956 : vector<16x1xf32>
    %get3A_1959 = arith.constant 1 : index
    %get3A_1960 = arith.constant 0 : index
    %get3A_1961 = arith.constant 0 : index
    %get3A_1962 = arith.constant 0 : index
    %get3A_1963 = vector.load %arg18[%get3A_1959, %get3A_1960, %get3A_1961, %get3A_1962] : memref<3x3x16x1xf32, #tpu.memory_space<vmem>>, vector<1x1x16x1xf32>
    %get3A_1964 = vector.shape_cast %get3A_1963 : vector<1x1x16x1xf32> to vector<16x1xf32>
    %mul3A_1965 = vector.broadcast %slice3A_1920 : vector<1x1xf32> to vector<16x1xf32>
    %mul3A_1966 = arith.mulf %mul3A_1965, %get3A_1964 : vector<16x1xf32>
    %add3A_1967 = arith.addf %mul3A_1958, %mul3A_1966 : vector<16x1xf32>
    %get3A_1968 = arith.constant 2 : index
    %get3A_1969 = arith.constant 0 : index
    %get3A_1970 = arith.constant 0 : index
    %get3A_1971 = arith.constant 0 : index
    %get3A_1972 = vector.load %arg18[%get3A_1968, %get3A_1969, %get3A_1970, %get3A_1971] : memref<3x3x16x1xf32, #tpu.memory_space<vmem>>, vector<1x1x16x1xf32>
    %get3A_1973 = vector.shape_cast %get3A_1972 : vector<1x1x16x1xf32> to vector<16x1xf32>
    %mul3A_1974 = vector.broadcast %slice3A_1921 : vector<1x1xf32> to vector<16x1xf32>
    %mul3A_1975 = arith.mulf %mul3A_1974, %get3A_1973 : vector<16x1xf32>
    %add3A_1976 = arith.addf %add3A_1967, %mul3A_1975 : vector<16x1xf32>
    %add3A_1977 = vector.broadcast %add3A_1976 : vector<16x1xf32> to vector<16x1024xf32>
    %add3A_1978 = arith.addf %dot_general3A_1950, %add3A_1977 : vector<16x1024xf32>
    %get3A_1979 = arith.constant 0 : index
    %get3A_1980 = arith.constant 0 : index
    %get3A_1981 = arith.constant 0 : index
    %get3A_1982 = arith.constant 0 : index
    %get3A_1983 = vector.load %arg19[%get3A_1979, %get3A_1980, %get3A_1981, %get3A_1982] : memref<3x3x16x1xf32, #tpu.memory_space<vmem>>, vector<1x1x16x1xf32>
    %get3A_1984 = vector.shape_cast %get3A_1983 : vector<1x1x16x1xf32> to vector<16x1xf32>
    %mul3A_1985 = vector.broadcast %slice3A_1919 : vector<1x1xf32> to vector<16x1xf32>
    %mul3A_1986 = arith.mulf %mul3A_1985, %get3A_1984 : vector<16x1xf32>
    %get3A_1987 = arith.constant 1 : index
    %get3A_1988 = arith.constant 0 : index
    %get3A_1989 = arith.constant 0 : index
    %get3A_1990 = arith.constant 0 : index
    %get3A_1991 = vector.load %arg19[%get3A_1987, %get3A_1988, %get3A_1989, %get3A_1990] : memref<3x3x16x1xf32, #tpu.memory_space<vmem>>, vector<1x1x16x1xf32>
    %get3A_1992 = vector.shape_cast %get3A_1991 : vector<1x1x16x1xf32> to vector<16x1xf32>
    %mul3A_1993 = vector.broadcast %slice3A_1920 : vector<1x1xf32> to vector<16x1xf32>
    %mul3A_1994 = arith.mulf %mul3A_1993, %get3A_1992 : vector<16x1xf32>
    %add3A_1995 = arith.addf %mul3A_1986, %mul3A_1994 : vector<16x1xf32>
    %get3A_1996 = arith.constant 2 : index
    %get3A_1997 = arith.constant 0 : index
    %get3A_1998 = arith.constant 0 : index
    %get3A_1999 = arith.constant 0 : index
    %get3A_2000 = vector.load %arg19[%get3A_1996, %get3A_1997, %get3A_1998, %get3A_1999] : memref<3x3x16x1xf32, #tpu.memory_space<vmem>>, vector<1x1x16x1xf32>
    %get3A_2001 = vector.shape_cast %get3A_2000 : vector<1x1x16x1xf32> to vector<16x1xf32>
    %mul3A_2002 = vector.broadcast %slice3A_1921 : vector<1x1xf32> to vector<16x1xf32>
    %mul3A_2003 = arith.mulf %mul3A_2002, %get3A_2001 : vector<16x1xf32>
    %add3A_2004 = arith.addf %add3A_1995, %mul3A_2003 : vector<16x1xf32>
    %gt3A_2005 = arith.constant 0.000000e+00 : f32
    %gt3A_2006 = vector.broadcast %gt3A_2005 : f32 to vector<16x1024xf32>
    %gt3A_2007 = arith.cmpf ogt, %add3A_1978, %gt3A_2006 : vector<16x1024xf32>
    %mul3A_2008 = vector.broadcast %add3A_2004 : vector<16x1xf32> to vector<16x1024xf32>
    %mul3A_2009 = arith.mulf %mul3A_2008, %add3A_1978 : vector<16x1024xf32>
    %select_n3A_2010 = arith.select %gt3A_2007, %add3A_1978, %mul3A_2009 : vector<16x1024xi1>, vector<16x1024xf32>
    %slice3A_2011 = vector.extract_strided_slice %concatenate3A {offsets = [2, 0], sizes = [1, 1], strides = [1, 1]} : vector<4x3xf32> to vector<1x1xf32>
    %slice3A_2012 = vector.extract_strided_slice %concatenate3A {offsets = [2, 1], sizes = [1, 1], strides = [1, 1]} : vector<4x3xf32> to vector<1x1xf32>
    %slice3A_2013 = vector.extract_strided_slice %concatenate3A {offsets = [2, 2], sizes = [1, 1], strides = [1, 1]} : vector<4x3xf32> to vector<1x1xf32>
    %get3A_2014 = arith.constant 0 : index
    %get3A_2015 = arith.constant 0 : index
    %get3A_2016 = arith.constant 0 : index
    %get3A_2017 = arith.constant 0 : index
    %get3A_2018 = vector.load %arg17[%get3A_2014, %get3A_2015, %get3A_2016, %get3A_2017] : memref<3x3x16x144xf32, #tpu.memory_space<vmem>>, vector<1x1x16x144xf32>
    %get3A_2019 = vector.shape_cast %get3A_2018 : vector<1x1x16x144xf32> to vector<16x144xf32>
    %mul3A_2020 = vector.broadcast %slice3A_2011 : vector<1x1xf32> to vector<16x144xf32>
    %mul3A_2021 = arith.mulf %mul3A_2020, %get3A_2019 : vector<16x144xf32>
    %get3A_2022 = arith.constant 1 : index
    %get3A_2023 = arith.constant 0 : index
    %get3A_2024 = arith.constant 0 : index
    %get3A_2025 = arith.constant 0 : index
    %get3A_2026 = vector.load %arg17[%get3A_2022, %get3A_2023, %get3A_2024, %get3A_2025] : memref<3x3x16x144xf32, #tpu.memory_space<vmem>>, vector<1x1x16x144xf32>
    %get3A_2027 = vector.shape_cast %get3A_2026 : vector<1x1x16x144xf32> to vector<16x144xf32>
    %mul3A_2028 = vector.broadcast %slice3A_2012 : vector<1x1xf32> to vector<16x144xf32>
    %mul3A_2029 = arith.mulf %mul3A_2028, %get3A_2027 : vector<16x144xf32>
    %add3A_2030 = arith.addf %mul3A_2021, %mul3A_2029 : vector<16x144xf32>
    %get3A_2031 = arith.constant 2 : index
    %get3A_2032 = arith.constant 0 : index
    %get3A_2033 = arith.constant 0 : index
    %get3A_2034 = arith.constant 0 : index
    %get3A_2035 = vector.load %arg17[%get3A_2031, %get3A_2032, %get3A_2033, %get3A_2034] : memref<3x3x16x144xf32, #tpu.memory_space<vmem>>, vector<1x1x16x144xf32>
    %get3A_2036 = vector.shape_cast %get3A_2035 : vector<1x1x16x144xf32> to vector<16x144xf32>
    %mul3A_2037 = vector.broadcast %slice3A_2013 : vector<1x1xf32> to vector<16x144xf32>
    %mul3A_2038 = arith.mulf %mul3A_2037, %get3A_2036 : vector<16x144xf32>
    %add3A_2039 = arith.addf %add3A_2030, %mul3A_2038 : vector<16x144xf32>
    %slice3A_2040 = vector.extract_strided_slice %get3A_1826 {offsets = [0, 2048], sizes = [144, 1024], strides = [1, 1]} : vector<144x4096xf32> to vector<144x1024xf32>
    %dot_general3A_2041 = arith.constant dense<0.000000e+00> : vector<16x1024xf32>
    %dot_general3A_2042 = tpu.matmul %add3A_2039, %slice3A_2040, %dot_general3A_2041 {dimension_numbers = #tpu.dot_dimension_numbers<[1], [0], [0], [1], [0, 0, 1, 1], [], []>, transpose_lhs_hint = false} : vector<16x144xf32>, vector<144x1024xf32>, vector<16x1024xf32> -> vector<16x1024xf32>
    %get3A_2043 = arith.constant 0 : index
    %get3A_2044 = arith.constant 0 : index
    %get3A_2045 = arith.constant 0 : index
    %get3A_2046 = arith.constant 0 : index
    %get3A_2047 = vector.load %arg18[%get3A_2043, %get3A_2044, %get3A_2045, %get3A_2046] : memref<3x3x16x1xf32, #tpu.memory_space<vmem>>, vector<1x1x16x1xf32>
    %get3A_2048 = vector.shape_cast %get3A_2047 : vector<1x1x16x1xf32> to vector<16x1xf32>
    %mul3A_2049 = vector.broadcast %slice3A_2011 : vector<1x1xf32> to vector<16x1xf32>
    %mul3A_2050 = arith.mulf %mul3A_2049, %get3A_2048 : vector<16x1xf32>
    %get3A_2051 = arith.constant 1 : index
    %get3A_2052 = arith.constant 0 : index
    %get3A_2053 = arith.constant 0 : index
    %get3A_2054 = arith.constant 0 : index
    %get3A_2055 = vector.load %arg18[%get3A_2051, %get3A_2052, %get3A_2053, %get3A_2054] : memref<3x3x16x1xf32, #tpu.memory_space<vmem>>, vector<1x1x16x1xf32>
    %get3A_2056 = vector.shape_cast %get3A_2055 : vector<1x1x16x1xf32> to vector<16x1xf32>
    %mul3A_2057 = vector.broadcast %slice3A_2012 : vector<1x1xf32> to vector<16x1xf32>
    %mul3A_2058 = arith.mulf %mul3A_2057, %get3A_2056 : vector<16x1xf32>
    %add3A_2059 = arith.addf %mul3A_2050, %mul3A_2058 : vector<16x1xf32>
    %get3A_2060 = arith.constant 2 : index
    %get3A_2061 = arith.constant 0 : index
    %get3A_2062 = arith.constant 0 : index
    %get3A_2063 = arith.constant 0 : index
    %get3A_2064 = vector.load %arg18[%get3A_2060, %get3A_2061, %get3A_2062, %get3A_2063] : memref<3x3x16x1xf32, #tpu.memory_space<vmem>>, vector<1x1x16x1xf32>
    %get3A_2065 = vector.shape_cast %get3A_2064 : vector<1x1x16x1xf32> to vector<16x1xf32>
    %mul3A_2066 = vector.broadcast %slice3A_2013 : vector<1x1xf32> to vector<16x1xf32>
    %mul3A_2067 = arith.mulf %mul3A_2066, %get3A_2065 : vector<16x1xf32>
    %add3A_2068 = arith.addf %add3A_2059, %mul3A_2067 : vector<16x1xf32>
    %add3A_2069 = vector.broadcast %add3A_2068 : vector<16x1xf32> to vector<16x1024xf32>
    %add3A_2070 = arith.addf %dot_general3A_2042, %add3A_2069 : vector<16x1024xf32>
    %get3A_2071 = arith.constant 0 : index
    %get3A_2072 = arith.constant 0 : index
    %get3A_2073 = arith.constant 0 : index
    %get3A_2074 = arith.constant 0 : index
    %get3A_2075 = vector.load %arg19[%get3A_2071, %get3A_2072, %get3A_2073, %get3A_2074] : memref<3x3x16x1xf32, #tpu.memory_space<vmem>>, vector<1x1x16x1xf32>
    %get3A_2076 = vector.shape_cast %get3A_2075 : vector<1x1x16x1xf32> to vector<16x1xf32>
    %mul3A_2077 = vector.broadcast %slice3A_2011 : vector<1x1xf32> to vector<16x1xf32>
    %mul3A_2078 = arith.mulf %mul3A_2077, %get3A_2076 : vector<16x1xf32>
    %get3A_2079 = arith.constant 1 : index
    %get3A_2080 = arith.constant 0 : index
    %get3A_2081 = arith.constant 0 : index
    %get3A_2082 = arith.constant 0 : index
    %get3A_2083 = vector.load %arg19[%get3A_2079, %get3A_2080, %get3A_2081, %get3A_2082] : memref<3x3x16x1xf32, #tpu.memory_space<vmem>>, vector<1x1x16x1xf32>
    %get3A_2084 = vector.shape_cast %get3A_2083 : vector<1x1x16x1xf32> to vector<16x1xf32>
    %mul3A_2085 = vector.broadcast %slice3A_2012 : vector<1x1xf32> to vector<16x1xf32>
    %mul3A_2086 = arith.mulf %mul3A_2085, %get3A_2084 : vector<16x1xf32>
    %add3A_2087 = arith.addf %mul3A_2078, %mul3A_2086 : vector<16x1xf32>
    %get3A_2088 = arith.constant 2 : index
    %get3A_2089 = arith.constant 0 : index
    %get3A_2090 = arith.constant 0 : index
    %get3A_2091 = arith.constant 0 : index
    %get3A_2092 = vector.load %arg19[%get3A_2088, %get3A_2089, %get3A_2090, %get3A_2091] : memref<3x3x16x1xf32, #tpu.memory_space<vmem>>, vector<1x1x16x1xf32>
    %get3A_2093 = vector.shape_cast %get3A_2092 : vector<1x1x16x1xf32> to vector<16x1xf32>
    %mul3A_2094 = vector.broadcast %slice3A_2013 : vector<1x1xf32> to vector<16x1xf32>
    %mul3A_2095 = arith.mulf %mul3A_2094, %get3A_2093 : vector<16x1xf32>
    %add3A_2096 = arith.addf %add3A_2087, %mul3A_2095 : vector<16x1xf32>
    %gt3A_2097 = arith.constant 0.000000e+00 : f32
    %gt3A_2098 = vector.broadcast %gt3A_2097 : f32 to vector<16x1024xf32>
    %gt3A_2099 = arith.cmpf ogt, %add3A_2070, %gt3A_2098 : vector<16x1024xf32>
    %mul3A_2100 = vector.broadcast %add3A_2096 : vector<16x1xf32> to vector<16x1024xf32>
    %mul3A_2101 = arith.mulf %mul3A_2100, %add3A_2070 : vector<16x1024xf32>
    %select_n3A_2102 = arith.select %gt3A_2099, %add3A_2070, %mul3A_2101 : vector<16x1024xi1>, vector<16x1024xf32>
    %slice3A_2103 = vector.extract_strided_slice %concatenate3A {offsets = [3, 0], sizes = [1, 1], strides = [1, 1]} : vector<4x3xf32> to vector<1x1xf32>
    %slice3A_2104 = vector.extract_strided_slice %concatenate3A {offsets = [3, 1], sizes = [1, 1], strides = [1, 1]} : vector<4x3xf32> to vector<1x1xf32>
    %slice3A_2105 = vector.extract_strided_slice %concatenate3A {offsets = [3, 2], sizes = [1, 1], strides = [1, 1]} : vector<4x3xf32> to vector<1x1xf32>
    %get3A_2106 = arith.constant 0 : index
    %get3A_2107 = arith.constant 0 : index
    %get3A_2108 = arith.constant 0 : index
    %get3A_2109 = arith.constant 0 : index
    %get3A_2110 = vector.load %arg17[%get3A_2106, %get3A_2107, %get3A_2108, %get3A_2109] : memref<3x3x16x144xf32, #tpu.memory_space<vmem>>, vector<1x1x16x144xf32>
    %get3A_2111 = vector.shape_cast %get3A_2110 : vector<1x1x16x144xf32> to vector<16x144xf32>
    %mul3A_2112 = vector.broadcast %slice3A_2103 : vector<1x1xf32> to vector<16x144xf32>
    %mul3A_2113 = arith.mulf %mul3A_2112, %get3A_2111 : vector<16x144xf32>
    %get3A_2114 = arith.constant 1 : index
    %get3A_2115 = arith.constant 0 : index
    %get3A_2116 = arith.constant 0 : index
    %get3A_2117 = arith.constant 0 : index
    %get3A_2118 = vector.load %arg17[%get3A_2114, %get3A_2115, %get3A_2116, %get3A_2117] : memref<3x3x16x144xf32, #tpu.memory_space<vmem>>, vector<1x1x16x144xf32>
    %get3A_2119 = vector.shape_cast %get3A_2118 : vector<1x1x16x144xf32> to vector<16x144xf32>
    %mul3A_2120 = vector.broadcast %slice3A_2104 : vector<1x1xf32> to vector<16x144xf32>
    %mul3A_2121 = arith.mulf %mul3A_2120, %get3A_2119 : vector<16x144xf32>
    %add3A_2122 = arith.addf %mul3A_2113, %mul3A_2121 : vector<16x144xf32>
    %get3A_2123 = arith.constant 2 : index
    %get3A_2124 = arith.constant 0 : index
    %get3A_2125 = arith.constant 0 : index
    %get3A_2126 = arith.constant 0 : index
    %get3A_2127 = vector.load %arg17[%get3A_2123, %get3A_2124, %get3A_2125, %get3A_2126] : memref<3x3x16x144xf32, #tpu.memory_space<vmem>>, vector<1x1x16x144xf32>
    %get3A_2128 = vector.shape_cast %get3A_2127 : vector<1x1x16x144xf32> to vector<16x144xf32>
    %mul3A_2129 = vector.broadcast %slice3A_2105 : vector<1x1xf32> to vector<16x144xf32>
    %mul3A_2130 = arith.mulf %mul3A_2129, %get3A_2128 : vector<16x144xf32>
    %add3A_2131 = arith.addf %add3A_2122, %mul3A_2130 : vector<16x144xf32>
    %slice3A_2132 = vector.extract_strided_slice %get3A_1826 {offsets = [0, 3072], sizes = [144, 1024], strides = [1, 1]} : vector<144x4096xf32> to vector<144x1024xf32>
    %dot_general3A_2133 = arith.constant dense<0.000000e+00> : vector<16x1024xf32>
    %dot_general3A_2134 = tpu.matmul %add3A_2131, %slice3A_2132, %dot_general3A_2133 {dimension_numbers = #tpu.dot_dimension_numbers<[1], [0], [0], [1], [0, 0, 1, 1], [], []>, transpose_lhs_hint = false} : vector<16x144xf32>, vector<144x1024xf32>, vector<16x1024xf32> -> vector<16x1024xf32>
    %get3A_2135 = arith.constant 0 : index
    %get3A_2136 = arith.constant 0 : index
    %get3A_2137 = arith.constant 0 : index
    %get3A_2138 = arith.constant 0 : index
    %get3A_2139 = vector.load %arg18[%get3A_2135, %get3A_2136, %get3A_2137, %get3A_2138] : memref<3x3x16x1xf32, #tpu.memory_space<vmem>>, vector<1x1x16x1xf32>
    %get3A_2140 = vector.shape_cast %get3A_2139 : vector<1x1x16x1xf32> to vector<16x1xf32>
    %mul3A_2141 = vector.broadcast %slice3A_2103 : vector<1x1xf32> to vector<16x1xf32>
    %mul3A_2142 = arith.mulf %mul3A_2141, %get3A_2140 : vector<16x1xf32>
    %get3A_2143 = arith.constant 1 : index
    %get3A_2144 = arith.constant 0 : index
    %get3A_2145 = arith.constant 0 : index
    %get3A_2146 = arith.constant 0 : index
    %get3A_2147 = vector.load %arg18[%get3A_2143, %get3A_2144, %get3A_2145, %get3A_2146] : memref<3x3x16x1xf32, #tpu.memory_space<vmem>>, vector<1x1x16x1xf32>
    %get3A_2148 = vector.shape_cast %get3A_2147 : vector<1x1x16x1xf32> to vector<16x1xf32>
    %mul3A_2149 = vector.broadcast %slice3A_2104 : vector<1x1xf32> to vector<16x1xf32>
    %mul3A_2150 = arith.mulf %mul3A_2149, %get3A_2148 : vector<16x1xf32>
    %add3A_2151 = arith.addf %mul3A_2142, %mul3A_2150 : vector<16x1xf32>
    %get3A_2152 = arith.constant 2 : index
    %get3A_2153 = arith.constant 0 : index
    %get3A_2154 = arith.constant 0 : index
    %get3A_2155 = arith.constant 0 : index
    %get3A_2156 = vector.load %arg18[%get3A_2152, %get3A_2153, %get3A_2154, %get3A_2155] : memref<3x3x16x1xf32, #tpu.memory_space<vmem>>, vector<1x1x16x1xf32>
    %get3A_2157 = vector.shape_cast %get3A_2156 : vector<1x1x16x1xf32> to vector<16x1xf32>
    %mul3A_2158 = vector.broadcast %slice3A_2105 : vector<1x1xf32> to vector<16x1xf32>
    %mul3A_2159 = arith.mulf %mul3A_2158, %get3A_2157 : vector<16x1xf32>
    %add3A_2160 = arith.addf %add3A_2151, %mul3A_2159 : vector<16x1xf32>
    %add3A_2161 = vector.broadcast %add3A_2160 : vector<16x1xf32> to vector<16x1024xf32>
    %add3A_2162 = arith.addf %dot_general3A_2134, %add3A_2161 : vector<16x1024xf32>
    %get3A_2163 = arith.constant 0 : index
    %get3A_2164 = arith.constant 0 : index
    %get3A_2165 = arith.constant 0 : index
    %get3A_2166 = arith.constant 0 : index
    %get3A_2167 = vector.load %arg19[%get3A_2163, %get3A_2164, %get3A_2165, %get3A_2166] : memref<3x3x16x1xf32, #tpu.memory_space<vmem>>, vector<1x1x16x1xf32>
    %get3A_2168 = vector.shape_cast %get3A_2167 : vector<1x1x16x1xf32> to vector<16x1xf32>
    %mul3A_2169 = vector.broadcast %slice3A_2103 : vector<1x1xf32> to vector<16x1xf32>
    %mul3A_2170 = arith.mulf %mul3A_2169, %get3A_2168 : vector<16x1xf32>
    %get3A_2171 = arith.constant 1 : index
    %get3A_2172 = arith.constant 0 : index
    %get3A_2173 = arith.constant 0 : index
    %get3A_2174 = arith.constant 0 : index
    %get3A_2175 = vector.load %arg19[%get3A_2171, %get3A_2172, %get3A_2173, %get3A_2174] : memref<3x3x16x1xf32, #tpu.memory_space<vmem>>, vector<1x1x16x1xf32>
    %get3A_2176 = vector.shape_cast %get3A_2175 : vector<1x1x16x1xf32> to vector<16x1xf32>
    %mul3A_2177 = vector.broadcast %slice3A_2104 : vector<1x1xf32> to vector<16x1xf32>
    %mul3A_2178 = arith.mulf %mul3A_2177, %get3A_2176 : vector<16x1xf32>
    %add3A_2179 = arith.addf %mul3A_2170, %mul3A_2178 : vector<16x1xf32>
    %get3A_2180 = arith.constant 2 : index
    %get3A_2181 = arith.constant 0 : index
    %get3A_2182 = arith.constant 0 : index
    %get3A_2183 = arith.constant 0 : index
    %get3A_2184 = vector.load %arg19[%get3A_2180, %get3A_2181, %get3A_2182, %get3A_2183] : memref<3x3x16x1xf32, #tpu.memory_space<vmem>>, vector<1x1x16x1xf32>
    %get3A_2185 = vector.shape_cast %get3A_2184 : vector<1x1x16x1xf32> to vector<16x1xf32>
    %mul3A_2186 = vector.broadcast %slice3A_2105 : vector<1x1xf32> to vector<16x1xf32>
    %mul3A_2187 = arith.mulf %mul3A_2186, %get3A_2185 : vector<16x1xf32>
    %add3A_2188 = arith.addf %add3A_2179, %mul3A_2187 : vector<16x1xf32>
    %gt3A_2189 = arith.constant 0.000000e+00 : f32
    %gt3A_2190 = vector.broadcast %gt3A_2189 : f32 to vector<16x1024xf32>
    %gt3A_2191 = arith.cmpf ogt, %add3A_2162, %gt3A_2190 : vector<16x1024xf32>
    %mul3A_2192 = vector.broadcast %add3A_2188 : vector<16x1xf32> to vector<16x1024xf32>
    %mul3A_2193 = arith.mulf %mul3A_2192, %add3A_2162 : vector<16x1024xf32>
    %select_n3A_2194 = arith.select %gt3A_2191, %add3A_2162, %mul3A_2193 : vector<16x1024xi1>, vector<16x1024xf32>
    %concatenate3A_2195 = tpu.concatenate %select_n3A_1918, %select_n3A_2010, %select_n3A_2102, %select_n3A_2194 in 1 : vector<16x1024xf32>, vector<16x1024xf32>, vector<16x1024xf32>, vector<16x1024xf32> -> vector<16x4096xf32>
    %jit3A_2196 = arith.constant 0 : i32
    %convert_element_type3A_2197 = arith.sitofp %jit3A_2196 : i32 to f32
    %pad3A_2198 = vector.broadcast %convert_element_type3A_2197 : f32 to vector<16x33xf32>
    %pad3A_2199 = tpu.concatenate %pad3A_2198, %concatenate3A_2195 in 1 : vector<16x33xf32>, vector<16x4096xf32> -> vector<16x4129xf32>
    %pad3A_2200 = vector.broadcast %convert_element_type3A_2197 : f32 to vector<16x33xf32>
    %pad3A_2201 = tpu.concatenate %pad3A_2199, %pad3A_2200 in 1 : vector<16x4129xf32>, vector<16x33xf32> -> vector<16x4162xf32>
    %slice3A_2202 = vector.extract_strided_slice %pad3A_2201 {offsets = [0, 0], sizes = [16, 4096], strides = [1, 1]} : vector<16x4162xf32> to vector<16x4096xf32>
    %jit3A_2203 = arith.constant 0.000000e+00 : f32
    %broadcast_in_dim3A_2204 = vector.shape_cast %and3A_173 : vector<1x4096xi1> to vector<1x4096xi1>
    %broadcast_in_dim3A_2205 = vector.broadcast %broadcast_in_dim3A_2204 : vector<1x4096xi1> to vector<16x4096xi1>
    %broadcast_in_dim3A_2206 = vector.broadcast %jit3A_2203 : f32 to vector<16x4096xf32>
    %select_n3A_2207 = arith.select %broadcast_in_dim3A_2205, %slice3A_2202, %broadcast_in_dim3A_2206 : vector<16x4096xi1>, vector<16x4096xf32>
    %swap3A_2208 = arith.constant 0 : index
    %swap3A_2209 = arith.constant 0 : index
    %swap3A_2210 = vector.load %arg27[%swap3A_2208, %swap3A_2209] : memref<144x4096xf32, #tpu.memory_space<vmem>>, vector<16x4096xf32>
    tpu.vector_store %arg27[%swap3A_2208, %swap3A_2209], %select_n3A_2207 {strides = array<i32>} : memref<144x4096xf32, #tpu.memory_space<vmem>>, vector<16x4096xf32>,
    %slice3A_2211 = vector.extract_strided_slice %pad3A_2201 {offsets = [0, 1], sizes = [16, 4096], strides = [1, 1]} : vector<16x4162xf32> to vector<16x4096xf32>
    %jit3A_2212 = arith.constant 0.000000e+00 : f32
    %broadcast_in_dim3A_2213 = vector.shape_cast %and3A_186 : vector<1x4096xi1> to vector<1x4096xi1>
    %broadcast_in_dim3A_2214 = vector.broadcast %broadcast_in_dim3A_2213 : vector<1x4096xi1> to vector<16x4096xi1>
    %broadcast_in_dim3A_2215 = vector.broadcast %jit3A_2212 : f32 to vector<16x4096xf32>
    %select_n3A_2216 = arith.select %broadcast_in_dim3A_2214, %slice3A_2211, %broadcast_in_dim3A_2215 : vector<16x4096xi1>, vector<16x4096xf32>
    %swap3A_2217 = arith.constant 16 : index
    %swap3A_2218 = arith.constant 0 : index
    %swap3A_2219 = vector.load %arg27[%swap3A_2217, %swap3A_2218] : memref<144x4096xf32, #tpu.memory_space<vmem>>, vector<16x4096xf32>
    tpu.vector_store %arg27[%swap3A_2217, %swap3A_2218], %select_n3A_2216 {strides = array<i32>} : memref<144x4096xf32, #tpu.memory_space<vmem>>, vector<16x4096xf32>,
    %slice3A_2220 = vector.extract_strided_slice %pad3A_2201 {offsets = [0, 2], sizes = [16, 4096], strides = [1, 1]} : vector<16x4162xf32> to vector<16x4096xf32>
    %jit3A_2221 = arith.constant 0.000000e+00 : f32
    %broadcast_in_dim3A_2222 = vector.shape_cast %and3A_213 : vector<1x4096xi1> to vector<1x4096xi1>
    %broadcast_in_dim3A_2223 = vector.broadcast %broadcast_in_dim3A_2222 : vector<1x4096xi1> to vector<16x4096xi1>
    %broadcast_in_dim3A_2224 = vector.broadcast %jit3A_2221 : f32 to vector<16x4096xf32>
    %select_n3A_2225 = arith.select %broadcast_in_dim3A_2223, %slice3A_2220, %broadcast_in_dim3A_2224 : vector<16x4096xi1>, vector<16x4096xf32>
    %swap3A_2226 = arith.constant 32 : index
    %swap3A_2227 = arith.constant 0 : index
    %swap3A_2228 = vector.load %arg27[%swap3A_2226, %swap3A_2227] : memref<144x4096xf32, #tpu.memory_space<vmem>>, vector<16x4096xf32>
    tpu.vector_store %arg27[%swap3A_2226, %swap3A_2227], %select_n3A_2225 {strides = array<i32>} : memref<144x4096xf32, #tpu.memory_space<vmem>>, vector<16x4096xf32>,
    %slice3A_2229 = vector.extract_strided_slice %pad3A_2201 {offsets = [0, 32], sizes = [16, 4096], strides = [1, 1]} : vector<16x4162xf32> to vector<16x4096xf32>
    %jit3A_2230 = arith.constant 0.000000e+00 : f32
    %broadcast_in_dim3A_2231 = vector.shape_cast %and3A_226 : vector<1x4096xi1> to vector<1x4096xi1>
    %broadcast_in_dim3A_2232 = vector.broadcast %broadcast_in_dim3A_2231 : vector<1x4096xi1> to vector<16x4096xi1>
    %broadcast_in_dim3A_2233 = vector.broadcast %jit3A_2230 : f32 to vector<16x4096xf32>
    %select_n3A_2234 = arith.select %broadcast_in_dim3A_2232, %slice3A_2229, %broadcast_in_dim3A_2233 : vector<16x4096xi1>, vector<16x4096xf32>
    %swap3A_2235 = arith.constant 48 : index
    %swap3A_2236 = arith.constant 0 : index
    %swap3A_2237 = vector.load %arg27[%swap3A_2235, %swap3A_2236] : memref<144x4096xf32, #tpu.memory_space<vmem>>, vector<16x4096xf32>
    tpu.vector_store %arg27[%swap3A_2235, %swap3A_2236], %select_n3A_2234 {strides = array<i32>} : memref<144x4096xf32, #tpu.memory_space<vmem>>, vector<16x4096xf32>,
    %slice3A_2238 = vector.extract_strided_slice %pad3A_2201 {offsets = [0, 33], sizes = [16, 4096], strides = [1, 1]} : vector<16x4162xf32> to vector<16x4096xf32>
    %swap3A_2239 = arith.constant 64 : index
    %swap3A_2240 = arith.constant 0 : index
    %swap3A_2241 = vector.load %arg27[%swap3A_2239, %swap3A_2240] : memref<144x4096xf32, #tpu.memory_space<vmem>>, vector<16x4096xf32>
    tpu.vector_store %arg27[%swap3A_2239, %swap3A_2240], %slice3A_2238 {strides = array<i32>} : memref<144x4096xf32, #tpu.memory_space<vmem>>, vector<16x4096xf32>,
    %slice3A_2242 = vector.extract_strided_slice %pad3A_2201 {offsets = [0, 34], sizes = [16, 4096], strides = [1, 1]} : vector<16x4162xf32> to vector<16x4096xf32>
    %jit3A_2243 = arith.constant 0.000000e+00 : f32
    %broadcast_in_dim3A_2244 = vector.shape_cast %and3A_239 : vector<1x4096xi1> to vector<1x4096xi1>
    %broadcast_in_dim3A_2245 = vector.broadcast %broadcast_in_dim3A_2244 : vector<1x4096xi1> to vector<16x4096xi1>
    %broadcast_in_dim3A_2246 = vector.broadcast %jit3A_2243 : f32 to vector<16x4096xf32>
    %select_n3A_2247 = arith.select %broadcast_in_dim3A_2245, %slice3A_2242, %broadcast_in_dim3A_2246 : vector<16x4096xi1>, vector<16x4096xf32>
    %swap3A_2248 = arith.constant 80 : index
    %swap3A_2249 = arith.constant 0 : index
    %swap3A_2250 = vector.load %arg27[%swap3A_2248, %swap3A_2249] : memref<144x4096xf32, #tpu.memory_space<vmem>>, vector<16x4096xf32>
    tpu.vector_store %arg27[%swap3A_2248, %swap3A_2249], %select_n3A_2247 {strides = array<i32>} : memref<144x4096xf32, #tpu.memory_space<vmem>>, vector<16x4096xf32>,
    %slice3A_2251 = vector.extract_strided_slice %pad3A_2201 {offsets = [0, 64], sizes = [16, 4096], strides = [1, 1]} : vector<16x4162xf32> to vector<16x4096xf32>
    %jit3A_2252 = arith.constant 0.000000e+00 : f32
    %broadcast_in_dim3A_2253 = vector.shape_cast %and3A_266 : vector<1x4096xi1> to vector<1x4096xi1>
    %broadcast_in_dim3A_2254 = vector.broadcast %broadcast_in_dim3A_2253 : vector<1x4096xi1> to vector<16x4096xi1>
    %broadcast_in_dim3A_2255 = vector.broadcast %jit3A_2252 : f32 to vector<16x4096xf32>
    %select_n3A_2256 = arith.select %broadcast_in_dim3A_2254, %slice3A_2251, %broadcast_in_dim3A_2255 : vector<16x4096xi1>, vector<16x4096xf32>
    %swap3A_2257 = arith.constant 96 : index
    %swap3A_2258 = arith.constant 0 : index
    %swap3A_2259 = vector.load %arg27[%swap3A_2257, %swap3A_2258] : memref<144x4096xf32, #tpu.memory_space<vmem>>, vector<16x4096xf32>
    tpu.vector_store %arg27[%swap3A_2257, %swap3A_2258], %select_n3A_2256 {strides = array<i32>} : memref<144x4096xf32, #tpu.memory_space<vmem>>, vector<16x4096xf32>,
    %slice3A_2260 = vector.extract_strided_slice %pad3A_2201 {offsets = [0, 65], sizes = [16, 4096], strides = [1, 1]} : vector<16x4162xf32> to vector<16x4096xf32>
    %jit3A_2261 = arith.constant 0.000000e+00 : f32
    %broadcast_in_dim3A_2262 = vector.shape_cast %and3A_279 : vector<1x4096xi1> to vector<1x4096xi1>
    %broadcast_in_dim3A_2263 = vector.broadcast %broadcast_in_dim3A_2262 : vector<1x4096xi1> to vector<16x4096xi1>
    %broadcast_in_dim3A_2264 = vector.broadcast %jit3A_2261 : f32 to vector<16x4096xf32>
    %select_n3A_2265 = arith.select %broadcast_in_dim3A_2263, %slice3A_2260, %broadcast_in_dim3A_2264 : vector<16x4096xi1>, vector<16x4096xf32>
    %swap3A_2266 = arith.constant 112 : index
    %swap3A_2267 = arith.constant 0 : index
    %swap3A_2268 = vector.load %arg27[%swap3A_2266, %swap3A_2267] : memref<144x4096xf32, #tpu.memory_space<vmem>>, vector<16x4096xf32>
    tpu.vector_store %arg27[%swap3A_2266, %swap3A_2267], %select_n3A_2265 {strides = array<i32>} : memref<144x4096xf32, #tpu.memory_space<vmem>>, vector<16x4096xf32>,
    %slice3A_2269 = vector.extract_strided_slice %pad3A_2201 {offsets = [0, 66], sizes = [16, 4096], strides = [1, 1]} : vector<16x4162xf32> to vector<16x4096xf32>
    %jit3A_2270 = arith.constant 0.000000e+00 : f32
    %broadcast_in_dim3A_2271 = vector.shape_cast %and3A_306 : vector<1x4096xi1> to vector<1x4096xi1>
    %broadcast_in_dim3A_2272 = vector.broadcast %broadcast_in_dim3A_2271 : vector<1x4096xi1> to vector<16x4096xi1>
    %broadcast_in_dim3A_2273 = vector.broadcast %jit3A_2270 : f32 to vector<16x4096xf32>
    %select_n3A_2274 = arith.select %broadcast_in_dim3A_2272, %slice3A_2269, %broadcast_in_dim3A_2273 : vector<16x4096xi1>, vector<16x4096xf32>
    %swap3A_2275 = arith.constant 128 : index
    %swap3A_2276 = arith.constant 0 : index
    %swap3A_2277 = vector.load %arg27[%swap3A_2275, %swap3A_2276] : memref<144x4096xf32, #tpu.memory_space<vmem>>, vector<16x4096xf32>
    tpu.vector_store %arg27[%swap3A_2275, %swap3A_2276], %select_n3A_2274 {strides = array<i32>} : memref<144x4096xf32, #tpu.memory_space<vmem>>, vector<16x4096xf32>,
    %get3A_2278 = arith.constant 0 : index
    %get3A_2279 = arith.constant 0 : index
    %get3A_2280 = vector.load %arg27[%get3A_2278, %get3A_2279] : memref<144x4096xf32, #tpu.memory_space<vmem>>, vector<144x4096xf32>
    %slice3A_2281 = vector.extract_strided_slice %concatenate3A {offsets = [0, 0], sizes = [1, 1], strides = [1, 1]} : vector<4x3xf32> to vector<1x1xf32>
    %slice3A_2282 = vector.extract_strided_slice %concatenate3A {offsets = [0, 1], sizes = [1, 1], strides = [1, 1]} : vector<4x3xf32> to vector<1x1xf32>
    %slice3A_2283 = vector.extract_strided_slice %concatenate3A {offsets = [0, 2], sizes = [1, 1], strides = [1, 1]} : vector<4x3xf32> to vector<1x1xf32>
    %get3A_2284 = arith.constant 0 : index
    %get3A_2285 = arith.constant 1 : index
    %get3A_2286 = arith.constant 0 : index
    %get3A_2287 = arith.constant 0 : index
    %get3A_2288 = vector.load %arg17[%get3A_2284, %get3A_2285, %get3A_2286, %get3A_2287] : memref<3x3x16x144xf32, #tpu.memory_space<vmem>>, vector<1x1x16x144xf32>
    %get3A_2289 = vector.shape_cast %get3A_2288 : vector<1x1x16x144xf32> to vector<16x144xf32>
    %mul3A_2290 = vector.broadcast %slice3A_2281 : vector<1x1xf32> to vector<16x144xf32>
    %mul3A_2291 = arith.mulf %mul3A_2290, %get3A_2289 : vector<16x144xf32>
    %get3A_2292 = arith.constant 1 : index
    %get3A_2293 = arith.constant 1 : index
    %get3A_2294 = arith.constant 0 : index
    %get3A_2295 = arith.constant 0 : index
    %get3A_2296 = vector.load %arg17[%get3A_2292, %get3A_2293, %get3A_2294, %get3A_2295] : memref<3x3x16x144xf32, #tpu.memory_space<vmem>>, vector<1x1x16x144xf32>
    %get3A_2297 = vector.shape_cast %get3A_2296 : vector<1x1x16x144xf32> to vector<16x144xf32>
    %mul3A_2298 = vector.broadcast %slice3A_2282 : vector<1x1xf32> to vector<16x144xf32>
    %mul3A_2299 = arith.mulf %mul3A_2298, %get3A_2297 : vector<16x144xf32>
    %add3A_2300 = arith.addf %mul3A_2291, %mul3A_2299 : vector<16x144xf32>
    %get3A_2301 = arith.constant 2 : index
    %get3A_2302 = arith.constant 1 : index
    %get3A_2303 = arith.constant 0 : index
    %get3A_2304 = arith.constant 0 : index
    %get3A_2305 = vector.load %arg17[%get3A_2301, %get3A_2302, %get3A_2303, %get3A_2304] : memref<3x3x16x144xf32, #tpu.memory_space<vmem>>, vector<1x1x16x144xf32>
    %get3A_2306 = vector.shape_cast %get3A_2305 : vector<1x1x16x144xf32> to vector<16x144xf32>
    %mul3A_2307 = vector.broadcast %slice3A_2283 : vector<1x1xf32> to vector<16x144xf32>
    %mul3A_2308 = arith.mulf %mul3A_2307, %get3A_2306 : vector<16x144xf32>
    %add3A_2309 = arith.addf %add3A_2300, %mul3A_2308 : vector<16x144xf32>
    %slice3A_2310 = vector.extract_strided_slice %get3A_2280 {offsets = [0, 0], sizes = [144, 1024], strides = [1, 1]} : vector<144x4096xf32> to vector<144x1024xf32>
    %dot_general3A_2311 = arith.constant dense<0.000000e+00> : vector<16x1024xf32>
    %dot_general3A_2312 = tpu.matmul %add3A_2309, %slice3A_2310, %dot_general3A_2311 {dimension_numbers = #tpu.dot_dimension_numbers<[1], [0], [0], [1], [0, 0, 1, 1], [], []>, transpose_lhs_hint = false} : vector<16x144xf32>, vector<144x1024xf32>, vector<16x1024xf32> -> vector<16x1024xf32>
    %get3A_2313 = arith.constant 0 : index
    %get3A_2314 = arith.constant 1 : index
    %get3A_2315 = arith.constant 0 : index
    %get3A_2316 = arith.constant 0 : index
    %get3A_2317 = vector.load %arg18[%get3A_2313, %get3A_2314, %get3A_2315, %get3A_2316] : memref<3x3x16x1xf32, #tpu.memory_space<vmem>>, vector<1x1x16x1xf32>
    %get3A_2318 = vector.shape_cast %get3A_2317 : vector<1x1x16x1xf32> to vector<16x1xf32>
    %mul3A_2319 = vector.broadcast %slice3A_2281 : vector<1x1xf32> to vector<16x1xf32>
    %mul3A_2320 = arith.mulf %mul3A_2319, %get3A_2318 : vector<16x1xf32>
    %get3A_2321 = arith.constant 1 : index
    %get3A_2322 = arith.constant 1 : index
    %get3A_2323 = arith.constant 0 : index
    %get3A_2324 = arith.constant 0 : index
    %get3A_2325 = vector.load %arg18[%get3A_2321, %get3A_2322, %get3A_2323, %get3A_2324] : memref<3x3x16x1xf32, #tpu.memory_space<vmem>>, vector<1x1x16x1xf32>
    %get3A_2326 = vector.shape_cast %get3A_2325 : vector<1x1x16x1xf32> to vector<16x1xf32>
    %mul3A_2327 = vector.broadcast %slice3A_2282 : vector<1x1xf32> to vector<16x1xf32>
    %mul3A_2328 = arith.mulf %mul3A_2327, %get3A_2326 : vector<16x1xf32>
    %add3A_2329 = arith.addf %mul3A_2320, %mul3A_2328 : vector<16x1xf32>
    %get3A_2330 = arith.constant 2 : index
    %get3A_2331 = arith.constant 1 : index
    %get3A_2332 = arith.constant 0 : index
    %get3A_2333 = arith.constant 0 : index
    %get3A_2334 = vector.load %arg18[%get3A_2330, %get3A_2331, %get3A_2332, %get3A_2333] : memref<3x3x16x1xf32, #tpu.memory_space<vmem>>, vector<1x1x16x1xf32>
    %get3A_2335 = vector.shape_cast %get3A_2334 : vector<1x1x16x1xf32> to vector<16x1xf32>
    %mul3A_2336 = vector.broadcast %slice3A_2283 : vector<1x1xf32> to vector<16x1xf32>
    %mul3A_2337 = arith.mulf %mul3A_2336, %get3A_2335 : vector<16x1xf32>
    %add3A_2338 = arith.addf %add3A_2329, %mul3A_2337 : vector<16x1xf32>
    %add3A_2339 = vector.broadcast %add3A_2338 : vector<16x1xf32> to vector<16x1024xf32>
    %add3A_2340 = arith.addf %dot_general3A_2312, %add3A_2339 : vector<16x1024xf32>
    %get3A_2341 = arith.constant 0 : index
    %get3A_2342 = arith.constant 1 : index
    %get3A_2343 = arith.constant 0 : index
    %get3A_2344 = arith.constant 0 : index
    %get3A_2345 = vector.load %arg19[%get3A_2341, %get3A_2342, %get3A_2343, %get3A_2344] : memref<3x3x16x1xf32, #tpu.memory_space<vmem>>, vector<1x1x16x1xf32>
    %get3A_2346 = vector.shape_cast %get3A_2345 : vector<1x1x16x1xf32> to vector<16x1xf32>
    %mul3A_2347 = vector.broadcast %slice3A_2281 : vector<1x1xf32> to vector<16x1xf32>
    %mul3A_2348 = arith.mulf %mul3A_2347, %get3A_2346 : vector<16x1xf32>
    %get3A_2349 = arith.constant 1 : index
    %get3A_2350 = arith.constant 1 : index
    %get3A_2351 = arith.constant 0 : index
    %get3A_2352 = arith.constant 0 : index
    %get3A_2353 = vector.load %arg19[%get3A_2349, %get3A_2350, %get3A_2351, %get3A_2352] : memref<3x3x16x1xf32, #tpu.memory_space<vmem>>, vector<1x1x16x1xf32>
    %get3A_2354 = vector.shape_cast %get3A_2353 : vector<1x1x16x1xf32> to vector<16x1xf32>
    %mul3A_2355 = vector.broadcast %slice3A_2282 : vector<1x1xf32> to vector<16x1xf32>
    %mul3A_2356 = arith.mulf %mul3A_2355, %get3A_2354 : vector<16x1xf32>
    %add3A_2357 = arith.addf %mul3A_2348, %mul3A_2356 : vector<16x1xf32>
    %get3A_2358 = arith.constant 2 : index
    %get3A_2359 = arith.constant 1 : index
    %get3A_2360 = arith.constant 0 : index
    %get3A_2361 = arith.constant 0 : index
    %get3A_2362 = vector.load %arg19[%get3A_2358, %get3A_2359, %get3A_2360, %get3A_2361] : memref<3x3x16x1xf32, #tpu.memory_space<vmem>>, vector<1x1x16x1xf32>
    %get3A_2363 = vector.shape_cast %get3A_2362 : vector<1x1x16x1xf32> to vector<16x1xf32>
    %mul3A_2364 = vector.broadcast %slice3A_2283 : vector<1x1xf32> to vector<16x1xf32>
    %mul3A_2365 = arith.mulf %mul3A_2364, %get3A_2363 : vector<16x1xf32>
    %add3A_2366 = arith.addf %add3A_2357, %mul3A_2365 : vector<16x1xf32>
    %gt3A_2367 = arith.constant 0.000000e+00 : f32
    %gt3A_2368 = vector.broadcast %gt3A_2367 : f32 to vector<16x1024xf32>
    %gt3A_2369 = arith.cmpf ogt, %add3A_2340, %gt3A_2368 : vector<16x1024xf32>
    %mul3A_2370 = vector.broadcast %add3A_2366 : vector<16x1xf32> to vector<16x1024xf32>
    %mul3A_2371 = arith.mulf %mul3A_2370, %add3A_2340 : vector<16x1024xf32>
    %select_n3A_2372 = arith.select %gt3A_2369, %add3A_2340, %mul3A_2371 : vector<16x1024xi1>, vector<16x1024xf32>
    %slice3A_2373 = vector.extract_strided_slice %concatenate3A {offsets = [1, 0], sizes = [1, 1], strides = [1, 1]} : vector<4x3xf32> to vector<1x1xf32>
    %slice3A_2374 = vector.extract_strided_slice %concatenate3A {offsets = [1, 1], sizes = [1, 1], strides = [1, 1]} : vector<4x3xf32> to vector<1x1xf32>
    %slice3A_2375 = vector.extract_strided_slice %concatenate3A {offsets = [1, 2], sizes = [1, 1], strides = [1, 1]} : vector<4x3xf32> to vector<1x1xf32>
    %get3A_2376 = arith.constant 0 : index
    %get3A_2377 = arith.constant 1 : index
    %get3A_2378 = arith.constant 0 : index
    %get3A_2379 = arith.constant 0 : index
    %get3A_2380 = vector.load %arg17[%get3A_2376, %get3A_2377, %get3A_2378, %get3A_2379] : memref<3x3x16x144xf32, #tpu.memory_space<vmem>>, vector<1x1x16x144xf32>
    %get3A_2381 = vector.shape_cast %get3A_2380 : vector<1x1x16x144xf32> to vector<16x144xf32>
    %mul3A_2382 = vector.broadcast %slice3A_2373 : vector<1x1xf32> to vector<16x144xf32>
    %mul3A_2383 = arith.mulf %mul3A_2382, %get3A_2381 : vector<16x144xf32>
    %get3A_2384 = arith.constant 1 : index
    %get3A_2385 = arith.constant 1 : index
    %get3A_2386 = arith.constant 0 : index
    %get3A_2387 = arith.constant 0 : index
    %get3A_2388 = vector.load %arg17[%get3A_2384, %get3A_2385, %get3A_2386, %get3A_2387] : memref<3x3x16x144xf32, #tpu.memory_space<vmem>>, vector<1x1x16x144xf32>
    %get3A_2389 = vector.shape_cast %get3A_2388 : vector<1x1x16x144xf32> to vector<16x144xf32>
    %mul3A_2390 = vector.broadcast %slice3A_2374 : vector<1x1xf32> to vector<16x144xf32>
    %mul3A_2391 = arith.mulf %mul3A_2390, %get3A_2389 : vector<16x144xf32>
    %add3A_2392 = arith.addf %mul3A_2383, %mul3A_2391 : vector<16x144xf32>
    %get3A_2393 = arith.constant 2 : index
    %get3A_2394 = arith.constant 1 : index
    %get3A_2395 = arith.constant 0 : index
    %get3A_2396 = arith.constant 0 : index
    %get3A_2397 = vector.load %arg17[%get3A_2393, %get3A_2394, %get3A_2395, %get3A_2396] : memref<3x3x16x144xf32, #tpu.memory_space<vmem>>, vector<1x1x16x144xf32>
    %get3A_2398 = vector.shape_cast %get3A_2397 : vector<1x1x16x144xf32> to vector<16x144xf32>
    %mul3A_2399 = vector.broadcast %slice3A_2375 : vector<1x1xf32> to vector<16x144xf32>
    %mul3A_2400 = arith.mulf %mul3A_2399, %get3A_2398 : vector<16x144xf32>
    %add3A_2401 = arith.addf %add3A_2392, %mul3A_2400 : vector<16x144xf32>
    %slice3A_2402 = vector.extract_strided_slice %get3A_2280 {offsets = [0, 1024], sizes = [144, 1024], strides = [1, 1]} : vector<144x4096xf32> to vector<144x1024xf32>
    %dot_general3A_2403 = arith.constant dense<0.000000e+00> : vector<16x1024xf32>
    %dot_general3A_2404 = tpu.matmul %add3A_2401, %slice3A_2402, %dot_general3A_2403 {dimension_numbers = #tpu.dot_dimension_numbers<[1], [0], [0], [1], [0, 0, 1, 1], [], []>, transpose_lhs_hint = false} : vector<16x144xf32>, vector<144x1024xf32>, vector<16x1024xf32> -> vector<16x1024xf32>
    %get3A_2405 = arith.constant 0 : index
    %get3A_2406 = arith.constant 1 : index
    %get3A_2407 = arith.constant 0 : index
    %get3A_2408 = arith.constant 0 : index
    %get3A_2409 = vector.load %arg18[%get3A_2405, %get3A_2406, %get3A_2407, %get3A_2408] : memref<3x3x16x1xf32, #tpu.memory_space<vmem>>, vector<1x1x16x1xf32>
    %get3A_2410 = vector.shape_cast %get3A_2409 : vector<1x1x16x1xf32> to vector<16x1xf32>
    %mul3A_2411 = vector.broadcast %slice3A_2373 : vector<1x1xf32> to vector<16x1xf32>
    %mul3A_2412 = arith.mulf %mul3A_2411, %get3A_2410 : vector<16x1xf32>
    %get3A_2413 = arith.constant 1 : index
    %get3A_2414 = arith.constant 1 : index
    %get3A_2415 = arith.constant 0 : index
    %get3A_2416 = arith.constant 0 : index
    %get3A_2417 = vector.load %arg18[%get3A_2413, %get3A_2414, %get3A_2415, %get3A_2416] : memref<3x3x16x1xf32, #tpu.memory_space<vmem>>, vector<1x1x16x1xf32>
    %get3A_2418 = vector.shape_cast %get3A_2417 : vector<1x1x16x1xf32> to vector<16x1xf32>
    %mul3A_2419 = vector.broadcast %slice3A_2374 : vector<1x1xf32> to vector<16x1xf32>
    %mul3A_2420 = arith.mulf %mul3A_2419, %get3A_2418 : vector<16x1xf32>
    %add3A_2421 = arith.addf %mul3A_2412, %mul3A_2420 : vector<16x1xf32>
    %get3A_2422 = arith.constant 2 : index
    %get3A_2423 = arith.constant 1 : index
    %get3A_2424 = arith.constant 0 : index
    %get3A_2425 = arith.constant 0 : index
    %get3A_2426 = vector.load %arg18[%get3A_2422, %get3A_2423, %get3A_2424, %get3A_2425] : memref<3x3x16x1xf32, #tpu.memory_space<vmem>>, vector<1x1x16x1xf32>
    %get3A_2427 = vector.shape_cast %get3A_2426 : vector<1x1x16x1xf32> to vector<16x1xf32>
    %mul3A_2428 = vector.broadcast %slice3A_2375 : vector<1x1xf32> to vector<16x1xf32>
    %mul3A_2429 = arith.mulf %mul3A_2428, %get3A_2427 : vector<16x1xf32>
    %add3A_2430 = arith.addf %add3A_2421, %mul3A_2429 : vector<16x1xf32>
    %add3A_2431 = vector.broadcast %add3A_2430 : vector<16x1xf32> to vector<16x1024xf32>
    %add3A_2432 = arith.addf %dot_general3A_2404, %add3A_2431 : vector<16x1024xf32>
    %get3A_2433 = arith.constant 0 : index
    %get3A_2434 = arith.constant 1 : index
    %get3A_2435 = arith.constant 0 : index
    %get3A_2436 = arith.constant 0 : index
    %get3A_2437 = vector.load %arg19[%get3A_2433, %get3A_2434, %get3A_2435, %get3A_2436] : memref<3x3x16x1xf32, #tpu.memory_space<vmem>>, vector<1x1x16x1xf32>
    %get3A_2438 = vector.shape_cast %get3A_2437 : vector<1x1x16x1xf32> to vector<16x1xf32>
    %mul3A_2439 = vector.broadcast %slice3A_2373 : vector<1x1xf32> to vector<16x1xf32>
    %mul3A_2440 = arith.mulf %mul3A_2439, %get3A_2438 : vector<16x1xf32>
    %get3A_2441 = arith.constant 1 : index
    %get3A_2442 = arith.constant 1 : index
    %get3A_2443 = arith.constant 0 : index
    %get3A_2444 = arith.constant 0 : index
    %get3A_2445 = vector.load %arg19[%get3A_2441, %get3A_2442, %get3A_2443, %get3A_2444] : memref<3x3x16x1xf32, #tpu.memory_space<vmem>>, vector<1x1x16x1xf32>
    %get3A_2446 = vector.shape_cast %get3A_2445 : vector<1x1x16x1xf32> to vector<16x1xf32>
    %mul3A_2447 = vector.broadcast %slice3A_2374 : vector<1x1xf32> to vector<16x1xf32>
    %mul3A_2448 = arith.mulf %mul3A_2447, %get3A_2446 : vector<16x1xf32>
    %add3A_2449 = arith.addf %mul3A_2440, %mul3A_2448 : vector<16x1xf32>
    %get3A_2450 = arith.constant 2 : index
    %get3A_2451 = arith.constant 1 : index
    %get3A_2452 = arith.constant 0 : index
    %get3A_2453 = arith.constant 0 : index
    %get3A_2454 = vector.load %arg19[%get3A_2450, %get3A_2451, %get3A_2452, %get3A_2453] : memref<3x3x16x1xf32, #tpu.memory_space<vmem>>, vector<1x1x16x1xf32>
    %get3A_2455 = vector.shape_cast %get3A_2454 : vector<1x1x16x1xf32> to vector<16x1xf32>
    %mul3A_2456 = vector.broadcast %slice3A_2375 : vector<1x1xf32> to vector<16x1xf32>
    %mul3A_2457 = arith.mulf %mul3A_2456, %get3A_2455 : vector<16x1xf32>
    %add3A_2458 = arith.addf %add3A_2449, %mul3A_2457 : vector<16x1xf32>
    %gt3A_2459 = arith.constant 0.000000e+00 : f32
    %gt3A_2460 = vector.broadcast %gt3A_2459 : f32 to vector<16x1024xf32>
    %gt3A_2461 = arith.cmpf ogt, %add3A_2432, %gt3A_2460 : vector<16x1024xf32>
    %mul3A_2462 = vector.broadcast %add3A_2458 : vector<16x1xf32> to vector<16x1024xf32>
    %mul3A_2463 = arith.mulf %mul3A_2462, %add3A_2432 : vector<16x1024xf32>
    %select_n3A_2464 = arith.select %gt3A_2461, %add3A_2432, %mul3A_2463 : vector<16x1024xi1>, vector<16x1024xf32>
    %slice3A_2465 = vector.extract_strided_slice %concatenate3A {offsets = [2, 0], sizes = [1, 1], strides = [1, 1]} : vector<4x3xf32> to vector<1x1xf32>
    %slice3A_2466 = vector.extract_strided_slice %concatenate3A {offsets = [2, 1], sizes = [1, 1], strides = [1, 1]} : vector<4x3xf32> to vector<1x1xf32>
    %slice3A_2467 = vector.extract_strided_slice %concatenate3A {offsets = [2, 2], sizes = [1, 1], strides = [1, 1]} : vector<4x3xf32> to vector<1x1xf32>
    %get3A_2468 = arith.constant 0 : index
    %get3A_2469 = arith.constant 1 : index
    %get3A_2470 = arith.constant 0 : index
    %get3A_2471 = arith.constant 0 : index
    %get3A_2472 = vector.load %arg17[%get3A_2468, %get3A_2469, %get3A_2470, %get3A_2471] : memref<3x3x16x144xf32, #tpu.memory_space<vmem>>, vector<1x1x16x144xf32>
    %get3A_2473 = vector.shape_cast %get3A_2472 : vector<1x1x16x144xf32> to vector<16x144xf32>
    %mul3A_2474 = vector.broadcast %slice3A_2465 : vector<1x1xf32> to vector<16x144xf32>
    %mul3A_2475 = arith.mulf %mul3A_2474, %get3A_2473 : vector<16x144xf32>
    %get3A_2476 = arith.constant 1 : index
    %get3A_2477 = arith.constant 1 : index
    %get3A_2478 = arith.constant 0 : index
    %get3A_2479 = arith.constant 0 : index
    %get3A_2480 = vector.load %arg17[%get3A_2476, %get3A_2477, %get3A_2478, %get3A_2479] : memref<3x3x16x144xf32, #tpu.memory_space<vmem>>, vector<1x1x16x144xf32>
    %get3A_2481 = vector.shape_cast %get3A_2480 : vector<1x1x16x144xf32> to vector<16x144xf32>
    %mul3A_2482 = vector.broadcast %slice3A_2466 : vector<1x1xf32> to vector<16x144xf32>
    %mul3A_2483 = arith.mulf %mul3A_2482, %get3A_2481 : vector<16x144xf32>
    %add3A_2484 = arith.addf %mul3A_2475, %mul3A_2483 : vector<16x144xf32>
    %get3A_2485 = arith.constant 2 : index
    %get3A_2486 = arith.constant 1 : index
    %get3A_2487 = arith.constant 0 : index
    %get3A_2488 = arith.constant 0 : index
    %get3A_2489 = vector.load %arg17[%get3A_2485, %get3A_2486, %get3A_2487, %get3A_2488] : memref<3x3x16x144xf32, #tpu.memory_space<vmem>>, vector<1x1x16x144xf32>
    %get3A_2490 = vector.shape_cast %get3A_2489 : vector<1x1x16x144xf32> to vector<16x144xf32>
    %mul3A_2491 = vector.broadcast %slice3A_2467 : vector<1x1xf32> to vector<16x144xf32>
    %mul3A_2492 = arith.mulf %mul3A_2491, %get3A_2490 : vector<16x144xf32>
    %add3A_2493 = arith.addf %add3A_2484, %mul3A_2492 : vector<16x144xf32>
    %slice3A_2494 = vector.extract_strided_slice %get3A_2280 {offsets = [0, 2048], sizes = [144, 1024], strides = [1, 1]} : vector<144x4096xf32> to vector<144x1024xf32>
    %dot_general3A_2495 = arith.constant dense<0.000000e+00> : vector<16x1024xf32>
    %dot_general3A_2496 = tpu.matmul %add3A_2493, %slice3A_2494, %dot_general3A_2495 {dimension_numbers = #tpu.dot_dimension_numbers<[1], [0], [0], [1], [0, 0, 1, 1], [], []>, transpose_lhs_hint = false} : vector<16x144xf32>, vector<144x1024xf32>, vector<16x1024xf32> -> vector<16x1024xf32>
    %get3A_2497 = arith.constant 0 : index
    %get3A_2498 = arith.constant 1 : index
    %get3A_2499 = arith.constant 0 : index
    %get3A_2500 = arith.constant 0 : index
    %get3A_2501 = vector.load %arg18[%get3A_2497, %get3A_2498, %get3A_2499, %get3A_2500] : memref<3x3x16x1xf32, #tpu.memory_space<vmem>>, vector<1x1x16x1xf32>
    %get3A_2502 = vector.shape_cast %get3A_2501 : vector<1x1x16x1xf32> to vector<16x1xf32>
    %mul3A_2503 = vector.broadcast %slice3A_2465 : vector<1x1xf32> to vector<16x1xf32>
    %mul3A_2504 = arith.mulf %mul3A_2503, %get3A_2502 : vector<16x1xf32>
    %get3A_2505 = arith.constant 1 : index
    %get3A_2506 = arith.constant 1 : index
    %get3A_2507 = arith.constant 0 : index
    %get3A_2508 = arith.constant 0 : index
    %get3A_2509 = vector.load %arg18[%get3A_2505, %get3A_2506, %get3A_2507, %get3A_2508] : memref<3x3x16x1xf32, #tpu.memory_space<vmem>>, vector<1x1x16x1xf32>
    %get3A_2510 = vector.shape_cast %get3A_2509 : vector<1x1x16x1xf32> to vector<16x1xf32>
    %mul3A_2511 = vector.broadcast %slice3A_2466 : vector<1x1xf32> to vector<16x1xf32>
    %mul3A_2512 = arith.mulf %mul3A_2511, %get3A_2510 : vector<16x1xf32>
    %add3A_2513 = arith.addf %mul3A_2504, %mul3A_2512 : vector<16x1xf32>
    %get3A_2514 = arith.constant 2 : index
    %get3A_2515 = arith.constant 1 : index
    %get3A_2516 = arith.constant 0 : index
    %get3A_2517 = arith.constant 0 : index
    %get3A_2518 = vector.load %arg18[%get3A_2514, %get3A_2515, %get3A_2516, %get3A_2517] : memref<3x3x16x1xf32, #tpu.memory_space<vmem>>, vector<1x1x16x1xf32>
    %get3A_2519 = vector.shape_cast %get3A_2518 : vector<1x1x16x1xf32> to vector<16x1xf32>
    %mul3A_2520 = vector.broadcast %slice3A_2467 : vector<1x1xf32> to vector<16x1xf32>
    %mul3A_2521 = arith.mulf %mul3A_2520, %get3A_2519 : vector<16x1xf32>
    %add3A_2522 = arith.addf %add3A_2513, %mul3A_2521 : vector<16x1xf32>
    %add3A_2523 = vector.broadcast %add3A_2522 : vector<16x1xf32> to vector<16x1024xf32>
    %add3A_2524 = arith.addf %dot_general3A_2496, %add3A_2523 : vector<16x1024xf32>
    %get3A_2525 = arith.constant 0 : index
    %get3A_2526 = arith.constant 1 : index
    %get3A_2527 = arith.constant 0 : index
    %get3A_2528 = arith.constant 0 : index
    %get3A_2529 = vector.load %arg19[%get3A_2525, %get3A_2526, %get3A_2527, %get3A_2528] : memref<3x3x16x1xf32, #tpu.memory_space<vmem>>, vector<1x1x16x1xf32>
    %get3A_2530 = vector.shape_cast %get3A_2529 : vector<1x1x16x1xf32> to vector<16x1xf32>
    %mul3A_2531 = vector.broadcast %slice3A_2465 : vector<1x1xf32> to vector<16x1xf32>
    %mul3A_2532 = arith.mulf %mul3A_2531, %get3A_2530 : vector<16x1xf32>
    %get3A_2533 = arith.constant 1 : index
    %get3A_2534 = arith.constant 1 : index
    %get3A_2535 = arith.constant 0 : index
    %get3A_2536 = arith.constant 0 : index
    %get3A_2537 = vector.load %arg19[%get3A_2533, %get3A_2534, %get3A_2535, %get3A_2536] : memref<3x3x16x1xf32, #tpu.memory_space<vmem>>, vector<1x1x16x1xf32>
    %get3A_2538 = vector.shape_cast %get3A_2537 : vector<1x1x16x1xf32> to vector<16x1xf32>
    %mul3A_2539 = vector.broadcast %slice3A_2466 : vector<1x1xf32> to vector<16x1xf32>
    %mul3A_2540 = arith.mulf %mul3A_2539, %get3A_2538 : vector<16x1xf32>
    %add3A_2541 = arith.addf %mul3A_2532, %mul3A_2540 : vector<16x1xf32>
    %get3A_2542 = arith.constant 2 : index
    %get3A_2543 = arith.constant 1 : index
    %get3A_2544 = arith.constant 0 : index
    %get3A_2545 = arith.constant 0 : index
    %get3A_2546 = vector.load %arg19[%get3A_2542, %get3A_2543, %get3A_2544, %get3A_2545] : memref<3x3x16x1xf32, #tpu.memory_space<vmem>>, vector<1x1x16x1xf32>
    %get3A_2547 = vector.shape_cast %get3A_2546 : vector<1x1x16x1xf32> to vector<16x1xf32>
    %mul3A_2548 = vector.broadcast %slice3A_2467 : vector<1x1xf32> to vector<16x1xf32>
    %mul3A_2549 = arith.mulf %mul3A_2548, %get3A_2547 : vector<16x1xf32>
    %add3A_2550 = arith.addf %add3A_2541, %mul3A_2549 : vector<16x1xf32>
    %gt3A_2551 = arith.constant 0.000000e+00 : f32
    %gt3A_2552 = vector.broadcast %gt3A_2551 : f32 to vector<16x1024xf32>
    %gt3A_2553 = arith.cmpf ogt, %add3A_2524, %gt3A_2552 : vector<16x1024xf32>
    %mul3A_2554 = vector.broadcast %add3A_2550 : vector<16x1xf32> to vector<16x1024xf32>
    %mul3A_2555 = arith.mulf %mul3A_2554, %add3A_2524 : vector<16x1024xf32>
    %select_n3A_2556 = arith.select %gt3A_2553, %add3A_2524, %mul3A_2555 : vector<16x1024xi1>, vector<16x1024xf32>
    %slice3A_2557 = vector.extract_strided_slice %concatenate3A {offsets = [3, 0], sizes = [1, 1], strides = [1, 1]} : vector<4x3xf32> to vector<1x1xf32>
    %slice3A_2558 = vector.extract_strided_slice %concatenate3A {offsets = [3, 1], sizes = [1, 1], strides = [1, 1]} : vector<4x3xf32> to vector<1x1xf32>
    %slice3A_2559 = vector.extract_strided_slice %concatenate3A {offsets = [3, 2], sizes = [1, 1], strides = [1, 1]} : vector<4x3xf32> to vector<1x1xf32>
    %get3A_2560 = arith.constant 0 : index
    %get3A_2561 = arith.constant 1 : index
    %get3A_2562 = arith.constant 0 : index
    %get3A_2563 = arith.constant 0 : index
    %get3A_2564 = vector.load %arg17[%get3A_2560, %get3A_2561, %get3A_2562, %get3A_2563] : memref<3x3x16x144xf32, #tpu.memory_space<vmem>>, vector<1x1x16x144xf32>
    %get3A_2565 = vector.shape_cast %get3A_2564 : vector<1x1x16x144xf32> to vector<16x144xf32>
    %mul3A_2566 = vector.broadcast %slice3A_2557 : vector<1x1xf32> to vector<16x144xf32>
    %mul3A_2567 = arith.mulf %mul3A_2566, %get3A_2565 : vector<16x144xf32>
    %get3A_2568 = arith.constant 1 : index
    %get3A_2569 = arith.constant 1 : index
    %get3A_2570 = arith.constant 0 : index
    %get3A_2571 = arith.constant 0 : index
    %get3A_2572 = vector.load %arg17[%get3A_2568, %get3A_2569, %get3A_2570, %get3A_2571] : memref<3x3x16x144xf32, #tpu.memory_space<vmem>>, vector<1x1x16x144xf32>
    %get3A_2573 = vector.shape_cast %get3A_2572 : vector<1x1x16x144xf32> to vector<16x144xf32>
    %mul3A_2574 = vector.broadcast %slice3A_2558 : vector<1x1xf32> to vector<16x144xf32>
    %mul3A_2575 = arith.mulf %mul3A_2574, %get3A_2573 : vector<16x144xf32>
    %add3A_2576 = arith.addf %mul3A_2567, %mul3A_2575 : vector<16x144xf32>
    %get3A_2577 = arith.constant 2 : index
    %get3A_2578 = arith.constant 1 : index
    %get3A_2579 = arith.constant 0 : index
    %get3A_2580 = arith.constant 0 : index
    %get3A_2581 = vector.load %arg17[%get3A_2577, %get3A_2578, %get3A_2579, %get3A_2580] : memref<3x3x16x144xf32, #tpu.memory_space<vmem>>, vector<1x1x16x144xf32>
    %get3A_2582 = vector.shape_cast %get3A_2581 : vector<1x1x16x144xf32> to vector<16x144xf32>
    %mul3A_2583 = vector.broadcast %slice3A_2559 : vector<1x1xf32> to vector<16x144xf32>
    %mul3A_2584 = arith.mulf %mul3A_2583, %get3A_2582 : vector<16x144xf32>
    %add3A_2585 = arith.addf %add3A_2576, %mul3A_2584 : vector<16x144xf32>
    %slice3A_2586 = vector.extract_strided_slice %get3A_2280 {offsets = [0, 3072], sizes = [144, 1024], strides = [1, 1]} : vector<144x4096xf32> to vector<144x1024xf32>
    %dot_general3A_2587 = arith.constant dense<0.000000e+00> : vector<16x1024xf32>
    %dot_general3A_2588 = tpu.matmul %add3A_2585, %slice3A_2586, %dot_general3A_2587 {dimension_numbers = #tpu.dot_dimension_numbers<[1], [0], [0], [1], [0, 0, 1, 1], [], []>, transpose_lhs_hint = false} : vector<16x144xf32>, vector<144x1024xf32>, vector<16x1024xf32> -> vector<16x1024xf32>
    %get3A_2589 = arith.constant 0 : index
    %get3A_2590 = arith.constant 1 : index
    %get3A_2591 = arith.constant 0 : index
    %get3A_2592 = arith.constant 0 : index
    %get3A_2593 = vector.load %arg18[%get3A_2589, %get3A_2590, %get3A_2591, %get3A_2592] : memref<3x3x16x1xf32, #tpu.memory_space<vmem>>, vector<1x1x16x1xf32>
    %get3A_2594 = vector.shape_cast %get3A_2593 : vector<1x1x16x1xf32> to vector<16x1xf32>
    %mul3A_2595 = vector.broadcast %slice3A_2557 : vector<1x1xf32> to vector<16x1xf32>
    %mul3A_2596 = arith.mulf %mul3A_2595, %get3A_2594 : vector<16x1xf32>
    %get3A_2597 = arith.constant 1 : index
    %get3A_2598 = arith.constant 1 : index
    %get3A_2599 = arith.constant 0 : index
    %get3A_2600 = arith.constant 0 : index
    %get3A_2601 = vector.load %arg18[%get3A_2597, %get3A_2598, %get3A_2599, %get3A_2600] : memref<3x3x16x1xf32, #tpu.memory_space<vmem>>, vector<1x1x16x1xf32>
    %get3A_2602 = vector.shape_cast %get3A_2601 : vector<1x1x16x1xf32> to vector<16x1xf32>
    %mul3A_2603 = vector.broadcast %slice3A_2558 : vector<1x1xf32> to vector<16x1xf32>
    %mul3A_2604 = arith.mulf %mul3A_2603, %get3A_2602 : vector<16x1xf32>
    %add3A_2605 = arith.addf %mul3A_2596, %mul3A_2604 : vector<16x1xf32>
    %get3A_2606 = arith.constant 2 : index
    %get3A_2607 = arith.constant 1 : index
    %get3A_2608 = arith.constant 0 : index
    %get3A_2609 = arith.constant 0 : index
    %get3A_2610 = vector.load %arg18[%get3A_2606, %get3A_2607, %get3A_2608, %get3A_2609] : memref<3x3x16x1xf32, #tpu.memory_space<vmem>>, vector<1x1x16x1xf32>
    %get3A_2611 = vector.shape_cast %get3A_2610 : vector<1x1x16x1xf32> to vector<16x1xf32>
    %mul3A_2612 = vector.broadcast %slice3A_2559 : vector<1x1xf32> to vector<16x1xf32>
    %mul3A_2613 = arith.mulf %mul3A_2612, %get3A_2611 : vector<16x1xf32>
    %add3A_2614 = arith.addf %add3A_2605, %mul3A_2613 : vector<16x1xf32>
    %add3A_2615 = vector.broadcast %add3A_2614 : vector<16x1xf32> to vector<16x1024xf32>
    %add3A_2616 = arith.addf %dot_general3A_2588, %add3A_2615 : vector<16x1024xf32>
    %get3A_2617 = arith.constant 0 : index
    %get3A_2618 = arith.constant 1 : index
    %get3A_2619 = arith.constant 0 : index
    %get3A_2620 = arith.constant 0 : index
    %get3A_2621 = vector.load %arg19[%get3A_2617, %get3A_2618, %get3A_2619, %get3A_2620] : memref<3x3x16x1xf32, #tpu.memory_space<vmem>>, vector<1x1x16x1xf32>
    %get3A_2622 = vector.shape_cast %get3A_2621 : vector<1x1x16x1xf32> to vector<16x1xf32>
    %mul3A_2623 = vector.broadcast %slice3A_2557 : vector<1x1xf32> to vector<16x1xf32>
    %mul3A_2624 = arith.mulf %mul3A_2623, %get3A_2622 : vector<16x1xf32>
    %get3A_2625 = arith.constant 1 : index
    %get3A_2626 = arith.constant 1 : index
    %get3A_2627 = arith.constant 0 : index
    %get3A_2628 = arith.constant 0 : index
    %get3A_2629 = vector.load %arg19[%get3A_2625, %get3A_2626, %get3A_2627, %get3A_2628] : memref<3x3x16x1xf32, #tpu.memory_space<vmem>>, vector<1x1x16x1xf32>
    %get3A_2630 = vector.shape_cast %get3A_2629 : vector<1x1x16x1xf32> to vector<16x1xf32>
    %mul3A_2631 = vector.broadcast %slice3A_2558 : vector<1x1xf32> to vector<16x1xf32>
    %mul3A_2632 = arith.mulf %mul3A_2631, %get3A_2630 : vector<16x1xf32>
    %add3A_2633 = arith.addf %mul3A_2624, %mul3A_2632 : vector<16x1xf32>
    %get3A_2634 = arith.constant 2 : index
    %get3A_2635 = arith.constant 1 : index
    %get3A_2636 = arith.constant 0 : index
    %get3A_2637 = arith.constant 0 : index
    %get3A_2638 = vector.load %arg19[%get3A_2634, %get3A_2635, %get3A_2636, %get3A_2637] : memref<3x3x16x1xf32, #tpu.memory_space<vmem>>, vector<1x1x16x1xf32>
    %get3A_2639 = vector.shape_cast %get3A_2638 : vector<1x1x16x1xf32> to vector<16x1xf32>
    %mul3A_2640 = vector.broadcast %slice3A_2559 : vector<1x1xf32> to vector<16x1xf32>
    %mul3A_2641 = arith.mulf %mul3A_2640, %get3A_2639 : vector<16x1xf32>
    %add3A_2642 = arith.addf %add3A_2633, %mul3A_2641 : vector<16x1xf32>
    %gt3A_2643 = arith.constant 0.000000e+00 : f32
    %gt3A_2644 = vector.broadcast %gt3A_2643 : f32 to vector<16x1024xf32>
    %gt3A_2645 = arith.cmpf ogt, %add3A_2616, %gt3A_2644 : vector<16x1024xf32>
    %mul3A_2646 = vector.broadcast %add3A_2642 : vector<16x1xf32> to vector<16x1024xf32>
    %mul3A_2647 = arith.mulf %mul3A_2646, %add3A_2616 : vector<16x1024xf32>
    %select_n3A_2648 = arith.select %gt3A_2645, %add3A_2616, %mul3A_2647 : vector<16x1024xi1>, vector<16x1024xf32>
    %concatenate3A_2649 = tpu.concatenate %select_n3A_2372, %select_n3A_2464, %select_n3A_2556, %select_n3A_2648 in 1 : vector<16x1024xf32>, vector<16x1024xf32>, vector<16x1024xf32>, vector<16x1024xf32> -> vector<16x4096xf32>
    %jit3A_2650 = arith.constant 0 : i32
    %convert_element_type3A_2651 = arith.sitofp %jit3A_2650 : i32 to f32
    %pad3A_2652 = vector.broadcast %convert_element_type3A_2651 : f32 to vector<16x33xf32>
    %pad3A_2653 = tpu.concatenate %pad3A_2652, %concatenate3A_2649 in 1 : vector<16x33xf32>, vector<16x4096xf32> -> vector<16x4129xf32>
    %pad3A_2654 = vector.broadcast %convert_element_type3A_2651 : f32 to vector<16x33xf32>
    %pad3A_2655 = tpu.concatenate %pad3A_2653, %pad3A_2654 in 1 : vector<16x4129xf32>, vector<16x33xf32> -> vector<16x4162xf32>
    %slice3A_2656 = vector.extract_strided_slice %pad3A_2655 {offsets = [0, 0], sizes = [16, 4096], strides = [1, 1]} : vector<16x4162xf32> to vector<16x4096xf32>
    %jit3A_2657 = arith.constant 0.000000e+00 : f32
    %broadcast_in_dim3A_2658 = vector.shape_cast %and3A_173 : vector<1x4096xi1> to vector<1x4096xi1>
    %broadcast_in_dim3A_2659 = vector.broadcast %broadcast_in_dim3A_2658 : vector<1x4096xi1> to vector<16x4096xi1>
    %broadcast_in_dim3A_2660 = vector.broadcast %jit3A_2657 : f32 to vector<16x4096xf32>
    %select_n3A_2661 = arith.select %broadcast_in_dim3A_2659, %slice3A_2656, %broadcast_in_dim3A_2660 : vector<16x4096xi1>, vector<16x4096xf32>
    %swap3A_2662 = arith.constant 0 : index
    %swap3A_2663 = arith.constant 0 : index
    %swap3A_2664 = vector.load %arg27[%swap3A_2662, %swap3A_2663] : memref<144x4096xf32, #tpu.memory_space<vmem>>, vector<16x4096xf32>
    tpu.vector_store %arg27[%swap3A_2662, %swap3A_2663], %select_n3A_2661 {strides = array<i32>} : memref<144x4096xf32, #tpu.memory_space<vmem>>, vector<16x4096xf32>,
    %slice3A_2665 = vector.extract_strided_slice %pad3A_2655 {offsets = [0, 1], sizes = [16, 4096], strides = [1, 1]} : vector<16x4162xf32> to vector<16x4096xf32>
    %jit3A_2666 = arith.constant 0.000000e+00 : f32
    %broadcast_in_dim3A_2667 = vector.shape_cast %and3A_186 : vector<1x4096xi1> to vector<1x4096xi1>
    %broadcast_in_dim3A_2668 = vector.broadcast %broadcast_in_dim3A_2667 : vector<1x4096xi1> to vector<16x4096xi1>
    %broadcast_in_dim3A_2669 = vector.broadcast %jit3A_2666 : f32 to vector<16x4096xf32>
    %select_n3A_2670 = arith.select %broadcast_in_dim3A_2668, %slice3A_2665, %broadcast_in_dim3A_2669 : vector<16x4096xi1>, vector<16x4096xf32>
    %swap3A_2671 = arith.constant 16 : index
    %swap3A_2672 = arith.constant 0 : index
    %swap3A_2673 = vector.load %arg27[%swap3A_2671, %swap3A_2672] : memref<144x4096xf32, #tpu.memory_space<vmem>>, vector<16x4096xf32>
    tpu.vector_store %arg27[%swap3A_2671, %swap3A_2672], %select_n3A_2670 {strides = array<i32>} : memref<144x4096xf32, #tpu.memory_space<vmem>>, vector<16x4096xf32>,
    %slice3A_2674 = vector.extract_strided_slice %pad3A_2655 {offsets = [0, 2], sizes = [16, 4096], strides = [1, 1]} : vector<16x4162xf32> to vector<16x4096xf32>
    %jit3A_2675 = arith.constant 0.000000e+00 : f32
    %broadcast_in_dim3A_2676 = vector.shape_cast %and3A_213 : vector<1x4096xi1> to vector<1x4096xi1>
    %broadcast_in_dim3A_2677 = vector.broadcast %broadcast_in_dim3A_2676 : vector<1x4096xi1> to vector<16x4096xi1>
    %broadcast_in_dim3A_2678 = vector.broadcast %jit3A_2675 : f32 to vector<16x4096xf32>
    %select_n3A_2679 = arith.select %broadcast_in_dim3A_2677, %slice3A_2674, %broadcast_in_dim3A_2678 : vector<16x4096xi1>, vector<16x4096xf32>
    %swap3A_2680 = arith.constant 32 : index
    %swap3A_2681 = arith.constant 0 : index
    %swap3A_2682 = vector.load %arg27[%swap3A_2680, %swap3A_2681] : memref<144x4096xf32, #tpu.memory_space<vmem>>, vector<16x4096xf32>
    tpu.vector_store %arg27[%swap3A_2680, %swap3A_2681], %select_n3A_2679 {strides = array<i32>} : memref<144x4096xf32, #tpu.memory_space<vmem>>, vector<16x4096xf32>,
    %slice3A_2683 = vector.extract_strided_slice %pad3A_2655 {offsets = [0, 32], sizes = [16, 4096], strides = [1, 1]} : vector<16x4162xf32> to vector<16x4096xf32>
    %jit3A_2684 = arith.constant 0.000000e+00 : f32
    %broadcast_in_dim3A_2685 = vector.shape_cast %and3A_226 : vector<1x4096xi1> to vector<1x4096xi1>
    %broadcast_in_dim3A_2686 = vector.broadcast %broadcast_in_dim3A_2685 : vector<1x4096xi1> to vector<16x4096xi1>
    %broadcast_in_dim3A_2687 = vector.broadcast %jit3A_2684 : f32 to vector<16x4096xf32>
    %select_n3A_2688 = arith.select %broadcast_in_dim3A_2686, %slice3A_2683, %broadcast_in_dim3A_2687 : vector<16x4096xi1>, vector<16x4096xf32>
    %swap3A_2689 = arith.constant 48 : index
    %swap3A_2690 = arith.constant 0 : index
    %swap3A_2691 = vector.load %arg27[%swap3A_2689, %swap3A_2690] : memref<144x4096xf32, #tpu.memory_space<vmem>>, vector<16x4096xf32>
    tpu.vector_store %arg27[%swap3A_2689, %swap3A_2690], %select_n3A_2688 {strides = array<i32>} : memref<144x4096xf32, #tpu.memory_space<vmem>>, vector<16x4096xf32>,
    %slice3A_2692 = vector.extract_strided_slice %pad3A_2655 {offsets = [0, 33], sizes = [16, 4096], strides = [1, 1]} : vector<16x4162xf32> to vector<16x4096xf32>
    %swap3A_2693 = arith.constant 64 : index
    %swap3A_2694 = arith.constant 0 : index
    %swap3A_2695 = vector.load %arg27[%swap3A_2693, %swap3A_2694] : memref<144x4096xf32, #tpu.memory_space<vmem>>, vector<16x4096xf32>
    tpu.vector_store %arg27[%swap3A_2693, %swap3A_2694], %slice3A_2692 {strides = array<i32>} : memref<144x4096xf32, #tpu.memory_space<vmem>>, vector<16x4096xf32>,
    %slice3A_2696 = vector.extract_strided_slice %pad3A_2655 {offsets = [0, 34], sizes = [16, 4096], strides = [1, 1]} : vector<16x4162xf32> to vector<16x4096xf32>
    %jit3A_2697 = arith.constant 0.000000e+00 : f32
    %broadcast_in_dim3A_2698 = vector.shape_cast %and3A_239 : vector<1x4096xi1> to vector<1x4096xi1>
    %broadcast_in_dim3A_2699 = vector.broadcast %broadcast_in_dim3A_2698 : vector<1x4096xi1> to vector<16x4096xi1>
    %broadcast_in_dim3A_2700 = vector.broadcast %jit3A_2697 : f32 to vector<16x4096xf32>
    %select_n3A_2701 = arith.select %broadcast_in_dim3A_2699, %slice3A_2696, %broadcast_in_dim3A_2700 : vector<16x4096xi1>, vector<16x4096xf32>
    %swap3A_2702 = arith.constant 80 : index
    %swap3A_2703 = arith.constant 0 : index
    %swap3A_2704 = vector.load %arg27[%swap3A_2702, %swap3A_2703] : memref<144x4096xf32, #tpu.memory_space<vmem>>, vector<16x4096xf32>
    tpu.vector_store %arg27[%swap3A_2702, %swap3A_2703], %select_n3A_2701 {strides = array<i32>} : memref<144x4096xf32, #tpu.memory_space<vmem>>, vector<16x4096xf32>,
    %slice3A_2705 = vector.extract_strided_slice %pad3A_2655 {offsets = [0, 64], sizes = [16, 4096], strides = [1, 1]} : vector<16x4162xf32> to vector<16x4096xf32>
    %jit3A_2706 = arith.constant 0.000000e+00 : f32
    %broadcast_in_dim3A_2707 = vector.shape_cast %and3A_266 : vector<1x4096xi1> to vector<1x4096xi1>
    %broadcast_in_dim3A_2708 = vector.broadcast %broadcast_in_dim3A_2707 : vector<1x4096xi1> to vector<16x4096xi1>
    %broadcast_in_dim3A_2709 = vector.broadcast %jit3A_2706 : f32 to vector<16x4096xf32>
    %select_n3A_2710 = arith.select %broadcast_in_dim3A_2708, %slice3A_2705, %broadcast_in_dim3A_2709 : vector<16x4096xi1>, vector<16x4096xf32>
    %swap3A_2711 = arith.constant 96 : index
    %swap3A_2712 = arith.constant 0 : index
    %swap3A_2713 = vector.load %arg27[%swap3A_2711, %swap3A_2712] : memref<144x4096xf32, #tpu.memory_space<vmem>>, vector<16x4096xf32>
    tpu.vector_store %arg27[%swap3A_2711, %swap3A_2712], %select_n3A_2710 {strides = array<i32>} : memref<144x4096xf32, #tpu.memory_space<vmem>>, vector<16x4096xf32>,
    %slice3A_2714 = vector.extract_strided_slice %pad3A_2655 {offsets = [0, 65], sizes = [16, 4096], strides = [1, 1]} : vector<16x4162xf32> to vector<16x4096xf32>
    %jit3A_2715 = arith.constant 0.000000e+00 : f32
    %broadcast_in_dim3A_2716 = vector.shape_cast %and3A_279 : vector<1x4096xi1> to vector<1x4096xi1>
    %broadcast_in_dim3A_2717 = vector.broadcast %broadcast_in_dim3A_2716 : vector<1x4096xi1> to vector<16x4096xi1>
    %broadcast_in_dim3A_2718 = vector.broadcast %jit3A_2715 : f32 to vector<16x4096xf32>
    %select_n3A_2719 = arith.select %broadcast_in_dim3A_2717, %slice3A_2714, %broadcast_in_dim3A_2718 : vector<16x4096xi1>, vector<16x4096xf32>
    %swap3A_2720 = arith.constant 112 : index
    %swap3A_2721 = arith.constant 0 : index
    %swap3A_2722 = vector.load %arg27[%swap3A_2720, %swap3A_2721] : memref<144x4096xf32, #tpu.memory_space<vmem>>, vector<16x4096xf32>
    tpu.vector_store %arg27[%swap3A_2720, %swap3A_2721], %select_n3A_2719 {strides = array<i32>} : memref<144x4096xf32, #tpu.memory_space<vmem>>, vector<16x4096xf32>,
    %slice3A_2723 = vector.extract_strided_slice %pad3A_2655 {offsets = [0, 66], sizes = [16, 4096], strides = [1, 1]} : vector<16x4162xf32> to vector<16x4096xf32>
    %jit3A_2724 = arith.constant 0.000000e+00 : f32
    %broadcast_in_dim3A_2725 = vector.shape_cast %and3A_306 : vector<1x4096xi1> to vector<1x4096xi1>
    %broadcast_in_dim3A_2726 = vector.broadcast %broadcast_in_dim3A_2725 : vector<1x4096xi1> to vector<16x4096xi1>
    %broadcast_in_dim3A_2727 = vector.broadcast %jit3A_2724 : f32 to vector<16x4096xf32>
    %select_n3A_2728 = arith.select %broadcast_in_dim3A_2726, %slice3A_2723, %broadcast_in_dim3A_2727 : vector<16x4096xi1>, vector<16x4096xf32>
    %swap3A_2729 = arith.constant 128 : index
    %swap3A_2730 = arith.constant 0 : index
    %swap3A_2731 = vector.load %arg27[%swap3A_2729, %swap3A_2730] : memref<144x4096xf32, #tpu.memory_space<vmem>>, vector<16x4096xf32>
    tpu.vector_store %arg27[%swap3A_2729, %swap3A_2730], %select_n3A_2728 {strides = array<i32>} : memref<144x4096xf32, #tpu.memory_space<vmem>>, vector<16x4096xf32>,
    %get3A_2732 = arith.constant 0 : index
    %get3A_2733 = arith.constant 0 : index
    %get3A_2734 = vector.load %arg27[%get3A_2732, %get3A_2733] : memref<144x4096xf32, #tpu.memory_space<vmem>>, vector<144x4096xf32>
    %slice3A_2735 = vector.extract_strided_slice %concatenate3A {offsets = [0, 0], sizes = [1, 1], strides = [1, 1]} : vector<4x3xf32> to vector<1x1xf32>
    %slice3A_2736 = vector.extract_strided_slice %concatenate3A {offsets = [0, 1], sizes = [1, 1], strides = [1, 1]} : vector<4x3xf32> to vector<1x1xf32>
    %slice3A_2737 = vector.extract_strided_slice %concatenate3A {offsets = [0, 2], sizes = [1, 1], strides = [1, 1]} : vector<4x3xf32> to vector<1x1xf32>
    %get3A_2738 = arith.constant 0 : index
    %get3A_2739 = arith.constant 2 : index
    %get3A_2740 = arith.constant 0 : index
    %get3A_2741 = arith.constant 0 : index
    %get3A_2742 = vector.load %arg17[%get3A_2738, %get3A_2739, %get3A_2740, %get3A_2741] : memref<3x3x16x144xf32, #tpu.memory_space<vmem>>, vector<1x1x16x144xf32>
    %get3A_2743 = vector.shape_cast %get3A_2742 : vector<1x1x16x144xf32> to vector<16x144xf32>
    %mul3A_2744 = vector.broadcast %slice3A_2735 : vector<1x1xf32> to vector<16x144xf32>
    %mul3A_2745 = arith.mulf %mul3A_2744, %get3A_2743 : vector<16x144xf32>
    %get3A_2746 = arith.constant 1 : index
    %get3A_2747 = arith.constant 2 : index
    %get3A_2748 = arith.constant 0 : index
    %get3A_2749 = arith.constant 0 : index
    %get3A_2750 = vector.load %arg17[%get3A_2746, %get3A_2747, %get3A_2748, %get3A_2749] : memref<3x3x16x144xf32, #tpu.memory_space<vmem>>, vector<1x1x16x144xf32>
    %get3A_2751 = vector.shape_cast %get3A_2750 : vector<1x1x16x144xf32> to vector<16x144xf32>
    %mul3A_2752 = vector.broadcast %slice3A_2736 : vector<1x1xf32> to vector<16x144xf32>
    %mul3A_2753 = arith.mulf %mul3A_2752, %get3A_2751 : vector<16x144xf32>
    %add3A_2754 = arith.addf %mul3A_2745, %mul3A_2753 : vector<16x144xf32>
    %get3A_2755 = arith.constant 2 : index
    %get3A_2756 = arith.constant 2 : index
    %get3A_2757 = arith.constant 0 : index
    %get3A_2758 = arith.constant 0 : index
    %get3A_2759 = vector.load %arg17[%get3A_2755, %get3A_2756, %get3A_2757, %get3A_2758] : memref<3x3x16x144xf32, #tpu.memory_space<vmem>>, vector<1x1x16x144xf32>
    %get3A_2760 = vector.shape_cast %get3A_2759 : vector<1x1x16x144xf32> to vector<16x144xf32>
    %mul3A_2761 = vector.broadcast %slice3A_2737 : vector<1x1xf32> to vector<16x144xf32>
    %mul3A_2762 = arith.mulf %mul3A_2761, %get3A_2760 : vector<16x144xf32>
    %add3A_2763 = arith.addf %add3A_2754, %mul3A_2762 : vector<16x144xf32>
    %slice3A_2764 = vector.extract_strided_slice %get3A_2734 {offsets = [0, 0], sizes = [144, 1024], strides = [1, 1]} : vector<144x4096xf32> to vector<144x1024xf32>
    %dot_general3A_2765 = arith.constant dense<0.000000e+00> : vector<16x1024xf32>
    %dot_general3A_2766 = tpu.matmul %add3A_2763, %slice3A_2764, %dot_general3A_2765 {dimension_numbers = #tpu.dot_dimension_numbers<[1], [0], [0], [1], [0, 0, 1, 1], [], []>, transpose_lhs_hint = false} : vector<16x144xf32>, vector<144x1024xf32>, vector<16x1024xf32> -> vector<16x1024xf32>
    %get3A_2767 = arith.constant 0 : index
    %get3A_2768 = arith.constant 2 : index
    %get3A_2769 = arith.constant 0 : index
    %get3A_2770 = arith.constant 0 : index
    %get3A_2771 = vector.load %arg18[%get3A_2767, %get3A_2768, %get3A_2769, %get3A_2770] : memref<3x3x16x1xf32, #tpu.memory_space<vmem>>, vector<1x1x16x1xf32>
    %get3A_2772 = vector.shape_cast %get3A_2771 : vector<1x1x16x1xf32> to vector<16x1xf32>
    %mul3A_2773 = vector.broadcast %slice3A_2735 : vector<1x1xf32> to vector<16x1xf32>
    %mul3A_2774 = arith.mulf %mul3A_2773, %get3A_2772 : vector<16x1xf32>
    %get3A_2775 = arith.constant 1 : index
    %get3A_2776 = arith.constant 2 : index
    %get3A_2777 = arith.constant 0 : index
    %get3A_2778 = arith.constant 0 : index
    %get3A_2779 = vector.load %arg18[%get3A_2775, %get3A_2776, %get3A_2777, %get3A_2778] : memref<3x3x16x1xf32, #tpu.memory_space<vmem>>, vector<1x1x16x1xf32>
    %get3A_2780 = vector.shape_cast %get3A_2779 : vector<1x1x16x1xf32> to vector<16x1xf32>
    %mul3A_2781 = vector.broadcast %slice3A_2736 : vector<1x1xf32> to vector<16x1xf32>
    %mul3A_2782 = arith.mulf %mul3A_2781, %get3A_2780 : vector<16x1xf32>
    %add3A_2783 = arith.addf %mul3A_2774, %mul3A_2782 : vector<16x1xf32>
    %get3A_2784 = arith.constant 2 : index
    %get3A_2785 = arith.constant 2 : index
    %get3A_2786 = arith.constant 0 : index
    %get3A_2787 = arith.constant 0 : index
    %get3A_2788 = vector.load %arg18[%get3A_2784, %get3A_2785, %get3A_2786, %get3A_2787] : memref<3x3x16x1xf32, #tpu.memory_space<vmem>>, vector<1x1x16x1xf32>
    %get3A_2789 = vector.shape_cast %get3A_2788 : vector<1x1x16x1xf32> to vector<16x1xf32>
    %mul3A_2790 = vector.broadcast %slice3A_2737 : vector<1x1xf32> to vector<16x1xf32>
    %mul3A_2791 = arith.mulf %mul3A_2790, %get3A_2789 : vector<16x1xf32>
    %add3A_2792 = arith.addf %add3A_2783, %mul3A_2791 : vector<16x1xf32>
    %add3A_2793 = vector.broadcast %add3A_2792 : vector<16x1xf32> to vector<16x1024xf32>
    %add3A_2794 = arith.addf %dot_general3A_2766, %add3A_2793 : vector<16x1024xf32>
    %get3A_2795 = arith.constant 0 : index
    %get3A_2796 = arith.constant 2 : index
    %get3A_2797 = arith.constant 0 : index
    %get3A_2798 = arith.constant 0 : index
    %get3A_2799 = vector.load %arg19[%get3A_2795, %get3A_2796, %get3A_2797, %get3A_2798] : memref<3x3x16x1xf32, #tpu.memory_space<vmem>>, vector<1x1x16x1xf32>
    %get3A_2800 = vector.shape_cast %get3A_2799 : vector<1x1x16x1xf32> to vector<16x1xf32>
    %mul3A_2801 = vector.broadcast %slice3A_2735 : vector<1x1xf32> to vector<16x1xf32>
    %mul3A_2802 = arith.mulf %mul3A_2801, %get3A_2800 : vector<16x1xf32>
    %get3A_2803 = arith.constant 1 : index
    %get3A_2804 = arith.constant 2 : index
    %get3A_2805 = arith.constant 0 : index
    %get3A_2806 = arith.constant 0 : index
    %get3A_2807 = vector.load %arg19[%get3A_2803, %get3A_2804, %get3A_2805, %get3A_2806] : memref<3x3x16x1xf32, #tpu.memory_space<vmem>>, vector<1x1x16x1xf32>
    %get3A_2808 = vector.shape_cast %get3A_2807 : vector<1x1x16x1xf32> to vector<16x1xf32>
    %mul3A_2809 = vector.broadcast %slice3A_2736 : vector<1x1xf32> to vector<16x1xf32>
    %mul3A_2810 = arith.mulf %mul3A_2809, %get3A_2808 : vector<16x1xf32>
    %add3A_2811 = arith.addf %mul3A_2802, %mul3A_2810 : vector<16x1xf32>
    %get3A_2812 = arith.constant 2 : index
    %get3A_2813 = arith.constant 2 : index
    %get3A_2814 = arith.constant 0 : index
    %get3A_2815 = arith.constant 0 : index
    %get3A_2816 = vector.load %arg19[%get3A_2812, %get3A_2813, %get3A_2814, %get3A_2815] : memref<3x3x16x1xf32, #tpu.memory_space<vmem>>, vector<1x1x16x1xf32>
    %get3A_2817 = vector.shape_cast %get3A_2816 : vector<1x1x16x1xf32> to vector<16x1xf32>
    %mul3A_2818 = vector.broadcast %slice3A_2737 : vector<1x1xf32> to vector<16x1xf32>
    %mul3A_2819 = arith.mulf %mul3A_2818, %get3A_2817 : vector<16x1xf32>
    %add3A_2820 = arith.addf %add3A_2811, %mul3A_2819 : vector<16x1xf32>
    %gt3A_2821 = arith.constant 0.000000e+00 : f32
    %gt3A_2822 = vector.broadcast %gt3A_2821 : f32 to vector<16x1024xf32>
    %gt3A_2823 = arith.cmpf ogt, %add3A_2794, %gt3A_2822 : vector<16x1024xf32>
    %mul3A_2824 = vector.broadcast %add3A_2820 : vector<16x1xf32> to vector<16x1024xf32>
    %mul3A_2825 = arith.mulf %mul3A_2824, %add3A_2794 : vector<16x1024xf32>
    %select_n3A_2826 = arith.select %gt3A_2823, %add3A_2794, %mul3A_2825 : vector<16x1024xi1>, vector<16x1024xf32>
    %slice3A_2827 = vector.extract_strided_slice %concatenate3A {offsets = [1, 0], sizes = [1, 1], strides = [1, 1]} : vector<4x3xf32> to vector<1x1xf32>
    %slice3A_2828 = vector.extract_strided_slice %concatenate3A {offsets = [1, 1], sizes = [1, 1], strides = [1, 1]} : vector<4x3xf32> to vector<1x1xf32>
    %slice3A_2829 = vector.extract_strided_slice %concatenate3A {offsets = [1, 2], sizes = [1, 1], strides = [1, 1]} : vector<4x3xf32> to vector<1x1xf32>
    %get3A_2830 = arith.constant 0 : index
    %get3A_2831 = arith.constant 2 : index
    %get3A_2832 = arith.constant 0 : index
    %get3A_2833 = arith.constant 0 : index
    %get3A_2834 = vector.load %arg17[%get3A_2830, %get3A_2831, %get3A_2832, %get3A_2833] : memref<3x3x16x144xf32, #tpu.memory_space<vmem>>, vector<1x1x16x144xf32>
    %get3A_2835 = vector.shape_cast %get3A_2834 : vector<1x1x16x144xf32> to vector<16x144xf32>
    %mul3A_2836 = vector.broadcast %slice3A_2827 : vector<1x1xf32> to vector<16x144xf32>
    %mul3A_2837 = arith.mulf %mul3A_2836, %get3A_2835 : vector<16x144xf32>
    %get3A_2838 = arith.constant 1 : index
    %get3A_2839 = arith.constant 2 : index
    %get3A_2840 = arith.constant 0 : index
    %get3A_2841 = arith.constant 0 : index
    %get3A_2842 = vector.load %arg17[%get3A_2838, %get3A_2839, %get3A_2840, %get3A_2841] : memref<3x3x16x144xf32, #tpu.memory_space<vmem>>, vector<1x1x16x144xf32>
    %get3A_2843 = vector.shape_cast %get3A_2842 : vector<1x1x16x144xf32> to vector<16x144xf32>
    %mul3A_2844 = vector.broadcast %slice3A_2828 : vector<1x1xf32> to vector<16x144xf32>
    %mul3A_2845 = arith.mulf %mul3A_2844, %get3A_2843 : vector<16x144xf32>
    %add3A_2846 = arith.addf %mul3A_2837, %mul3A_2845 : vector<16x144xf32>
    %get3A_2847 = arith.constant 2 : index
    %get3A_2848 = arith.constant 2 : index
    %get3A_2849 = arith.constant 0 : index
    %get3A_2850 = arith.constant 0 : index
    %get3A_2851 = vector.load %arg17[%get3A_2847, %get3A_2848, %get3A_2849, %get3A_2850] : memref<3x3x16x144xf32, #tpu.memory_space<vmem>>, vector<1x1x16x144xf32>
    %get3A_2852 = vector.shape_cast %get3A_2851 : vector<1x1x16x144xf32> to vector<16x144xf32>
    %mul3A_2853 = vector.broadcast %slice3A_2829 : vector<1x1xf32> to vector<16x144xf32>
    %mul3A_2854 = arith.mulf %mul3A_2853, %get3A_2852 : vector<16x144xf32>
    %add3A_2855 = arith.addf %add3A_2846, %mul3A_2854 : vector<16x144xf32>
    %slice3A_2856 = vector.extract_strided_slice %get3A_2734 {offsets = [0, 1024], sizes = [144, 1024], strides = [1, 1]} : vector<144x4096xf32> to vector<144x1024xf32>
    %dot_general3A_2857 = arith.constant dense<0.000000e+00> : vector<16x1024xf32>
    %dot_general3A_2858 = tpu.matmul %add3A_2855, %slice3A_2856, %dot_general3A_2857 {dimension_numbers = #tpu.dot_dimension_numbers<[1], [0], [0], [1], [0, 0, 1, 1], [], []>, transpose_lhs_hint = false} : vector<16x144xf32>, vector<144x1024xf32>, vector<16x1024xf32> -> vector<16x1024xf32>
    %get3A_2859 = arith.constant 0 : index
    %get3A_2860 = arith.constant 2 : index
    %get3A_2861 = arith.constant 0 : index
    %get3A_2862 = arith.constant 0 : index
    %get3A_2863 = vector.load %arg18[%get3A_2859, %get3A_2860, %get3A_2861, %get3A_2862] : memref<3x3x16x1xf32, #tpu.memory_space<vmem>>, vector<1x1x16x1xf32>
    %get3A_2864 = vector.shape_cast %get3A_2863 : vector<1x1x16x1xf32> to vector<16x1xf32>
    %mul3A_2865 = vector.broadcast %slice3A_2827 : vector<1x1xf32> to vector<16x1xf32>
    %mul3A_2866 = arith.mulf %mul3A_2865, %get3A_2864 : vector<16x1xf32>
    %get3A_2867 = arith.constant 1 : index
    %get3A_2868 = arith.constant 2 : index
    %get3A_2869 = arith.constant 0 : index
    %get3A_2870 = arith.constant 0 : index
    %get3A_2871 = vector.load %arg18[%get3A_2867, %get3A_2868, %get3A_2869, %get3A_2870] : memref<3x3x16x1xf32, #tpu.memory_space<vmem>>, vector<1x1x16x1xf32>
    %get3A_2872 = vector.shape_cast %get3A_2871 : vector<1x1x16x1xf32> to vector<16x1xf32>
    %mul3A_2873 = vector.broadcast %slice3A_2828 : vector<1x1xf32> to vector<16x1xf32>
    %mul3A_2874 = arith.mulf %mul3A_2873, %get3A_2872 : vector<16x1xf32>
    %add3A_2875 = arith.addf %mul3A_2866, %mul3A_2874 : vector<16x1xf32>
    %get3A_2876 = arith.constant 2 : index
    %get3A_2877 = arith.constant 2 : index
    %get3A_2878 = arith.constant 0 : index
    %get3A_2879 = arith.constant 0 : index
    %get3A_2880 = vector.load %arg18[%get3A_2876, %get3A_2877, %get3A_2878, %get3A_2879] : memref<3x3x16x1xf32, #tpu.memory_space<vmem>>, vector<1x1x16x1xf32>
    %get3A_2881 = vector.shape_cast %get3A_2880 : vector<1x1x16x1xf32> to vector<16x1xf32>
    %mul3A_2882 = vector.broadcast %slice3A_2829 : vector<1x1xf32> to vector<16x1xf32>
    %mul3A_2883 = arith.mulf %mul3A_2882, %get3A_2881 : vector<16x1xf32>
    %add3A_2884 = arith.addf %add3A_2875, %mul3A_2883 : vector<16x1xf32>
    %add3A_2885 = vector.broadcast %add3A_2884 : vector<16x1xf32> to vector<16x1024xf32>
    %add3A_2886 = arith.addf %dot_general3A_2858, %add3A_2885 : vector<16x1024xf32>
    %get3A_2887 = arith.constant 0 : index
    %get3A_2888 = arith.constant 2 : index
    %get3A_2889 = arith.constant 0 : index
    %get3A_2890 = arith.constant 0 : index
    %get3A_2891 = vector.load %arg19[%get3A_2887, %get3A_2888, %get3A_2889, %get3A_2890] : memref<3x3x16x1xf32, #tpu.memory_space<vmem>>, vector<1x1x16x1xf32>
    %get3A_2892 = vector.shape_cast %get3A_2891 : vector<1x1x16x1xf32> to vector<16x1xf32>
    %mul3A_2893 = vector.broadcast %slice3A_2827 : vector<1x1xf32> to vector<16x1xf32>
    %mul3A_2894 = arith.mulf %mul3A_2893, %get3A_2892 : vector<16x1xf32>
    %get3A_2895 = arith.constant 1 : index
    %get3A_2896 = arith.constant 2 : index
    %get3A_2897 = arith.constant 0 : index
    %get3A_2898 = arith.constant 0 : index
    %get3A_2899 = vector.load %arg19[%get3A_2895, %get3A_2896, %get3A_2897, %get3A_2898] : memref<3x3x16x1xf32, #tpu.memory_space<vmem>>, vector<1x1x16x1xf32>
    %get3A_2900 = vector.shape_cast %get3A_2899 : vector<1x1x16x1xf32> to vector<16x1xf32>
    %mul3A_2901 = vector.broadcast %slice3A_2828 : vector<1x1xf32> to vector<16x1xf32>
    %mul3A_2902 = arith.mulf %mul3A_2901, %get3A_2900 : vector<16x1xf32>
    %add3A_2903 = arith.addf %mul3A_2894, %mul3A_2902 : vector<16x1xf32>
    %get3A_2904 = arith.constant 2 : index
    %get3A_2905 = arith.constant 2 : index
    %get3A_2906 = arith.constant 0 : index
    %get3A_2907 = arith.constant 0 : index
    %get3A_2908 = vector.load %arg19[%get3A_2904, %get3A_2905, %get3A_2906, %get3A_2907] : memref<3x3x16x1xf32, #tpu.memory_space<vmem>>, vector<1x1x16x1xf32>
    %get3A_2909 = vector.shape_cast %get3A_2908 : vector<1x1x16x1xf32> to vector<16x1xf32>
    %mul3A_2910 = vector.broadcast %slice3A_2829 : vector<1x1xf32> to vector<16x1xf32>
    %mul3A_2911 = arith.mulf %mul3A_2910, %get3A_2909 : vector<16x1xf32>
    %add3A_2912 = arith.addf %add3A_2903, %mul3A_2911 : vector<16x1xf32>
    %gt3A_2913 = arith.constant 0.000000e+00 : f32
    %gt3A_2914 = vector.broadcast %gt3A_2913 : f32 to vector<16x1024xf32>
    %gt3A_2915 = arith.cmpf ogt, %add3A_2886, %gt3A_2914 : vector<16x1024xf32>
    %mul3A_2916 = vector.broadcast %add3A_2912 : vector<16x1xf32> to vector<16x1024xf32>
    %mul3A_2917 = arith.mulf %mul3A_2916, %add3A_2886 : vector<16x1024xf32>
    %select_n3A_2918 = arith.select %gt3A_2915, %add3A_2886, %mul3A_2917 : vector<16x1024xi1>, vector<16x1024xf32>
    %slice3A_2919 = vector.extract_strided_slice %concatenate3A {offsets = [2, 0], sizes = [1, 1], strides = [1, 1]} : vector<4x3xf32> to vector<1x1xf32>
    %slice3A_2920 = vector.extract_strided_slice %concatenate3A {offsets = [2, 1], sizes = [1, 1], strides = [1, 1]} : vector<4x3xf32> to vector<1x1xf32>
    %slice3A_2921 = vector.extract_strided_slice %concatenate3A {offsets = [2, 2], sizes = [1, 1], strides = [1, 1]} : vector<4x3xf32> to vector<1x1xf32>
    %get3A_2922 = arith.constant 0 : index
    %get3A_2923 = arith.constant 2 : index
    %get3A_2924 = arith.constant 0 : index
    %get3A_2925 = arith.constant 0 : index
    %get3A_2926 = vector.load %arg17[%get3A_2922, %get3A_2923, %get3A_2924, %get3A_2925] : memref<3x3x16x144xf32, #tpu.memory_space<vmem>>, vector<1x1x16x144xf32>
    %get3A_2927 = vector.shape_cast %get3A_2926 : vector<1x1x16x144xf32> to vector<16x144xf32>
    %mul3A_2928 = vector.broadcast %slice3A_2919 : vector<1x1xf32> to vector<16x144xf32>
    %mul3A_2929 = arith.mulf %mul3A_2928, %get3A_2927 : vector<16x144xf32>
    %get3A_2930 = arith.constant 1 : index
    %get3A_2931 = arith.constant 2 : index
    %get3A_2932 = arith.constant 0 : index
    %get3A_2933 = arith.constant 0 : index
    %get3A_2934 = vector.load %arg17[%get3A_2930, %get3A_2931, %get3A_2932, %get3A_2933] : memref<3x3x16x144xf32, #tpu.memory_space<vmem>>, vector<1x1x16x144xf32>
    %get3A_2935 = vector.shape_cast %get3A_2934 : vector<1x1x16x144xf32> to vector<16x144xf32>
    %mul3A_2936 = vector.broadcast %slice3A_2920 : vector<1x1xf32> to vector<16x144xf32>
    %mul3A_2937 = arith.mulf %mul3A_2936, %get3A_2935 : vector<16x144xf32>
    %add3A_2938 = arith.addf %mul3A_2929, %mul3A_2937 : vector<16x144xf32>
    %get3A_2939 = arith.constant 2 : index
    %get3A_2940 = arith.constant 2 : index
    %get3A_2941 = arith.constant 0 : index
    %get3A_2942 = arith.constant 0 : index
    %get3A_2943 = vector.load %arg17[%get3A_2939, %get3A_2940, %get3A_2941, %get3A_2942] : memref<3x3x16x144xf32, #tpu.memory_space<vmem>>, vector<1x1x16x144xf32>
    %get3A_2944 = vector.shape_cast %get3A_2943 : vector<1x1x16x144xf32> to vector<16x144xf32>
    %mul3A_2945 = vector.broadcast %slice3A_2921 : vector<1x1xf32> to vector<16x144xf32>
    %mul3A_2946 = arith.mulf %mul3A_2945, %get3A_2944 : vector<16x144xf32>
    %add3A_2947 = arith.addf %add3A_2938, %mul3A_2946 : vector<16x144xf32>
    %slice3A_2948 = vector.extract_strided_slice %get3A_2734 {offsets = [0, 2048], sizes = [144, 1024], strides = [1, 1]} : vector<144x4096xf32> to vector<144x1024xf32>
    %dot_general3A_2949 = arith.constant dense<0.000000e+00> : vector<16x1024xf32>
    %dot_general3A_2950 = tpu.matmul %add3A_2947, %slice3A_2948, %dot_general3A_2949 {dimension_numbers = #tpu.dot_dimension_numbers<[1], [0], [0], [1], [0, 0, 1, 1], [], []>, transpose_lhs_hint = false} : vector<16x144xf32>, vector<144x1024xf32>, vector<16x1024xf32> -> vector<16x1024xf32>
    %get3A_2951 = arith.constant 0 : index
    %get3A_2952 = arith.constant 2 : index
    %get3A_2953 = arith.constant 0 : index
    %get3A_2954 = arith.constant 0 : index
    %get3A_2955 = vector.load %arg18[%get3A_2951, %get3A_2952, %get3A_2953, %get3A_2954] : memref<3x3x16x1xf32, #tpu.memory_space<vmem>>, vector<1x1x16x1xf32>
    %get3A_2956 = vector.shape_cast %get3A_2955 : vector<1x1x16x1xf32> to vector<16x1xf32>
    %mul3A_2957 = vector.broadcast %slice3A_2919 : vector<1x1xf32> to vector<16x1xf32>
    %mul3A_2958 = arith.mulf %mul3A_2957, %get3A_2956 : vector<16x1xf32>
    %get3A_2959 = arith.constant 1 : index
    %get3A_2960 = arith.constant 2 : index
    %get3A_2961 = arith.constant 0 : index
    %get3A_2962 = arith.constant 0 : index
    %get3A_2963 = vector.load %arg18[%get3A_2959, %get3A_2960, %get3A_2961, %get3A_2962] : memref<3x3x16x1xf32, #tpu.memory_space<vmem>>, vector<1x1x16x1xf32>
    %get3A_2964 = vector.shape_cast %get3A_2963 : vector<1x1x16x1xf32> to vector<16x1xf32>
    %mul3A_2965 = vector.broadcast %slice3A_2920 : vector<1x1xf32> to vector<16x1xf32>
    %mul3A_2966 = arith.mulf %mul3A_2965, %get3A_2964 : vector<16x1xf32>
    %add3A_2967 = arith.addf %mul3A_2958, %mul3A_2966 : vector<16x1xf32>
    %get3A_2968 = arith.constant 2 : index
    %get3A_2969 = arith.constant 2 : index
    %get3A_2970 = arith.constant 0 : index
    %get3A_2971 = arith.constant 0 : index
    %get3A_2972 = vector.load %arg18[%get3A_2968, %get3A_2969, %get3A_2970, %get3A_2971] : memref<3x3x16x1xf32, #tpu.memory_space<vmem>>, vector<1x1x16x1xf32>
    %get3A_2973 = vector.shape_cast %get3A_2972 : vector<1x1x16x1xf32> to vector<16x1xf32>
    %mul3A_2974 = vector.broadcast %slice3A_2921 : vector<1x1xf32> to vector<16x1xf32>
    %mul3A_2975 = arith.mulf %mul3A_2974, %get3A_2973 : vector<16x1xf32>
    %add3A_2976 = arith.addf %add3A_2967, %mul3A_2975 : vector<16x1xf32>
    %add3A_2977 = vector.broadcast %add3A_2976 : vector<16x1xf32> to vector<16x1024xf32>
    %add3A_2978 = arith.addf %dot_general3A_2950, %add3A_2977 : vector<16x1024xf32>
    %get3A_2979 = arith.constant 0 : index
    %get3A_2980 = arith.constant 2 : index
    %get3A_2981 = arith.constant 0 : index
    %get3A_2982 = arith.constant 0 : index
    %get3A_2983 = vector.load %arg19[%get3A_2979, %get3A_2980, %get3A_2981, %get3A_2982] : memref<3x3x16x1xf32, #tpu.memory_space<vmem>>, vector<1x1x16x1xf32>
    %get3A_2984 = vector.shape_cast %get3A_2983 : vector<1x1x16x1xf32> to vector<16x1xf32>
    %mul3A_2985 = vector.broadcast %slice3A_2919 : vector<1x1xf32> to vector<16x1xf32>
    %mul3A_2986 = arith.mulf %mul3A_2985, %get3A_2984 : vector<16x1xf32>
    %get3A_2987 = arith.constant 1 : index
    %get3A_2988 = arith.constant 2 : index
    %get3A_2989 = arith.constant 0 : index
    %get3A_2990 = arith.constant 0 : index
    %get3A_2991 = vector.load %arg19[%get3A_2987, %get3A_2988, %get3A_2989, %get3A_2990] : memref<3x3x16x1xf32, #tpu.memory_space<vmem>>, vector<1x1x16x1xf32>
    %get3A_2992 = vector.shape_cast %get3A_2991 : vector<1x1x16x1xf32> to vector<16x1xf32>
    %mul3A_2993 = vector.broadcast %slice3A_2920 : vector<1x1xf32> to vector<16x1xf32>
    %mul3A_2994 = arith.mulf %mul3A_2993, %get3A_2992 : vector<16x1xf32>
    %add3A_2995 = arith.addf %mul3A_2986, %mul3A_2994 : vector<16x1xf32>
    %get3A_2996 = arith.constant 2 : index
    %get3A_2997 = arith.constant 2 : index
    %get3A_2998 = arith.constant 0 : index
    %get3A_2999 = arith.constant 0 : index
    %get3A_3000 = vector.load %arg19[%get3A_2996, %get3A_2997, %get3A_2998, %get3A_2999] : memref<3x3x16x1xf32, #tpu.memory_space<vmem>>, vector<1x1x16x1xf32>
    %get3A_3001 = vector.shape_cast %get3A_3000 : vector<1x1x16x1xf32> to vector<16x1xf32>
    %mul3A_3002 = vector.broadcast %slice3A_2921 : vector<1x1xf32> to vector<16x1xf32>
    %mul3A_3003 = arith.mulf %mul3A_3002, %get3A_3001 : vector<16x1xf32>
    %add3A_3004 = arith.addf %add3A_2995, %mul3A_3003 : vector<16x1xf32>
    %gt3A_3005 = arith.constant 0.000000e+00 : f32
    %gt3A_3006 = vector.broadcast %gt3A_3005 : f32 to vector<16x1024xf32>
    %gt3A_3007 = arith.cmpf ogt, %add3A_2978, %gt3A_3006 : vector<16x1024xf32>
    %mul3A_3008 = vector.broadcast %add3A_3004 : vector<16x1xf32> to vector<16x1024xf32>
    %mul3A_3009 = arith.mulf %mul3A_3008, %add3A_2978 : vector<16x1024xf32>
    %select_n3A_3010 = arith.select %gt3A_3007, %add3A_2978, %mul3A_3009 : vector<16x1024xi1>, vector<16x1024xf32>
    %slice3A_3011 = vector.extract_strided_slice %concatenate3A {offsets = [3, 0], sizes = [1, 1], strides = [1, 1]} : vector<4x3xf32> to vector<1x1xf32>
    %slice3A_3012 = vector.extract_strided_slice %concatenate3A {offsets = [3, 1], sizes = [1, 1], strides = [1, 1]} : vector<4x3xf32> to vector<1x1xf32>
    %slice3A_3013 = vector.extract_strided_slice %concatenate3A {offsets = [3, 2], sizes = [1, 1], strides = [1, 1]} : vector<4x3xf32> to vector<1x1xf32>
    %get3A_3014 = arith.constant 0 : index
    %get3A_3015 = arith.constant 2 : index
    %get3A_3016 = arith.constant 0 : index
    %get3A_3017 = arith.constant 0 : index
    %get3A_3018 = vector.load %arg17[%get3A_3014, %get3A_3015, %get3A_3016, %get3A_3017] : memref<3x3x16x144xf32, #tpu.memory_space<vmem>>, vector<1x1x16x144xf32>
    %get3A_3019 = vector.shape_cast %get3A_3018 : vector<1x1x16x144xf32> to vector<16x144xf32>
    %mul3A_3020 = vector.broadcast %slice3A_3011 : vector<1x1xf32> to vector<16x144xf32>
    %mul3A_3021 = arith.mulf %mul3A_3020, %get3A_3019 : vector<16x144xf32>
    %get3A_3022 = arith.constant 1 : index
    %get3A_3023 = arith.constant 2 : index
    %get3A_3024 = arith.constant 0 : index
    %get3A_3025 = arith.constant 0 : index
    %get3A_3026 = vector.load %arg17[%get3A_3022, %get3A_3023, %get3A_3024, %get3A_3025] : memref<3x3x16x144xf32, #tpu.memory_space<vmem>>, vector<1x1x16x144xf32>
    %get3A_3027 = vector.shape_cast %get3A_3026 : vector<1x1x16x144xf32> to vector<16x144xf32>
    %mul3A_3028 = vector.broadcast %slice3A_3012 : vector<1x1xf32> to vector<16x144xf32>
    %mul3A_3029 = arith.mulf %mul3A_3028, %get3A_3027 : vector<16x144xf32>
    %add3A_3030 = arith.addf %mul3A_3021, %mul3A_3029 : vector<16x144xf32>
    %get3A_3031 = arith.constant 2 : index
    %get3A_3032 = arith.constant 2 : index
    %get3A_3033 = arith.constant 0 : index
    %get3A_3034 = arith.constant 0 : index
    %get3A_3035 = vector.load %arg17[%get3A_3031, %get3A_3032, %get3A_3033, %get3A_3034] : memref<3x3x16x144xf32, #tpu.memory_space<vmem>>, vector<1x1x16x144xf32>
    %get3A_3036 = vector.shape_cast %get3A_3035 : vector<1x1x16x144xf32> to vector<16x144xf32>
    %mul3A_3037 = vector.broadcast %slice3A_3013 : vector<1x1xf32> to vector<16x144xf32>
    %mul3A_3038 = arith.mulf %mul3A_3037, %get3A_3036 : vector<16x144xf32>
    %add3A_3039 = arith.addf %add3A_3030, %mul3A_3038 : vector<16x144xf32>
    %slice3A_3040 = vector.extract_strided_slice %get3A_2734 {offsets = [0, 3072], sizes = [144, 1024], strides = [1, 1]} : vector<144x4096xf32> to vector<144x1024xf32>
    %dot_general3A_3041 = arith.constant dense<0.000000e+00> : vector<16x1024xf32>
    %dot_general3A_3042 = tpu.matmul %add3A_3039, %slice3A_3040, %dot_general3A_3041 {dimension_numbers = #tpu.dot_dimension_numbers<[1], [0], [0], [1], [0, 0, 1, 1], [], []>, transpose_lhs_hint = false} : vector<16x144xf32>, vector<144x1024xf32>, vector<16x1024xf32> -> vector<16x1024xf32>
    %get3A_3043 = arith.constant 0 : index
    %get3A_3044 = arith.constant 2 : index
    %get3A_3045 = arith.constant 0 : index
    %get3A_3046 = arith.constant 0 : index
    %get3A_3047 = vector.load %arg18[%get3A_3043, %get3A_3044, %get3A_3045, %get3A_3046] : memref<3x3x16x1xf32, #tpu.memory_space<vmem>>, vector<1x1x16x1xf32>
    %get3A_3048 = vector.shape_cast %get3A_3047 : vector<1x1x16x1xf32> to vector<16x1xf32>
    %mul3A_3049 = vector.broadcast %slice3A_3011 : vector<1x1xf32> to vector<16x1xf32>
    %mul3A_3050 = arith.mulf %mul3A_3049, %get3A_3048 : vector<16x1xf32>
    %get3A_3051 = arith.constant 1 : index
    %get3A_3052 = arith.constant 2 : index
    %get3A_3053 = arith.constant 0 : index
    %get3A_3054 = arith.constant 0 : index
    %get3A_3055 = vector.load %arg18[%get3A_3051, %get3A_3052, %get3A_3053, %get3A_3054] : memref<3x3x16x1xf32, #tpu.memory_space<vmem>>, vector<1x1x16x1xf32>
    %get3A_3056 = vector.shape_cast %get3A_3055 : vector<1x1x16x1xf32> to vector<16x1xf32>
    %mul3A_3057 = vector.broadcast %slice3A_3012 : vector<1x1xf32> to vector<16x1xf32>
    %mul3A_3058 = arith.mulf %mul3A_3057, %get3A_3056 : vector<16x1xf32>
    %add3A_3059 = arith.addf %mul3A_3050, %mul3A_3058 : vector<16x1xf32>
    %get3A_3060 = arith.constant 2 : index
    %get3A_3061 = arith.constant 2 : index
    %get3A_3062 = arith.constant 0 : index
    %get3A_3063 = arith.constant 0 : index
    %get3A_3064 = vector.load %arg18[%get3A_3060, %get3A_3061, %get3A_3062, %get3A_3063] : memref<3x3x16x1xf32, #tpu.memory_space<vmem>>, vector<1x1x16x1xf32>
    %get3A_3065 = vector.shape_cast %get3A_3064 : vector<1x1x16x1xf32> to vector<16x1xf32>
    %mul3A_3066 = vector.broadcast %slice3A_3013 : vector<1x1xf32> to vector<16x1xf32>
    %mul3A_3067 = arith.mulf %mul3A_3066, %get3A_3065 : vector<16x1xf32>
    %add3A_3068 = arith.addf %add3A_3059, %mul3A_3067 : vector<16x1xf32>
    %add3A_3069 = vector.broadcast %add3A_3068 : vector<16x1xf32> to vector<16x1024xf32>
    %add3A_3070 = arith.addf %dot_general3A_3042, %add3A_3069 : vector<16x1024xf32>
    %get3A_3071 = arith.constant 0 : index
    %get3A_3072 = arith.constant 2 : index
    %get3A_3073 = arith.constant 0 : index
    %get3A_3074 = arith.constant 0 : index
    %get3A_3075 = vector.load %arg19[%get3A_3071, %get3A_3072, %get3A_3073, %get3A_3074] : memref<3x3x16x1xf32, #tpu.memory_space<vmem>>, vector<1x1x16x1xf32>
    %get3A_3076 = vector.shape_cast %get3A_3075 : vector<1x1x16x1xf32> to vector<16x1xf32>
    %mul3A_3077 = vector.broadcast %slice3A_3011 : vector<1x1xf32> to vector<16x1xf32>
    %mul3A_3078 = arith.mulf %mul3A_3077, %get3A_3076 : vector<16x1xf32>
    %get3A_3079 = arith.constant 1 : index
    %get3A_3080 = arith.constant 2 : index
    %get3A_3081 = arith.constant 0 : index
    %get3A_3082 = arith.constant 0 : index
    %get3A_3083 = vector.load %arg19[%get3A_3079, %get3A_3080, %get3A_3081, %get3A_3082] : memref<3x3x16x1xf32, #tpu.memory_space<vmem>>, vector<1x1x16x1xf32>
    %get3A_3084 = vector.shape_cast %get3A_3083 : vector<1x1x16x1xf32> to vector<16x1xf32>
    %mul3A_3085 = vector.broadcast %slice3A_3012 : vector<1x1xf32> to vector<16x1xf32>
    %mul3A_3086 = arith.mulf %mul3A_3085, %get3A_3084 : vector<16x1xf32>
    %add3A_3087 = arith.addf %mul3A_3078, %mul3A_3086 : vector<16x1xf32>
    %get3A_3088 = arith.constant 2 : index
    %get3A_3089 = arith.constant 2 : index
    %get3A_3090 = arith.constant 0 : index
    %get3A_3091 = arith.constant 0 : index
    %get3A_3092 = vector.load %arg19[%get3A_3088, %get3A_3089, %get3A_3090, %get3A_3091] : memref<3x3x16x1xf32, #tpu.memory_space<vmem>>, vector<1x1x16x1xf32>
    %get3A_3093 = vector.shape_cast %get3A_3092 : vector<1x1x16x1xf32> to vector<16x1xf32>
    %mul3A_3094 = vector.broadcast %slice3A_3013 : vector<1x1xf32> to vector<16x1xf32>
    %mul3A_3095 = arith.mulf %mul3A_3094, %get3A_3093 : vector<16x1xf32>
    %add3A_3096 = arith.addf %add3A_3087, %mul3A_3095 : vector<16x1xf32>
    %gt3A_3097 = arith.constant 0.000000e+00 : f32
    %gt3A_3098 = vector.broadcast %gt3A_3097 : f32 to vector<16x1024xf32>
    %gt3A_3099 = arith.cmpf ogt, %add3A_3070, %gt3A_3098 : vector<16x1024xf32>
    %mul3A_3100 = vector.broadcast %add3A_3096 : vector<16x1xf32> to vector<16x1024xf32>
    %mul3A_3101 = arith.mulf %mul3A_3100, %add3A_3070 : vector<16x1024xf32>
    %select_n3A_3102 = arith.select %gt3A_3099, %add3A_3070, %mul3A_3101 : vector<16x1024xi1>, vector<16x1024xf32>
    %concatenate3A_3103 = tpu.concatenate %select_n3A_2826, %select_n3A_2918, %select_n3A_3010, %select_n3A_3102 in 1 : vector<16x1024xf32>, vector<16x1024xf32>, vector<16x1024xf32>, vector<16x1024xf32> -> vector<16x4096xf32>
    %slice3A_3104 = vector.extract_strided_slice %concatenate3A {offsets = [0, 0], sizes = [1, 1], strides = [1, 1]} : vector<4x3xf32> to vector<1x1xf32>
    %slice3A_3105 = vector.extract_strided_slice %concatenate3A {offsets = [0, 1], sizes = [1, 1], strides = [1, 1]} : vector<4x3xf32> to vector<1x1xf32>
    %slice3A_3106 = vector.extract_strided_slice %concatenate3A {offsets = [0, 2], sizes = [1, 1], strides = [1, 1]} : vector<4x3xf32> to vector<1x1xf32>
    %get3A_3107 = arith.constant 0 : index
    %get3A_3108 = arith.constant 0 : index
    %get3A_3109 = arith.constant 0 : index
    %get3A_3110 = vector.load %arg20[%get3A_3107, %get3A_3108, %get3A_3109] : memref<3x16x16xf32, #tpu.memory_space<vmem>>, vector<1x16x16xf32>
    %get3A_3111 = vector.shape_cast %get3A_3110 : vector<1x16x16xf32> to vector<16x16xf32>
    %mul3A_3112 = vector.broadcast %slice3A_3104 : vector<1x1xf32> to vector<16x16xf32>
    %mul3A_3113 = arith.mulf %mul3A_3112, %get3A_3111 : vector<16x16xf32>
    %get3A_3114 = arith.constant 1 : index
    %get3A_3115 = arith.constant 0 : index
    %get3A_3116 = arith.constant 0 : index
    %get3A_3117 = vector.load %arg20[%get3A_3114, %get3A_3115, %get3A_3116] : memref<3x16x16xf32, #tpu.memory_space<vmem>>, vector<1x16x16xf32>
    %get3A_3118 = vector.shape_cast %get3A_3117 : vector<1x16x16xf32> to vector<16x16xf32>
    %mul3A_3119 = vector.broadcast %slice3A_3105 : vector<1x1xf32> to vector<16x16xf32>
    %mul3A_3120 = arith.mulf %mul3A_3119, %get3A_3118 : vector<16x16xf32>
    %add3A_3121 = arith.addf %mul3A_3113, %mul3A_3120 : vector<16x16xf32>
    %get3A_3122 = arith.constant 2 : index
    %get3A_3123 = arith.constant 0 : index
    %get3A_3124 = arith.constant 0 : index
    %get3A_3125 = vector.load %arg20[%get3A_3122, %get3A_3123, %get3A_3124] : memref<3x16x16xf32, #tpu.memory_space<vmem>>, vector<1x16x16xf32>
    %get3A_3126 = vector.shape_cast %get3A_3125 : vector<1x16x16xf32> to vector<16x16xf32>
    %mul3A_3127 = vector.broadcast %slice3A_3106 : vector<1x1xf32> to vector<16x16xf32>
    %mul3A_3128 = arith.mulf %mul3A_3127, %get3A_3126 : vector<16x16xf32>
    %add3A_3129 = arith.addf %add3A_3121, %mul3A_3128 : vector<16x16xf32>
    %slice3A_3130 = vector.extract_strided_slice %concatenate3A_3103 {offsets = [0, 0], sizes = [16, 1024], strides = [1, 1]} : vector<16x4096xf32> to vector<16x1024xf32>
    %dot_general3A_3131 = arith.constant dense<0.000000e+00> : vector<16x1024xf32>
    %dot_general3A_3132 = tpu.matmul %add3A_3129, %slice3A_3130, %dot_general3A_3131 {dimension_numbers = #tpu.dot_dimension_numbers<[1], [0], [0], [1], [0, 0, 1, 1], [], []>, transpose_lhs_hint = false} : vector<16x16xf32>, vector<16x1024xf32>, vector<16x1024xf32> -> vector<16x1024xf32>
    %get3A_3133 = arith.constant 0 : index
    %get3A_3134 = arith.constant 0 : index
    %get3A_3135 = arith.constant 0 : index
    %get3A_3136 = vector.load %arg21[%get3A_3133, %get3A_3134, %get3A_3135] : memref<3x16x1xf32, #tpu.memory_space<vmem>>, vector<1x16x1xf32>
    %get3A_3137 = vector.shape_cast %get3A_3136 : vector<1x16x1xf32> to vector<16x1xf32>
    %mul3A_3138 = vector.broadcast %slice3A_3104 : vector<1x1xf32> to vector<16x1xf32>
    %mul3A_3139 = arith.mulf %mul3A_3138, %get3A_3137 : vector<16x1xf32>
    %get3A_3140 = arith.constant 1 : index
    %get3A_3141 = arith.constant 0 : index
    %get3A_3142 = arith.constant 0 : index
    %get3A_3143 = vector.load %arg21[%get3A_3140, %get3A_3141, %get3A_3142] : memref<3x16x1xf32, #tpu.memory_space<vmem>>, vector<1x16x1xf32>
    %get3A_3144 = vector.shape_cast %get3A_3143 : vector<1x16x1xf32> to vector<16x1xf32>
    %mul3A_3145 = vector.broadcast %slice3A_3105 : vector<1x1xf32> to vector<16x1xf32>
    %mul3A_3146 = arith.mulf %mul3A_3145, %get3A_3144 : vector<16x1xf32>
    %add3A_3147 = arith.addf %mul3A_3139, %mul3A_3146 : vector<16x1xf32>
    %get3A_3148 = arith.constant 2 : index
    %get3A_3149 = arith.constant 0 : index
    %get3A_3150 = arith.constant 0 : index
    %get3A_3151 = vector.load %arg21[%get3A_3148, %get3A_3149, %get3A_3150] : memref<3x16x1xf32, #tpu.memory_space<vmem>>, vector<1x16x1xf32>
    %get3A_3152 = vector.shape_cast %get3A_3151 : vector<1x16x1xf32> to vector<16x1xf32>
    %mul3A_3153 = vector.broadcast %slice3A_3106 : vector<1x1xf32> to vector<16x1xf32>
    %mul3A_3154 = arith.mulf %mul3A_3153, %get3A_3152 : vector<16x1xf32>
    %add3A_3155 = arith.addf %add3A_3147, %mul3A_3154 : vector<16x1xf32>
    %add3A_3156 = vector.broadcast %add3A_3155 : vector<16x1xf32> to vector<16x1024xf32>
    %add3A_3157 = arith.addf %dot_general3A_3132, %add3A_3156 : vector<16x1024xf32>
    %get3A_3158 = arith.constant 0 : index
    %get3A_3159 = arith.constant 0 : index
    %get3A_3160 = arith.constant 0 : index
    %get3A_3161 = vector.load %arg22[%get3A_3158, %get3A_3159, %get3A_3160] : memref<3x16x1xf32, #tpu.memory_space<vmem>>, vector<1x16x1xf32>
    %get3A_3162 = vector.shape_cast %get3A_3161 : vector<1x16x1xf32> to vector<16x1xf32>
    %mul3A_3163 = vector.broadcast %slice3A_3104 : vector<1x1xf32> to vector<16x1xf32>
    %mul3A_3164 = arith.mulf %mul3A_3163, %get3A_3162 : vector<16x1xf32>
    %get3A_3165 = arith.constant 1 : index
    %get3A_3166 = arith.constant 0 : index
    %get3A_3167 = arith.constant 0 : index
    %get3A_3168 = vector.load %arg22[%get3A_3165, %get3A_3166, %get3A_3167] : memref<3x16x1xf32, #tpu.memory_space<vmem>>, vector<1x16x1xf32>
    %get3A_3169 = vector.shape_cast %get3A_3168 : vector<1x16x1xf32> to vector<16x1xf32>
    %mul3A_3170 = vector.broadcast %slice3A_3105 : vector<1x1xf32> to vector<16x1xf32>
    %mul3A_3171 = arith.mulf %mul3A_3170, %get3A_3169 : vector<16x1xf32>
    %add3A_3172 = arith.addf %mul3A_3164, %mul3A_3171 : vector<16x1xf32>
    %get3A_3173 = arith.constant 2 : index
    %get3A_3174 = arith.constant 0 : index
    %get3A_3175 = arith.constant 0 : index
    %get3A_3176 = vector.load %arg22[%get3A_3173, %get3A_3174, %get3A_3175] : memref<3x16x1xf32, #tpu.memory_space<vmem>>, vector<1x16x1xf32>
    %get3A_3177 = vector.shape_cast %get3A_3176 : vector<1x16x1xf32> to vector<16x1xf32>
    %mul3A_3178 = vector.broadcast %slice3A_3106 : vector<1x1xf32> to vector<16x1xf32>
    %mul3A_3179 = arith.mulf %mul3A_3178, %get3A_3177 : vector<16x1xf32>
    %add3A_3180 = arith.addf %add3A_3172, %mul3A_3179 : vector<16x1xf32>
    %gt3A_3181 = arith.constant 0.000000e+00 : f32
    %gt3A_3182 = vector.broadcast %gt3A_3181 : f32 to vector<16x1024xf32>
    %gt3A_3183 = arith.cmpf ogt, %add3A_3157, %gt3A_3182 : vector<16x1024xf32>
    %mul3A_3184 = vector.broadcast %add3A_3180 : vector<16x1xf32> to vector<16x1024xf32>
    %mul3A_3185 = arith.mulf %mul3A_3184, %add3A_3157 : vector<16x1024xf32>
    %select_n3A_3186 = arith.select %gt3A_3183, %add3A_3157, %mul3A_3185 : vector<16x1024xi1>, vector<16x1024xf32>
    %slice3A_3187 = vector.extract_strided_slice %concatenate3A {offsets = [1, 0], sizes = [1, 1], strides = [1, 1]} : vector<4x3xf32> to vector<1x1xf32>
    %slice3A_3188 = vector.extract_strided_slice %concatenate3A {offsets = [1, 1], sizes = [1, 1], strides = [1, 1]} : vector<4x3xf32> to vector<1x1xf32>
    %slice3A_3189 = vector.extract_strided_slice %concatenate3A {offsets = [1, 2], sizes = [1, 1], strides = [1, 1]} : vector<4x3xf32> to vector<1x1xf32>
    %get3A_3190 = arith.constant 0 : index
    %get3A_3191 = arith.constant 0 : index
    %get3A_3192 = arith.constant 0 : index
    %get3A_3193 = vector.load %arg20[%get3A_3190, %get3A_3191, %get3A_3192] : memref<3x16x16xf32, #tpu.memory_space<vmem>>, vector<1x16x16xf32>
    %get3A_3194 = vector.shape_cast %get3A_3193 : vector<1x16x16xf32> to vector<16x16xf32>
    %mul3A_3195 = vector.broadcast %slice3A_3187 : vector<1x1xf32> to vector<16x16xf32>
    %mul3A_3196 = arith.mulf %mul3A_3195, %get3A_3194 : vector<16x16xf32>
    %get3A_3197 = arith.constant 1 : index
    %get3A_3198 = arith.constant 0 : index
    %get3A_3199 = arith.constant 0 : index
    %get3A_3200 = vector.load %arg20[%get3A_3197, %get3A_3198, %get3A_3199] : memref<3x16x16xf32, #tpu.memory_space<vmem>>, vector<1x16x16xf32>
    %get3A_3201 = vector.shape_cast %get3A_3200 : vector<1x16x16xf32> to vector<16x16xf32>
    %mul3A_3202 = vector.broadcast %slice3A_3188 : vector<1x1xf32> to vector<16x16xf32>
    %mul3A_3203 = arith.mulf %mul3A_3202, %get3A_3201 : vector<16x16xf32>
    %add3A_3204 = arith.addf %mul3A_3196, %mul3A_3203 : vector<16x16xf32>
    %get3A_3205 = arith.constant 2 : index
    %get3A_3206 = arith.constant 0 : index
    %get3A_3207 = arith.constant 0 : index
    %get3A_3208 = vector.load %arg20[%get3A_3205, %get3A_3206, %get3A_3207] : memref<3x16x16xf32, #tpu.memory_space<vmem>>, vector<1x16x16xf32>
    %get3A_3209 = vector.shape_cast %get3A_3208 : vector<1x16x16xf32> to vector<16x16xf32>
    %mul3A_3210 = vector.broadcast %slice3A_3189 : vector<1x1xf32> to vector<16x16xf32>
    %mul3A_3211 = arith.mulf %mul3A_3210, %get3A_3209 : vector<16x16xf32>
    %add3A_3212 = arith.addf %add3A_3204, %mul3A_3211 : vector<16x16xf32>
    %slice3A_3213 = vector.extract_strided_slice %concatenate3A_3103 {offsets = [0, 1024], sizes = [16, 1024], strides = [1, 1]} : vector<16x4096xf32> to vector<16x1024xf32>
    %dot_general3A_3214 = arith.constant dense<0.000000e+00> : vector<16x1024xf32>
    %dot_general3A_3215 = tpu.matmul %add3A_3212, %slice3A_3213, %dot_general3A_3214 {dimension_numbers = #tpu.dot_dimension_numbers<[1], [0], [0], [1], [0, 0, 1, 1], [], []>, transpose_lhs_hint = false} : vector<16x16xf32>, vector<16x1024xf32>, vector<16x1024xf32> -> vector<16x1024xf32>
    %get3A_3216 = arith.constant 0 : index
    %get3A_3217 = arith.constant 0 : index
    %get3A_3218 = arith.constant 0 : index
    %get3A_3219 = vector.load %arg21[%get3A_3216, %get3A_3217, %get3A_3218] : memref<3x16x1xf32, #tpu.memory_space<vmem>>, vector<1x16x1xf32>
    %get3A_3220 = vector.shape_cast %get3A_3219 : vector<1x16x1xf32> to vector<16x1xf32>
    %mul3A_3221 = vector.broadcast %slice3A_3187 : vector<1x1xf32> to vector<16x1xf32>
    %mul3A_3222 = arith.mulf %mul3A_3221, %get3A_3220 : vector<16x1xf32>
    %get3A_3223 = arith.constant 1 : index
    %get3A_3224 = arith.constant 0 : index
    %get3A_3225 = arith.constant 0 : index
    %get3A_3226 = vector.load %arg21[%get3A_3223, %get3A_3224, %get3A_3225] : memref<3x16x1xf32, #tpu.memory_space<vmem>>, vector<1x16x1xf32>
    %get3A_3227 = vector.shape_cast %get3A_3226 : vector<1x16x1xf32> to vector<16x1xf32>
    %mul3A_3228 = vector.broadcast %slice3A_3188 : vector<1x1xf32> to vector<16x1xf32>
    %mul3A_3229 = arith.mulf %mul3A_3228, %get3A_3227 : vector<16x1xf32>
    %add3A_3230 = arith.addf %mul3A_3222, %mul3A_3229 : vector<16x1xf32>
    %get3A_3231 = arith.constant 2 : index
    %get3A_3232 = arith.constant 0 : index
    %get3A_3233 = arith.constant 0 : index
    %get3A_3234 = vector.load %arg21[%get3A_3231, %get3A_3232, %get3A_3233] : memref<3x16x1xf32, #tpu.memory_space<vmem>>, vector<1x16x1xf32>
    %get3A_3235 = vector.shape_cast %get3A_3234 : vector<1x16x1xf32> to vector<16x1xf32>
    %mul3A_3236 = vector.broadcast %slice3A_3189 : vector<1x1xf32> to vector<16x1xf32>
    %mul3A_3237 = arith.mulf %mul3A_3236, %get3A_3235 : vector<16x1xf32>
    %add3A_3238 = arith.addf %add3A_3230, %mul3A_3237 : vector<16x1xf32>
    %add3A_3239 = vector.broadcast %add3A_3238 : vector<16x1xf32> to vector<16x1024xf32>
    %add3A_3240 = arith.addf %dot_general3A_3215, %add3A_3239 : vector<16x1024xf32>
    %get3A_3241 = arith.constant 0 : index
    %get3A_3242 = arith.constant 0 : index
    %get3A_3243 = arith.constant 0 : index
    %get3A_3244 = vector.load %arg22[%get3A_3241, %get3A_3242, %get3A_3243] : memref<3x16x1xf32, #tpu.memory_space<vmem>>, vector<1x16x1xf32>
    %get3A_3245 = vector.shape_cast %get3A_3244 : vector<1x16x1xf32> to vector<16x1xf32>
    %mul3A_3246 = vector.broadcast %slice3A_3187 : vector<1x1xf32> to vector<16x1xf32>
    %mul3A_3247 = arith.mulf %mul3A_3246, %get3A_3245 : vector<16x1xf32>
    %get3A_3248 = arith.constant 1 : index
    %get3A_3249 = arith.constant 0 : index
    %get3A_3250 = arith.constant 0 : index
    %get3A_3251 = vector.load %arg22[%get3A_3248, %get3A_3249, %get3A_3250] : memref<3x16x1xf32, #tpu.memory_space<vmem>>, vector<1x16x1xf32>
    %get3A_3252 = vector.shape_cast %get3A_3251 : vector<1x16x1xf32> to vector<16x1xf32>
    %mul3A_3253 = vector.broadcast %slice3A_3188 : vector<1x1xf32> to vector<16x1xf32>
    %mul3A_3254 = arith.mulf %mul3A_3253, %get3A_3252 : vector<16x1xf32>
    %add3A_3255 = arith.addf %mul3A_3247, %mul3A_3254 : vector<16x1xf32>
    %get3A_3256 = arith.constant 2 : index
    %get3A_3257 = arith.constant 0 : index
    %get3A_3258 = arith.constant 0 : index
    %get3A_3259 = vector.load %arg22[%get3A_3256, %get3A_3257, %get3A_3258] : memref<3x16x1xf32, #tpu.memory_space<vmem>>, vector<1x16x1xf32>
    %get3A_3260 = vector.shape_cast %get3A_3259 : vector<1x16x1xf32> to vector<16x1xf32>
    %mul3A_3261 = vector.broadcast %slice3A_3189 : vector<1x1xf32> to vector<16x1xf32>
    %mul3A_3262 = arith.mulf %mul3A_3261, %get3A_3260 : vector<16x1xf32>
    %add3A_3263 = arith.addf %add3A_3255, %mul3A_3262 : vector<16x1xf32>
    %gt3A_3264 = arith.constant 0.000000e+00 : f32
    %gt3A_3265 = vector.broadcast %gt3A_3264 : f32 to vector<16x1024xf32>
    %gt3A_3266 = arith.cmpf ogt, %add3A_3240, %gt3A_3265 : vector<16x1024xf32>
    %mul3A_3267 = vector.broadcast %add3A_3263 : vector<16x1xf32> to vector<16x1024xf32>
    %mul3A_3268 = arith.mulf %mul3A_3267, %add3A_3240 : vector<16x1024xf32>
    %select_n3A_3269 = arith.select %gt3A_3266, %add3A_3240, %mul3A_3268 : vector<16x1024xi1>, vector<16x1024xf32>
    %slice3A_3270 = vector.extract_strided_slice %concatenate3A {offsets = [2, 0], sizes = [1, 1], strides = [1, 1]} : vector<4x3xf32> to vector<1x1xf32>
    %slice3A_3271 = vector.extract_strided_slice %concatenate3A {offsets = [2, 1], sizes = [1, 1], strides = [1, 1]} : vector<4x3xf32> to vector<1x1xf32>
    %slice3A_3272 = vector.extract_strided_slice %concatenate3A {offsets = [2, 2], sizes = [1, 1], strides = [1, 1]} : vector<4x3xf32> to vector<1x1xf32>
    %get3A_3273 = arith.constant 0 : index
    %get3A_3274 = arith.constant 0 : index
    %get3A_3275 = arith.constant 0 : index
    %get3A_3276 = vector.load %arg20[%get3A_3273, %get3A_3274, %get3A_3275] : memref<3x16x16xf32, #tpu.memory_space<vmem>>, vector<1x16x16xf32>
    %get3A_3277 = vector.shape_cast %get3A_3276 : vector<1x16x16xf32> to vector<16x16xf32>
    %mul3A_3278 = vector.broadcast %slice3A_3270 : vector<1x1xf32> to vector<16x16xf32>
    %mul3A_3279 = arith.mulf %mul3A_3278, %get3A_3277 : vector<16x16xf32>
    %get3A_3280 = arith.constant 1 : index
    %get3A_3281 = arith.constant 0 : index
    %get3A_3282 = arith.constant 0 : index
    %get3A_3283 = vector.load %arg20[%get3A_3280, %get3A_3281, %get3A_3282] : memref<3x16x16xf32, #tpu.memory_space<vmem>>, vector<1x16x16xf32>
    %get3A_3284 = vector.shape_cast %get3A_3283 : vector<1x16x16xf32> to vector<16x16xf32>
    %mul3A_3285 = vector.broadcast %slice3A_3271 : vector<1x1xf32> to vector<16x16xf32>
    %mul3A_3286 = arith.mulf %mul3A_3285, %get3A_3284 : vector<16x16xf32>
    %add3A_3287 = arith.addf %mul3A_3279, %mul3A_3286 : vector<16x16xf32>
    %get3A_3288 = arith.constant 2 : index
    %get3A_3289 = arith.constant 0 : index
    %get3A_3290 = arith.constant 0 : index
    %get3A_3291 = vector.load %arg20[%get3A_3288, %get3A_3289, %get3A_3290] : memref<3x16x16xf32, #tpu.memory_space<vmem>>, vector<1x16x16xf32>
    %get3A_3292 = vector.shape_cast %get3A_3291 : vector<1x16x16xf32> to vector<16x16xf32>
    %mul3A_3293 = vector.broadcast %slice3A_3272 : vector<1x1xf32> to vector<16x16xf32>
    %mul3A_3294 = arith.mulf %mul3A_3293, %get3A_3292 : vector<16x16xf32>
    %add3A_3295 = arith.addf %add3A_3287, %mul3A_3294 : vector<16x16xf32>
    %slice3A_3296 = vector.extract_strided_slice %concatenate3A_3103 {offsets = [0, 2048], sizes = [16, 1024], strides = [1, 1]} : vector<16x4096xf32> to vector<16x1024xf32>
    %dot_general3A_3297 = arith.constant dense<0.000000e+00> : vector<16x1024xf32>
    %dot_general3A_3298 = tpu.matmul %add3A_3295, %slice3A_3296, %dot_general3A_3297 {dimension_numbers = #tpu.dot_dimension_numbers<[1], [0], [0], [1], [0, 0, 1, 1], [], []>, transpose_lhs_hint = false} : vector<16x16xf32>, vector<16x1024xf32>, vector<16x1024xf32> -> vector<16x1024xf32>
    %get3A_3299 = arith.constant 0 : index
    %get3A_3300 = arith.constant 0 : index
    %get3A_3301 = arith.constant 0 : index
    %get3A_3302 = vector.load %arg21[%get3A_3299, %get3A_3300, %get3A_3301] : memref<3x16x1xf32, #tpu.memory_space<vmem>>, vector<1x16x1xf32>
    %get3A_3303 = vector.shape_cast %get3A_3302 : vector<1x16x1xf32> to vector<16x1xf32>
    %mul3A_3304 = vector.broadcast %slice3A_3270 : vector<1x1xf32> to vector<16x1xf32>
    %mul3A_3305 = arith.mulf %mul3A_3304, %get3A_3303 : vector<16x1xf32>
    %get3A_3306 = arith.constant 1 : index
    %get3A_3307 = arith.constant 0 : index
    %get3A_3308 = arith.constant 0 : index
    %get3A_3309 = vector.load %arg21[%get3A_3306, %get3A_3307, %get3A_3308] : memref<3x16x1xf32, #tpu.memory_space<vmem>>, vector<1x16x1xf32>
    %get3A_3310 = vector.shape_cast %get3A_3309 : vector<1x16x1xf32> to vector<16x1xf32>
    %mul3A_3311 = vector.broadcast %slice3A_3271 : vector<1x1xf32> to vector<16x1xf32>
    %mul3A_3312 = arith.mulf %mul3A_3311, %get3A_3310 : vector<16x1xf32>
    %add3A_3313 = arith.addf %mul3A_3305, %mul3A_3312 : vector<16x1xf32>
    %get3A_3314 = arith.constant 2 : index
    %get3A_3315 = arith.constant 0 : index
    %get3A_3316 = arith.constant 0 : index
    %get3A_3317 = vector.load %arg21[%get3A_3314, %get3A_3315, %get3A_3316] : memref<3x16x1xf32, #tpu.memory_space<vmem>>, vector<1x16x1xf32>
    %get3A_3318 = vector.shape_cast %get3A_3317 : vector<1x16x1xf32> to vector<16x1xf32>
    %mul3A_3319 = vector.broadcast %slice3A_3272 : vector<1x1xf32> to vector<16x1xf32>
    %mul3A_3320 = arith.mulf %mul3A_3319, %get3A_3318 : vector<16x1xf32>
    %add3A_3321 = arith.addf %add3A_3313, %mul3A_3320 : vector<16x1xf32>
    %add3A_3322 = vector.broadcast %add3A_3321 : vector<16x1xf32> to vector<16x1024xf32>
    %add3A_3323 = arith.addf %dot_general3A_3298, %add3A_3322 : vector<16x1024xf32>
    %get3A_3324 = arith.constant 0 : index
    %get3A_3325 = arith.constant 0 : index
    %get3A_3326 = arith.constant 0 : index
    %get3A_3327 = vector.load %arg22[%get3A_3324, %get3A_3325, %get3A_3326] : memref<3x16x1xf32, #tpu.memory_space<vmem>>, vector<1x16x1xf32>
    %get3A_3328 = vector.shape_cast %get3A_3327 : vector<1x16x1xf32> to vector<16x1xf32>
    %mul3A_3329 = vector.broadcast %slice3A_3270 : vector<1x1xf32> to vector<16x1xf32>
    %mul3A_3330 = arith.mulf %mul3A_3329, %get3A_3328 : vector<16x1xf32>
    %get3A_3331 = arith.constant 1 : index
    %get3A_3332 = arith.constant 0 : index
    %get3A_3333 = arith.constant 0 : index
    %get3A_3334 = vector.load %arg22[%get3A_3331, %get3A_3332, %get3A_3333] : memref<3x16x1xf32, #tpu.memory_space<vmem>>, vector<1x16x1xf32>
    %get3A_3335 = vector.shape_cast %get3A_3334 : vector<1x16x1xf32> to vector<16x1xf32>
    %mul3A_3336 = vector.broadcast %slice3A_3271 : vector<1x1xf32> to vector<16x1xf32>
    %mul3A_3337 = arith.mulf %mul3A_3336, %get3A_3335 : vector<16x1xf32>
    %add3A_3338 = arith.addf %mul3A_3330, %mul3A_3337 : vector<16x1xf32>
    %get3A_3339 = arith.constant 2 : index
    %get3A_3340 = arith.constant 0 : index
    %get3A_3341 = arith.constant 0 : index
    %get3A_3342 = vector.load %arg22[%get3A_3339, %get3A_3340, %get3A_3341] : memref<3x16x1xf32, #tpu.memory_space<vmem>>, vector<1x16x1xf32>
    %get3A_3343 = vector.shape_cast %get3A_3342 : vector<1x16x1xf32> to vector<16x1xf32>
    %mul3A_3344 = vector.broadcast %slice3A_3272 : vector<1x1xf32> to vector<16x1xf32>
    %mul3A_3345 = arith.mulf %mul3A_3344, %get3A_3343 : vector<16x1xf32>
    %add3A_3346 = arith.addf %add3A_3338, %mul3A_3345 : vector<16x1xf32>
    %gt3A_3347 = arith.constant 0.000000e+00 : f32
    %gt3A_3348 = vector.broadcast %gt3A_3347 : f32 to vector<16x1024xf32>
    %gt3A_3349 = arith.cmpf ogt, %add3A_3323, %gt3A_3348 : vector<16x1024xf32>
    %mul3A_3350 = vector.broadcast %add3A_3346 : vector<16x1xf32> to vector<16x1024xf32>
    %mul3A_3351 = arith.mulf %mul3A_3350, %add3A_3323 : vector<16x1024xf32>
    %select_n3A_3352 = arith.select %gt3A_3349, %add3A_3323, %mul3A_3351 : vector<16x1024xi1>, vector<16x1024xf32>
    %slice3A_3353 = vector.extract_strided_slice %concatenate3A {offsets = [3, 0], sizes = [1, 1], strides = [1, 1]} : vector<4x3xf32> to vector<1x1xf32>
    %slice3A_3354 = vector.extract_strided_slice %concatenate3A {offsets = [3, 1], sizes = [1, 1], strides = [1, 1]} : vector<4x3xf32> to vector<1x1xf32>
    %slice3A_3355 = vector.extract_strided_slice %concatenate3A {offsets = [3, 2], sizes = [1, 1], strides = [1, 1]} : vector<4x3xf32> to vector<1x1xf32>
    %get3A_3356 = arith.constant 0 : index
    %get3A_3357 = arith.constant 0 : index
    %get3A_3358 = arith.constant 0 : index
    %get3A_3359 = vector.load %arg20[%get3A_3356, %get3A_3357, %get3A_3358] : memref<3x16x16xf32, #tpu.memory_space<vmem>>, vector<1x16x16xf32>
    %get3A_3360 = vector.shape_cast %get3A_3359 : vector<1x16x16xf32> to vector<16x16xf32>
    %mul3A_3361 = vector.broadcast %slice3A_3353 : vector<1x1xf32> to vector<16x16xf32>
    %mul3A_3362 = arith.mulf %mul3A_3361, %get3A_3360 : vector<16x16xf32>
    %get3A_3363 = arith.constant 1 : index
    %get3A_3364 = arith.constant 0 : index
    %get3A_3365 = arith.constant 0 : index
    %get3A_3366 = vector.load %arg20[%get3A_3363, %get3A_3364, %get3A_3365] : memref<3x16x16xf32, #tpu.memory_space<vmem>>, vector<1x16x16xf32>
    %get3A_3367 = vector.shape_cast %get3A_3366 : vector<1x16x16xf32> to vector<16x16xf32>
    %mul3A_3368 = vector.broadcast %slice3A_3354 : vector<1x1xf32> to vector<16x16xf32>
    %mul3A_3369 = arith.mulf %mul3A_3368, %get3A_3367 : vector<16x16xf32>
    %add3A_3370 = arith.addf %mul3A_3362, %mul3A_3369 : vector<16x16xf32>
    %get3A_3371 = arith.constant 2 : index
    %get3A_3372 = arith.constant 0 : index
    %get3A_3373 = arith.constant 0 : index
    %get3A_3374 = vector.load %arg20[%get3A_3371, %get3A_3372, %get3A_3373] : memref<3x16x16xf32, #tpu.memory_space<vmem>>, vector<1x16x16xf32>
    %get3A_3375 = vector.shape_cast %get3A_3374 : vector<1x16x16xf32> to vector<16x16xf32>
    %mul3A_3376 = vector.broadcast %slice3A_3355 : vector<1x1xf32> to vector<16x16xf32>
    %mul3A_3377 = arith.mulf %mul3A_3376, %get3A_3375 : vector<16x16xf32>
    %add3A_3378 = arith.addf %add3A_3370, %mul3A_3377 : vector<16x16xf32>
    %slice3A_3379 = vector.extract_strided_slice %concatenate3A_3103 {offsets = [0, 3072], sizes = [16, 1024], strides = [1, 1]} : vector<16x4096xf32> to vector<16x1024xf32>
    %dot_general3A_3380 = arith.constant dense<0.000000e+00> : vector<16x1024xf32>
    %dot_general3A_3381 = tpu.matmul %add3A_3378, %slice3A_3379, %dot_general3A_3380 {dimension_numbers = #tpu.dot_dimension_numbers<[1], [0], [0], [1], [0, 0, 1, 1], [], []>, transpose_lhs_hint = false} : vector<16x16xf32>, vector<16x1024xf32>, vector<16x1024xf32> -> vector<16x1024xf32>
    %get3A_3382 = arith.constant 0 : index
    %get3A_3383 = arith.constant 0 : index
    %get3A_3384 = arith.constant 0 : index
    %get3A_3385 = vector.load %arg21[%get3A_3382, %get3A_3383, %get3A_3384] : memref<3x16x1xf32, #tpu.memory_space<vmem>>, vector<1x16x1xf32>
    %get3A_3386 = vector.shape_cast %get3A_3385 : vector<1x16x1xf32> to vector<16x1xf32>
    %mul3A_3387 = vector.broadcast %slice3A_3353 : vector<1x1xf32> to vector<16x1xf32>
    %mul3A_3388 = arith.mulf %mul3A_3387, %get3A_3386 : vector<16x1xf32>
    %get3A_3389 = arith.constant 1 : index
    %get3A_3390 = arith.constant 0 : index
    %get3A_3391 = arith.constant 0 : index
    %get3A_3392 = vector.load %arg21[%get3A_3389, %get3A_3390, %get3A_3391] : memref<3x16x1xf32, #tpu.memory_space<vmem>>, vector<1x16x1xf32>
    %get3A_3393 = vector.shape_cast %get3A_3392 : vector<1x16x1xf32> to vector<16x1xf32>
    %mul3A_3394 = vector.broadcast %slice3A_3354 : vector<1x1xf32> to vector<16x1xf32>
    %mul3A_3395 = arith.mulf %mul3A_3394, %get3A_3393 : vector<16x1xf32>
    %add3A_3396 = arith.addf %mul3A_3388, %mul3A_3395 : vector<16x1xf32>
    %get3A_3397 = arith.constant 2 : index
    %get3A_3398 = arith.constant 0 : index
    %get3A_3399 = arith.constant 0 : index
    %get3A_3400 = vector.load %arg21[%get3A_3397, %get3A_3398, %get3A_3399] : memref<3x16x1xf32, #tpu.memory_space<vmem>>, vector<1x16x1xf32>
    %get3A_3401 = vector.shape_cast %get3A_3400 : vector<1x16x1xf32> to vector<16x1xf32>
    %mul3A_3402 = vector.broadcast %slice3A_3355 : vector<1x1xf32> to vector<16x1xf32>
    %mul3A_3403 = arith.mulf %mul3A_3402, %get3A_3401 : vector<16x1xf32>
    %add3A_3404 = arith.addf %add3A_3396, %mul3A_3403 : vector<16x1xf32>
    %add3A_3405 = vector.broadcast %add3A_3404 : vector<16x1xf32> to vector<16x1024xf32>
    %add3A_3406 = arith.addf %dot_general3A_3381, %add3A_3405 : vector<16x1024xf32>
    %get3A_3407 = arith.constant 0 : index
    %get3A_3408 = arith.constant 0 : index
    %get3A_3409 = arith.constant 0 : index
    %get3A_3410 = vector.load %arg22[%get3A_3407, %get3A_3408, %get3A_3409] : memref<3x16x1xf32, #tpu.memory_space<vmem>>, vector<1x16x1xf32>
    %get3A_3411 = vector.shape_cast %get3A_3410 : vector<1x16x1xf32> to vector<16x1xf32>
    %mul3A_3412 = vector.broadcast %slice3A_3353 : vector<1x1xf32> to vector<16x1xf32>
    %mul3A_3413 = arith.mulf %mul3A_3412, %get3A_3411 : vector<16x1xf32>
    %get3A_3414 = arith.constant 1 : index
    %get3A_3415 = arith.constant 0 : index
    %get3A_3416 = arith.constant 0 : index
    %get3A_3417 = vector.load %arg22[%get3A_3414, %get3A_3415, %get3A_3416] : memref<3x16x1xf32, #tpu.memory_space<vmem>>, vector<1x16x1xf32>
    %get3A_3418 = vector.shape_cast %get3A_3417 : vector<1x16x1xf32> to vector<16x1xf32>
    %mul3A_3419 = vector.broadcast %slice3A_3354 : vector<1x1xf32> to vector<16x1xf32>
    %mul3A_3420 = arith.mulf %mul3A_3419, %get3A_3418 : vector<16x1xf32>
    %add3A_3421 = arith.addf %mul3A_3413, %mul3A_3420 : vector<16x1xf32>
    %get3A_3422 = arith.constant 2 : index
    %get3A_3423 = arith.constant 0 : index
    %get3A_3424 = arith.constant 0 : index
    %get3A_3425 = vector.load %arg22[%get3A_3422, %get3A_3423, %get3A_3424] : memref<3x16x1xf32, #tpu.memory_space<vmem>>, vector<1x16x1xf32>
    %get3A_3426 = vector.shape_cast %get3A_3425 : vector<1x16x1xf32> to vector<16x1xf32>
    %mul3A_3427 = vector.broadcast %slice3A_3355 : vector<1x1xf32> to vector<16x1xf32>
    %mul3A_3428 = arith.mulf %mul3A_3427, %get3A_3426 : vector<16x1xf32>
    %add3A_3429 = arith.addf %add3A_3421, %mul3A_3428 : vector<16x1xf32>
    %gt3A_3430 = arith.constant 0.000000e+00 : f32
    %gt3A_3431 = vector.broadcast %gt3A_3430 : f32 to vector<16x1024xf32>
    %gt3A_3432 = arith.cmpf ogt, %add3A_3406, %gt3A_3431 : vector<16x1024xf32>
    %mul3A_3433 = vector.broadcast %add3A_3429 : vector<16x1xf32> to vector<16x1024xf32>
    %mul3A_3434 = arith.mulf %mul3A_3433, %add3A_3406 : vector<16x1024xf32>
    %select_n3A_3435 = arith.select %gt3A_3432, %add3A_3406, %mul3A_3434 : vector<16x1024xi1>, vector<16x1024xf32>
    %concatenate3A_3436 = tpu.concatenate %select_n3A_3186, %select_n3A_3269, %select_n3A_3352, %select_n3A_3435 in 1 : vector<16x1024xf32>, vector<16x1024xf32>, vector<16x1024xf32>, vector<16x1024xf32> -> vector<16x4096xf32>
    %jit3A_3437 = arith.constant 0 : i32
    %convert_element_type3A_3438 = arith.sitofp %jit3A_3437 : i32 to f32
    %pad3A_3439 = vector.broadcast %convert_element_type3A_3438 : f32 to vector<16x33xf32>
    %pad3A_3440 = tpu.concatenate %pad3A_3439, %concatenate3A_3436 in 1 : vector<16x33xf32>, vector<16x4096xf32> -> vector<16x4129xf32>
    %pad3A_3441 = vector.broadcast %convert_element_type3A_3438 : f32 to vector<16x33xf32>
    %pad3A_3442 = tpu.concatenate %pad3A_3440, %pad3A_3441 in 1 : vector<16x4129xf32>, vector<16x33xf32> -> vector<16x4162xf32>
    %slice3A_3443 = vector.extract_strided_slice %pad3A_3442 {offsets = [0, 0], sizes = [16, 4096], strides = [1, 1]} : vector<16x4162xf32> to vector<16x4096xf32>
    %jit3A_3444 = arith.constant 0.000000e+00 : f32
    %broadcast_in_dim3A_3445 = vector.shape_cast %and3A_173 : vector<1x4096xi1> to vector<1x4096xi1>
    %broadcast_in_dim3A_3446 = vector.broadcast %broadcast_in_dim3A_3445 : vector<1x4096xi1> to vector<16x4096xi1>
    %broadcast_in_dim3A_3447 = vector.broadcast %jit3A_3444 : f32 to vector<16x4096xf32>
    %select_n3A_3448 = arith.select %broadcast_in_dim3A_3446, %slice3A_3443, %broadcast_in_dim3A_3447 : vector<16x4096xi1>, vector<16x4096xf32>
    %swap3A_3449 = arith.constant 0 : index
    %swap3A_3450 = arith.constant 0 : index
    %swap3A_3451 = vector.load %arg27[%swap3A_3449, %swap3A_3450] : memref<144x4096xf32, #tpu.memory_space<vmem>>, vector<16x4096xf32>
    tpu.vector_store %arg27[%swap3A_3449, %swap3A_3450], %select_n3A_3448 {strides = array<i32>} : memref<144x4096xf32, #tpu.memory_space<vmem>>, vector<16x4096xf32>,
    %slice3A_3452 = vector.extract_strided_slice %pad3A_3442 {offsets = [0, 1], sizes = [16, 4096], strides = [1, 1]} : vector<16x4162xf32> to vector<16x4096xf32>
    %jit3A_3453 = arith.constant 0.000000e+00 : f32
    %broadcast_in_dim3A_3454 = vector.shape_cast %and3A_186 : vector<1x4096xi1> to vector<1x4096xi1>
    %broadcast_in_dim3A_3455 = vector.broadcast %broadcast_in_dim3A_3454 : vector<1x4096xi1> to vector<16x4096xi1>
    %broadcast_in_dim3A_3456 = vector.broadcast %jit3A_3453 : f32 to vector<16x4096xf32>
    %select_n3A_3457 = arith.select %broadcast_in_dim3A_3455, %slice3A_3452, %broadcast_in_dim3A_3456 : vector<16x4096xi1>, vector<16x4096xf32>
    %swap3A_3458 = arith.constant 16 : index
    %swap3A_3459 = arith.constant 0 : index
    %swap3A_3460 = vector.load %arg27[%swap3A_3458, %swap3A_3459] : memref<144x4096xf32, #tpu.memory_space<vmem>>, vector<16x4096xf32>
    tpu.vector_store %arg27[%swap3A_3458, %swap3A_3459], %select_n3A_3457 {strides = array<i32>} : memref<144x4096xf32, #tpu.memory_space<vmem>>, vector<16x4096xf32>,
    %slice3A_3461 = vector.extract_strided_slice %pad3A_3442 {offsets = [0, 2], sizes = [16, 4096], strides = [1, 1]} : vector<16x4162xf32> to vector<16x4096xf32>
    %jit3A_3462 = arith.constant 0.000000e+00 : f32
    %broadcast_in_dim3A_3463 = vector.shape_cast %and3A_213 : vector<1x4096xi1> to vector<1x4096xi1>
    %broadcast_in_dim3A_3464 = vector.broadcast %broadcast_in_dim3A_3463 : vector<1x4096xi1> to vector<16x4096xi1>
    %broadcast_in_dim3A_3465 = vector.broadcast %jit3A_3462 : f32 to vector<16x4096xf32>
    %select_n3A_3466 = arith.select %broadcast_in_dim3A_3464, %slice3A_3461, %broadcast_in_dim3A_3465 : vector<16x4096xi1>, vector<16x4096xf32>
    %swap3A_3467 = arith.constant 32 : index
    %swap3A_3468 = arith.constant 0 : index
    %swap3A_3469 = vector.load %arg27[%swap3A_3467, %swap3A_3468] : memref<144x4096xf32, #tpu.memory_space<vmem>>, vector<16x4096xf32>
    tpu.vector_store %arg27[%swap3A_3467, %swap3A_3468], %select_n3A_3466 {strides = array<i32>} : memref<144x4096xf32, #tpu.memory_space<vmem>>, vector<16x4096xf32>,
    %slice3A_3470 = vector.extract_strided_slice %pad3A_3442 {offsets = [0, 32], sizes = [16, 4096], strides = [1, 1]} : vector<16x4162xf32> to vector<16x4096xf32>
    %jit3A_3471 = arith.constant 0.000000e+00 : f32
    %broadcast_in_dim3A_3472 = vector.shape_cast %and3A_226 : vector<1x4096xi1> to vector<1x4096xi1>
    %broadcast_in_dim3A_3473 = vector.broadcast %broadcast_in_dim3A_3472 : vector<1x4096xi1> to vector<16x4096xi1>
    %broadcast_in_dim3A_3474 = vector.broadcast %jit3A_3471 : f32 to vector<16x4096xf32>
    %select_n3A_3475 = arith.select %broadcast_in_dim3A_3473, %slice3A_3470, %broadcast_in_dim3A_3474 : vector<16x4096xi1>, vector<16x4096xf32>
    %swap3A_3476 = arith.constant 48 : index
    %swap3A_3477 = arith.constant 0 : index
    %swap3A_3478 = vector.load %arg27[%swap3A_3476, %swap3A_3477] : memref<144x4096xf32, #tpu.memory_space<vmem>>, vector<16x4096xf32>
    tpu.vector_store %arg27[%swap3A_3476, %swap3A_3477], %select_n3A_3475 {strides = array<i32>} : memref<144x4096xf32, #tpu.memory_space<vmem>>, vector<16x4096xf32>,
    %slice3A_3479 = vector.extract_strided_slice %pad3A_3442 {offsets = [0, 33], sizes = [16, 4096], strides = [1, 1]} : vector<16x4162xf32> to vector<16x4096xf32>
    %swap3A_3480 = arith.constant 64 : index
    %swap3A_3481 = arith.constant 0 : index
    %swap3A_3482 = vector.load %arg27[%swap3A_3480, %swap3A_3481] : memref<144x4096xf32, #tpu.memory_space<vmem>>, vector<16x4096xf32>
    tpu.vector_store %arg27[%swap3A_3480, %swap3A_3481], %slice3A_3479 {strides = array<i32>} : memref<144x4096xf32, #tpu.memory_space<vmem>>, vector<16x4096xf32>,
    %slice3A_3483 = vector.extract_strided_slice %pad3A_3442 {offsets = [0, 34], sizes = [16, 4096], strides = [1, 1]} : vector<16x4162xf32> to vector<16x4096xf32>
    %jit3A_3484 = arith.constant 0.000000e+00 : f32
    %broadcast_in_dim3A_3485 = vector.shape_cast %and3A_239 : vector<1x4096xi1> to vector<1x4096xi1>
    %broadcast_in_dim3A_3486 = vector.broadcast %broadcast_in_dim3A_3485 : vector<1x4096xi1> to vector<16x4096xi1>
    %broadcast_in_dim3A_3487 = vector.broadcast %jit3A_3484 : f32 to vector<16x4096xf32>
    %select_n3A_3488 = arith.select %broadcast_in_dim3A_3486, %slice3A_3483, %broadcast_in_dim3A_3487 : vector<16x4096xi1>, vector<16x4096xf32>
    %swap3A_3489 = arith.constant 80 : index
    %swap3A_3490 = arith.constant 0 : index
    %swap3A_3491 = vector.load %arg27[%swap3A_3489, %swap3A_3490] : memref<144x4096xf32, #tpu.memory_space<vmem>>, vector<16x4096xf32>
    tpu.vector_store %arg27[%swap3A_3489, %swap3A_3490], %select_n3A_3488 {strides = array<i32>} : memref<144x4096xf32, #tpu.memory_space<vmem>>, vector<16x4096xf32>,
    %slice3A_3492 = vector.extract_strided_slice %pad3A_3442 {offsets = [0, 64], sizes = [16, 4096], strides = [1, 1]} : vector<16x4162xf32> to vector<16x4096xf32>
    %jit3A_3493 = arith.constant 0.000000e+00 : f32
    %broadcast_in_dim3A_3494 = vector.shape_cast %and3A_266 : vector<1x4096xi1> to vector<1x4096xi1>
    %broadcast_in_dim3A_3495 = vector.broadcast %broadcast_in_dim3A_3494 : vector<1x4096xi1> to vector<16x4096xi1>
    %broadcast_in_dim3A_3496 = vector.broadcast %jit3A_3493 : f32 to vector<16x4096xf32>
    %select_n3A_3497 = arith.select %broadcast_in_dim3A_3495, %slice3A_3492, %broadcast_in_dim3A_3496 : vector<16x4096xi1>, vector<16x4096xf32>
    %swap3A_3498 = arith.constant 96 : index
    %swap3A_3499 = arith.constant 0 : index
    %swap3A_3500 = vector.load %arg27[%swap3A_3498, %swap3A_3499] : memref<144x4096xf32, #tpu.memory_space<vmem>>, vector<16x4096xf32>
    tpu.vector_store %arg27[%swap3A_3498, %swap3A_3499], %select_n3A_3497 {strides = array<i32>} : memref<144x4096xf32, #tpu.memory_space<vmem>>, vector<16x4096xf32>,
    %slice3A_3501 = vector.extract_strided_slice %pad3A_3442 {offsets = [0, 65], sizes = [16, 4096], strides = [1, 1]} : vector<16x4162xf32> to vector<16x4096xf32>
    %jit3A_3502 = arith.constant 0.000000e+00 : f32
    %broadcast_in_dim3A_3503 = vector.shape_cast %and3A_279 : vector<1x4096xi1> to vector<1x4096xi1>
    %broadcast_in_dim3A_3504 = vector.broadcast %broadcast_in_dim3A_3503 : vector<1x4096xi1> to vector<16x4096xi1>
    %broadcast_in_dim3A_3505 = vector.broadcast %jit3A_3502 : f32 to vector<16x4096xf32>
    %select_n3A_3506 = arith.select %broadcast_in_dim3A_3504, %slice3A_3501, %broadcast_in_dim3A_3505 : vector<16x4096xi1>, vector<16x4096xf32>
    %swap3A_3507 = arith.constant 112 : index
    %swap3A_3508 = arith.constant 0 : index
    %swap3A_3509 = vector.load %arg27[%swap3A_3507, %swap3A_3508] : memref<144x4096xf32, #tpu.memory_space<vmem>>, vector<16x4096xf32>
    tpu.vector_store %arg27[%swap3A_3507, %swap3A_3508], %select_n3A_3506 {strides = array<i32>} : memref<144x4096xf32, #tpu.memory_space<vmem>>, vector<16x4096xf32>,
    %slice3A_3510 = vector.extract_strided_slice %pad3A_3442 {offsets = [0, 66], sizes = [16, 4096], strides = [1, 1]} : vector<16x4162xf32> to vector<16x4096xf32>
    %jit3A_3511 = arith.constant 0.000000e+00 : f32
    %broadcast_in_dim3A_3512 = vector.shape_cast %and3A_306 : vector<1x4096xi1> to vector<1x4096xi1>
    %broadcast_in_dim3A_3513 = vector.broadcast %broadcast_in_dim3A_3512 : vector<1x4096xi1> to vector<16x4096xi1>
    %broadcast_in_dim3A_3514 = vector.broadcast %jit3A_3511 : f32 to vector<16x4096xf32>
    %select_n3A_3515 = arith.select %broadcast_in_dim3A_3513, %slice3A_3510, %broadcast_in_dim3A_3514 : vector<16x4096xi1>, vector<16x4096xf32>
    %swap3A_3516 = arith.constant 128 : index
    %swap3A_3517 = arith.constant 0 : index
    %swap3A_3518 = vector.load %arg27[%swap3A_3516, %swap3A_3517] : memref<144x4096xf32, #tpu.memory_space<vmem>>, vector<16x4096xf32>
    tpu.vector_store %arg27[%swap3A_3516, %swap3A_3517], %select_n3A_3515 {strides = array<i32>} : memref<144x4096xf32, #tpu.memory_space<vmem>>, vector<16x4096xf32>,
    %get3A_3519 = arith.constant 0 : index
    %get3A_3520 = arith.constant 0 : index
    %get3A_3521 = vector.load %arg27[%get3A_3519, %get3A_3520] : memref<144x4096xf32, #tpu.memory_space<vmem>>, vector<144x4096xf32>
    %slice3A_3522 = vector.extract_strided_slice %concatenate3A {offsets = [0, 0], sizes = [1, 1], strides = [1, 1]} : vector<4x3xf32> to vector<1x1xf32>
    %slice3A_3523 = vector.extract_strided_slice %concatenate3A {offsets = [0, 1], sizes = [1, 1], strides = [1, 1]} : vector<4x3xf32> to vector<1x1xf32>
    %slice3A_3524 = vector.extract_strided_slice %concatenate3A {offsets = [0, 2], sizes = [1, 1], strides = [1, 1]} : vector<4x3xf32> to vector<1x1xf32>
    %get3A_3525 = arith.constant 0 : index
    %get3A_3526 = arith.constant 0 : index
    %get3A_3527 = arith.constant 0 : index
    %get3A_3528 = vector.load %arg23[%get3A_3525, %get3A_3526, %get3A_3527] : memref<3x48x144xf32, #tpu.memory_space<vmem>>, vector<1x48x144xf32>
    %get3A_3529 = vector.shape_cast %get3A_3528 : vector<1x48x144xf32> to vector<48x144xf32>
    %mul3A_3530 = vector.broadcast %slice3A_3522 : vector<1x1xf32> to vector<48x144xf32>
    %mul3A_3531 = arith.mulf %mul3A_3530, %get3A_3529 : vector<48x144xf32>
    %get3A_3532 = arith.constant 1 : index
    %get3A_3533 = arith.constant 0 : index
    %get3A_3534 = arith.constant 0 : index
    %get3A_3535 = vector.load %arg23[%get3A_3532, %get3A_3533, %get3A_3534] : memref<3x48x144xf32, #tpu.memory_space<vmem>>, vector<1x48x144xf32>
    %get3A_3536 = vector.shape_cast %get3A_3535 : vector<1x48x144xf32> to vector<48x144xf32>
    %mul3A_3537 = vector.broadcast %slice3A_3523 : vector<1x1xf32> to vector<48x144xf32>
    %mul3A_3538 = arith.mulf %mul3A_3537, %get3A_3536 : vector<48x144xf32>
    %add3A_3539 = arith.addf %mul3A_3531, %mul3A_3538 : vector<48x144xf32>
    %get3A_3540 = arith.constant 2 : index
    %get3A_3541 = arith.constant 0 : index
    %get3A_3542 = arith.constant 0 : index
    %get3A_3543 = vector.load %arg23[%get3A_3540, %get3A_3541, %get3A_3542] : memref<3x48x144xf32, #tpu.memory_space<vmem>>, vector<1x48x144xf32>
    %get3A_3544 = vector.shape_cast %get3A_3543 : vector<1x48x144xf32> to vector<48x144xf32>
    %mul3A_3545 = vector.broadcast %slice3A_3524 : vector<1x1xf32> to vector<48x144xf32>
    %mul3A_3546 = arith.mulf %mul3A_3545, %get3A_3544 : vector<48x144xf32>
    %add3A_3547 = arith.addf %add3A_3539, %mul3A_3546 : vector<48x144xf32>
    %slice3A_3548 = vector.extract_strided_slice %get3A_3521 {offsets = [0, 0], sizes = [144, 1024], strides = [1, 1]} : vector<144x4096xf32> to vector<144x1024xf32>
    %dot_general3A_3549 = arith.constant dense<0.000000e+00> : vector<48x1024xf32>
    %dot_general3A_3550 = tpu.matmul %add3A_3547, %slice3A_3548, %dot_general3A_3549 {dimension_numbers = #tpu.dot_dimension_numbers<[1], [0], [0], [1], [0, 0, 1, 1], [], []>, transpose_lhs_hint = false} : vector<48x144xf32>, vector<144x1024xf32>, vector<48x1024xf32> -> vector<48x1024xf32>
    %get3A_3551 = arith.constant 0 : index
    %get3A_3552 = arith.constant 0 : index
    %get3A_3553 = arith.constant 0 : index
    %get3A_3554 = vector.load %arg24[%get3A_3551, %get3A_3552, %get3A_3553] : memref<3x48x1xf32, #tpu.memory_space<vmem>>, vector<1x48x1xf32>
    %get3A_3555 = vector.shape_cast %get3A_3554 : vector<1x48x1xf32> to vector<48x1xf32>
    %mul3A_3556 = vector.broadcast %slice3A_3522 : vector<1x1xf32> to vector<48x1xf32>
    %mul3A_3557 = arith.mulf %mul3A_3556, %get3A_3555 : vector<48x1xf32>
    %get3A_3558 = arith.constant 1 : index
    %get3A_3559 = arith.constant 0 : index
    %get3A_3560 = arith.constant 0 : index
    %get3A_3561 = vector.load %arg24[%get3A_3558, %get3A_3559, %get3A_3560] : memref<3x48x1xf32, #tpu.memory_space<vmem>>, vector<1x48x1xf32>
    %get3A_3562 = vector.shape_cast %get3A_3561 : vector<1x48x1xf32> to vector<48x1xf32>
    %mul3A_3563 = vector.broadcast %slice3A_3523 : vector<1x1xf32> to vector<48x1xf32>
    %mul3A_3564 = arith.mulf %mul3A_3563, %get3A_3562 : vector<48x1xf32>
    %add3A_3565 = arith.addf %mul3A_3557, %mul3A_3564 : vector<48x1xf32>
    %get3A_3566 = arith.constant 2 : index
    %get3A_3567 = arith.constant 0 : index
    %get3A_3568 = arith.constant 0 : index
    %get3A_3569 = vector.load %arg24[%get3A_3566, %get3A_3567, %get3A_3568] : memref<3x48x1xf32, #tpu.memory_space<vmem>>, vector<1x48x1xf32>
    %get3A_3570 = vector.shape_cast %get3A_3569 : vector<1x48x1xf32> to vector<48x1xf32>
    %mul3A_3571 = vector.broadcast %slice3A_3524 : vector<1x1xf32> to vector<48x1xf32>
    %mul3A_3572 = arith.mulf %mul3A_3571, %get3A_3570 : vector<48x1xf32>
    %add3A_3573 = arith.addf %add3A_3565, %mul3A_3572 : vector<48x1xf32>
    %add3A_3574 = vector.broadcast %add3A_3573 : vector<48x1xf32> to vector<48x1024xf32>
    %add3A_3575 = arith.addf %dot_general3A_3550, %add3A_3574 : vector<48x1024xf32>
    %slice3A_3576 = vector.extract_strided_slice %concatenate3A {offsets = [1, 0], sizes = [1, 1], strides = [1, 1]} : vector<4x3xf32> to vector<1x1xf32>
    %slice3A_3577 = vector.extract_strided_slice %concatenate3A {offsets = [1, 1], sizes = [1, 1], strides = [1, 1]} : vector<4x3xf32> to vector<1x1xf32>
    %slice3A_3578 = vector.extract_strided_slice %concatenate3A {offsets = [1, 2], sizes = [1, 1], strides = [1, 1]} : vector<4x3xf32> to vector<1x1xf32>
    %get3A_3579 = arith.constant 0 : index
    %get3A_3580 = arith.constant 0 : index
    %get3A_3581 = arith.constant 0 : index
    %get3A_3582 = vector.load %arg23[%get3A_3579, %get3A_3580, %get3A_3581] : memref<3x48x144xf32, #tpu.memory_space<vmem>>, vector<1x48x144xf32>
    %get3A_3583 = vector.shape_cast %get3A_3582 : vector<1x48x144xf32> to vector<48x144xf32>
    %mul3A_3584 = vector.broadcast %slice3A_3576 : vector<1x1xf32> to vector<48x144xf32>
    %mul3A_3585 = arith.mulf %mul3A_3584, %get3A_3583 : vector<48x144xf32>
    %get3A_3586 = arith.constant 1 : index
    %get3A_3587 = arith.constant 0 : index
    %get3A_3588 = arith.constant 0 : index
    %get3A_3589 = vector.load %arg23[%get3A_3586, %get3A_3587, %get3A_3588] : memref<3x48x144xf32, #tpu.memory_space<vmem>>, vector<1x48x144xf32>
    %get3A_3590 = vector.shape_cast %get3A_3589 : vector<1x48x144xf32> to vector<48x144xf32>
    %mul3A_3591 = vector.broadcast %slice3A_3577 : vector<1x1xf32> to vector<48x144xf32>
    %mul3A_3592 = arith.mulf %mul3A_3591, %get3A_3590 : vector<48x144xf32>
    %add3A_3593 = arith.addf %mul3A_3585, %mul3A_3592 : vector<48x144xf32>
    %get3A_3594 = arith.constant 2 : index
    %get3A_3595 = arith.constant 0 : index
    %get3A_3596 = arith.constant 0 : index
    %get3A_3597 = vector.load %arg23[%get3A_3594, %get3A_3595, %get3A_3596] : memref<3x48x144xf32, #tpu.memory_space<vmem>>, vector<1x48x144xf32>
    %get3A_3598 = vector.shape_cast %get3A_3597 : vector<1x48x144xf32> to vector<48x144xf32>
    %mul3A_3599 = vector.broadcast %slice3A_3578 : vector<1x1xf32> to vector<48x144xf32>
    %mul3A_3600 = arith.mulf %mul3A_3599, %get3A_3598 : vector<48x144xf32>
    %add3A_3601 = arith.addf %add3A_3593, %mul3A_3600 : vector<48x144xf32>
    %slice3A_3602 = vector.extract_strided_slice %get3A_3521 {offsets = [0, 1024], sizes = [144, 1024], strides = [1, 1]} : vector<144x4096xf32> to vector<144x1024xf32>
    %dot_general3A_3603 = arith.constant dense<0.000000e+00> : vector<48x1024xf32>
    %dot_general3A_3604 = tpu.matmul %add3A_3601, %slice3A_3602, %dot_general3A_3603 {dimension_numbers = #tpu.dot_dimension_numbers<[1], [0], [0], [1], [0, 0, 1, 1], [], []>, transpose_lhs_hint = false} : vector<48x144xf32>, vector<144x1024xf32>, vector<48x1024xf32> -> vector<48x1024xf32>
    %get3A_3605 = arith.constant 0 : index
    %get3A_3606 = arith.constant 0 : index
    %get3A_3607 = arith.constant 0 : index
    %get3A_3608 = vector.load %arg24[%get3A_3605, %get3A_3606, %get3A_3607] : memref<3x48x1xf32, #tpu.memory_space<vmem>>, vector<1x48x1xf32>
    %get3A_3609 = vector.shape_cast %get3A_3608 : vector<1x48x1xf32> to vector<48x1xf32>
    %mul3A_3610 = vector.broadcast %slice3A_3576 : vector<1x1xf32> to vector<48x1xf32>
    %mul3A_3611 = arith.mulf %mul3A_3610, %get3A_3609 : vector<48x1xf32>
    %get3A_3612 = arith.constant 1 : index
    %get3A_3613 = arith.constant 0 : index
    %get3A_3614 = arith.constant 0 : index
    %get3A_3615 = vector.load %arg24[%get3A_3612, %get3A_3613, %get3A_3614] : memref<3x48x1xf32, #tpu.memory_space<vmem>>, vector<1x48x1xf32>
    %get3A_3616 = vector.shape_cast %get3A_3615 : vector<1x48x1xf32> to vector<48x1xf32>
    %mul3A_3617 = vector.broadcast %slice3A_3577 : vector<1x1xf32> to vector<48x1xf32>
    %mul3A_3618 = arith.mulf %mul3A_3617, %get3A_3616 : vector<48x1xf32>
    %add3A_3619 = arith.addf %mul3A_3611, %mul3A_3618 : vector<48x1xf32>
    %get3A_3620 = arith.constant 2 : index
    %get3A_3621 = arith.constant 0 : index
    %get3A_3622 = arith.constant 0 : index
    %get3A_3623 = vector.load %arg24[%get3A_3620, %get3A_3621, %get3A_3622] : memref<3x48x1xf32, #tpu.memory_space<vmem>>, vector<1x48x1xf32>
    %get3A_3624 = vector.shape_cast %get3A_3623 : vector<1x48x1xf32> to vector<48x1xf32>
    %mul3A_3625 = vector.broadcast %slice3A_3578 : vector<1x1xf32> to vector<48x1xf32>
    %mul3A_3626 = arith.mulf %mul3A_3625, %get3A_3624 : vector<48x1xf32>
    %add3A_3627 = arith.addf %add3A_3619, %mul3A_3626 : vector<48x1xf32>
    %add3A_3628 = vector.broadcast %add3A_3627 : vector<48x1xf32> to vector<48x1024xf32>
    %add3A_3629 = arith.addf %dot_general3A_3604, %add3A_3628 : vector<48x1024xf32>
    %slice3A_3630 = vector.extract_strided_slice %concatenate3A {offsets = [2, 0], sizes = [1, 1], strides = [1, 1]} : vector<4x3xf32> to vector<1x1xf32>
    %slice3A_3631 = vector.extract_strided_slice %concatenate3A {offsets = [2, 1], sizes = [1, 1], strides = [1, 1]} : vector<4x3xf32> to vector<1x1xf32>
    %slice3A_3632 = vector.extract_strided_slice %concatenate3A {offsets = [2, 2], sizes = [1, 1], strides = [1, 1]} : vector<4x3xf32> to vector<1x1xf32>
    %get3A_3633 = arith.constant 0 : index
    %get3A_3634 = arith.constant 0 : index
    %get3A_3635 = arith.constant 0 : index
    %get3A_3636 = vector.load %arg23[%get3A_3633, %get3A_3634, %get3A_3635] : memref<3x48x144xf32, #tpu.memory_space<vmem>>, vector<1x48x144xf32>
    %get3A_3637 = vector.shape_cast %get3A_3636 : vector<1x48x144xf32> to vector<48x144xf32>
    %mul3A_3638 = vector.broadcast %slice3A_3630 : vector<1x1xf32> to vector<48x144xf32>
    %mul3A_3639 = arith.mulf %mul3A_3638, %get3A_3637 : vector<48x144xf32>
    %get3A_3640 = arith.constant 1 : index
    %get3A_3641 = arith.constant 0 : index
    %get3A_3642 = arith.constant 0 : index
    %get3A_3643 = vector.load %arg23[%get3A_3640, %get3A_3641, %get3A_3642] : memref<3x48x144xf32, #tpu.memory_space<vmem>>, vector<1x48x144xf32>
    %get3A_3644 = vector.shape_cast %get3A_3643 : vector<1x48x144xf32> to vector<48x144xf32>
    %mul3A_3645 = vector.broadcast %slice3A_3631 : vector<1x1xf32> to vector<48x144xf32>
    %mul3A_3646 = arith.mulf %mul3A_3645, %get3A_3644 : vector<48x144xf32>
    %add3A_3647 = arith.addf %mul3A_3639, %mul3A_3646 : vector<48x144xf32>
    %get3A_3648 = arith.constant 2 : index
    %get3A_3649 = arith.constant 0 : index
    %get3A_3650 = arith.constant 0 : index
    %get3A_3651 = vector.load %arg23[%get3A_3648, %get3A_3649, %get3A_3650] : memref<3x48x144xf32, #tpu.memory_space<vmem>>, vector<1x48x144xf32>
    %get3A_3652 = vector.shape_cast %get3A_3651 : vector<1x48x144xf32> to vector<48x144xf32>
    %mul3A_3653 = vector.broadcast %slice3A_3632 : vector<1x1xf32> to vector<48x144xf32>
    %mul3A_3654 = arith.mulf %mul3A_3653, %get3A_3652 : vector<48x144xf32>
    %add3A_3655 = arith.addf %add3A_3647, %mul3A_3654 : vector<48x144xf32>
    %slice3A_3656 = vector.extract_strided_slice %get3A_3521 {offsets = [0, 2048], sizes = [144, 1024], strides = [1, 1]} : vector<144x4096xf32> to vector<144x1024xf32>
    %dot_general3A_3657 = arith.constant dense<0.000000e+00> : vector<48x1024xf32>
    %dot_general3A_3658 = tpu.matmul %add3A_3655, %slice3A_3656, %dot_general3A_3657 {dimension_numbers = #tpu.dot_dimension_numbers<[1], [0], [0], [1], [0, 0, 1, 1], [], []>, transpose_lhs_hint = false} : vector<48x144xf32>, vector<144x1024xf32>, vector<48x1024xf32> -> vector<48x1024xf32>
    %get3A_3659 = arith.constant 0 : index
    %get3A_3660 = arith.constant 0 : index
    %get3A_3661 = arith.constant 0 : index
    %get3A_3662 = vector.load %arg24[%get3A_3659, %get3A_3660, %get3A_3661] : memref<3x48x1xf32, #tpu.memory_space<vmem>>, vector<1x48x1xf32>
    %get3A_3663 = vector.shape_cast %get3A_3662 : vector<1x48x1xf32> to vector<48x1xf32>
    %mul3A_3664 = vector.broadcast %slice3A_3630 : vector<1x1xf32> to vector<48x1xf32>
    %mul3A_3665 = arith.mulf %mul3A_3664, %get3A_3663 : vector<48x1xf32>
    %get3A_3666 = arith.constant 1 : index
    %get3A_3667 = arith.constant 0 : index
    %get3A_3668 = arith.constant 0 : index
    %get3A_3669 = vector.load %arg24[%get3A_3666, %get3A_3667, %get3A_3668] : memref<3x48x1xf32, #tpu.memory_space<vmem>>, vector<1x48x1xf32>
    %get3A_3670 = vector.shape_cast %get3A_3669 : vector<1x48x1xf32> to vector<48x1xf32>
    %mul3A_3671 = vector.broadcast %slice3A_3631 : vector<1x1xf32> to vector<48x1xf32>
    %mul3A_3672 = arith.mulf %mul3A_3671, %get3A_3670 : vector<48x1xf32>
    %add3A_3673 = arith.addf %mul3A_3665, %mul3A_3672 : vector<48x1xf32>
    %get3A_3674 = arith.constant 2 : index
    %get3A_3675 = arith.constant 0 : index
    %get3A_3676 = arith.constant 0 : index
    %get3A_3677 = vector.load %arg24[%get3A_3674, %get3A_3675, %get3A_3676] : memref<3x48x1xf32, #tpu.memory_space<vmem>>, vector<1x48x1xf32>
    %get3A_3678 = vector.shape_cast %get3A_3677 : vector<1x48x1xf32> to vector<48x1xf32>
    %mul3A_3679 = vector.broadcast %slice3A_3632 : vector<1x1xf32> to vector<48x1xf32>
    %mul3A_3680 = arith.mulf %mul3A_3679, %get3A_3678 : vector<48x1xf32>
    %add3A_3681 = arith.addf %add3A_3673, %mul3A_3680 : vector<48x1xf32>
    %add3A_3682 = vector.broadcast %add3A_3681 : vector<48x1xf32> to vector<48x1024xf32>
    %add3A_3683 = arith.addf %dot_general3A_3658, %add3A_3682 : vector<48x1024xf32>
    %slice3A_3684 = vector.extract_strided_slice %concatenate3A {offsets = [3, 0], sizes = [1, 1], strides = [1, 1]} : vector<4x3xf32> to vector<1x1xf32>
    %slice3A_3685 = vector.extract_strided_slice %concatenate3A {offsets = [3, 1], sizes = [1, 1], strides = [1, 1]} : vector<4x3xf32> to vector<1x1xf32>
    %slice3A_3686 = vector.extract_strided_slice %concatenate3A {offsets = [3, 2], sizes = [1, 1], strides = [1, 1]} : vector<4x3xf32> to vector<1x1xf32>
    %get3A_3687 = arith.constant 0 : index
    %get3A_3688 = arith.constant 0 : index
    %get3A_3689 = arith.constant 0 : index
    %get3A_3690 = vector.load %arg23[%get3A_3687, %get3A_3688, %get3A_3689] : memref<3x48x144xf32, #tpu.memory_space<vmem>>, vector<1x48x144xf32>
    %get3A_3691 = vector.shape_cast %get3A_3690 : vector<1x48x144xf32> to vector<48x144xf32>
    %mul3A_3692 = vector.broadcast %slice3A_3684 : vector<1x1xf32> to vector<48x144xf32>
    %mul3A_3693 = arith.mulf %mul3A_3692, %get3A_3691 : vector<48x144xf32>
    %get3A_3694 = arith.constant 1 : index
    %get3A_3695 = arith.constant 0 : index
    %get3A_3696 = arith.constant 0 : index
    %get3A_3697 = vector.load %arg23[%get3A_3694, %get3A_3695, %get3A_3696] : memref<3x48x144xf32, #tpu.memory_space<vmem>>, vector<1x48x144xf32>
    %get3A_3698 = vector.shape_cast %get3A_3697 : vector<1x48x144xf32> to vector<48x144xf32>
    %mul3A_3699 = vector.broadcast %slice3A_3685 : vector<1x1xf32> to vector<48x144xf32>
    %mul3A_3700 = arith.mulf %mul3A_3699, %get3A_3698 : vector<48x144xf32>
    %add3A_3701 = arith.addf %mul3A_3693, %mul3A_3700 : vector<48x144xf32>
    %get3A_3702 = arith.constant 2 : index
    %get3A_3703 = arith.constant 0 : index
    %get3A_3704 = arith.constant 0 : index
    %get3A_3705 = vector.load %arg23[%get3A_3702, %get3A_3703, %get3A_3704] : memref<3x48x144xf32, #tpu.memory_space<vmem>>, vector<1x48x144xf32>
    %get3A_3706 = vector.shape_cast %get3A_3705 : vector<1x48x144xf32> to vector<48x144xf32>
    %mul3A_3707 = vector.broadcast %slice3A_3686 : vector<1x1xf32> to vector<48x144xf32>
    %mul3A_3708 = arith.mulf %mul3A_3707, %get3A_3706 : vector<48x144xf32>
    %add3A_3709 = arith.addf %add3A_3701, %mul3A_3708 : vector<48x144xf32>
    %slice3A_3710 = vector.extract_strided_slice %get3A_3521 {offsets = [0, 3072], sizes = [144, 1024], strides = [1, 1]} : vector<144x4096xf32> to vector<144x1024xf32>
    %dot_general3A_3711 = arith.constant dense<0.000000e+00> : vector<48x1024xf32>
    %dot_general3A_3712 = tpu.matmul %add3A_3709, %slice3A_3710, %dot_general3A_3711 {dimension_numbers = #tpu.dot_dimension_numbers<[1], [0], [0], [1], [0, 0, 1, 1], [], []>, transpose_lhs_hint = false} : vector<48x144xf32>, vector<144x1024xf32>, vector<48x1024xf32> -> vector<48x1024xf32>
    %get3A_3713 = arith.constant 0 : index
    %get3A_3714 = arith.constant 0 : index
    %get3A_3715 = arith.constant 0 : index
    %get3A_3716 = vector.load %arg24[%get3A_3713, %get3A_3714, %get3A_3715] : memref<3x48x1xf32, #tpu.memory_space<vmem>>, vector<1x48x1xf32>
    %get3A_3717 = vector.shape_cast %get3A_3716 : vector<1x48x1xf32> to vector<48x1xf32>
    %mul3A_3718 = vector.broadcast %slice3A_3684 : vector<1x1xf32> to vector<48x1xf32>
    %mul3A_3719 = arith.mulf %mul3A_3718, %get3A_3717 : vector<48x1xf32>
    %get3A_3720 = arith.constant 1 : index
    %get3A_3721 = arith.constant 0 : index
    %get3A_3722 = arith.constant 0 : index
    %get3A_3723 = vector.load %arg24[%get3A_3720, %get3A_3721, %get3A_3722] : memref<3x48x1xf32, #tpu.memory_space<vmem>>, vector<1x48x1xf32>
    %get3A_3724 = vector.shape_cast %get3A_3723 : vector<1x48x1xf32> to vector<48x1xf32>
    %mul3A_3725 = vector.broadcast %slice3A_3685 : vector<1x1xf32> to vector<48x1xf32>
    %mul3A_3726 = arith.mulf %mul3A_3725, %get3A_3724 : vector<48x1xf32>
    %add3A_3727 = arith.addf %mul3A_3719, %mul3A_3726 : vector<48x1xf32>
    %get3A_3728 = arith.constant 2 : index
    %get3A_3729 = arith.constant 0 : index
    %get3A_3730 = arith.constant 0 : index
    %get3A_3731 = vector.load %arg24[%get3A_3728, %get3A_3729, %get3A_3730] : memref<3x48x1xf32, #tpu.memory_space<vmem>>, vector<1x48x1xf32>
    %get3A_3732 = vector.shape_cast %get3A_3731 : vector<1x48x1xf32> to vector<48x1xf32>
    %mul3A_3733 = vector.broadcast %slice3A_3686 : vector<1x1xf32> to vector<48x1xf32>
    %mul3A_3734 = arith.mulf %mul3A_3733, %get3A_3732 : vector<48x1xf32>
    %add3A_3735 = arith.addf %add3A_3727, %mul3A_3734 : vector<48x1xf32>
    %add3A_3736 = vector.broadcast %add3A_3735 : vector<48x1xf32> to vector<48x1024xf32>
    %add3A_3737 = arith.addf %dot_general3A_3712, %add3A_3736 : vector<48x1024xf32>
    %concatenate3A_3738 = tpu.concatenate %add3A_3575, %add3A_3629, %add3A_3683, %add3A_3737 in 1 : vector<48x1024xf32>, vector<48x1024xf32>, vector<48x1024xf32>, vector<48x1024xf32> -> vector<48x4096xf32>
    %convert_element_type3A_3739 = arith.truncf %concatenate3A_3738 : vector<48x4096xf32> to vector<48x4096xbf16>
    %slice3A_3740 = vector.extract_strided_slice %convert_element_type3A_3739 {offsets = [0, 0], sizes = [48, 1024], strides = [1, 1]} : vector<48x4096xbf16> to vector<48x1024xbf16>
    %swap3A_3741 = arith.constant 0 : index
    %swap3A_3742 = arith.constant 0 : index
    %swap3A_3743 = arith.constant 0 : index
    %swap3A_3744 = vector.load %arg25[%swap3A_3741, %swap3A_3742, %swap3A_3743] : memref<4x48x1024xbf16, #tpu.memory_space<vmem>>, vector<1x48x1024xbf16>
    %swap3A_3745 = vector.shape_cast %swap3A_3744 : vector<1x48x1024xbf16> to vector<48x1024xbf16>
    %swap3A_3746 = vector.shape_cast %slice3A_3740 : vector<48x1024xbf16> to vector<1x48x1024xbf16>
    tpu.vector_store %arg25[%swap3A_3741, %swap3A_3742, %swap3A_3743], %swap3A_3746 {strides = array<i32>} : memref<4x48x1024xbf16, #tpu.memory_space<vmem>>, vector<1x48x1024xbf16>,
    %slice3A_3747 = vector.extract_strided_slice %convert_element_type3A_3739 {offsets = [0, 1024], sizes = [48, 1024], strides = [1, 1]} : vector<48x4096xbf16> to vector<48x1024xbf16>
    %swap3A_3748 = arith.constant 1 : index
    %swap3A_3749 = arith.constant 0 : index
    %swap3A_3750 = arith.constant 0 : index
    %swap3A_3751 = vector.load %arg25[%swap3A_3748, %swap3A_3749, %swap3A_3750] : memref<4x48x1024xbf16, #tpu.memory_space<vmem>>, vector<1x48x1024xbf16>
    %swap3A_3752 = vector.shape_cast %swap3A_3751 : vector<1x48x1024xbf16> to vector<48x1024xbf16>
    %swap3A_3753 = vector.shape_cast %slice3A_3747 : vector<48x1024xbf16> to vector<1x48x1024xbf16>
    tpu.vector_store %arg25[%swap3A_3748, %swap3A_3749, %swap3A_3750], %swap3A_3753 {strides = array<i32>} : memref<4x48x1024xbf16, #tpu.memory_space<vmem>>, vector<1x48x1024xbf16>,
    %slice3A_3754 = vector.extract_strided_slice %convert_element_type3A_3739 {offsets = [0, 2048], sizes = [48, 1024], strides = [1, 1]} : vector<48x4096xbf16> to vector<48x1024xbf16>
    %swap3A_3755 = arith.constant 2 : index
    %swap3A_3756 = arith.constant 0 : index
    %swap3A_3757 = arith.constant 0 : index
    %swap3A_3758 = vector.load %arg25[%swap3A_3755, %swap3A_3756, %swap3A_3757] : memref<4x48x1024xbf16, #tpu.memory_space<vmem>>, vector<1x48x1024xbf16>
    %swap3A_3759 = vector.shape_cast %swap3A_3758 : vector<1x48x1024xbf16> to vector<48x1024xbf16>
    %swap3A_3760 = vector.shape_cast %slice3A_3754 : vector<48x1024xbf16> to vector<1x48x1024xbf16>
    tpu.vector_store %arg25[%swap3A_3755, %swap3A_3756, %swap3A_3757], %swap3A_3760 {strides = array<i32>} : memref<4x48x1024xbf16, #tpu.memory_space<vmem>>, vector<1x48x1024xbf16>,
    %slice3A_3761 = vector.extract_strided_slice %convert_element_type3A_3739 {offsets = [0, 3072], sizes = [48, 1024], strides = [1, 1]} : vector<48x4096xbf16> to vector<48x1024xbf16>
    %swap3A_3762 = arith.constant 3 : index
    %swap3A_3763 = arith.constant 0 : index
    %swap3A_3764 = arith.constant 0 : index
    %swap3A_3765 = vector.load %arg25[%swap3A_3762, %swap3A_3763, %swap3A_3764] : memref<4x48x1024xbf16, #tpu.memory_space<vmem>>, vector<1x48x1024xbf16>
    %swap3A_3766 = vector.shape_cast %swap3A_3765 : vector<1x48x1024xbf16> to vector<48x1024xbf16>
    %swap3A_3767 = vector.shape_cast %slice3A_3761 : vector<48x1024xbf16> to vector<1x48x1024xbf16>
    tpu.vector_store %arg25[%swap3A_3762, %swap3A_3763, %swap3A_3764], %swap3A_3767 {strides = array<i32>} : memref<4x48x1024xbf16, #tpu.memory_space<vmem>>, vector<1x48x1024xbf16>,
    return
  }
  func.func @transform_0(%arg0: i32) -> (i32, i32) {
    %c0_i32 = arith.constant 0 : i32
    %c0_i32_0 = arith.constant 0 : i32
    return %c0_i32, %arg0 : i32, i32
  }
  func.func @transform_1(%arg0: i32) -> (i32, i32, i32) {
    %c0_i32 = arith.constant 0 : i32
    %c0_i32_0 = arith.constant 0 : i32
    %c0_i32_1 = arith.constant 0 : i32
    return %arg0, %c0_i32, %c0_i32_0 : i32, i32, i32
  }
  func.func @transform_2(%arg0: i32) -> (i32, i32) {
    %c0_i32 = arith.constant 0 : i32
    %c0_i32_0 = arith.constant 0 : i32
    %c0_i32_1 = arith.constant 0 : i32
    return %c0_i32, %c0_i32_0 : i32, i32
  }
  func.func @transform_3(%arg0: i32) -> (i32, i32) {
    %c0_i32 = arith.constant 0 : i32
    %c0_i32_0 = arith.constant 0 : i32
    %c0_i32_1 = arith.constant 0 : i32
    return %c0_i32, %c0_i32_0 : i32, i32
  }
  func.func @transform_4(%arg0: i32) -> (i32, i32) {
    %c0_i32 = arith.constant 0 : i32
    %c0_i32_0 = arith.constant 0 : i32
    %c0_i32_1 = arith.constant 0 : i32
    return %c0_i32, %c0_i32_0 : i32, i32
  }
  func.func @transform_5(%arg0: i32) -> (i32, i32) {
    %c0_i32 = arith.constant 0 : i32
    %c0_i32_0 = arith.constant 0 : i32
    %c0_i32_1 = arith.constant 0 : i32
    return %c0_i32, %c0_i32_0 : i32, i32
  }
  func.func @transform_6(%arg0: i32) -> (i32, i32) {
    %c0_i32 = arith.constant 0 : i32
    %c0_i32_0 = arith.constant 0 : i32
    %c0_i32_1 = arith.constant 0 : i32
    return %c0_i32, %c0_i32_0 : i32, i32
  }
  func.func @transform_7(%arg0: i32) -> (i32, i32) {
    %c0_i32 = arith.constant 0 : i32
    %c0_i32_0 = arith.constant 0 : i32
    %c0_i32_1 = arith.constant 0 : i32
    return %c0_i32, %c0_i32_0 : i32, i32
  }
  func.func @transform_8(%arg0: i32) -> (i32, i32) {
    %c0_i32 = arith.constant 0 : i32
    %c0_i32_0 = arith.constant 0 : i32
    %c0_i32_1 = arith.constant 0 : i32
    return %c0_i32, %c0_i32_0 : i32, i32
  }
  func.func @transform_9(%arg0: i32) -> (i32, i32) {
    %c0_i32 = arith.constant 0 : i32
    %c0_i32_0 = arith.constant 0 : i32
    %c0_i32_1 = arith.constant 0 : i32
    return %c0_i32, %c0_i32_0 : i32, i32
  }
  func.func @transform_10(%arg0: i32) -> (i32, i32, i32) {
    %c0_i32 = arith.constant 0 : i32
    %c0_i32_0 = arith.constant 0 : i32
    %c0_i32_1 = arith.constant 0 : i32
    %c0_i32_2 = arith.constant 0 : i32
    return %c0_i32, %c0_i32_0, %c0_i32_1 : i32, i32, i32
  }
  func.func @transform_11(%arg0: i32) -> (i32, i32, i32) {
    %c0_i32 = arith.constant 0 : i32
    %c0_i32_0 = arith.constant 0 : i32
    %c0_i32_1 = arith.constant 0 : i32
    %c0_i32_2 = arith.constant 0 : i32
    return %c0_i32, %c0_i32_0, %c0_i32_1 : i32, i32, i32
  }
  func.func @transform_12(%arg0: i32) -> (i32, i32, i32) {
    %c0_i32 = arith.constant 0 : i32
    %c0_i32_0 = arith.constant 0 : i32
    %c0_i32_1 = arith.constant 0 : i32
    %c0_i32_2 = arith.constant 0 : i32
    return %c0_i32, %c0_i32_0, %c0_i32_1 : i32, i32, i32
  }
  func.func @transform_13(%arg0: i32) -> (i32, i32, i32) {
    %c0_i32 = arith.constant 0 : i32
    %c0_i32_0 = arith.constant 0 : i32
    %c0_i32_1 = arith.constant 0 : i32
    %c0_i32_2 = arith.constant 0 : i32
    return %c0_i32, %c0_i32_0, %c0_i32_1 : i32, i32, i32
  }
  func.func @transform_14(%arg0: i32) -> (i32, i32, i32) {
    %c0_i32 = arith.constant 0 : i32
    %c0_i32_0 = arith.constant 0 : i32
    %c0_i32_1 = arith.constant 0 : i32
    %c0_i32_2 = arith.constant 0 : i32
    return %c0_i32, %c0_i32_0, %c0_i32_1 : i32, i32, i32
  }
  func.func @transform_15(%arg0: i32) -> (i32, i32, i32) {
    %c0_i32 = arith.constant 0 : i32
    %c0_i32_0 = arith.constant 0 : i32
    %c0_i32_1 = arith.constant 0 : i32
    %c0_i32_2 = arith.constant 0 : i32
    return %c0_i32, %c0_i32_0, %c0_i32_1 : i32, i32, i32
  }
  func.func @transform_16(%arg0: i32) -> (i32, i32, i32, i32) {
    %c0_i32 = arith.constant 0 : i32
    %c0_i32_0 = arith.constant 0 : i32
    %c0_i32_1 = arith.constant 0 : i32
    %c0_i32_2 = arith.constant 0 : i32
    %c0_i32_3 = arith.constant 0 : i32
    return %c0_i32, %c0_i32_0, %c0_i32_1, %c0_i32_2 : i32, i32, i32, i32
  }
  func.func @transform_17(%arg0: i32) -> (i32, i32, i32, i32) {
    %c0_i32 = arith.constant 0 : i32
    %c0_i32_0 = arith.constant 0 : i32
    %c0_i32_1 = arith.constant 0 : i32
    %c0_i32_2 = arith.constant 0 : i32
    %c0_i32_3 = arith.constant 0 : i32
    return %c0_i32, %c0_i32_0, %c0_i32_1, %c0_i32_2 : i32, i32, i32, i32
  }
  func.func @transform_18(%arg0: i32) -> (i32, i32, i32, i32) {
    %c0_i32 = arith.constant 0 : i32
    %c0_i32_0 = arith.constant 0 : i32
    %c0_i32_1 = arith.constant 0 : i32
    %c0_i32_2 = arith.constant 0 : i32
    %c0_i32_3 = arith.constant 0 : i32
    return %c0_i32, %c0_i32_0, %c0_i32_1, %c0_i32_2 : i32, i32, i32, i32
  }
  func.func @transform_19(%arg0: i32) -> (i32, i32, i32) {
    %c0_i32 = arith.constant 0 : i32
    %c0_i32_0 = arith.constant 0 : i32
    %c0_i32_1 = arith.constant 0 : i32
    %c0_i32_2 = arith.constant 0 : i32
    return %c0_i32, %c0_i32_0, %c0_i32_1 : i32, i32, i32
  }
  func.func @transform_20(%arg0: i32) -> (i32, i32, i32) {
    %c0_i32 = arith.constant 0 : i32
    %c0_i32_0 = arith.constant 0 : i32
    %c0_i32_1 = arith.constant 0 : i32
    %c0_i32_2 = arith.constant 0 : i32
    return %c0_i32, %c0_i32_0, %c0_i32_1 : i32, i32, i32
  }
  func.func @transform_21(%arg0: i32) -> (i32, i32, i32) {
    %c0_i32 = arith.constant 0 : i32
    %c0_i32_0 = arith.constant 0 : i32
    %c0_i32_1 = arith.constant 0 : i32
    %c0_i32_2 = arith.constant 0 : i32
    return %c0_i32, %c0_i32_0, %c0_i32_1 : i32, i32, i32
  }
  func.func @transform_22(%arg0: i32) -> (i32, i32, i32) {
    %c0_i32 = arith.constant 0 : i32
    %c0_i32_0 = arith.constant 0 : i32
    %c0_i32_1 = arith.constant 0 : i32
    %c0_i32_2 = arith.constant 0 : i32
    return %c0_i32, %c0_i32_0, %c0_i32_1 : i32, i32, i32
  }
  func.func @transform_23(%arg0: i32) -> (i32, i32, i32) {
    %c0_i32 = arith.constant 0 : i32
    %c0_i32_0 = arith.constant 0 : i32
    %c0_i32_1 = arith.constant 0 : i32
    %c0_i32_2 = arith.constant 0 : i32
    return %c0_i32, %c0_i32_0, %c0_i32_1 : i32, i32, i32
  }
  func.func @transform_24(%arg0: i32) -> (i32, i32, i32) {
    %c0_i32 = arith.constant 0 : i32
    %c0_i32_0 = arith.constant 0 : i32
    %c0_i32_1 = arith.constant 0 : i32
    return %arg0, %c0_i32, %c0_i32_0 : i32, i32, i32
  }
}

</mosaic_0001>

<sc_bundles>
// kernel: sparse-core-data-format-call.1.cloned.1.call-start
scs
called_computation.1_lowered:
.L_overlay_start_0:
0x0: {  	s2 =	sld [smem:$0x3FD9]  }
0x1: {  	s3 =	sld [smem:$0x3FFE];
	_ =	sdelay $0x1  }
0x2: {  	s1 =	srdreg.scid  }
0x3: {  	s0 =	sand.u32 $0x1, s1  }
0x4: {  	s18 =	sshll.u32 s0, $0xA;
	s2 =	sadd.s32 s3, s2  }
0x5: {  	s2 =	sadd.s32 s2, s18  }
0x6: {  	[smem:$0x3FB1] =	sst s2  }
0x7: {  	_ = 	snop  }
0x8: {  	s2 =	sld [smem:$0x3FD0];
	(tm) =	ssettm $0x1  }
0x9: {  	s19 =	sld [smem:$0x3FFB];
	_ =	sdelay $0x3  }
0xa: {  	_ =	strace s19  }
0xb: {  	s3 =	sld [smem:$0x3FFC];
	_ =	sdelay $0x3  }
0xc: {  	_ =	strace s3  }
0xd: {  	s3 =	sld [smem:$0x3FFD];
	_ =	sdelay $0x3  }
0xe: {  	_ =	strace s3  }
0xf: {  	_ =	strace $0x8FFFFFFF  }
0x10: {  	s20 =	sld [smem:$0x3FDB];
	_ =	sdelay $0x1  }
0x11: {  	s4 =	simm.s32 $_scs_section_size  }
0x12: {  	s5 =	simm.s32 $_size__tile_overlayer_lowered;
	s6 =	simm.s32 $_tile_overlayer_lowered  }
0x13: {  	s23 =	simm.s32 $0x1BFF;
	s22 =	sshll.u32 s6, $0x1;
	s3 =	sadd.s32 s4, s20  }
0x14: {  	s7 =	simm.s32 $0x0;
	s21 =	sshll.u32 s5, $0x1;
	s5 =	sadd.s32 s22, s3  }
0x15: {  	[timem:s7], [sflag:s23] =	dma.local [hbm:s5], s21  }
0x16: {  	_ =	swait.ge [sflag:s23], s21  }
0x17: {  	s4 =	ssub.s32 $0x0, s21;
	[sflag:s23] =	ssyncset.done $0x0  }
0x18: {  	[sflag:s23] =	ssyncadd.s32 s4;
	_ =	sdelay $0x1  }
0x19: {  	s24 =	simm.s32 $0x1B8B  }
0x1a: {  	_ =	swait.ge [sflag:s24], $0x1  }
0x1b: {  	[sflag:s24] =	ssyncset.done $0x0  }
0x1c: {  	s26 =	simm.s32 $0x1B8E;
	s25 =	sld [smem:$0x3FFE];
	[sflag:s24] =	ssyncadd.s32 $0xFFFFFFFF  }
0x1d: {  	s27 =	simm.s32 $execute0_lowered;
	[smem:$0x3FD2] =	sst s26  }
0x1e: {  	s5 =	sshll.u32 s27, $0x1;
	_ =	strace $0x80000046;
	[dreg:$0x1] =	wrdreg $0xFFFFFFFF  }
0x1f: {  	s28 =	simm.s32 $_size_execute0_lowered;
	s3 =	sadd.s32 s3, s5;
	[dreg:$0x0] =	wrdreg $0x0  }
0x20: {  	s5 =	sshll.u32 s28, $0x1;
	[dreg:$0x2] =	wrdreg s3  }
0x21: {  	[dreg:$0x3] =	wrdreg s5  }
0x22: {  	[dreg:$0x4] =	wrdreg $0xC0  }
0x23: {  	_ =	task [dreg:s7], $0x5FFFF  }
0x24: {  	[dreg:$0x1] =	wrdreg $0xFFFFFFFF  }
0x25: {  	[dreg:$0x0] =	wrdreg $0x60  }
0x26: {  	[dreg:$0x2] =	wrdreg s2  }
0x27: {  	[dreg:$0x3] =	wrdreg s25  }
0x28: {  	[dreg:$0x4] =	wrdreg $0x9  }
0x29: {  	_ =	task.clear_ibuf [dreg:s7], $0x5FFFF;
	_ =	strace $0x90000046  }
0x2a: {  	s29 =	simm.s32 $0x9;
	_ =	strace $0x80000048  }
0x2b: {  	_ =	swait.ge [sflag:s29], $0x1  }
0x2c: {  	[sflag:s29] =	ssyncadd.s32 $0xFFFFFFFF  }
0x2d: {  	_ =	strace $0x90000048  }
0x2e: {  	_ =	sfence  }
0x2f: {  	s30 =	sld [smem:$0x0];
	_ =	sdelay $0x2  }
0x30: {  	s31 =	sshll.u32 s1, $0xD;
	s1 =	sshrl.u32 s1, $0x2  }
0x31: {  	s3 =	sand.u32 $0x4000, s31;
	s1 =	sadd.s32 s1, s30  }
0x32: {  	s0 =	sor.u32 s3, s0;
	s1 =	sshll.u32 s1, $0x11  }
0x33: {  	s0 =	sor.u32 s1, s0  }
0x34: {  	s0 =	sadd.s32 $0x8F2B, s0  }
0x35: {  	[sflag:s0] =	ssyncadd.remote.s32 $0x1  }
0x36: {  	_ =	sfence.sel $0xFFFF  }
0x37: {  	[dreg:$0x0] =	wrdreg $0xFFFFFFFF;
	(pc) =	sbr.abs _section_cstart, $3  }
0x38: {  	[dreg:$0x1] =	wrdreg $0xFFFFFFFF  }
0x39: {  	_ =	task.clear_ibuf [dreg:s7], $0x2FFFF;
	_ =	strace $0x9FFFFFFF  }
0x3a: {  	(tm) =	ssettm $0x7FFFFFFF  }
0x3b: {  	_ =	shalt  }
tec
execute0_lowered:
.L_overlay_start_1:
0x0: {  	(tag) =	ssettag $0x1  }
0x1: {  	s2 =	rddreg [dreg:$0x0]  }
0x2: {  	s1 =	rddreg [dreg:$0x1]  }
0x3: {  	s0 =	rddreg [dreg:$0x2]  }
0x4: {  	s3 =	srdreg.scid;
	_ =	strace $0x80000047;
	s5 =	simm.s32 $0x1  }
0x5: {  	s7 =	simm.s32 $0x2;
	p0 =	por $0x0, $0x0;
	s14 =	simm.s32 $0x0  }
0x6: {  	s15 =	simm.s32 $0x0;
	s16 =	simm.s32 $0x0;
	s17 =	simm.s32 $0x0  }
0x7: {  	s18 =	simm.s32 $0x0;
	s9 =	simm.s32 $0x0;
	s11 =	simm.s32 $0x0  }
.Ltmp0:
0x8: {  	s13 =	simm.s32 $0x0;
	s4 =	sshll.u32 s3, $0x4;
	(pc) =	sbr.rel .LBB1_1-.Ltmp0, $4  }
0x9: {  	s3 =	sadd.s32 $0x1E00, s1;
	s1 =	stileid.u32;
	s4 =	sand.u32 $0x10, s4  }
0xa: {  	s8 =	simm.s32 $0x0;
	[sflag:s5] =	ssyncpa.u1 $0x0;
	s6 =	sor.u32 s1, s4  }
0xb: {  	[sflag:s7] =	ssyncpa.u1 $0x0;
	s4 =	sand.u32 $0x3, s1;
	s6 =	sshrl.u32 s6, $0x2  }
0xc: {  	s7 =	simm.s32 $0x0;
	s12 =	smov.u32 s4;
	s10 =	smov.u32 s6  }
.LBB1_7:
0xd: {  	s19 =	sadd.s32 $0x8, s9  }
0xe: {  	s14 =	sadd.s32 $0x8, s10;
	s20 =	smov.u32 s10;
	p2 =	sgt.s32 s19, $0x1F  }
0xf: {  	s20 =	smov.u32 @p2 s14  }
0x10: {  	s21 =	smov.u32 s11;
	s14 =	sadd.s32 $0x4, s11;
	p3 =	sgt.s32 s20, $0x1F  }
0x11: {  	s21 =	smov.u32 @p3 s14  }
0x12: {  	s22 =	smov.u32 s12;
	s14 =	sadd.s32 $0x4, s12;
	p4 =	sgt.s32 s21, $0x3  }
0x13: {  	s22 =	smov.u32 @p4 s14  }
0x14: {  	s19 =	simm.s32 @p2 $0x0;
	s14 =	simm.s32 $0x1;
	p2 =	sgt.s32 s22, $0x3  }
0x15: {  	p1 =	slt.u32 s8, $0x2;
	s14 =	simm.s32 @!p2 $0x0  }
0x16: {  	s8 =	sadd.s32 $0x1, s8;
	s15 =	smov.u32 s10;
	s24 =	sadd.s32 s14, s13  }
0x17: {  	s16 =	smov.u32 s11;
	s22 =	smov.u32 @p2 s4;
	p2 =	sgt.s32 s24, $0x2  }
0x18: {  	s23 =	simm.s32 @!p1 $0x2;
	s24 =	simm.s32 @p2 $0x0;
	p2 =	sne.s32 s8, $0x32  }
.Ltmp1:
0x19: {  	s17 =	smov.u32 s12;
	_ =	swait.ge @!p1 [sflag:s23], $0x4000;
	(pc) =	sbr.rel @!p2 .LBB1_8-.Ltmp1, $4  }
0x1a: {  	s18 =	smov.u32 s13;
	p0 =	por !p0, !p0;
	[sflag:s23] =	ssyncset.done @!p1 $0x0  }
0x1b: {  	s20 =	smov.u32 @p3 s6;
	[sflag:s23] =	ssyncadd.s32 @!p1 $0xFFFFC000;
	s21 =	simm.s32 @p4 $0x0  }
0x1c: {  	s10 =	smov.u32 s20;
	s11 =	smov.u32 s21;
	s14 =	smov.u32 s9  }
0x1d: {  	s9 =	smov.u32 s19;
	s12 =	smov.u32 s22;
	s13 =	smov.u32 s24  }
.LBB1_1:
0x1e: {  	p1 =	sgt.u32 s8, $0x2F  }
0x1f: {  	s19 =	sxor.u32 @!p1 $0xFFFFFFFF, s8;
	s20 =	sshll.u32 @!p1 s9, $0x9  }
0x20: {  	s21 =	sshll.u32 @!p1 s13, $0x14;
	s22 =	sshll.u32 @!p1 s9, $0x7;
	s23 =	sshll.u32 @!p1 s12, $0x12  }
0x21: {  	s24 =	sshll.u32 @!p1 s11, $0x10;
	s19 =	sshll.u32 @!p1 s19, $0xE;
	s21 =	sadd.s32 @!p1 s2, s21  }
0x22: {  	s20 =	sand.u32 @!p1 $0x3000, s20;
	s22 =	sand.u32 @!p1 $0x380, s22;
	s21 =	sadd.s32 @!p1 s23, s21  }
0x23: {  	s23 =	sshll.u32 @!p1 s10, $0xB;
	s20 =	sor.u32 @!p1 s22, s20;
	s21 =	sadd.s32 @!p1 s24, s21  }
0x24: {  	s19 =	sand.u32 @!p1 $0x4000, s19;
	s20 =	sshrl.u32 @!p1 s20, $0x3;
	s21 =	sadd.s32 @!p1 s23, s21  }
0x25: {  	s22 =	simm.s32 @!p1 $0x80000;
	s20 =	sadd.s32 @!p1 s20, s21;
	s21 =	simm.s32 @!p1 $0x1000  }
0x26: {  	[tilespmem:s19], [sflag:$0x1] =	stream.strided.gather @!p1 [hbm4b:s20+s21], $0x4000, s22, s21, $0x38;
	[tilespmem:$0x10000] =	vst v63  }
0x27: {  	p1 =	seq.s32 s8, $0x0  }
0x28: {  	p2 =	seq.s32 @!p1 s8, $0x31  }
0x29: {  	p1 =	por p1, p2  }
.Ltmp2:
0x2a: {  	_ = 	snop;
	(pc) =	sbr.rel @p1 .LBB1_7-.Ltmp2, $1  }
0x2b: {  	_ =	sdelay $0x3  }
0x2c: {  	s19 =	simm.s32 $0x1  }
0x2d: {  	_ =	swait.ge [sflag:s5], $0x4000;
	s22 =	sshll.u32 s8, $0xE;
	s23 =	simm.s32 $0x0  }
0x2e: {  	s24 =	simm.s32 $0x0;
	s19 =	simm.s32 @!p0 $0x0;
	[sflag:s5] =	ssyncset.done $0x0  }
0x2f: {  	s22 =	sand.u32 $0x4000, s22;
	s19 =	sshll.u32 s19, $0xE;
	[sflag:s5] =	ssyncadd.s32 $0xFFFFC000  }
0x30: {  	s20 =	sor.u32 $0x8400, s19;
	s21 =	sor.u32 $0x810, s19;
	s19 =	sor.u32 $0x8000, s22  }
.LBB1_3:
0x31: {  	v4 =	vld [tilespmem:s21+$0xFFFFF7F0]  }
0x32: {  	v5 =	vld [tilespmem:s21+$0xFFFFF800]  }
0x33: {  	s25 =	sshll.u32 s24, $0xC;
	v6 =	vld [tilespmem:s21+$0xFFFFF810]  }
0x34: {  	v0 =	vmov s25  }
0x35: {  	v7 =	vld [tilespmem:s21+$0xFFFFF820]  }
0x36: {  	s31 =	sand.u32 $0x200, s23;
	[tilespmem:s20+$0xFFFFFC00] =	vst v4;
	v4 =	vld [tilespmem:s21+$0xFFFFF860]  }
0x37: {  	s26 =	sand.u32 $0x180, s23;
	s25 =	sadd.s32 s31, s22;
	[tilespmem:s20+$0xFFFFFC10] =	vst v5;
	v5 =	vld [tilespmem:s21+$0xFFFFFC00]  }
0x38: {  	s25 =	sadd.s32 s26, s25;
	[tilespmem:s20+$0xFFFFFC20] =	vst v6;
	v6 =	vld [tilespmem:s21+$0xFFFFFC10]  }
0x39: {  	v1 =	vld.idx.msk [tilespmem:v0+s25+$0xC00 ss:$0x1], $0xffff  }
0x3a: {  	v2 =	vld.idx.msk [tilespmem:v0+s25+$0x400 ss:$0x1], $0xffff  }
0x3b: {  	[tilespmem:s20+$0xFFFFFC30] =	vst v7;
	v3 =	vld.idx.msk [tilespmem:v0+s25+$0x800 ss:$0x1], $0xffff  }
0x3c: {  	v7 =	vld [tilespmem:s21+$0x40];
	[tilespmem:s20+$0xFFFFFC70] =	vst v4  }
0x3d: {  	v4 =	vld [tilespmem:s21+$0xFFFFFC50];
	[tilespmem:s20+$0xFFFFFE10] =	vst v5  }
0x3e: {  	[tilespmem:s20+$0x200] =	vst v1;
	v1 =	vld [tilespmem:s21+$0xFFFFF830]  }
0x3f: {  	[tilespmem:s20+$0xFFFFFE00] =	vst v2;
	v2 =	vld [tilespmem:s21+$0xFFFFF840]  }
0x40: {  	[tilespmem:s20+$0x0] =	vst v3;
	v3 =	vld [tilespmem:s21+$0xFFFFF850]  }
0x41: {  	v5 =	vld [tilespmem:s21+$0xFFFFFC60];
	[tilespmem:s20+$0xFFFFFE20] =	vst v6  }
0x42: {  	v6 =	vld [tilespmem:s21+$0x0];
	[tilespmem:s20+$0x50] =	vst v7  }
0x43: {  	[tilespmem:s20+$0xFFFFFC40] =	vst v1;
	v1 =	vld [tilespmem:s21+$0xFFFFFC20]  }
0x44: {  	[tilespmem:s20+$0xFFFFFC50] =	vst v2;
	v2 =	vld [tilespmem:s21+$0xFFFFFC30]  }
0x45: {  	[tilespmem:s20+$0xFFFFFC60] =	vst v3;
	v3 =	vld [tilespmem:s21+$0xFFFFFC40]  }
0x46: {  	[tilespmem:s20+$0xFFFFFE70] =	vst v5;
	v5 =	vld [tilespmem:s21+$0x50]  }
0x47: {  	[tilespmem:s20+$0x10] =	vst v6;
	v6 =	vld [tilespmem:s21+$0x60]  }
0x48: {  	[tilespmem:s20+$0xFFFFFE30] =	vst v1;
	v1 =	vld [tilespmem:s21+$0x10]  }
0x49: {  	[tilespmem:s20+$0xFFFFFE40] =	vst v2;
	v2 =	vld [tilespmem:s21+$0x20]  }
0x4a: {  	[tilespmem:s20+$0xFFFFFE50] =	vst v3;
	v3 =	vld [tilespmem:s21+$0x30]  }
0x4b: {  	[tilespmem:s20+$0xFFFFFE60] =	vst v4;
	v4 =	vld [tilespmem:s21+$0x400]  }
0x4c: {  	[tilespmem:s20+$0x60] =	vst v5;
	v5 =	vld [tilespmem:s21+$0x440]  }
0x4d: {  	[tilespmem:s20+$0x20] =	vst v1;
	v1 =	vld [tilespmem:s21+$0x410]  }
0x4e: {  	s28 =	simm.s32 $0x80;
	s27 =	simm.s32 $0x100;
	[tilespmem:s20+$0x30] =	vst v2;
	v2 =	vld [tilespmem:s21+$0x420]  }
0x4f: {  	s29 =	sand.u32 $0x200, s28;
	s26 =	smov.u32 s21;
	s25 =	smov.u32 s20;
	[tilespmem:s20+$0x40] =	vst v3;
	v3 =	vld [tilespmem:s21+$0x430]  }
.LBB1_4:
0x50: {  	p1 =	sne.s32 s27, $0x380;
	s28 =	sand.u32 $0x180, s28;
	s29 =	sadd.s32 s29, s22;
	[tilespmem:s25+$0x70] =	vst v6;
	v6 =	vld [tilespmem:s26+$0x450]  }
0x51: {  	s29 =	sadd.s32 s28, s29;
	[tilespmem:s25+$0x210] =	vst v4;
	v4 =	vld [tilespmem:s26+$0x460];
	s28 =	smov.u32 s27  }
0x52: {  	v7 =	vld.idx.msk [tilespmem:v0+s29+$0xC00 ss:$0x1], $0xffff;
	[tilespmem:s25+$0x220] =	vst v1  }
0x53: {  	v1 =	vld.idx.msk [tilespmem:v0+s29+$0x400 ss:$0x1], $0xffff;
	[tilespmem:s25+$0x230] =	vst v2  }
0x54: {  	s26 =	sadd.s32 $0x80, s26;
	v2 =	vld.idx.msk [tilespmem:v0+s29+$0x800 ss:$0x1], $0xffff;
	[tilespmem:s25+$0x240] =	vst v3  }
0x55: {  	v3 =	vld [tilespmem:s26+$0xFFFFF7F0];
	[tilespmem:s25+$0x250] =	vst v5  }
0x56: {  	v5 =	vld [tilespmem:s26+$0xFFFFF800];
	[tilespmem:s25+$0x260] =	vst v6  }
0x57: {  	v6 =	vld [tilespmem:s26+$0xFFFFF810];
	[tilespmem:s25+$0x270] =	vst v4;
	s25 =	sadd.s32 $0x800, s25  }
0x58: {  	v4 =	vld [tilespmem:s26+$0xFFFFF820];
	[tilespmem:s25+$0x200] =	vst v7  }
0x59: {  	v7 =	vld [tilespmem:s26+$0xFFFFF830];
	[tilespmem:s25+$0xFFFFFE00] =	vst v1  }
0x5a: {  	v1 =	vld [tilespmem:s26+$0xFFFFF840];
	[tilespmem:s25+$0x0] =	vst v2  }
0x5b: {  	[tilespmem:s25+$0xFFFFFC00] =	vst v3;
	v2 =	vld [tilespmem:s26+$0xFFFFF850]  }
0x5c: {  	[tilespmem:s25+$0xFFFFFC10] =	vst v5;
	v3 =	vld [tilespmem:s26+$0xFFFFF860]  }
0x5d: {  	[tilespmem:s25+$0xFFFFFC20] =	vst v6;
	v5 =	vld [tilespmem:s26+$0xFFFFFC00]  }
0x5e: {  	[tilespmem:s25+$0xFFFFFC30] =	vst v4;
	v4 =	vld [tilespmem:s26+$0xFFFFFC10]  }
0x5f: {  	[tilespmem:s25+$0xFFFFFC40] =	vst v7;
	v6 =	vld [tilespmem:s26+$0xFFFFFC20]  }
0x60: {  	[tilespmem:s25+$0xFFFFFC50] =	vst v1;
	v1 =	vld [tilespmem:s26+$0xFFFFFC30]  }
0x61: {  	[tilespmem:s25+$0xFFFFFC60] =	vst v2;
	v2 =	vld [tilespmem:s26+$0xFFFFFC40]  }
0x62: {  	[tilespmem:s25+$0xFFFFFC70] =	vst v3;
	v3 =	vld [tilespmem:s26+$0xFFFFFC50]  }
0x63: {  	[tilespmem:s25+$0xFFFFFE10] =	vst v5;
	v5 =	vld [tilespmem:s26+$0xFFFFFC60]  }
0x64: {  	[tilespmem:s25+$0xFFFFFE20] =	vst v4;
	v4 =	vld [tilespmem:s26+$0x0]  }
0x65: {  	[tilespmem:s25+$0xFFFFFE30] =	vst v6;
	v7 =	vld [tilespmem:s26+$0x10]  }
0x66: {  	[tilespmem:s25+$0xFFFFFE40] =	vst v1;
	v1 =	vld [tilespmem:s26+$0x20]  }
0x67: {  	[tilespmem:s25+$0xFFFFFE50] =	vst v2;
	v2 =	vld [tilespmem:s26+$0x30]  }
0x68: {  	[tilespmem:s25+$0xFFFFFE60] =	vst v3;
	v3 =	vld [tilespmem:s26+$0x40]  }
0x69: {  	[tilespmem:s25+$0xFFFFFE70] =	vst v5;
	v5 =	vld [tilespmem:s26+$0x50]  }
0x6a: {  	[tilespmem:s25+$0x10] =	vst v4;
	v6 =	vld [tilespmem:s26+$0x60]  }
.Ltmp3:
0x6b: {  	[tilespmem:s25+$0x20] =	vst v7;
	v4 =	vld [tilespmem:s26+$0x400];
	(pc) =	sbr.rel @p1 .LBB1_4-.Ltmp3, $4  }
0x6c: {  	[tilespmem:s25+$0x30] =	vst v1;
	v1 =	vld [tilespmem:s26+$0x410]  }
0x6d: {  	[tilespmem:s25+$0x40] =	vst v2;
	v2 =	vld [tilespmem:s26+$0x420]  }
0x6e: {  	[tilespmem:s25+$0x50] =	vst v3;
	v3 =	vld [tilespmem:s26+$0x430]  }
0x6f: {  	s27 =	sadd.s32 $0x80, s27;
	s29 =	sand.u32 $0x200, s28;
	[tilespmem:s25+$0x60] =	vst v5;
	v5 =	vld [tilespmem:s26+$0x440]  }
0x70: {  	[tilespmem:s25+$0x70] =	vst v6  }
0x71: {  	v30 =	vld [tilespmem:s26+$0x450];
	[tilespmem:s25+$0x210] =	vst v4  }
0x72: {  	v31 =	vld [tilespmem:s26+$0x460];
	s30 =	sadd.s32 $0x80, s26;
	[tilespmem:s25+$0x220] =	vst v1  }
0x73: {  	v35 =	vld [tilespmem:s30+$0xFFFFF7F0];
	[tilespmem:s25+$0x230] =	vst v2  }
0x74: {  	v36 =	vld [tilespmem:s30+$0xFFFFF800];
	[tilespmem:s25+$0x240] =	vst v3  }
0x75: {  	v37 =	vld [tilespmem:s30+$0xFFFFF810];
	[tilespmem:s25+$0x250] =	vst v5  }
0x76: {  	v38 =	vld [tilespmem:s30+$0xFFFFF820];
	[tilespmem:s25+$0x260] =	vst v30  }
0x77: {  	s31 =	sadd.s32 $0x800, s25;
	v39 =	vld [tilespmem:s30+$0xFFFFF830];
	[tilespmem:s25+$0x270] =	vst v31  }
0x78: {  	v40 =	vld [tilespmem:s30+$0xFFFFF840];
	[tilespmem:s31+$0xFFFFFC00] =	vst v35  }
0x79: {  	v41 =	vld [tilespmem:s30+$0xFFFFF850];
	[tilespmem:s31+$0xFFFFFC10] =	vst v36  }
0x7a: {  	v42 =	vld [tilespmem:s30+$0xFFFFF860];
	[tilespmem:s31+$0xFFFFFC20] =	vst v37  }
0x7b: {  	v43 =	vld [tilespmem:s30+$0xFFFFFC00];
	[tilespmem:s31+$0xFFFFFC30] =	vst v38  }
0x7c: {  	v44 =	vld [tilespmem:s30+$0xFFFFFC10];
	[tilespmem:s31+$0xFFFFFC40] =	vst v39  }
0x7d: {  	v45 =	vld [tilespmem:s30+$0xFFFFFC20];
	[tilespmem:s31+$0xFFFFFC50] =	vst v40  }
0x7e: {  	v46 =	vld [tilespmem:s30+$0xFFFFFC30];
	[tilespmem:s31+$0xFFFFFC60] =	vst v41  }
0x7f: {  	v47 =	vld [tilespmem:s30+$0xFFFFFC40];
	[tilespmem:s31+$0xFFFFFC70] =	vst v42  }
0x80: {  	v48 =	vld [tilespmem:s30+$0xFFFFFC50];
	[tilespmem:s31+$0xFFFFFE10] =	vst v43  }
0x81: {  	v49 =	vld [tilespmem:s30+$0xFFFFFC60];
	[tilespmem:s31+$0xFFFFFE20] =	vst v44  }
0x82: {  	v50 =	vld [tilespmem:s30+$0x0];
	[tilespmem:s31+$0xFFFFFE30] =	vst v45  }
0x83: {  	v51 =	vld [tilespmem:s30+$0x10];
	[tilespmem:s31+$0xFFFFFE40] =	vst v46  }
0x84: {  	v52 =	vld [tilespmem:s30+$0x20];
	[tilespmem:s31+$0xFFFFFE50] =	vst v47  }
0x85: {  	v53 =	vld [tilespmem:s30+$0x30];
	[tilespmem:s31+$0xFFFFFE60] =	vst v48  }
0x86: {  	v54 =	vld [tilespmem:s30+$0x40];
	[tilespmem:s31+$0xFFFFFE70] =	vst v49  }
0x87: {  	v55 =	vld [tilespmem:s30+$0x50];
	[tilespmem:s31+$0x10] =	vst v50  }
0x88: {  	v56 =	vld [tilespmem:s30+$0x60];
	[tilespmem:s31+$0x20] =	vst v51  }
0x89: {  	v57 =	vld [tilespmem:s30+$0x400];
	[tilespmem:s31+$0x30] =	vst v52  }
0x8a: {  	v58 =	vld [tilespmem:s30+$0x410];
	[tilespmem:s31+$0x40] =	vst v53  }
0x8b: {  	v59 =	vld [tilespmem:s30+$0x420];
	[tilespmem:s31+$0x50] =	vst v54  }
0x8c: {  	v60 =	vld [tilespmem:s30+$0x430];
	[tilespmem:s31+$0x60] =	vst v55  }
0x8d: {  	v61 =	vld [tilespmem:s30+$0x440];
	[tilespmem:s31+$0x70] =	vst v56  }
0x8e: {  	s27 =	sand.u32 $0x180, s28;
	s29 =	sadd.s32 s29, s22;
	v62 =	vld [tilespmem:s30+$0x450];
	[tilespmem:s31+$0x210] =	vst v57  }
0x8f: {  	s27 =	sadd.s32 s27, s29;
	v63 =	vld [tilespmem:s30+$0x460];
	[tilespmem:s31+$0x220] =	vst v58  }
0x90: {  	v32 =	vld.idx.msk [tilespmem:v0+s27+$0xC00 ss:$0x1], $0xffff;
	[tilespmem:s31+$0x230] =	vst v59  }
0x91: {  	s24 =	sadd.s32 $0x1, s24;
	v33 =	vld.idx.msk [tilespmem:v0+s27+$0x400 ss:$0x1], $0xffff;
	[tilespmem:s31+$0x240] =	vst v60  }
0x92: {  	p1 =	sne.s32 s24, $0x4;
	v34 =	vld.idx.msk [tilespmem:v0+s27+$0x800 ss:$0x1], $0xffff;
	[tilespmem:s31+$0x250] =	vst v61  }
.Ltmp4:
0x93: {  	[tilespmem:s31+$0x260] =	vst v62;
	(pc) =	sbr.rel @p1 .LBB1_3-.Ltmp4, $4  }
0x94: {  	[tilespmem:s31+$0x270] =	vst v63  }
0x95: {  	[tilespmem:s31+$0x200] =	vst v32  }
0x96: {  	[tilespmem:s31+$0xFFFFFE00] =	vst v33  }
0x97: {  	s20 =	sadd.s32 $0x80, s20;
	s21 =	sadd.s32 $0x1000, s21;
	[tilespmem:s31+$0x0] =	vst v34  }
0x98: {  	s18 =	sshll.u32 s18, $0x14  }
0x99: {  	s17 =	sshll.u32 s17, $0xD;
	s15 =	sshll.u32 s15, $0xF;
	s18 =	sadd.s32 s3, s18  }
.Ltmp5:
0x9a: {  	s16 =	sshll.u32 s16, $0x4;
	s17 =	sadd.s32 s17, s18;
	(pc) =	sbr.rel .LBB1_7-.Ltmp5, $4  }
0x9b: {  	s16 =	sand.u32 $0x30, s16;
	s15 =	sadd.s32 s15, s17  }
0x9c: {  	s14 =	sshll.u32 s14, $0x8;
	s15 =	sadd.s32 s16, s15  }
0x9d: {  	s14 =	sadd.s32 s14, s15  }
0x9e: {  	[hbm4b:s14+s7] =	stream.linear.scatter [tilespmem:s19], [sflag:$0x2], $0x4000, $0x38;
	[tilespmem:$0x10000] =	vst v63  }
.LBB1_8:
0x9f: {  	_ =	sfence.sel $0x180000  }
0xa0: {  	s2 =	simm.s32 $0x1;
	[bflag:$0x0] =	sbarrier.arrive $0xFFFF  }
0xa1: {  	s31 =	simm.s32 $0x2;
	[sflag:s2] =	ssyncpa.u1 $0x1  }
0xa2: {  	[sflag:s31] =	ssyncpa.u1 $0x1  }
0xa3: {  	p0 =	sne.s32 s1, $0x0;
	_ =	strace $0x90000047  }
0xa4: {  	s0 =	sadd.s32 @!p0 $0x100000, s0;
	[bflag:$0x2] =	sbarrier.arrive $0xFFFF  }
0xa5: {  	[sflag:s0] =	ssyncadd.tile.s32 @!p0 $0x1;
	_ =	shalt  }
.Lfunc_end1:
_tile_overlayer_lowered:
.L_overlay_start_2:
0xa6: {  	(tag) =	ssettag $0x2  }
0xa7: {  	s0 =	rddreg [dreg:$0x0];
	s2 =	stileid.u32  }
0xa8: {  	s1 =	rddreg [dreg:$0x1];
	p0 =	sne.s32 s2, $0x0  }
0xa9: {  	s3 =	rddreg [dreg:$0x2];
	[bflag:$0x3] =	sbarrier.arrive $0xFFFF;
	s2 =	simm.s32 @!p0 $0x1C01  }
0xaa: {  	[timem:s3], [sflag:s2] =	dma.local @!p0 [hbm:s0], s1  }
0xab: {  	s0 =	simm.s32 @!p0 $0x1  }
0xac: {  	_ =	swait.ge @!p0 [sflag:s0], s1  }
0xad: {  	s1 =	ssub.s32 @!p0 $0x0, s1;
	[sflag:s0] =	ssyncset.done @!p0 $0x0  }
0xae: {  	[sflag:s0] =	ssyncadd.s32 @!p0 s1  }
0xaf: {  	[bflag:$0x3] =	sbarrier.arrive $0xFFFF  }
0xb0: {  	_ =	shalt  }

// kernel: sparse-core-data-format-call.cloned.1.call-start
scs
called_computation_lowered:
.L_overlay_start_0:
0x0: {  	s2 =	sld [smem:$0x3FD9]  }
0x1: {  	s3 =	sld [smem:$0x3FFE];
	_ =	sdelay $0x1  }
0x2: {  	s1 =	srdreg.scid  }
0x3: {  	s0 =	sand.u32 $0x1, s1  }
0x4: {  	s18 =	sshll.u32 s0, $0xA;
	s2 =	sadd.s32 s3, s2  }
0x5: {  	s2 =	sadd.s32 s2, s18  }
0x6: {  	[smem:$0x3FB1] =	sst s2  }
0x7: {  	_ = 	snop  }
0x8: {  	s2 =	sld [smem:$0x3FD0];
	(tm) =	ssettm $0x1  }
0x9: {  	s19 =	sld [smem:$0x3FFB];
	_ =	sdelay $0x3  }
0xa: {  	_ =	strace s19  }
0xb: {  	s3 =	sld [smem:$0x3FFC];
	_ =	sdelay $0x3  }
0xc: {  	_ =	strace s3  }
0xd: {  	s3 =	sld [smem:$0x3FFD];
	_ =	sdelay $0x3  }
0xe: {  	_ =	strace s3  }
0xf: {  	_ =	strace $0x8FFFFFFF  }
0x10: {  	s20 =	sld [smem:$0x3FDB];
	_ =	sdelay $0x1  }
0x11: {  	s4 =	simm.s32 $_scs_section_size  }
0x12: {  	s5 =	simm.s32 $_size__tile_overlayer_lowered;
	s6 =	simm.s32 $_tile_overlayer_lowered  }
0x13: {  	s23 =	simm.s32 $0x1BFF;
	s22 =	sshll.u32 s6, $0x1;
	s3 =	sadd.s32 s4, s20  }
0x14: {  	s7 =	simm.s32 $0x0;
	s21 =	sshll.u32 s5, $0x1;
	s5 =	sadd.s32 s22, s3  }
0x15: {  	[timem:s7], [sflag:s23] =	dma.local [hbm:s5], s21  }
0x16: {  	_ =	swait.ge [sflag:s23], s21  }
0x17: {  	s4 =	ssub.s32 $0x0, s21;
	[sflag:s23] =	ssyncset.done $0x0  }
0x18: {  	[sflag:s23] =	ssyncadd.s32 s4;
	_ =	sdelay $0x1  }
0x19: {  	s24 =	simm.s32 $0x1B8B  }
0x1a: {  	_ =	swait.ge [sflag:s24], $0x1  }
0x1b: {  	[sflag:s24] =	ssyncset.done $0x0  }
0x1c: {  	s26 =	simm.s32 $0x1B8E;
	s25 =	sld [smem:$0x3FFE];
	[sflag:s24] =	ssyncadd.s32 $0xFFFFFFFF  }
0x1d: {  	s27 =	simm.s32 $execute0_lowered;
	[smem:$0x3FD2] =	sst s26  }
0x1e: {  	s5 =	sshll.u32 s27, $0x1;
	_ =	strace $0x80000049;
	[dreg:$0x1] =	wrdreg $0xFFFFFFFF  }
0x1f: {  	s28 =	simm.s32 $_size_execute0_lowered;
	s3 =	sadd.s32 s3, s5;
	[dreg:$0x0] =	wrdreg $0x0  }
0x20: {  	s5 =	sshll.u32 s28, $0x1;
	[dreg:$0x2] =	wrdreg s3  }
0x21: {  	[dreg:$0x3] =	wrdreg s5  }
0x22: {  	[dreg:$0x4] =	wrdreg $0xC0  }
0x23: {  	_ =	task [dreg:s7], $0x5FFFF  }
0x24: {  	[dreg:$0x1] =	wrdreg $0xFFFFFFFF  }
0x25: {  	[dreg:$0x0] =	wrdreg $0x60  }
0x26: {  	[dreg:$0x2] =	wrdreg s25  }
0x27: {  	[dreg:$0x3] =	wrdreg s2  }
0x28: {  	[dreg:$0x4] =	wrdreg $0x9  }
0x29: {  	_ =	task.clear_ibuf [dreg:s7], $0x5FFFF;
	_ =	strace $0x90000049  }
0x2a: {  	s29 =	simm.s32 $0x9;
	_ =	strace $0x8000004B  }
0x2b: {  	_ =	swait.ge [sflag:s29], $0x1  }
0x2c: {  	[sflag:s29] =	ssyncadd.s32 $0xFFFFFFFF  }
0x2d: {  	_ =	strace $0x9000004B  }
0x2e: {  	_ =	sfence  }
0x2f: {  	s30 =	sld [smem:$0x0];
	_ =	sdelay $0x2  }
0x30: {  	s31 =	sshll.u32 s1, $0xD;
	s1 =	sshrl.u32 s1, $0x2  }
0x31: {  	s3 =	sand.u32 $0x4000, s31;
	s1 =	sadd.s32 s1, s30  }
0x32: {  	s0 =	sor.u32 s3, s0;
	s1 =	sshll.u32 s1, $0x11  }
0x33: {  	s0 =	sor.u32 s1, s0  }
0x34: {  	s0 =	sadd.s32 $0x8F2B, s0  }
0x35: {  	[sflag:s0] =	ssyncadd.remote.s32 $0x1  }
0x36: {  	_ =	sfence.sel $0xFFFF  }
0x37: {  	[dreg:$0x0] =	wrdreg $0xFFFFFFFF;
	(pc) =	sbr.abs _section_cstart, $3  }
0x38: {  	[dreg:$0x1] =	wrdreg $0xFFFFFFFF  }
0x39: {  	_ =	task.clear_ibuf [dreg:s7], $0x2FFFF;
	_ =	strace $0x9FFFFFFF  }
0x3a: {  	(tm) =	ssettm $0x7FFFFFFF  }
0x3b: {  	_ =	shalt  }
tec
execute0_lowered:
.L_overlay_start_1:
0x0: {  	(tag) =	ssettag $0x1  }
0x1: {  	s1 =	rddreg [dreg:$0x0]  }
0x2: {  	s2 =	rddreg [dreg:$0x1]  }
0x3: {  	s0 =	rddreg [dreg:$0x2];
	_ =	strace $0x8000004A;
	s4 =	srdreg.scid  }
0x4: {  	s6 =	simm.s32 $0x2;
	s13 =	simm.s32 $0x0;
	p0 =	por $0x0, $0x0  }
0x5: {  	s12 =	simm.s32 $0x0;
	s15 =	simm.s32 $0x0;
	s14 =	simm.s32 $0x0  }
.Ltmp0:
0x6: {  	s8 =	simm.s32 $0x0;
	s9 =	simm.s32 $0x0;
	(pc) =	sbr.rel .LBB1_1-.Ltmp0, $4  }
0x7: {  	s11 =	simm.s32 $0x0;
	s3 =	sadd.s32 $0x301E00, s1;
	s5 =	sshll.u32 s4, $0x4  }
0x8: {  	s1 =	stileid.u32;
	s4 =	simm.s32 $0x1;
	s5 =	sand.u32 $0x10, s5  }
0x9: {  	s7 =	simm.s32 $0x0;
	[sflag:s4] =	ssyncpa.u1 $0x0;
	s5 =	sor.u32 s1, s5  }
0xa: {  	[sflag:s6] =	ssyncpa.u1 $0x0;
	s6 =	simm.s32 $0xC000;
	s10 =	smov.u32 s5  }
.LBB1_5:
0xb: {  	s16 =	sadd.s32 $0x80, s8  }
0xc: {  	s12 =	sadd.s32 $0x80, s9;
	s17 =	smov.u32 s9;
	p2 =	sgt.s32 s16, $0x1FF  }
0xd: {  	s17 =	smov.u32 @p2 s12  }
0xe: {  	s18 =	smov.u32 s10;
	s12 =	sadd.s32 $0x20, s10;
	p3 =	sgt.s32 s17, $0x7F  }
0xf: {  	s18 =	smov.u32 @p3 s12  }
0x10: {  	s12 =	simm.s32 $0x1;
	p4 =	sgt.s32 s18, $0x7F  }
0x11: {  	s12 =	simm.s32 @!p4 $0x0  }
0x12: {  	p1 =	slt.u32 s7, $0x2;
	s20 =	sadd.s32 s12, s11  }
0x13: {  	s7 =	sadd.s32 $0x1, s7;
	s16 =	simm.s32 @p2 $0x0;
	p2 =	sgt.s32 s20, $0x2  }
0x14: {  	s13 =	smov.u32 s8;
	s20 =	simm.s32 @p2 $0x0;
	p2 =	sne.s32 s7, $0x32  }
.Ltmp1:
0x15: {  	s15 =	smov.u32 s10;
	s19 =	simm.s32 @!p1 $0x2;
	(pc) =	sbr.rel @!p2 .LBB1_6-.Ltmp1, $4  }
0x16: {  	s14 =	smov.u32 s11;
	p0 =	por !p0, !p0;
	_ =	swait.ge @!p1 [sflag:s19], $0x4000  }
0x17: {  	[sflag:s19] =	ssyncset.done @!p1 $0x0;
	s8 =	smov.u32 s16;
	s17 =	simm.s32 @p3 $0x0  }
0x18: {  	[sflag:s19] =	ssyncadd.s32 @!p1 $0xFFFFC000;
	s18 =	smov.u32 @p4 s5;
	s12 =	smov.u32 s9  }
0x19: {  	s9 =	smov.u32 s17;
	s10 =	smov.u32 s18;
	s11 =	smov.u32 s20  }
.LBB1_1:
0x1a: {  	p1 =	sgt.u32 s7, $0x2F  }
0x1b: {  	s16 =	sxor.u32 @!p1 $0xFFFFFFFF, s7;
	s17 =	sand.u32 @!p1 $0x78, s8;
	s18 =	sshll.u32 @!p1 s9, $0x9  }
0x1c: {  	s19 =	sshll.u32 @!p1 s8, $0x3;
	s20 =	sshll.u32 @!p1 s9, $0x7;
	s16 =	sshll.u32 @!p1 s16, $0xE  }
0x1d: {  	s18 =	sand.u32 @!p1 $0xF000, s18;
	s19 =	sand.u32 @!p1 $0xFC00, s19;
	s16 =	sand.u32 @!p1 $0x4000, s16  }
0x1e: {  	s18 =	sadd.s32 @!p1 s18, s19;
	s19 =	sand.u32 @!p1 $0x200, s20;
	s20 =	sand.u32 @!p1 $0x180, s20  }
0x1f: {  	s18 =	sor.u32 @!p1 s19, s18;
	s17 =	sor.u32 @!p1 s17, s20;
	s19 =	sshll.u32 @!p1 s11, $0x14  }
0x20: {  	s20 =	sshll.u32 @!p1 s10, $0xD;
	s18 =	sshrl.u32 @!p1 s18, $0x3;
	s19 =	sadd.s32 @!p1 s3, s19  }
0x21: {  	s17 =	sshrl.u32 @!p1 s17, $0x3;
	s19 =	sadd.s32 @!p1 s20, s19;
	s20 =	sand.u32 @!p1 $0x7, s8  }
0x22: {  	s18 =	sand.u32 @!p1 $0x1FC0, s18;
	s17 =	sadd.s32 @!p1 s17, s19;
	s19 =	sshll.u32 @!p1 s20, $0x12  }
0x23: {  	s17 =	sadd.s32 @!p1 s18, s17;
	s18 =	sor.u32 @!p1 $0x400, s19;
	s19 =	simm.s32 @!p1 $0x1000  }
0x24: {  	[tilespmem:s16], [sflag:$0x1] =	stream.strided.gather @!p1 [hbm4b:s17+s18], $0x4000, s19, s18, $0x38;
	[tilespmem:$0x10100] =	vst v63  }
0x25: {  	p1 =	seq.s32 s7, $0x0  }
0x26: {  	p2 =	seq.s32 @!p1 s7, $0x31  }
0x27: {  	p1 =	por p1, p2  }
.Ltmp2:
0x28: {  	_ = 	snop;
	(pc) =	sbr.rel @p1 .LBB1_5-.Ltmp2, $1  }
0x29: {  	_ =	sdelay $0x3  }
0x2a: {  	s16 =	simm.s32 $0x1  }
0x2b: {  	_ =	swait.ge [sflag:s4], $0x4000;
	s16 =	simm.s32 @!p0 $0x0  }
0x2c: {  	[sflag:s4] =	ssyncset.done $0x0;
	s17 =	sshll.u32 s16, $0xE  }
0x2d: {  	[sflag:s4] =	ssyncadd.s32 $0xFFFFC000;
	s18 =	sor.u32 $0x40, s17  }
0x2e: {  	s16 =	smul.u32 $0x10200, s16;
	v0 =	vld [tilespmem:s18+$0x30]  }
0x2f: {  	v3 =	vld [tilespmem:s18+$0xFFFFFFD0]  }
0x30: {  	s16 =	sshrl.u32 s16, $0x2;
	v4 =	vld [tilespmem:s18+$0xFFFFFFE0]  }
0x31: {  	v5 =	vld [tilespmem:s18+$0xFFFFFFF0];
	s17 =	sor.u32 $0x8000, s16  }
0x32: {  	s31 =	sand.u32 $0x1, s7;
	v1 =	vld [tilespmem:s18+$0x0];
	s19 =	sadd.s32 $0x0, s17  }
0x33: {  	v2 =	vld [tilespmem:s18+$0x10];
	s16 =	smul.u32 $0x10200, s31;
	[tilespmem:s19+$0x3870 ss:$0x81] =	vst.msk $0xffff, v0  }
0x34: {  	[tilespmem:s19+$0x810 ss:$0x81] =	vst.msk $0xffff, v3;
	v3 =	vld [tilespmem:s18+$0x20]  }
0x35: {  	s16 =	sshrl.u32 s16, $0x2;
	v0 =	vld [tilespmem:s18+$0xFFFFFFC0];
	[tilespmem:s19+$0x1020 ss:$0x81] =	vst.msk $0xffff, v4;
	s18 =	sadd.s32 $0x80, s18  }
0x36: {  	s20 =	simm.s32 $0x4;
	s21 =	simm.s32 $0x8;
	s16 =	sor.u32 $0x8000, s16;
	[tilespmem:s19+$0x1830 ss:$0x81] =	vst.msk $0xffff, v5;
	v4 =	vld [tilespmem:s18+$0x30]  }
.LBB1_3:
0x37: {  	p1 =	sne.s32 s21, $0x1FC;
	v5 =	vld [tilespmem:s18+$0xFFFFFFD0];
	[tilespmem:s19+$0x2040 ss:$0x81] =	vst.msk $0xffff, v1  }
0x38: {  	v6 =	vld [tilespmem:s18+$0xFFFFFFE0];
	[tilespmem:s19+$0x2850 ss:$0x81] =	vst.msk $0xffff, v2  }
0x39: {  	s22 =	sshra.s32 s20, $0x2;
	s20 =	smov.u32 s21;
	v7 =	vld [tilespmem:s18+$0xFFFFFFF0];
	[tilespmem:s19+$0x3060 ss:$0x81] =	vst.msk $0xffff, v3  }
.Ltmp3:
0x3a: {  	v1 =	vld [tilespmem:s18+$0x0];
	[tilespmem:s19+$0x0 ss:$0x81] =	vst.msk $0xffff, v0;
	s19 =	sadd.s32 s22, s17;
	(pc) =	sbr.rel @p1 .LBB1_3-.Ltmp3, $4  }
0x3b: {  	v2 =	vld [tilespmem:s18+$0x10];
	[tilespmem:s19+$0x3870 ss:$0x81] =	vst.msk $0xffff, v4  }
0x3c: {  	[tilespmem:s19+$0x810 ss:$0x81] =	vst.msk $0xffff, v5;
	v3 =	vld [tilespmem:s18+$0x20]  }
0x3d: {  	v0 =	vld [tilespmem:s18+$0xFFFFFFC0];
	[tilespmem:s19+$0x1020 ss:$0x81] =	vst.msk $0xffff, v6;
	s18 =	sadd.s32 $0x80, s18  }
0x3e: {  	s21 =	sadd.s32 $0x4, s21;
	v4 =	vld [tilespmem:s18+$0x30];
	[tilespmem:s19+$0x1830 ss:$0x81] =	vst.msk $0xffff, v7  }
0x3f: {  	v5 =	vld [tilespmem:s18+$0xFFFFFFD0];
	[tilespmem:s19+$0x2040 ss:$0x81] =	vst.msk $0xffff, v1  }
0x40: {  	v58 =	vld [tilespmem:s18+$0xFFFFFFE0];
	[tilespmem:s19+$0x2850 ss:$0x81] =	vst.msk $0xffff, v2  }
0x41: {  	s20 =	sshra.s32 s20, $0x2;
	v59 =	vld [tilespmem:s18+$0xFFFFFFF0];
	[tilespmem:s19+$0x3060 ss:$0x81] =	vst.msk $0xffff, v3  }
0x42: {  	v60 =	vld [tilespmem:s18+$0x0];
	s17 =	sadd.s32 s20, s17;
	[tilespmem:s19+$0x0 ss:$0x81] =	vst.msk $0xffff, v0  }
0x43: {  	v61 =	vld [tilespmem:s18+$0x10];
	s15 =	sshll.u32 s15, $0x7;
	[tilespmem:s17+$0x3870 ss:$0x81] =	vst.msk $0xffff, v4  }
0x44: {  	s26 =	sshll.u32 s12, $0x3;
	v62 =	vld [tilespmem:s18+$0x20];
	s13 =	smul.u32 $0x1800, s13;
	s14 =	sshll.u32 s14, $0xB;
	[tilespmem:s17+$0x810 ss:$0x81] =	vst.msk $0xffff, v5  }
0x45: {  	v63 =	vld [tilespmem:s18+$0xFFFFFFC0];
	s29 =	sshrl.u32 s12, $0x3;
	s27 =	sand.u32 $0x3C00, s15;
	s19 =	sand.u32 $0x3C00, s26;
	[tilespmem:s17+$0x1020 ss:$0x81] =	vst.msk $0xffff, v58  }
0x46: {  	s30 =	sand.u32 $0x7, s12;
	s15 =	sand.u32 $0x380, s15;
	s28 =	sadd.s32 s27, s19;
	[tilespmem:s17+$0x1830 ss:$0x81] =	vst.msk $0xffff, v59  }
.Ltmp4:
0x47: {  	s14 =	sadd.s32 s2, s14;
	s15 =	sor.u32 s15, s28;
	[tilespmem:s17+$0x2040 ss:$0x81] =	vst.msk $0xffff, v60;
	(pc) =	sbr.rel .LBB1_5-.Ltmp4, $4  }
0x48: {  	s18 =	sand.u32 $0xF, s29;
	s13 =	sadd.s32 s13, s14;
	[tilespmem:s17+$0x2850 ss:$0x81] =	vst.msk $0xffff, v61;
	s15 =	sshrl.u32 s15, $0x3  }
0x49: {  	s12 =	sshll.u32 s30, $0x12;
	s13 =	sadd.s32 s18, s13;
	[tilespmem:s17+$0x3060 ss:$0x81] =	vst.msk $0xffff, v62;
	s31 =	sand.u32 $0x7F0, s15  }
0x4a: {  	s12 =	sor.u32 $0x80, s12;
	[tilespmem:s17+$0x0 ss:$0x81] =	vst.msk $0xffff, v63;
	s13 =	sadd.s32 s31, s13  }
0x4b: {  	[hbm4b:s13+s12] =	stream.strided.scatter [tilespmem:s16], [sflag:$0x2], $0x4000, s6, s12, $0x20;
	[tilespmem:$0x10100] =	vst v63  }
.LBB1_6:
0x4c: {  	_ =	sfence.sel $0x180000  }
0x4d: {  	s2 =	simm.s32 $0x1;
	[bflag:$0x0] =	sbarrier.arrive $0xFFFF  }
0x4e: {  	s31 =	simm.s32 $0x2;
	[sflag:s2] =	ssyncpa.u1 $0x1  }
0x4f: {  	[sflag:s31] =	ssyncpa.u1 $0x1  }
0x50: {  	p0 =	sne.s32 s1, $0x0;
	_ =	strace $0x9000004A  }
0x51: {  	s0 =	sadd.s32 @!p0 $0x100000, s0;
	[bflag:$0x2] =	sbarrier.arrive $0xFFFF  }
0x52: {  	[sflag:s0] =	ssyncadd.tile.s32 @!p0 $0x1;
	_ =	shalt  }
.Lfunc_end1:
_tile_overlayer_lowered:
.L_overlay_start_2:
0x53: {  	(tag) =	ssettag $0x2  }
0x54: {  	s0 =	rddreg [dreg:$0x0];
	s2 =	stileid.u32  }
0x55: {  	s1 =	rddreg [dreg:$0x1];
	p0 =	sne.s32 s2, $0x0  }
0x56: {  	s3 =	rddreg [dreg:$0x2];
	[bflag:$0x3] =	sbarrier.arrive $0xFFFF;
	s2 =	simm.s32 @!p0 $0x1C01  }
0x57: {  	[timem:s3], [sflag:s2] =	dma.local @!p0 [hbm:s0], s1  }
0x58: {  	s0 =	simm.s32 @!p0 $0x1  }
0x59: {  	_ =	swait.ge @!p0 [sflag:s0], s1  }
0x5a: {  	s1 =	ssub.s32 @!p0 $0x0, s1;
	[sflag:s0] =	ssyncset.done @!p0 $0x0  }
0x5b: {  	[sflag:s0] =	ssyncadd.s32 @!p0 s1  }
0x5c: {  	[bflag:$0x3] =	sbarrier.arrive $0xFFFF  }
0x5d: {  	_ =	shalt  }

</sc_bundles>
